<compile_context>
chip_gen: v7x
topology: tpu7x:2x2x1
jax: 0.10.2.dev20260603
libtpu: 0.0.44.dev20260713+nightly
codegen_flags: <defaults>
</compile_context>

<pallas_src>
import functools

import jax
import jax.numpy as jnp
from jax import lax
from jax.experimental import pallas as pl
from jax.experimental.pallas import tpu as pltpu
from jax.experimental.pallas import tpu_sc as plsc

_N_EDGES = 209982
_N_NODES = 10000
_N_PAD = 10240
_NC = 2
_NS = 16
_NW = _NC * _NS
_SENT = _N_PAD - 1

_NROWS = _N_EDGES // 128
_RPT = 104
_RLAST = _NROWS - _RPT * (_NS - 1)
_TAIL_OFF = _NROWS * 128
_TAIL = _N_EDGES - _TAIL_OFF

_E_PW = 6560
_NODES_PT = _N_PAD // _NS

_DST_SKEW = _N_EDGES % 8
_DST_BASE = _N_EDGES - _DST_SKEW
_DTAIL_BASE = _N_EDGES + _TAIL_OFF - _DST_SKEW
_DTAIL_LEN = _TAIL + _DST_SKEW

_SC_BASE = _N_EDGES + 8 - _DST_SKEW
_STRAG_TAIL = _N_EDGES * 2 - 60

_mesh = plsc.VectorSubcoreMesh(core_axis_name="c", subcore_axis_name="s")
_params = pltpu.CompilerParams(needs_layout_passes=False)


def _rsqrt16(d):
    ii = plsc.bitcast(d, jnp.int32)
    ii = jnp.int32(0x5F3759DF) - (ii >> 1)
    y = plsc.bitcast(ii, jnp.float32)
    half_d = d * jnp.float32(0.5)
    for _ in range(3):
        y = y * (jnp.float32(1.5) - half_d * y * y)
    return jnp.where(d > jnp.float32(0.5), y, jnp.float32(0.0))


@functools.partial(
    pl.kernel,
    mesh=_mesh,
    out_type=jax.ShapeDtypeStruct((_N_EDGES,), jnp.float32),
    compiler_params=_params,
    scratch_types=[
        pltpu.VMEM((_RPT, 128), jnp.int32),
        pltpu.VMEM((_RPT * 128,), jnp.int32),
        pltpu.VMEM((64,), jnp.int32),
        pltpu.VMEM((80,), jnp.int32),
        pltpu.VMEM((128,), jnp.float32),
        pltpu.VMEM((64,), jnp.float32),
        pltpu.VMEM((_NODES_PT,), jnp.float32),
        pltpu.VMEM((_N_PAD,), jnp.float32),
        pltpu.VMEM((_E_PW,), jnp.int32),
        pltpu.VMEM((_E_PW + 8,), jnp.int32),
        pltpu.VMEM((_E_PW,), jnp.float32),
        pltpu.VMEM((64,), jnp.int32),
        pltpu.VMEM((64,), jnp.float32),
        pltpu.VMEM_SHARED((_N_PAD,), jnp.float32),
        pltpu.SemaphoreType.DMA,
        pltpu.SemaphoreType.DMA,
        pltpu.SemaphoreType.DMA,
    ],
)
def _gcn_kernel(flat_hbm, out_hbm,
                dstb_v, dstf_v, trow_v, tdst_v, ones_v, ones64_v, pa_v, w_v,
                src_v, dst_v, out_v, tsrc_v, tout_v, hist_s, sem, esem,
                ssem):
    cid = lax.axis_index("c")
    sid = lax.axis_index("s")
    wid = sid * _NC + cid
    col = sid * _NODES_PT

    scope = jax.named_scope
    @pl.when(sid < _NS - 1)
    def _():
        pltpu.async_copy(
            flat_hbm.at[pl.ds(_SC_BASE + sid * _RPT * 128, _RPT * 128)],
            dstf_v, ssem)

    @pl.when(sid == _NS - 1)
    def _():
        pltpu.async_copy(
            flat_hbm.at[pl.ds(_SC_BASE + (_NS - 1) * _RPT * 128,
                              _RLAST * 128)],
            dstf_v.at[pl.ds(0, _RLAST * 128)], ssem)

    zero16 = jnp.zeros((16,), jnp.float32)
    one16 = jnp.ones((16,), jnp.float32)
    for i in range(_NODES_PT // 16):
        pa_v[pl.ds(i * 16, 16)] = zero16
    for i in range(8):
        ones_v[pl.ds(i * 16, 16)] = one16
    for i in range(4):
        ones64_v[pl.ds(i * 16, 16)] = one16
    sent16 = jnp.full((16,), _SENT, jnp.int32)
    lane16 = lax.iota(jnp.int32, 16)

    @pl.when(sid == 8)
    def _():
        pltpu.sync_copy(flat_hbm.at[pl.ds(_DST_BASE, 8)],
                        tdst_v.at[pl.ds(0, 8)])
        pltpu.sync_copy(flat_hbm.at[pl.ds(_STRAG_TAIL, 60)],
                        tdst_v.at[pl.ds(8, 60)])
        for i in range(4):
            v = tdst_v[pl.ds(_DST_SKEW + i * 16, 16)]
            nvalid = 62 - i * 16
            if nvalid < 16:
                v = jnp.where(lane16 < nvalid, v, sent16)
            trow_v[pl.ds(i * 16, 16)] = v

    base = wid * _E_PW
    pltpu.async_copy(flat_hbm.at[pl.ds(base, _E_PW)], src_v, esem)
    pltpu.async_copy(flat_hbm.at[pl.ds(_DST_BASE + base, _E_PW + 8)],
                     dst_v, esem)

    with scope("sc_stage"):
        pltpu.sync_copy(pa_v, hist_s.at[pl.ds(col, _NODES_PT)])
        plsc.subcore_barrier()

    k = 8
    nch = jnp.where(sid == _NS - 1, _RLAST // k, _RPT // k)

    def _repack(j):
        for r in range(k):
            row = j * k + r
            for u in range(8):
                dstb_v[row, pl.ds(u * 16, 16)] = (
                    dstf_v[pl.ds(row * 128 + u * 16, 16)])

    def _fire(j):
        for u in range(k):
            pltpu.async_copy(ones_v, hist_s.at[dstb_v.at[j * k + u]], sem,
                             add=True)

    def _drain(j):
        for u in range(k):
            pltpu.make_async_copy(ones_v, hist_s.at[dstb_v.at[j * k + u]],
                                  sem).wait()

    with scope("sc_scatter"):
        @pl.when(sid < _NS - 1)
        def _():
            pltpu.make_async_copy(
                flat_hbm.at[pl.ds(_SC_BASE + sid * _RPT * 128, _RPT * 128)],
                dstf_v, ssem).wait()

        @pl.when(sid == _NS - 1)
        def _():
            pltpu.make_async_copy(
                flat_hbm.at[pl.ds(_SC_BASE + (_NS - 1) * _RPT * 128,
                                  _RLAST * 128)],
                dstf_v.at[pl.ds(0, _RLAST * 128)], ssem).wait()

        _repack(0)
        _fire(0)
        _repack(1)
        _fire(1)

        def scatter_body(j, _):
            _repack(j)
            _fire(j)
            _drain(j - 2)
            return 0

        lax.fori_loop(2, nch, scatter_body, 0)
        _drain(nch - 2)
        _drain(nch - 1)

        @pl.when(sid == 8)
        def _():
            pltpu.sync_copy(ones64_v, hist_s.at[trow_v], add=True)

        plsc.subcore_barrier()

    with scope("sc_wphase"):
        pltpu.sync_copy(hist_s.at[pl.ds(col, _NODES_PT)], pa_v)

        @plsc.parallel_loop(0, _NODES_PT // 16, unroll=8)
        def _(i):
            ds = pl.ds(i * 16, 16)
            pa_v[ds] = _rsqrt16(pa_v[ds])

        pltpu.sync_copy(pa_v, hist_s.at[pl.ds(col, _NODES_PT)])
        plsc.subcore_barrier()

    with scope("sc_wcopy"):
        pltpu.sync_copy(hist_s, w_v)
        pltpu.make_async_copy(flat_hbm.at[pl.ds(base, _E_PW)], src_v,
                              esem).wait()
        pltpu.make_async_copy(flat_hbm.at[pl.ds(_DST_BASE + base, _E_PW + 8)],
                              dst_v, esem).wait()

    with scope("sc_gather"):
        @plsc.parallel_loop(0, _E_PW // 16, unroll=8)
        def _(i):
            off = i * 16
            ws = plsc.load_gather(w_v, [src_v[pl.ds(off, 16)]])
            wd = plsc.load_gather(w_v, [dst_v[pl.ds(off + _DST_SKEW, 16)]])
            out_v[pl.ds(off, 16)] = ws * wd

        pltpu.sync_copy(out_v, out_hbm.at[pl.ds(base, _E_PW)])

    @pl.when(wid == _NW - 1)
    def _():
        for i in range(4):
            ds = pl.ds(i * 16, 16)
            tsrc_v[ds] = sent16
        pltpu.sync_copy(flat_hbm.at[pl.ds(_TAIL_OFF, _TAIL)],
                        tsrc_v.at[pl.ds(0, _TAIL)])
        pltpu.sync_copy(flat_hbm.at[pl.ds(_DTAIL_BASE, _DTAIL_LEN)],
                        tdst_v.at[pl.ds(0, _DTAIL_LEN)])
        for i in range(4):
            ds = pl.ds(i * 16, 16)
            sv = tsrc_v[ds]
            dv = tdst_v[pl.ds(_DST_SKEW + i * 16, 16)]
            nvalid = _TAIL - i * 16
            if nvalid < 16:
                dv = jnp.where(lane16 < nvalid, dv, sent16)
            ws = plsc.load_gather(w_v, [sv])
            wd = plsc.load_gather(w_v, [dv])
            tout_v[ds] = ws * wd
        pltpu.sync_copy(tout_v.at[pl.ds(0, _TAIL)],
                        out_hbm.at[pl.ds(_TAIL_OFF, _TAIL)])


def kernel(arg0_1):
    flat = arg0_1.astype(jnp.int32).reshape(-1)
    out = _gcn_kernel(flat)
    return (out,)

# --- scband reference (transcript-rebuilt; emitter-appended) ---
"""Pipeline reference for scband-my-model-61933428414723 (READ-ONLY COPY).

The authoritative reference and input builder live on the scoring server;
editing this copy changes nothing except your own understanding.
"""

import jax, jax.numpy as jnp
import numpy as np

N_EDGES = 209982
N_NODES = 10000

def setup_inputs(seed: int = 0):
    key = jax.random.key(seed)
    edge_index = jax.random.randint(key, (2, N_EDGES), 0, N_NODES)
    return {"arg0_1": edge_index}

def reference(arg0_1):
    # full: per-edge weight of ones
    full = jnp.ones((N_EDGES,), dtype=jnp.float32)
    select = arg0_1[0]      # src indices
    select_1 = arg0_1[1]    # dst indices
    expand = select_1.reshape(-1)
    # scatter_add: degree count per node
    full_1 = jnp.zeros((N_NODES,), dtype=jnp.float32)
    scatter_add = full_1.at[expand].add(full)
    pow_1 = jnp.power(scatter_add, -0.5)
    where = jnp.where(jnp.isinf(pow_1), jnp.float32(0.0), pow_1)
    index = where[select]
    mul = index * full
    index_1 = where[select_1]
    mul_1 = mul * index_1
    return (mul_1,)

if __name__ == "__main__":
    import jax
    _d = setup_inputs()
    print(jax.jit(kernel)(*tuple(_d.values())))

</pallas_src>

<mosaic_0001>
#map = affine_map<(d0, d1) -> (0)>
module attributes {stable_mosaic.version = 14 : i64} {
  func.func @_gcn_kernel(%arg0: i32, %arg1: i32, %arg2: memref<419964xi32, #tpu.memory_space<hbm>>, %arg3: memref<209982xf32, #tpu.memory_space<hbm>>, %arg4: memref<104x128xi32, #tpu.memory_space<vmem>>, %arg5: memref<13312xi32, #tpu.memory_space<vmem>>, %arg6: memref<64xi32, #tpu.memory_space<vmem>>, %arg7: memref<80xi32, #tpu.memory_space<vmem>>, %arg8: memref<128xf32, #tpu.memory_space<vmem>>, %arg9: memref<64xf32, #tpu.memory_space<vmem>>, %arg10: memref<640xf32, #tpu.memory_space<vmem>>, %arg11: memref<10240xf32, #tpu.memory_space<vmem>>, %arg12: memref<6560xi32, #tpu.memory_space<vmem>>, %arg13: memref<6568xi32, #tpu.memory_space<vmem>>, %arg14: memref<6560xf32, #tpu.memory_space<vmem>>, %arg15: memref<64xi32, #tpu.memory_space<vmem>>, %arg16: memref<64xf32, #tpu.memory_space<vmem>>, %arg17: memref<10240xf32, #tpu.memory_space<vmem_shared>>, %arg18: memref<!tpu.dma_semaphore, #tpu.memory_space<semaphore_mem>>, %arg19: memref<!tpu.dma_semaphore, #tpu.memory_space<semaphore_mem>>, %arg20: memref<!tpu.dma_semaphore, #tpu.memory_space<semaphore_mem>>) attributes {dimension_semantics = [#tpu.dimension_semantics<core_parallel>, #tpu.dimension_semantics<subcore_parallel>], iteration_bounds = array<i64: 2, 16>, scalar_prefetch = 0 : i64, scratch_operands = 17 : i64, tpu.core_type = #tpu.core_type<sc_vector_subcore>, window_params = [{transform_indices = #map}, {transform_indices = #map}]} {
    %mul3A = arith.constant 2 : i32
    %mul3A_0 = arith.muli %arg1, %mul3A : i32
    %add3A = arith.addi %mul3A_0, %arg0 : i32
    %mul3A_1 = arith.constant 640 : i32
    %mul3A_2 = arith.muli %arg1, %mul3A_1 : i32
    %lt3A = arith.constant 15 : i32
    %lt3A_3 = arith.cmpi slt, %arg1, %lt3A : i32
    %convert_element_type3A = arith.extui %lt3A_3 : i1 to i32
    %cond3A = arith.constant 0 : i32
    %cond3A_4 = arith.cmpi ne, %convert_element_type3A, %cond3A : i32
    scf.if %cond3A_4 {
      %mul3A_1185 = arith.constant 104 : i32
      %mul3A_1186 = arith.muli %arg1, %mul3A_1185 : i32
      %mul3A_1187 = arith.constant 128 : i32
      %mul3A_1188 = arith.muli %mul3A_1186, %mul3A_1187 : i32
      %add3A_1189 = arith.constant 209984 : i32
      %add3A_1190 = arith.addi %add3A_1189, %mul3A_1188 : i32
      %dma_start3A_1191 = tpu.memref_slice %arg2[%add3A_1190] : memref<419964xi32, #tpu.memory_space<hbm>> -> memref<13312xi32, #tpu.memory_space<hbm>>
      %dma_start3A_1192 = tpu.memref_slice %arg2[%add3A_1190] : memref<419964xi32, #tpu.memory_space<hbm>> -> memref<13312xi32, #tpu.memory_space<hbm>>
      tpu.enqueue_dma source(%dma_start3A_1192 : memref<13312xi32, #tpu.memory_space<hbm>>) target(%arg5 : memref<13312xi32, #tpu.memory_space<vmem>>) target_semaphore(%arg20 : memref<!tpu.dma_semaphore, #tpu.memory_space<semaphore_mem>>)
    } else {
    }
    %eq3A = arith.constant 15 : i32
    %eq3A_5 = arith.cmpi eq, %arg1, %eq3A : i32
    %convert_element_type3A_6 = arith.extui %eq3A_5 : i1 to i32
    %cond3A_7 = arith.constant 0 : i32
    %cond3A_8 = arith.cmpi ne, %convert_element_type3A_6, %cond3A_7 : i32
    scf.if %cond3A_8 {
      %dma_start3A_1185 = arith.constant 0 : i32
      %dma_start3A_1186 = tpu.memref_slice %arg5[%dma_start3A_1185] : memref<13312xi32, #tpu.memory_space<vmem>> -> memref<10240xi32, #tpu.memory_space<vmem>>
      %dma_start3A_1187 = arith.constant 409664 : i32
      %dma_start3A_1188 = tpu.memref_slice %arg2[%dma_start3A_1187] : memref<419964xi32, #tpu.memory_space<hbm>> -> memref<10240xi32, #tpu.memory_space<hbm>>
      %dma_start3A_1189 = arith.constant 0 : i32
      %dma_start3A_1190 = tpu.memref_slice %arg5[%dma_start3A_1189] : memref<13312xi32, #tpu.memory_space<vmem>> -> memref<10240xi32, #tpu.memory_space<vmem>>
      %dma_start3A_1191 = arith.constant 409664 : i32
      %dma_start3A_1192 = tpu.memref_slice %arg2[%dma_start3A_1191] : memref<419964xi32, #tpu.memory_space<hbm>> -> memref<10240xi32, #tpu.memory_space<hbm>>
      tpu.enqueue_dma source(%dma_start3A_1192 : memref<10240xi32, #tpu.memory_space<hbm>>) target(%dma_start3A_1190 : memref<10240xi32, #tpu.memory_space<vmem>>) target_semaphore(%arg20 : memref<!tpu.dma_semaphore, #tpu.memory_space<semaphore_mem>>)
    } else {
    }
    %broadcast_in_dim3A = arith.constant 0.000000e+00 : f32
    %broadcast_in_dim3A_9 = vector.broadcast %broadcast_in_dim3A : f32 to vector<16xf32>
    %broadcast_in_dim3A_10 = arith.constant 1.000000e+00 : f32
    %broadcast_in_dim3A_11 = vector.broadcast %broadcast_in_dim3A_10 : f32 to vector<16xf32>
    %swap3A = arith.constant 0 : index
    %swap3A_12 = tpu.vector_load %arg10[%swap3A] {strides = array<i32>} : memref<640xf32, #tpu.memory_space<vmem>>, vector<16xf32>,
    tpu.vector_store %arg10[%swap3A], %broadcast_in_dim3A_9 {strides = array<i32>} : memref<640xf32, #tpu.memory_space<vmem>>, vector<16xf32>,
    %swap3A_13 = arith.constant 16 : index
    %swap3A_14 = tpu.vector_load %arg10[%swap3A_13] {strides = array<i32>} : memref<640xf32, #tpu.memory_space<vmem>>, vector<16xf32>,
    tpu.vector_store %arg10[%swap3A_13], %broadcast_in_dim3A_9 {strides = array<i32>} : memref<640xf32, #tpu.memory_space<vmem>>, vector<16xf32>,
    %swap3A_15 = arith.constant 32 : index
    %swap3A_16 = tpu.vector_load %arg10[%swap3A_15] {strides = array<i32>} : memref<640xf32, #tpu.memory_space<vmem>>, vector<16xf32>,
    tpu.vector_store %arg10[%swap3A_15], %broadcast_in_dim3A_9 {strides = array<i32>} : memref<640xf32, #tpu.memory_space<vmem>>, vector<16xf32>,
    %swap3A_17 = arith.constant 48 : index
    %swap3A_18 = tpu.vector_load %arg10[%swap3A_17] {strides = array<i32>} : memref<640xf32, #tpu.memory_space<vmem>>, vector<16xf32>,
    tpu.vector_store %arg10[%swap3A_17], %broadcast_in_dim3A_9 {strides = array<i32>} : memref<640xf32, #tpu.memory_space<vmem>>, vector<16xf32>,
    %swap3A_19 = arith.constant 64 : index
    %swap3A_20 = tpu.vector_load %arg10[%swap3A_19] {strides = array<i32>} : memref<640xf32, #tpu.memory_space<vmem>>, vector<16xf32>,
    tpu.vector_store %arg10[%swap3A_19], %broadcast_in_dim3A_9 {strides = array<i32>} : memref<640xf32, #tpu.memory_space<vmem>>, vector<16xf32>,
    %swap3A_21 = arith.constant 80 : index
    %swap3A_22 = tpu.vector_load %arg10[%swap3A_21] {strides = array<i32>} : memref<640xf32, #tpu.memory_space<vmem>>, vector<16xf32>,
    tpu.vector_store %arg10[%swap3A_21], %broadcast_in_dim3A_9 {strides = array<i32>} : memref<640xf32, #tpu.memory_space<vmem>>, vector<16xf32>,
    %swap3A_23 = arith.constant 96 : index
    %swap3A_24 = tpu.vector_load %arg10[%swap3A_23] {strides = array<i32>} : memref<640xf32, #tpu.memory_space<vmem>>, vector<16xf32>,
    tpu.vector_store %arg10[%swap3A_23], %broadcast_in_dim3A_9 {strides = array<i32>} : memref<640xf32, #tpu.memory_space<vmem>>, vector<16xf32>,
    %swap3A_25 = arith.constant 112 : index
    %swap3A_26 = tpu.vector_load %arg10[%swap3A_25] {strides = array<i32>} : memref<640xf32, #tpu.memory_space<vmem>>, vector<16xf32>,
    tpu.vector_store %arg10[%swap3A_25], %broadcast_in_dim3A_9 {strides = array<i32>} : memref<640xf32, #tpu.memory_space<vmem>>, vector<16xf32>,
    %swap3A_27 = arith.constant 128 : index
    %swap3A_28 = tpu.vector_load %arg10[%swap3A_27] {strides = array<i32>} : memref<640xf32, #tpu.memory_space<vmem>>, vector<16xf32>,
    tpu.vector_store %arg10[%swap3A_27], %broadcast_in_dim3A_9 {strides = array<i32>} : memref<640xf32, #tpu.memory_space<vmem>>, vector<16xf32>,
    %swap3A_29 = arith.constant 144 : index
    %swap3A_30 = tpu.vector_load %arg10[%swap3A_29] {strides = array<i32>} : memref<640xf32, #tpu.memory_space<vmem>>, vector<16xf32>,
    tpu.vector_store %arg10[%swap3A_29], %broadcast_in_dim3A_9 {strides = array<i32>} : memref<640xf32, #tpu.memory_space<vmem>>, vector<16xf32>,
    %swap3A_31 = arith.constant 160 : index
    %swap3A_32 = tpu.vector_load %arg10[%swap3A_31] {strides = array<i32>} : memref<640xf32, #tpu.memory_space<vmem>>, vector<16xf32>,
    tpu.vector_store %arg10[%swap3A_31], %broadcast_in_dim3A_9 {strides = array<i32>} : memref<640xf32, #tpu.memory_space<vmem>>, vector<16xf32>,
    %swap3A_33 = arith.constant 176 : index
    %swap3A_34 = tpu.vector_load %arg10[%swap3A_33] {strides = array<i32>} : memref<640xf32, #tpu.memory_space<vmem>>, vector<16xf32>,
    tpu.vector_store %arg10[%swap3A_33], %broadcast_in_dim3A_9 {strides = array<i32>} : memref<640xf32, #tpu.memory_space<vmem>>, vector<16xf32>,
    %swap3A_35 = arith.constant 192 : index
    %swap3A_36 = tpu.vector_load %arg10[%swap3A_35] {strides = array<i32>} : memref<640xf32, #tpu.memory_space<vmem>>, vector<16xf32>,
    tpu.vector_store %arg10[%swap3A_35], %broadcast_in_dim3A_9 {strides = array<i32>} : memref<640xf32, #tpu.memory_space<vmem>>, vector<16xf32>,
    %swap3A_37 = arith.constant 208 : index
    %swap3A_38 = tpu.vector_load %arg10[%swap3A_37] {strides = array<i32>} : memref<640xf32, #tpu.memory_space<vmem>>, vector<16xf32>,
    tpu.vector_store %arg10[%swap3A_37], %broadcast_in_dim3A_9 {strides = array<i32>} : memref<640xf32, #tpu.memory_space<vmem>>, vector<16xf32>,
    %swap3A_39 = arith.constant 224 : index
    %swap3A_40 = tpu.vector_load %arg10[%swap3A_39] {strides = array<i32>} : memref<640xf32, #tpu.memory_space<vmem>>, vector<16xf32>,
    tpu.vector_store %arg10[%swap3A_39], %broadcast_in_dim3A_9 {strides = array<i32>} : memref<640xf32, #tpu.memory_space<vmem>>, vector<16xf32>,
    %swap3A_41 = arith.constant 240 : index
    %swap3A_42 = tpu.vector_load %arg10[%swap3A_41] {strides = array<i32>} : memref<640xf32, #tpu.memory_space<vmem>>, vector<16xf32>,
    tpu.vector_store %arg10[%swap3A_41], %broadcast_in_dim3A_9 {strides = array<i32>} : memref<640xf32, #tpu.memory_space<vmem>>, vector<16xf32>,
    %swap3A_43 = arith.constant 256 : index
    %swap3A_44 = tpu.vector_load %arg10[%swap3A_43] {strides = array<i32>} : memref<640xf32, #tpu.memory_space<vmem>>, vector<16xf32>,
    tpu.vector_store %arg10[%swap3A_43], %broadcast_in_dim3A_9 {strides = array<i32>} : memref<640xf32, #tpu.memory_space<vmem>>, vector<16xf32>,
    %swap3A_45 = arith.constant 272 : index
    %swap3A_46 = tpu.vector_load %arg10[%swap3A_45] {strides = array<i32>} : memref<640xf32, #tpu.memory_space<vmem>>, vector<16xf32>,
    tpu.vector_store %arg10[%swap3A_45], %broadcast_in_dim3A_9 {strides = array<i32>} : memref<640xf32, #tpu.memory_space<vmem>>, vector<16xf32>,
    %swap3A_47 = arith.constant 288 : index
    %swap3A_48 = tpu.vector_load %arg10[%swap3A_47] {strides = array<i32>} : memref<640xf32, #tpu.memory_space<vmem>>, vector<16xf32>,
    tpu.vector_store %arg10[%swap3A_47], %broadcast_in_dim3A_9 {strides = array<i32>} : memref<640xf32, #tpu.memory_space<vmem>>, vector<16xf32>,
    %swap3A_49 = arith.constant 304 : index
    %swap3A_50 = tpu.vector_load %arg10[%swap3A_49] {strides = array<i32>} : memref<640xf32, #tpu.memory_space<vmem>>, vector<16xf32>,
    tpu.vector_store %arg10[%swap3A_49], %broadcast_in_dim3A_9 {strides = array<i32>} : memref<640xf32, #tpu.memory_space<vmem>>, vector<16xf32>,
    %swap3A_51 = arith.constant 320 : index
    %swap3A_52 = tpu.vector_load %arg10[%swap3A_51] {strides = array<i32>} : memref<640xf32, #tpu.memory_space<vmem>>, vector<16xf32>,
    tpu.vector_store %arg10[%swap3A_51], %broadcast_in_dim3A_9 {strides = array<i32>} : memref<640xf32, #tpu.memory_space<vmem>>, vector<16xf32>,
    %swap3A_53 = arith.constant 336 : index
    %swap3A_54 = tpu.vector_load %arg10[%swap3A_53] {strides = array<i32>} : memref<640xf32, #tpu.memory_space<vmem>>, vector<16xf32>,
    tpu.vector_store %arg10[%swap3A_53], %broadcast_in_dim3A_9 {strides = array<i32>} : memref<640xf32, #tpu.memory_space<vmem>>, vector<16xf32>,
    %swap3A_55 = arith.constant 352 : index
    %swap3A_56 = tpu.vector_load %arg10[%swap3A_55] {strides = array<i32>} : memref<640xf32, #tpu.memory_space<vmem>>, vector<16xf32>,
    tpu.vector_store %arg10[%swap3A_55], %broadcast_in_dim3A_9 {strides = array<i32>} : memref<640xf32, #tpu.memory_space<vmem>>, vector<16xf32>,
    %swap3A_57 = arith.constant 368 : index
    %swap3A_58 = tpu.vector_load %arg10[%swap3A_57] {strides = array<i32>} : memref<640xf32, #tpu.memory_space<vmem>>, vector<16xf32>,
    tpu.vector_store %arg10[%swap3A_57], %broadcast_in_dim3A_9 {strides = array<i32>} : memref<640xf32, #tpu.memory_space<vmem>>, vector<16xf32>,
    %swap3A_59 = arith.constant 384 : index
    %swap3A_60 = tpu.vector_load %arg10[%swap3A_59] {strides = array<i32>} : memref<640xf32, #tpu.memory_space<vmem>>, vector<16xf32>,
    tpu.vector_store %arg10[%swap3A_59], %broadcast_in_dim3A_9 {strides = array<i32>} : memref<640xf32, #tpu.memory_space<vmem>>, vector<16xf32>,
    %swap3A_61 = arith.constant 400 : index
    %swap3A_62 = tpu.vector_load %arg10[%swap3A_61] {strides = array<i32>} : memref<640xf32, #tpu.memory_space<vmem>>, vector<16xf32>,
    tpu.vector_store %arg10[%swap3A_61], %broadcast_in_dim3A_9 {strides = array<i32>} : memref<640xf32, #tpu.memory_space<vmem>>, vector<16xf32>,
    %swap3A_63 = arith.constant 416 : index
    %swap3A_64 = tpu.vector_load %arg10[%swap3A_63] {strides = array<i32>} : memref<640xf32, #tpu.memory_space<vmem>>, vector<16xf32>,
    tpu.vector_store %arg10[%swap3A_63], %broadcast_in_dim3A_9 {strides = array<i32>} : memref<640xf32, #tpu.memory_space<vmem>>, vector<16xf32>,
    %swap3A_65 = arith.constant 432 : index
    %swap3A_66 = tpu.vector_load %arg10[%swap3A_65] {strides = array<i32>} : memref<640xf32, #tpu.memory_space<vmem>>, vector<16xf32>,
    tpu.vector_store %arg10[%swap3A_65], %broadcast_in_dim3A_9 {strides = array<i32>} : memref<640xf32, #tpu.memory_space<vmem>>, vector<16xf32>,
    %swap3A_67 = arith.constant 448 : index
    %swap3A_68 = tpu.vector_load %arg10[%swap3A_67] {strides = array<i32>} : memref<640xf32, #tpu.memory_space<vmem>>, vector<16xf32>,
    tpu.vector_store %arg10[%swap3A_67], %broadcast_in_dim3A_9 {strides = array<i32>} : memref<640xf32, #tpu.memory_space<vmem>>, vector<16xf32>,
    %swap3A_69 = arith.constant 464 : index
    %swap3A_70 = tpu.vector_load %arg10[%swap3A_69] {strides = array<i32>} : memref<640xf32, #tpu.memory_space<vmem>>, vector<16xf32>,
    tpu.vector_store %arg10[%swap3A_69], %broadcast_in_dim3A_9 {strides = array<i32>} : memref<640xf32, #tpu.memory_space<vmem>>, vector<16xf32>,
    %swap3A_71 = arith.constant 480 : index
    %swap3A_72 = tpu.vector_load %arg10[%swap3A_71] {strides = array<i32>} : memref<640xf32, #tpu.memory_space<vmem>>, vector<16xf32>,
    tpu.vector_store %arg10[%swap3A_71], %broadcast_in_dim3A_9 {strides = array<i32>} : memref<640xf32, #tpu.memory_space<vmem>>, vector<16xf32>,
    %swap3A_73 = arith.constant 496 : index
    %swap3A_74 = tpu.vector_load %arg10[%swap3A_73] {strides = array<i32>} : memref<640xf32, #tpu.memory_space<vmem>>, vector<16xf32>,
    tpu.vector_store %arg10[%swap3A_73], %broadcast_in_dim3A_9 {strides = array<i32>} : memref<640xf32, #tpu.memory_space<vmem>>, vector<16xf32>,
    %swap3A_75 = arith.constant 512 : index
    %swap3A_76 = tpu.vector_load %arg10[%swap3A_75] {strides = array<i32>} : memref<640xf32, #tpu.memory_space<vmem>>, vector<16xf32>,
    tpu.vector_store %arg10[%swap3A_75], %broadcast_in_dim3A_9 {strides = array<i32>} : memref<640xf32, #tpu.memory_space<vmem>>, vector<16xf32>,
    %swap3A_77 = arith.constant 528 : index
    %swap3A_78 = tpu.vector_load %arg10[%swap3A_77] {strides = array<i32>} : memref<640xf32, #tpu.memory_space<vmem>>, vector<16xf32>,
    tpu.vector_store %arg10[%swap3A_77], %broadcast_in_dim3A_9 {strides = array<i32>} : memref<640xf32, #tpu.memory_space<vmem>>, vector<16xf32>,
    %swap3A_79 = arith.constant 544 : index
    %swap3A_80 = tpu.vector_load %arg10[%swap3A_79] {strides = array<i32>} : memref<640xf32, #tpu.memory_space<vmem>>, vector<16xf32>,
    tpu.vector_store %arg10[%swap3A_79], %broadcast_in_dim3A_9 {strides = array<i32>} : memref<640xf32, #tpu.memory_space<vmem>>, vector<16xf32>,
    %swap3A_81 = arith.constant 560 : index
    %swap3A_82 = tpu.vector_load %arg10[%swap3A_81] {strides = array<i32>} : memref<640xf32, #tpu.memory_space<vmem>>, vector<16xf32>,
    tpu.vector_store %arg10[%swap3A_81], %broadcast_in_dim3A_9 {strides = array<i32>} : memref<640xf32, #tpu.memory_space<vmem>>, vector<16xf32>,
    %swap3A_83 = arith.constant 576 : index
    %swap3A_84 = tpu.vector_load %arg10[%swap3A_83] {strides = array<i32>} : memref<640xf32, #tpu.memory_space<vmem>>, vector<16xf32>,
    tpu.vector_store %arg10[%swap3A_83], %broadcast_in_dim3A_9 {strides = array<i32>} : memref<640xf32, #tpu.memory_space<vmem>>, vector<16xf32>,
    %swap3A_85 = arith.constant 592 : index
    %swap3A_86 = tpu.vector_load %arg10[%swap3A_85] {strides = array<i32>} : memref<640xf32, #tpu.memory_space<vmem>>, vector<16xf32>,
    tpu.vector_store %arg10[%swap3A_85], %broadcast_in_dim3A_9 {strides = array<i32>} : memref<640xf32, #tpu.memory_space<vmem>>, vector<16xf32>,
    %swap3A_87 = arith.constant 608 : index
    %swap3A_88 = tpu.vector_load %arg10[%swap3A_87] {strides = array<i32>} : memref<640xf32, #tpu.memory_space<vmem>>, vector<16xf32>,
    tpu.vector_store %arg10[%swap3A_87], %broadcast_in_dim3A_9 {strides = array<i32>} : memref<640xf32, #tpu.memory_space<vmem>>, vector<16xf32>,
    %swap3A_89 = arith.constant 624 : index
    %swap3A_90 = tpu.vector_load %arg10[%swap3A_89] {strides = array<i32>} : memref<640xf32, #tpu.memory_space<vmem>>, vector<16xf32>,
    tpu.vector_store %arg10[%swap3A_89], %broadcast_in_dim3A_9 {strides = array<i32>} : memref<640xf32, #tpu.memory_space<vmem>>, vector<16xf32>,
    %swap3A_91 = arith.constant 0 : index
    %swap3A_92 = tpu.vector_load %arg8[%swap3A_91] {strides = array<i32>} : memref<128xf32, #tpu.memory_space<vmem>>, vector<16xf32>,
    tpu.vector_store %arg8[%swap3A_91], %broadcast_in_dim3A_11 {strides = array<i32>} : memref<128xf32, #tpu.memory_space<vmem>>, vector<16xf32>,
    %swap3A_93 = arith.constant 16 : index
    %swap3A_94 = tpu.vector_load %arg8[%swap3A_93] {strides = array<i32>} : memref<128xf32, #tpu.memory_space<vmem>>, vector<16xf32>,
    tpu.vector_store %arg8[%swap3A_93], %broadcast_in_dim3A_11 {strides = array<i32>} : memref<128xf32, #tpu.memory_space<vmem>>, vector<16xf32>,
    %swap3A_95 = arith.constant 32 : index
    %swap3A_96 = tpu.vector_load %arg8[%swap3A_95] {strides = array<i32>} : memref<128xf32, #tpu.memory_space<vmem>>, vector<16xf32>,
    tpu.vector_store %arg8[%swap3A_95], %broadcast_in_dim3A_11 {strides = array<i32>} : memref<128xf32, #tpu.memory_space<vmem>>, vector<16xf32>,
    %swap3A_97 = arith.constant 48 : index
    %swap3A_98 = tpu.vector_load %arg8[%swap3A_97] {strides = array<i32>} : memref<128xf32, #tpu.memory_space<vmem>>, vector<16xf32>,
    tpu.vector_store %arg8[%swap3A_97], %broadcast_in_dim3A_11 {strides = array<i32>} : memref<128xf32, #tpu.memory_space<vmem>>, vector<16xf32>,
    %swap3A_99 = arith.constant 64 : index
    %swap3A_100 = tpu.vector_load %arg8[%swap3A_99] {strides = array<i32>} : memref<128xf32, #tpu.memory_space<vmem>>, vector<16xf32>,
    tpu.vector_store %arg8[%swap3A_99], %broadcast_in_dim3A_11 {strides = array<i32>} : memref<128xf32, #tpu.memory_space<vmem>>, vector<16xf32>,
    %swap3A_101 = arith.constant 80 : index
    %swap3A_102 = tpu.vector_load %arg8[%swap3A_101] {strides = array<i32>} : memref<128xf32, #tpu.memory_space<vmem>>, vector<16xf32>,
    tpu.vector_store %arg8[%swap3A_101], %broadcast_in_dim3A_11 {strides = array<i32>} : memref<128xf32, #tpu.memory_space<vmem>>, vector<16xf32>,
    %swap3A_103 = arith.constant 96 : index
    %swap3A_104 = tpu.vector_load %arg8[%swap3A_103] {strides = array<i32>} : memref<128xf32, #tpu.memory_space<vmem>>, vector<16xf32>,
    tpu.vector_store %arg8[%swap3A_103], %broadcast_in_dim3A_11 {strides = array<i32>} : memref<128xf32, #tpu.memory_space<vmem>>, vector<16xf32>,
    %swap3A_105 = arith.constant 112 : index
    %swap3A_106 = tpu.vector_load %arg8[%swap3A_105] {strides = array<i32>} : memref<128xf32, #tpu.memory_space<vmem>>, vector<16xf32>,
    tpu.vector_store %arg8[%swap3A_105], %broadcast_in_dim3A_11 {strides = array<i32>} : memref<128xf32, #tpu.memory_space<vmem>>, vector<16xf32>,
    %swap3A_107 = arith.constant 0 : index
    %swap3A_108 = tpu.vector_load %arg9[%swap3A_107] {strides = array<i32>} : memref<64xf32, #tpu.memory_space<vmem>>, vector<16xf32>,
    tpu.vector_store %arg9[%swap3A_107], %broadcast_in_dim3A_11 {strides = array<i32>} : memref<64xf32, #tpu.memory_space<vmem>>, vector<16xf32>,
    %swap3A_109 = arith.constant 16 : index
    %swap3A_110 = tpu.vector_load %arg9[%swap3A_109] {strides = array<i32>} : memref<64xf32, #tpu.memory_space<vmem>>, vector<16xf32>,
    tpu.vector_store %arg9[%swap3A_109], %broadcast_in_dim3A_11 {strides = array<i32>} : memref<64xf32, #tpu.memory_space<vmem>>, vector<16xf32>,
    %swap3A_111 = arith.constant 32 : index
    %swap3A_112 = tpu.vector_load %arg9[%swap3A_111] {strides = array<i32>} : memref<64xf32, #tpu.memory_space<vmem>>, vector<16xf32>,
    tpu.vector_store %arg9[%swap3A_111], %broadcast_in_dim3A_11 {strides = array<i32>} : memref<64xf32, #tpu.memory_space<vmem>>, vector<16xf32>,
    %swap3A_113 = arith.constant 48 : index
    %swap3A_114 = tpu.vector_load %arg9[%swap3A_113] {strides = array<i32>} : memref<64xf32, #tpu.memory_space<vmem>>, vector<16xf32>,
    tpu.vector_store %arg9[%swap3A_113], %broadcast_in_dim3A_11 {strides = array<i32>} : memref<64xf32, #tpu.memory_space<vmem>>, vector<16xf32>,
    %broadcast_in_dim3A_115 = arith.constant 10239 : i32
    %broadcast_in_dim3A_116 = vector.broadcast %broadcast_in_dim3A_115 : i32 to vector<16xi32>
    %iota3A = tpu.iota {dimensions = array<i32: 0>} : vector<16xi32>
    %eq3A_117 = arith.constant 8 : i32
    %eq3A_118 = arith.cmpi eq, %arg1, %eq3A_117 : i32
    %convert_element_type3A_119 = arith.extui %eq3A_118 : i1 to i32
    %cond3A_120 = arith.constant 0 : i32
    %cond3A_121 = arith.cmpi ne, %convert_element_type3A_119, %cond3A_120 : i32
    scf.if %cond3A_121 {
      "tpu.region"() ({
        %run_scoped3A = tpu.sem_alloc : memref<!tpu.dma_semaphore, #tpu.memory_space<semaphore_mem>>
        %dma_start3A_1205 = arith.constant 0 : i32
        %dma_start3A_1206 = tpu.memref_slice %arg7[%dma_start3A_1205] : memref<80xi32, #tpu.memory_space<vmem>> -> memref<8xi32, #tpu.memory_space<vmem>>
        %dma_start3A_1207 = arith.constant 209976 : i32
        %dma_start3A_1208 = tpu.memref_slice %arg2[%dma_start3A_1207] : memref<419964xi32, #tpu.memory_space<hbm>> -> memref<8xi32, #tpu.memory_space<hbm>>
        %dma_start3A_1209 = arith.constant 0 : i32
        %dma_start3A_1210 = tpu.memref_slice %arg7[%dma_start3A_1209] : memref<80xi32, #tpu.memory_space<vmem>> -> memref<8xi32, #tpu.memory_space<vmem>>
        %dma_start3A_1211 = arith.constant 209976 : i32
        %dma_start3A_1212 = tpu.memref_slice %arg2[%dma_start3A_1211] : memref<419964xi32, #tpu.memory_space<hbm>> -> memref<8xi32, #tpu.memory_space<hbm>>
        tpu.enqueue_dma source(%dma_start3A_1212 : memref<8xi32, #tpu.memory_space<hbm>>) target(%dma_start3A_1210 : memref<8xi32, #tpu.memory_space<vmem>>) target_semaphore(%run_scoped3A : memref<!tpu.dma_semaphore, #tpu.memory_space<semaphore_mem>>)
        %dma_wait3A_1213 = arith.constant 0 : i32
        %dma_wait3A_1214 = tpu.memref_slice %arg7[%dma_wait3A_1213] : memref<80xi32, #tpu.memory_space<vmem>> -> memref<8xi32, #tpu.memory_space<vmem>>
        %dma_wait3A_1215 = arith.constant 209976 : i32
        %dma_wait3A_1216 = tpu.memref_slice %arg2[%dma_wait3A_1215] : memref<419964xi32, #tpu.memory_space<hbm>> -> memref<8xi32, #tpu.memory_space<hbm>>
        %dma_wait3A_1217 = arith.constant 0 : i32
        %dma_wait3A_1218 = tpu.memref_slice %arg7[%dma_wait3A_1217] : memref<80xi32, #tpu.memory_space<vmem>> -> memref<8xi32, #tpu.memory_space<vmem>>
        %dma_wait3A_1219 = arith.constant 209976 : i32
        %dma_wait3A_1220 = tpu.memref_slice %arg2[%dma_wait3A_1219] : memref<419964xi32, #tpu.memory_space<hbm>> -> memref<8xi32, #tpu.memory_space<hbm>>
        tpu.wait_dma2 semaphore(%run_scoped3A : memref<!tpu.dma_semaphore, #tpu.memory_space<semaphore_mem>>) src(%dma_wait3A_1220 : memref<8xi32, #tpu.memory_space<hbm>>) dst(%dma_wait3A_1218 : memref<8xi32, #tpu.memory_space<vmem>>)
        tpu.yield
      }) : () -> ()
      "tpu.region"() ({
        %run_scoped3A = tpu.sem_alloc : memref<!tpu.dma_semaphore, #tpu.memory_space<semaphore_mem>>
        %dma_start3A_1205 = arith.constant 8 : i32
        %dma_start3A_1206 = tpu.memref_slice %arg7[%dma_start3A_1205] : memref<80xi32, #tpu.memory_space<vmem>> -> memref<60xi32, #tpu.memory_space<vmem>>
        %dma_start3A_1207 = arith.constant 419904 : i32
        %dma_start3A_1208 = tpu.memref_slice %arg2[%dma_start3A_1207] : memref<419964xi32, #tpu.memory_space<hbm>> -> memref<60xi32, #tpu.memory_space<hbm>>
        %dma_start3A_1209 = arith.constant 8 : i32
        %dma_start3A_1210 = tpu.memref_slice %arg7[%dma_start3A_1209] : memref<80xi32, #tpu.memory_space<vmem>> -> memref<60xi32, #tpu.memory_space<vmem>>
        %dma_start3A_1211 = arith.constant 419904 : i32
        %dma_start3A_1212 = tpu.memref_slice %arg2[%dma_start3A_1211] : memref<419964xi32, #tpu.memory_space<hbm>> -> memref<60xi32, #tpu.memory_space<hbm>>
        tpu.enqueue_dma source(%dma_start3A_1212 : memref<60xi32, #tpu.memory_space<hbm>>) target(%dma_start3A_1210 : memref<60xi32, #tpu.memory_space<vmem>>) target_semaphore(%run_scoped3A : memref<!tpu.dma_semaphore, #tpu.memory_space<semaphore_mem>>)
        %dma_wait3A_1213 = arith.constant 8 : i32
        %dma_wait3A_1214 = tpu.memref_slice %arg7[%dma_wait3A_1213] : memref<80xi32, #tpu.memory_space<vmem>> -> memref<60xi32, #tpu.memory_space<vmem>>
        %dma_wait3A_1215 = arith.constant 419904 : i32
        %dma_wait3A_1216 = tpu.memref_slice %arg2[%dma_wait3A_1215] : memref<419964xi32, #tpu.memory_space<hbm>> -> memref<60xi32, #tpu.memory_space<hbm>>
        %dma_wait3A_1217 = arith.constant 8 : i32
        %dma_wait3A_1218 = tpu.memref_slice %arg7[%dma_wait3A_1217] : memref<80xi32, #tpu.memory_space<vmem>> -> memref<60xi32, #tpu.memory_space<vmem>>
        %dma_wait3A_1219 = arith.constant 419904 : i32
        %dma_wait3A_1220 = tpu.memref_slice %arg2[%dma_wait3A_1219] : memref<419964xi32, #tpu.memory_space<hbm>> -> memref<60xi32, #tpu.memory_space<hbm>>
        tpu.wait_dma2 semaphore(%run_scoped3A : memref<!tpu.dma_semaphore, #tpu.memory_space<semaphore_mem>>) src(%dma_wait3A_1220 : memref<60xi32, #tpu.memory_space<hbm>>) dst(%dma_wait3A_1218 : memref<60xi32, #tpu.memory_space<vmem>>)
        tpu.yield
      }) : () -> ()
      %get3A_1185 = arith.constant 6 : index
      %get3A_1186 = tpu.vector_load %arg7[%get3A_1185] {strides = array<i32>} : memref<80xi32, #tpu.memory_space<vmem>>, vector<16xi32>,
      %swap3A_1187 = arith.constant 0 : index
      %swap3A_1188 = tpu.vector_load %arg6[%swap3A_1187] {strides = array<i32>} : memref<64xi32, #tpu.memory_space<vmem>>, vector<16xi32>,
      tpu.vector_store %arg6[%swap3A_1187], %get3A_1186 {strides = array<i32>} : memref<64xi32, #tpu.memory_space<vmem>>, vector<16xi32>,
      %get3A_1189 = arith.constant 22 : index
      %get3A_1190 = tpu.vector_load %arg7[%get3A_1189] {strides = array<i32>} : memref<80xi32, #tpu.memory_space<vmem>>, vector<16xi32>,
      %swap3A_1191 = arith.constant 16 : index
      %swap3A_1192 = tpu.vector_load %arg6[%swap3A_1191] {strides = array<i32>} : memref<64xi32, #tpu.memory_space<vmem>>, vector<16xi32>,
      tpu.vector_store %arg6[%swap3A_1191], %get3A_1190 {strides = array<i32>} : memref<64xi32, #tpu.memory_space<vmem>>, vector<16xi32>,
      %get3A_1193 = arith.constant 38 : index
      %get3A_1194 = tpu.vector_load %arg7[%get3A_1193] {strides = array<i32>} : memref<80xi32, #tpu.memory_space<vmem>>, vector<16xi32>,
      %swap3A_1195 = arith.constant 32 : index
      %swap3A_1196 = tpu.vector_load %arg6[%swap3A_1195] {strides = array<i32>} : memref<64xi32, #tpu.memory_space<vmem>>, vector<16xi32>,
      tpu.vector_store %arg6[%swap3A_1195], %get3A_1194 {strides = array<i32>} : memref<64xi32, #tpu.memory_space<vmem>>, vector<16xi32>,
      %get3A_1197 = arith.constant 54 : index
      %get3A_1198 = tpu.vector_load %arg7[%get3A_1197] {strides = array<i32>} : memref<80xi32, #tpu.memory_space<vmem>>, vector<16xi32>,
      %lt3A_1199 = arith.constant 14 : i32
      %lt3A_1200 = vector.broadcast %lt3A_1199 : i32 to vector<16xi32>
      %lt3A_1201 = arith.cmpi slt, %iota3A, %lt3A_1200 : vector<16xi32>
      %select_n3A_1202 = arith.select %lt3A_1201, %get3A_1198, %broadcast_in_dim3A_116 : vector<16xi1>, vector<16xi32>
      %swap3A_1203 = arith.constant 48 : index
      %swap3A_1204 = tpu.vector_load %arg6[%swap3A_1203] {strides = array<i32>} : memref<64xi32, #tpu.memory_space<vmem>>, vector<16xi32>,
      tpu.vector_store %arg6[%swap3A_1203], %select_n3A_1202 {strides = array<i32>} : memref<64xi32, #tpu.memory_space<vmem>>, vector<16xi32>,
    } else {
    }
    %mul3A_122 = arith.constant 6560 : i32
    %mul3A_123 = arith.muli %add3A, %mul3A_122 : i32
    %dma_start3A = tpu.memref_slice %arg2[%mul3A_123] : memref<419964xi32, #tpu.memory_space<hbm>> -> memref<6560xi32, #tpu.memory_space<hbm>>
    %dma_start3A_124 = tpu.memref_slice %arg2[%mul3A_123] : memref<419964xi32, #tpu.memory_space<hbm>> -> memref<6560xi32, #tpu.memory_space<hbm>>
    tpu.enqueue_dma source(%dma_start3A_124 : memref<6560xi32, #tpu.memory_space<hbm>>) target(%arg12 : memref<6560xi32, #tpu.memory_space<vmem>>) target_semaphore(%arg19 : memref<!tpu.dma_semaphore, #tpu.memory_space<semaphore_mem>>)
    %add3A_125 = arith.constant 209976 : i32
    %add3A_126 = arith.addi %add3A_125, %mul3A_123 : i32
    %dma_start3A_127 = tpu.memref_slice %arg2[%add3A_126] : memref<419964xi32, #tpu.memory_space<hbm>> -> memref<6568xi32, #tpu.memory_space<hbm>>
    %dma_start3A_128 = tpu.memref_slice %arg2[%add3A_126] : memref<419964xi32, #tpu.memory_space<hbm>> -> memref<6568xi32, #tpu.memory_space<hbm>>
    tpu.enqueue_dma source(%dma_start3A_128 : memref<6568xi32, #tpu.memory_space<hbm>>) target(%arg13 : memref<6568xi32, #tpu.memory_space<vmem>>) target_semaphore(%arg19 : memref<!tpu.dma_semaphore, #tpu.memory_space<semaphore_mem>>)
    "tpu.trace_start"() <{level = 10 : i32, message = "sc_stage"}> : () -> ()
    "tpu.region"() ({
      %run_scoped3A = tpu.sem_alloc : memref<!tpu.dma_semaphore, #tpu.memory_space<semaphore_mem>>
      %dma_start3A_1185 = tpu.memref_slice %arg17[%mul3A_2] : memref<10240xf32, #tpu.memory_space<vmem_shared>> -> memref<640xf32, #tpu.memory_space<vmem_shared>>
      %dma_start3A_1186 = tpu.memref_slice %arg17[%mul3A_2] : memref<10240xf32, #tpu.memory_space<vmem_shared>> -> memref<640xf32, #tpu.memory_space<vmem_shared>>
      tpu.enqueue_dma source(%arg10 : memref<640xf32, #tpu.memory_space<vmem>>) target(%dma_start3A_1186 : memref<640xf32, #tpu.memory_space<vmem_shared>>) target_semaphore(%run_scoped3A : memref<!tpu.dma_semaphore, #tpu.memory_space<semaphore_mem>>)
      %dma_wait3A_1187 = tpu.memref_slice %arg17[%mul3A_2] : memref<10240xf32, #tpu.memory_space<vmem_shared>> -> memref<640xf32, #tpu.memory_space<vmem_shared>>
      %dma_wait3A_1188 = tpu.memref_slice %arg17[%mul3A_2] : memref<10240xf32, #tpu.memory_space<vmem_shared>> -> memref<640xf32, #tpu.memory_space<vmem_shared>>
      tpu.wait_dma2 semaphore(%run_scoped3A : memref<!tpu.dma_semaphore, #tpu.memory_space<semaphore_mem>>) src(%arg10 : memref<640xf32, #tpu.memory_space<vmem>>) dst(%dma_wait3A_1188 : memref<640xf32, #tpu.memory_space<vmem_shared>>)
      tpu.yield
    }) : () -> ()
    %barrier3A = arith.constant 0 : index
    tpu.barrier barrier_id(%barrier3A)
    %eq3A_129 = arith.constant 15 : i32
    "tpu.trace_stop"() : () -> ()
    %eq3A_130 = arith.cmpi eq, %arg1, %eq3A_129 : i32
    %jit3A = arith.constant 10 : i32
    %jit3A_131 = arith.constant 13 : i32
    %select_n3A = arith.select %eq3A_130, %jit3A, %jit3A_131 : i32
    %lt3A_132 = arith.constant 15 : i32
    "tpu.trace_start"() <{level = 10 : i32, message = "sc_scatter"}> : () -> ()
    %lt3A_133 = arith.cmpi slt, %arg1, %lt3A_132 : i32
    %convert_element_type3A_134 = arith.extui %lt3A_133 : i1 to i32
    %cond3A_135 = arith.constant 0 : i32
    %cond3A_136 = arith.cmpi ne, %convert_element_type3A_134, %cond3A_135 : i32
    scf.if %cond3A_136 {
      %mul3A_1185 = arith.constant 104 : i32
      %mul3A_1186 = arith.muli %arg1, %mul3A_1185 : i32
      %mul3A_1187 = arith.constant 128 : i32
      %mul3A_1188 = arith.muli %mul3A_1186, %mul3A_1187 : i32
      %add3A_1189 = arith.constant 209984 : i32
      %add3A_1190 = arith.addi %add3A_1189, %mul3A_1188 : i32
      %dma_wait3A_1191 = tpu.memref_slice %arg2[%add3A_1190] : memref<419964xi32, #tpu.memory_space<hbm>> -> memref<13312xi32, #tpu.memory_space<hbm>>
      %dma_wait3A_1192 = tpu.memref_slice %arg2[%add3A_1190] : memref<419964xi32, #tpu.memory_space<hbm>> -> memref<13312xi32, #tpu.memory_space<hbm>>
      tpu.wait_dma2 semaphore(%arg20 : memref<!tpu.dma_semaphore, #tpu.memory_space<semaphore_mem>>) src(%dma_wait3A_1192 : memref<13312xi32, #tpu.memory_space<hbm>>) dst(%arg5 : memref<13312xi32, #tpu.memory_space<vmem>>)
    } else {
    }
    %eq3A_137 = arith.constant 15 : i32
    %eq3A_138 = arith.cmpi eq, %arg1, %eq3A_137 : i32
    %convert_element_type3A_139 = arith.extui %eq3A_138 : i1 to i32
    %cond3A_140 = arith.constant 0 : i32
    %cond3A_141 = arith.cmpi ne, %convert_element_type3A_139, %cond3A_140 : i32
    scf.if %cond3A_141 {
      %dma_wait3A_1185 = arith.constant 0 : i32
      %dma_wait3A_1186 = tpu.memref_slice %arg5[%dma_wait3A_1185] : memref<13312xi32, #tpu.memory_space<vmem>> -> memref<10240xi32, #tpu.memory_space<vmem>>
      %dma_wait3A_1187 = arith.constant 409664 : i32
      %dma_wait3A_1188 = tpu.memref_slice %arg2[%dma_wait3A_1187] : memref<419964xi32, #tpu.memory_space<hbm>> -> memref<10240xi32, #tpu.memory_space<hbm>>
      %dma_wait3A_1189 = arith.constant 0 : i32
      %dma_wait3A_1190 = tpu.memref_slice %arg5[%dma_wait3A_1189] : memref<13312xi32, #tpu.memory_space<vmem>> -> memref<10240xi32, #tpu.memory_space<vmem>>
      %dma_wait3A_1191 = arith.constant 409664 : i32
      %dma_wait3A_1192 = tpu.memref_slice %arg2[%dma_wait3A_1191] : memref<419964xi32, #tpu.memory_space<hbm>> -> memref<10240xi32, #tpu.memory_space<hbm>>
      tpu.wait_dma2 semaphore(%arg20 : memref<!tpu.dma_semaphore, #tpu.memory_space<semaphore_mem>>) src(%dma_wait3A_1192 : memref<10240xi32, #tpu.memory_space<hbm>>) dst(%dma_wait3A_1190 : memref<10240xi32, #tpu.memory_space<vmem>>)
    } else {
    }
    %get3A = arith.constant 0 : index
    %get3A_142 = tpu.vector_load %arg5[%get3A] {strides = array<i32>} : memref<13312xi32, #tpu.memory_space<vmem>>, vector<16xi32>,
    %swap3A_143 = arith.constant 0 : i32
    %swap3A_144 = arith.index_cast %swap3A_143 : i32 to index
    %swap3A_145 = arith.constant 0 : index
    %swap3A_146 = tpu.vector_load %arg4[%swap3A_144, %swap3A_145] {strides = array<i32>} : memref<104x128xi32, #tpu.memory_space<vmem>>, vector<16xi32>,
    tpu.vector_store %arg4[%swap3A_144, %swap3A_145], %get3A_142 {strides = array<i32>} : memref<104x128xi32, #tpu.memory_space<vmem>>, vector<16xi32>,
    %get3A_147 = arith.constant 16 : index
    %get3A_148 = tpu.vector_load %arg5[%get3A_147] {strides = array<i32>} : memref<13312xi32, #tpu.memory_space<vmem>>, vector<16xi32>,
    %swap3A_149 = arith.constant 0 : i32
    %swap3A_150 = arith.index_cast %swap3A_149 : i32 to index
    %swap3A_151 = arith.constant 16 : index
    %swap3A_152 = tpu.vector_load %arg4[%swap3A_150, %swap3A_151] {strides = array<i32>} : memref<104x128xi32, #tpu.memory_space<vmem>>, vector<16xi32>,
    tpu.vector_store %arg4[%swap3A_150, %swap3A_151], %get3A_148 {strides = array<i32>} : memref<104x128xi32, #tpu.memory_space<vmem>>, vector<16xi32>,
    %get3A_153 = arith.constant 32 : index
    %get3A_154 = tpu.vector_load %arg5[%get3A_153] {strides = array<i32>} : memref<13312xi32, #tpu.memory_space<vmem>>, vector<16xi32>,
    %swap3A_155 = arith.constant 0 : i32
    %swap3A_156 = arith.index_cast %swap3A_155 : i32 to index
    %swap3A_157 = arith.constant 32 : index
    %swap3A_158 = tpu.vector_load %arg4[%swap3A_156, %swap3A_157] {strides = array<i32>} : memref<104x128xi32, #tpu.memory_space<vmem>>, vector<16xi32>,
    tpu.vector_store %arg4[%swap3A_156, %swap3A_157], %get3A_154 {strides = array<i32>} : memref<104x128xi32, #tpu.memory_space<vmem>>, vector<16xi32>,
    %get3A_159 = arith.constant 48 : index
    %get3A_160 = tpu.vector_load %arg5[%get3A_159] {strides = array<i32>} : memref<13312xi32, #tpu.memory_space<vmem>>, vector<16xi32>,
    %swap3A_161 = arith.constant 0 : i32
    %swap3A_162 = arith.index_cast %swap3A_161 : i32 to index
    %swap3A_163 = arith.constant 48 : index
    %swap3A_164 = tpu.vector_load %arg4[%swap3A_162, %swap3A_163] {strides = array<i32>} : memref<104x128xi32, #tpu.memory_space<vmem>>, vector<16xi32>,
    tpu.vector_store %arg4[%swap3A_162, %swap3A_163], %get3A_160 {strides = array<i32>} : memref<104x128xi32, #tpu.memory_space<vmem>>, vector<16xi32>,
    %get3A_165 = arith.constant 64 : index
    %get3A_166 = tpu.vector_load %arg5[%get3A_165] {strides = array<i32>} : memref<13312xi32, #tpu.memory_space<vmem>>, vector<16xi32>,
    %swap3A_167 = arith.constant 0 : i32
    %swap3A_168 = arith.index_cast %swap3A_167 : i32 to index
    %swap3A_169 = arith.constant 64 : index
    %swap3A_170 = tpu.vector_load %arg4[%swap3A_168, %swap3A_169] {strides = array<i32>} : memref<104x128xi32, #tpu.memory_space<vmem>>, vector<16xi32>,
    tpu.vector_store %arg4[%swap3A_168, %swap3A_169], %get3A_166 {strides = array<i32>} : memref<104x128xi32, #tpu.memory_space<vmem>>, vector<16xi32>,
    %get3A_171 = arith.constant 80 : index
    %get3A_172 = tpu.vector_load %arg5[%get3A_171] {strides = array<i32>} : memref<13312xi32, #tpu.memory_space<vmem>>, vector<16xi32>,
    %swap3A_173 = arith.constant 0 : i32
    %swap3A_174 = arith.index_cast %swap3A_173 : i32 to index
    %swap3A_175 = arith.constant 80 : index
    %swap3A_176 = tpu.vector_load %arg4[%swap3A_174, %swap3A_175] {strides = array<i32>} : memref<104x128xi32, #tpu.memory_space<vmem>>, vector<16xi32>,
    tpu.vector_store %arg4[%swap3A_174, %swap3A_175], %get3A_172 {strides = array<i32>} : memref<104x128xi32, #tpu.memory_space<vmem>>, vector<16xi32>,
    %get3A_177 = arith.constant 96 : index
    %get3A_178 = tpu.vector_load %arg5[%get3A_177] {strides = array<i32>} : memref<13312xi32, #tpu.memory_space<vmem>>, vector<16xi32>,
    %swap3A_179 = arith.constant 0 : i32
    %swap3A_180 = arith.index_cast %swap3A_179 : i32 to index
    %swap3A_181 = arith.constant 96 : index
    %swap3A_182 = tpu.vector_load %arg4[%swap3A_180, %swap3A_181] {strides = array<i32>} : memref<104x128xi32, #tpu.memory_space<vmem>>, vector<16xi32>,
    tpu.vector_store %arg4[%swap3A_180, %swap3A_181], %get3A_178 {strides = array<i32>} : memref<104x128xi32, #tpu.memory_space<vmem>>, vector<16xi32>,
    %get3A_183 = arith.constant 112 : index
    %get3A_184 = tpu.vector_load %arg5[%get3A_183] {strides = array<i32>} : memref<13312xi32, #tpu.memory_space<vmem>>, vector<16xi32>,
    %swap3A_185 = arith.constant 0 : i32
    %swap3A_186 = arith.index_cast %swap3A_185 : i32 to index
    %swap3A_187 = arith.constant 112 : index
    %swap3A_188 = tpu.vector_load %arg4[%swap3A_186, %swap3A_187] {strides = array<i32>} : memref<104x128xi32, #tpu.memory_space<vmem>>, vector<16xi32>,
    tpu.vector_store %arg4[%swap3A_186, %swap3A_187], %get3A_184 {strides = array<i32>} : memref<104x128xi32, #tpu.memory_space<vmem>>, vector<16xi32>,
    %get3A_189 = arith.constant 128 : index
    %get3A_190 = tpu.vector_load %arg5[%get3A_189] {strides = array<i32>} : memref<13312xi32, #tpu.memory_space<vmem>>, vector<16xi32>,
    %swap3A_191 = arith.constant 1 : i32
    %swap3A_192 = arith.index_cast %swap3A_191 : i32 to index
    %swap3A_193 = arith.constant 0 : index
    %swap3A_194 = tpu.vector_load %arg4[%swap3A_192, %swap3A_193] {strides = array<i32>} : memref<104x128xi32, #tpu.memory_space<vmem>>, vector<16xi32>,
    tpu.vector_store %arg4[%swap3A_192, %swap3A_193], %get3A_190 {strides = array<i32>} : memref<104x128xi32, #tpu.memory_space<vmem>>, vector<16xi32>,
    %get3A_195 = arith.constant 144 : index
    %get3A_196 = tpu.vector_load %arg5[%get3A_195] {strides = array<i32>} : memref<13312xi32, #tpu.memory_space<vmem>>, vector<16xi32>,
    %swap3A_197 = arith.constant 1 : i32
    %swap3A_198 = arith.index_cast %swap3A_197 : i32 to index
    %swap3A_199 = arith.constant 16 : index
    %swap3A_200 = tpu.vector_load %arg4[%swap3A_198, %swap3A_199] {strides = array<i32>} : memref<104x128xi32, #tpu.memory_space<vmem>>, vector<16xi32>,
    tpu.vector_store %arg4[%swap3A_198, %swap3A_199], %get3A_196 {strides = array<i32>} : memref<104x128xi32, #tpu.memory_space<vmem>>, vector<16xi32>,
    %get3A_201 = arith.constant 160 : index
    %get3A_202 = tpu.vector_load %arg5[%get3A_201] {strides = array<i32>} : memref<13312xi32, #tpu.memory_space<vmem>>, vector<16xi32>,
    %swap3A_203 = arith.constant 1 : i32
    %swap3A_204 = arith.index_cast %swap3A_203 : i32 to index
    %swap3A_205 = arith.constant 32 : index
    %swap3A_206 = tpu.vector_load %arg4[%swap3A_204, %swap3A_205] {strides = array<i32>} : memref<104x128xi32, #tpu.memory_space<vmem>>, vector<16xi32>,
    tpu.vector_store %arg4[%swap3A_204, %swap3A_205], %get3A_202 {strides = array<i32>} : memref<104x128xi32, #tpu.memory_space<vmem>>, vector<16xi32>,
    %get3A_207 = arith.constant 176 : index
    %get3A_208 = tpu.vector_load %arg5[%get3A_207] {strides = array<i32>} : memref<13312xi32, #tpu.memory_space<vmem>>, vector<16xi32>,
    %swap3A_209 = arith.constant 1 : i32
    %swap3A_210 = arith.index_cast %swap3A_209 : i32 to index
    %swap3A_211 = arith.constant 48 : index
    %swap3A_212 = tpu.vector_load %arg4[%swap3A_210, %swap3A_211] {strides = array<i32>} : memref<104x128xi32, #tpu.memory_space<vmem>>, vector<16xi32>,
    tpu.vector_store %arg4[%swap3A_210, %swap3A_211], %get3A_208 {strides = array<i32>} : memref<104x128xi32, #tpu.memory_space<vmem>>, vector<16xi32>,
    %get3A_213 = arith.constant 192 : index
    %get3A_214 = tpu.vector_load %arg5[%get3A_213] {strides = array<i32>} : memref<13312xi32, #tpu.memory_space<vmem>>, vector<16xi32>,
    %swap3A_215 = arith.constant 1 : i32
    %swap3A_216 = arith.index_cast %swap3A_215 : i32 to index
    %swap3A_217 = arith.constant 64 : index
    %swap3A_218 = tpu.vector_load %arg4[%swap3A_216, %swap3A_217] {strides = array<i32>} : memref<104x128xi32, #tpu.memory_space<vmem>>, vector<16xi32>,
    tpu.vector_store %arg4[%swap3A_216, %swap3A_217], %get3A_214 {strides = array<i32>} : memref<104x128xi32, #tpu.memory_space<vmem>>, vector<16xi32>,
    %get3A_219 = arith.constant 208 : index
    %get3A_220 = tpu.vector_load %arg5[%get3A_219] {strides = array<i32>} : memref<13312xi32, #tpu.memory_space<vmem>>, vector<16xi32>,
    %swap3A_221 = arith.constant 1 : i32
    %swap3A_222 = arith.index_cast %swap3A_221 : i32 to index
    %swap3A_223 = arith.constant 80 : index
    %swap3A_224 = tpu.vector_load %arg4[%swap3A_222, %swap3A_223] {strides = array<i32>} : memref<104x128xi32, #tpu.memory_space<vmem>>, vector<16xi32>,
    tpu.vector_store %arg4[%swap3A_222, %swap3A_223], %get3A_220 {strides = array<i32>} : memref<104x128xi32, #tpu.memory_space<vmem>>, vector<16xi32>,
    %get3A_225 = arith.constant 224 : index
    %get3A_226 = tpu.vector_load %arg5[%get3A_225] {strides = array<i32>} : memref<13312xi32, #tpu.memory_space<vmem>>, vector<16xi32>,
    %swap3A_227 = arith.constant 1 : i32
    %swap3A_228 = arith.index_cast %swap3A_227 : i32 to index
    %swap3A_229 = arith.constant 96 : index
    %swap3A_230 = tpu.vector_load %arg4[%swap3A_228, %swap3A_229] {strides = array<i32>} : memref<104x128xi32, #tpu.memory_space<vmem>>, vector<16xi32>,
    tpu.vector_store %arg4[%swap3A_228, %swap3A_229], %get3A_226 {strides = array<i32>} : memref<104x128xi32, #tpu.memory_space<vmem>>, vector<16xi32>,
    %get3A_231 = arith.constant 240 : index
    %get3A_232 = tpu.vector_load %arg5[%get3A_231] {strides = array<i32>} : memref<13312xi32, #tpu.memory_space<vmem>>, vector<16xi32>,
    %swap3A_233 = arith.constant 1 : i32
    %swap3A_234 = arith.index_cast %swap3A_233 : i32 to index
    %swap3A_235 = arith.constant 112 : index
    %swap3A_236 = tpu.vector_load %arg4[%swap3A_234, %swap3A_235] {strides = array<i32>} : memref<104x128xi32, #tpu.memory_space<vmem>>, vector<16xi32>,
    tpu.vector_store %arg4[%swap3A_234, %swap3A_235], %get3A_232 {strides = array<i32>} : memref<104x128xi32, #tpu.memory_space<vmem>>, vector<16xi32>,
    %get3A_237 = arith.constant 256 : index
    %get3A_238 = tpu.vector_load %arg5[%get3A_237] {strides = array<i32>} : memref<13312xi32, #tpu.memory_space<vmem>>, vector<16xi32>,
    %swap3A_239 = arith.constant 2 : i32
    %swap3A_240 = arith.index_cast %swap3A_239 : i32 to index
    %swap3A_241 = arith.constant 0 : index
    %swap3A_242 = tpu.vector_load %arg4[%swap3A_240, %swap3A_241] {strides = array<i32>} : memref<104x128xi32, #tpu.memory_space<vmem>>, vector<16xi32>,
    tpu.vector_store %arg4[%swap3A_240, %swap3A_241], %get3A_238 {strides = array<i32>} : memref<104x128xi32, #tpu.memory_space<vmem>>, vector<16xi32>,
    %get3A_243 = arith.constant 272 : index
    %get3A_244 = tpu.vector_load %arg5[%get3A_243] {strides = array<i32>} : memref<13312xi32, #tpu.memory_space<vmem>>, vector<16xi32>,
    %swap3A_245 = arith.constant 2 : i32
    %swap3A_246 = arith.index_cast %swap3A_245 : i32 to index
    %swap3A_247 = arith.constant 16 : index
    %swap3A_248 = tpu.vector_load %arg4[%swap3A_246, %swap3A_247] {strides = array<i32>} : memref<104x128xi32, #tpu.memory_space<vmem>>, vector<16xi32>,
    tpu.vector_store %arg4[%swap3A_246, %swap3A_247], %get3A_244 {strides = array<i32>} : memref<104x128xi32, #tpu.memory_space<vmem>>, vector<16xi32>,
    %get3A_249 = arith.constant 288 : index
    %get3A_250 = tpu.vector_load %arg5[%get3A_249] {strides = array<i32>} : memref<13312xi32, #tpu.memory_space<vmem>>, vector<16xi32>,
    %swap3A_251 = arith.constant 2 : i32
    %swap3A_252 = arith.index_cast %swap3A_251 : i32 to index
    %swap3A_253 = arith.constant 32 : index
    %swap3A_254 = tpu.vector_load %arg4[%swap3A_252, %swap3A_253] {strides = array<i32>} : memref<104x128xi32, #tpu.memory_space<vmem>>, vector<16xi32>,
    tpu.vector_store %arg4[%swap3A_252, %swap3A_253], %get3A_250 {strides = array<i32>} : memref<104x128xi32, #tpu.memory_space<vmem>>, vector<16xi32>,
    %get3A_255 = arith.constant 304 : index
    %get3A_256 = tpu.vector_load %arg5[%get3A_255] {strides = array<i32>} : memref<13312xi32, #tpu.memory_space<vmem>>, vector<16xi32>,
    %swap3A_257 = arith.constant 2 : i32
    %swap3A_258 = arith.index_cast %swap3A_257 : i32 to index
    %swap3A_259 = arith.constant 48 : index
    %swap3A_260 = tpu.vector_load %arg4[%swap3A_258, %swap3A_259] {strides = array<i32>} : memref<104x128xi32, #tpu.memory_space<vmem>>, vector<16xi32>,
    tpu.vector_store %arg4[%swap3A_258, %swap3A_259], %get3A_256 {strides = array<i32>} : memref<104x128xi32, #tpu.memory_space<vmem>>, vector<16xi32>,
    %get3A_261 = arith.constant 320 : index
    %get3A_262 = tpu.vector_load %arg5[%get3A_261] {strides = array<i32>} : memref<13312xi32, #tpu.memory_space<vmem>>, vector<16xi32>,
    %swap3A_263 = arith.constant 2 : i32
    %swap3A_264 = arith.index_cast %swap3A_263 : i32 to index
    %swap3A_265 = arith.constant 64 : index
    %swap3A_266 = tpu.vector_load %arg4[%swap3A_264, %swap3A_265] {strides = array<i32>} : memref<104x128xi32, #tpu.memory_space<vmem>>, vector<16xi32>,
    tpu.vector_store %arg4[%swap3A_264, %swap3A_265], %get3A_262 {strides = array<i32>} : memref<104x128xi32, #tpu.memory_space<vmem>>, vector<16xi32>,
    %get3A_267 = arith.constant 336 : index
    %get3A_268 = tpu.vector_load %arg5[%get3A_267] {strides = array<i32>} : memref<13312xi32, #tpu.memory_space<vmem>>, vector<16xi32>,
    %swap3A_269 = arith.constant 2 : i32
    %swap3A_270 = arith.index_cast %swap3A_269 : i32 to index
    %swap3A_271 = arith.constant 80 : index
    %swap3A_272 = tpu.vector_load %arg4[%swap3A_270, %swap3A_271] {strides = array<i32>} : memref<104x128xi32, #tpu.memory_space<vmem>>, vector<16xi32>,
    tpu.vector_store %arg4[%swap3A_270, %swap3A_271], %get3A_268 {strides = array<i32>} : memref<104x128xi32, #tpu.memory_space<vmem>>, vector<16xi32>,
    %get3A_273 = arith.constant 352 : index
    %get3A_274 = tpu.vector_load %arg5[%get3A_273] {strides = array<i32>} : memref<13312xi32, #tpu.memory_space<vmem>>, vector<16xi32>,
    %swap3A_275 = arith.constant 2 : i32
    %swap3A_276 = arith.index_cast %swap3A_275 : i32 to index
    %swap3A_277 = arith.constant 96 : index
    %swap3A_278 = tpu.vector_load %arg4[%swap3A_276, %swap3A_277] {strides = array<i32>} : memref<104x128xi32, #tpu.memory_space<vmem>>, vector<16xi32>,
    tpu.vector_store %arg4[%swap3A_276, %swap3A_277], %get3A_274 {strides = array<i32>} : memref<104x128xi32, #tpu.memory_space<vmem>>, vector<16xi32>,
    %get3A_279 = arith.constant 368 : index
    %get3A_280 = tpu.vector_load %arg5[%get3A_279] {strides = array<i32>} : memref<13312xi32, #tpu.memory_space<vmem>>, vector<16xi32>,
    %swap3A_281 = arith.constant 2 : i32
    %swap3A_282 = arith.index_cast %swap3A_281 : i32 to index
    %swap3A_283 = arith.constant 112 : index
    %swap3A_284 = tpu.vector_load %arg4[%swap3A_282, %swap3A_283] {strides = array<i32>} : memref<104x128xi32, #tpu.memory_space<vmem>>, vector<16xi32>,
    tpu.vector_store %arg4[%swap3A_282, %swap3A_283], %get3A_280 {strides = array<i32>} : memref<104x128xi32, #tpu.memory_space<vmem>>, vector<16xi32>,
    %get3A_285 = arith.constant 384 : index
    %get3A_286 = tpu.vector_load %arg5[%get3A_285] {strides = array<i32>} : memref<13312xi32, #tpu.memory_space<vmem>>, vector<16xi32>,
    %swap3A_287 = arith.constant 3 : i32
    %swap3A_288 = arith.index_cast %swap3A_287 : i32 to index
    %swap3A_289 = arith.constant 0 : index
    %swap3A_290 = tpu.vector_load %arg4[%swap3A_288, %swap3A_289] {strides = array<i32>} : memref<104x128xi32, #tpu.memory_space<vmem>>, vector<16xi32>,
    tpu.vector_store %arg4[%swap3A_288, %swap3A_289], %get3A_286 {strides = array<i32>} : memref<104x128xi32, #tpu.memory_space<vmem>>, vector<16xi32>,
    %get3A_291 = arith.constant 400 : index
    %get3A_292 = tpu.vector_load %arg5[%get3A_291] {strides = array<i32>} : memref<13312xi32, #tpu.memory_space<vmem>>, vector<16xi32>,
    %swap3A_293 = arith.constant 3 : i32
    %swap3A_294 = arith.index_cast %swap3A_293 : i32 to index
    %swap3A_295 = arith.constant 16 : index
    %swap3A_296 = tpu.vector_load %arg4[%swap3A_294, %swap3A_295] {strides = array<i32>} : memref<104x128xi32, #tpu.memory_space<vmem>>, vector<16xi32>,
    tpu.vector_store %arg4[%swap3A_294, %swap3A_295], %get3A_292 {strides = array<i32>} : memref<104x128xi32, #tpu.memory_space<vmem>>, vector<16xi32>,
    %get3A_297 = arith.constant 416 : index
    %get3A_298 = tpu.vector_load %arg5[%get3A_297] {strides = array<i32>} : memref<13312xi32, #tpu.memory_space<vmem>>, vector<16xi32>,
    %swap3A_299 = arith.constant 3 : i32
    %swap3A_300 = arith.index_cast %swap3A_299 : i32 to index
    %swap3A_301 = arith.constant 32 : index
    %swap3A_302 = tpu.vector_load %arg4[%swap3A_300, %swap3A_301] {strides = array<i32>} : memref<104x128xi32, #tpu.memory_space<vmem>>, vector<16xi32>,
    tpu.vector_store %arg4[%swap3A_300, %swap3A_301], %get3A_298 {strides = array<i32>} : memref<104x128xi32, #tpu.memory_space<vmem>>, vector<16xi32>,
    %get3A_303 = arith.constant 432 : index
    %get3A_304 = tpu.vector_load %arg5[%get3A_303] {strides = array<i32>} : memref<13312xi32, #tpu.memory_space<vmem>>, vector<16xi32>,
    %swap3A_305 = arith.constant 3 : i32
    %swap3A_306 = arith.index_cast %swap3A_305 : i32 to index
    %swap3A_307 = arith.constant 48 : index
    %swap3A_308 = tpu.vector_load %arg4[%swap3A_306, %swap3A_307] {strides = array<i32>} : memref<104x128xi32, #tpu.memory_space<vmem>>, vector<16xi32>,
    tpu.vector_store %arg4[%swap3A_306, %swap3A_307], %get3A_304 {strides = array<i32>} : memref<104x128xi32, #tpu.memory_space<vmem>>, vector<16xi32>,
    %get3A_309 = arith.constant 448 : index
    %get3A_310 = tpu.vector_load %arg5[%get3A_309] {strides = array<i32>} : memref<13312xi32, #tpu.memory_space<vmem>>, vector<16xi32>,
    %swap3A_311 = arith.constant 3 : i32
    %swap3A_312 = arith.index_cast %swap3A_311 : i32 to index
    %swap3A_313 = arith.constant 64 : index
    %swap3A_314 = tpu.vector_load %arg4[%swap3A_312, %swap3A_313] {strides = array<i32>} : memref<104x128xi32, #tpu.memory_space<vmem>>, vector<16xi32>,
    tpu.vector_store %arg4[%swap3A_312, %swap3A_313], %get3A_310 {strides = array<i32>} : memref<104x128xi32, #tpu.memory_space<vmem>>, vector<16xi32>,
    %get3A_315 = arith.constant 464 : index
    %get3A_316 = tpu.vector_load %arg5[%get3A_315] {strides = array<i32>} : memref<13312xi32, #tpu.memory_space<vmem>>, vector<16xi32>,
    %swap3A_317 = arith.constant 3 : i32
    %swap3A_318 = arith.index_cast %swap3A_317 : i32 to index
    %swap3A_319 = arith.constant 80 : index
    %swap3A_320 = tpu.vector_load %arg4[%swap3A_318, %swap3A_319] {strides = array<i32>} : memref<104x128xi32, #tpu.memory_space<vmem>>, vector<16xi32>,
    tpu.vector_store %arg4[%swap3A_318, %swap3A_319], %get3A_316 {strides = array<i32>} : memref<104x128xi32, #tpu.memory_space<vmem>>, vector<16xi32>,
    %get3A_321 = arith.constant 480 : index
    %get3A_322 = tpu.vector_load %arg5[%get3A_321] {strides = array<i32>} : memref<13312xi32, #tpu.memory_space<vmem>>, vector<16xi32>,
    %swap3A_323 = arith.constant 3 : i32
    %swap3A_324 = arith.index_cast %swap3A_323 : i32 to index
    %swap3A_325 = arith.constant 96 : index
    %swap3A_326 = tpu.vector_load %arg4[%swap3A_324, %swap3A_325] {strides = array<i32>} : memref<104x128xi32, #tpu.memory_space<vmem>>, vector<16xi32>,
    tpu.vector_store %arg4[%swap3A_324, %swap3A_325], %get3A_322 {strides = array<i32>} : memref<104x128xi32, #tpu.memory_space<vmem>>, vector<16xi32>,
    %get3A_327 = arith.constant 496 : index
    %get3A_328 = tpu.vector_load %arg5[%get3A_327] {strides = array<i32>} : memref<13312xi32, #tpu.memory_space<vmem>>, vector<16xi32>,
    %swap3A_329 = arith.constant 3 : i32
    %swap3A_330 = arith.index_cast %swap3A_329 : i32 to index
    %swap3A_331 = arith.constant 112 : index
    %swap3A_332 = tpu.vector_load %arg4[%swap3A_330, %swap3A_331] {strides = array<i32>} : memref<104x128xi32, #tpu.memory_space<vmem>>, vector<16xi32>,
    tpu.vector_store %arg4[%swap3A_330, %swap3A_331], %get3A_328 {strides = array<i32>} : memref<104x128xi32, #tpu.memory_space<vmem>>, vector<16xi32>,
    %get3A_333 = arith.constant 512 : index
    %get3A_334 = tpu.vector_load %arg5[%get3A_333] {strides = array<i32>} : memref<13312xi32, #tpu.memory_space<vmem>>, vector<16xi32>,
    %swap3A_335 = arith.constant 4 : i32
    %swap3A_336 = arith.index_cast %swap3A_335 : i32 to index
    %swap3A_337 = arith.constant 0 : index
    %swap3A_338 = tpu.vector_load %arg4[%swap3A_336, %swap3A_337] {strides = array<i32>} : memref<104x128xi32, #tpu.memory_space<vmem>>, vector<16xi32>,
    tpu.vector_store %arg4[%swap3A_336, %swap3A_337], %get3A_334 {strides = array<i32>} : memref<104x128xi32, #tpu.memory_space<vmem>>, vector<16xi32>,
    %get3A_339 = arith.constant 528 : index
    %get3A_340 = tpu.vector_load %arg5[%get3A_339] {strides = array<i32>} : memref<13312xi32, #tpu.memory_space<vmem>>, vector<16xi32>,
    %swap3A_341 = arith.constant 4 : i32
    %swap3A_342 = arith.index_cast %swap3A_341 : i32 to index
    %swap3A_343 = arith.constant 16 : index
    %swap3A_344 = tpu.vector_load %arg4[%swap3A_342, %swap3A_343] {strides = array<i32>} : memref<104x128xi32, #tpu.memory_space<vmem>>, vector<16xi32>,
    tpu.vector_store %arg4[%swap3A_342, %swap3A_343], %get3A_340 {strides = array<i32>} : memref<104x128xi32, #tpu.memory_space<vmem>>, vector<16xi32>,
    %get3A_345 = arith.constant 544 : index
    %get3A_346 = tpu.vector_load %arg5[%get3A_345] {strides = array<i32>} : memref<13312xi32, #tpu.memory_space<vmem>>, vector<16xi32>,
    %swap3A_347 = arith.constant 4 : i32
    %swap3A_348 = arith.index_cast %swap3A_347 : i32 to index
    %swap3A_349 = arith.constant 32 : index
    %swap3A_350 = tpu.vector_load %arg4[%swap3A_348, %swap3A_349] {strides = array<i32>} : memref<104x128xi32, #tpu.memory_space<vmem>>, vector<16xi32>,
    tpu.vector_store %arg4[%swap3A_348, %swap3A_349], %get3A_346 {strides = array<i32>} : memref<104x128xi32, #tpu.memory_space<vmem>>, vector<16xi32>,
    %get3A_351 = arith.constant 560 : index
    %get3A_352 = tpu.vector_load %arg5[%get3A_351] {strides = array<i32>} : memref<13312xi32, #tpu.memory_space<vmem>>, vector<16xi32>,
    %swap3A_353 = arith.constant 4 : i32
    %swap3A_354 = arith.index_cast %swap3A_353 : i32 to index
    %swap3A_355 = arith.constant 48 : index
    %swap3A_356 = tpu.vector_load %arg4[%swap3A_354, %swap3A_355] {strides = array<i32>} : memref<104x128xi32, #tpu.memory_space<vmem>>, vector<16xi32>,
    tpu.vector_store %arg4[%swap3A_354, %swap3A_355], %get3A_352 {strides = array<i32>} : memref<104x128xi32, #tpu.memory_space<vmem>>, vector<16xi32>,
    %get3A_357 = arith.constant 576 : index
    %get3A_358 = tpu.vector_load %arg5[%get3A_357] {strides = array<i32>} : memref<13312xi32, #tpu.memory_space<vmem>>, vector<16xi32>,
    %swap3A_359 = arith.constant 4 : i32
    %swap3A_360 = arith.index_cast %swap3A_359 : i32 to index
    %swap3A_361 = arith.constant 64 : index
    %swap3A_362 = tpu.vector_load %arg4[%swap3A_360, %swap3A_361] {strides = array<i32>} : memref<104x128xi32, #tpu.memory_space<vmem>>, vector<16xi32>,
    tpu.vector_store %arg4[%swap3A_360, %swap3A_361], %get3A_358 {strides = array<i32>} : memref<104x128xi32, #tpu.memory_space<vmem>>, vector<16xi32>,
    %get3A_363 = arith.constant 592 : index
    %get3A_364 = tpu.vector_load %arg5[%get3A_363] {strides = array<i32>} : memref<13312xi32, #tpu.memory_space<vmem>>, vector<16xi32>,
    %swap3A_365 = arith.constant 4 : i32
    %swap3A_366 = arith.index_cast %swap3A_365 : i32 to index
    %swap3A_367 = arith.constant 80 : index
    %swap3A_368 = tpu.vector_load %arg4[%swap3A_366, %swap3A_367] {strides = array<i32>} : memref<104x128xi32, #tpu.memory_space<vmem>>, vector<16xi32>,
    tpu.vector_store %arg4[%swap3A_366, %swap3A_367], %get3A_364 {strides = array<i32>} : memref<104x128xi32, #tpu.memory_space<vmem>>, vector<16xi32>,
    %get3A_369 = arith.constant 608 : index
    %get3A_370 = tpu.vector_load %arg5[%get3A_369] {strides = array<i32>} : memref<13312xi32, #tpu.memory_space<vmem>>, vector<16xi32>,
    %swap3A_371 = arith.constant 4 : i32
    %swap3A_372 = arith.index_cast %swap3A_371 : i32 to index
    %swap3A_373 = arith.constant 96 : index
    %swap3A_374 = tpu.vector_load %arg4[%swap3A_372, %swap3A_373] {strides = array<i32>} : memref<104x128xi32, #tpu.memory_space<vmem>>, vector<16xi32>,
    tpu.vector_store %arg4[%swap3A_372, %swap3A_373], %get3A_370 {strides = array<i32>} : memref<104x128xi32, #tpu.memory_space<vmem>>, vector<16xi32>,
    %get3A_375 = arith.constant 624 : index
    %get3A_376 = tpu.vector_load %arg5[%get3A_375] {strides = array<i32>} : memref<13312xi32, #tpu.memory_space<vmem>>, vector<16xi32>,
    %swap3A_377 = arith.constant 4 : i32
    %swap3A_378 = arith.index_cast %swap3A_377 : i32 to index
    %swap3A_379 = arith.constant 112 : index
    %swap3A_380 = tpu.vector_load %arg4[%swap3A_378, %swap3A_379] {strides = array<i32>} : memref<104x128xi32, #tpu.memory_space<vmem>>, vector<16xi32>,
    tpu.vector_store %arg4[%swap3A_378, %swap3A_379], %get3A_376 {strides = array<i32>} : memref<104x128xi32, #tpu.memory_space<vmem>>, vector<16xi32>,
    %get3A_381 = arith.constant 640 : index
    %get3A_382 = tpu.vector_load %arg5[%get3A_381] {strides = array<i32>} : memref<13312xi32, #tpu.memory_space<vmem>>, vector<16xi32>,
    %swap3A_383 = arith.constant 5 : i32
    %swap3A_384 = arith.index_cast %swap3A_383 : i32 to index
    %swap3A_385 = arith.constant 0 : index
    %swap3A_386 = tpu.vector_load %arg4[%swap3A_384, %swap3A_385] {strides = array<i32>} : memref<104x128xi32, #tpu.memory_space<vmem>>, vector<16xi32>,
    tpu.vector_store %arg4[%swap3A_384, %swap3A_385], %get3A_382 {strides = array<i32>} : memref<104x128xi32, #tpu.memory_space<vmem>>, vector<16xi32>,
    %get3A_387 = arith.constant 656 : index
    %get3A_388 = tpu.vector_load %arg5[%get3A_387] {strides = array<i32>} : memref<13312xi32, #tpu.memory_space<vmem>>, vector<16xi32>,
    %swap3A_389 = arith.constant 5 : i32
    %swap3A_390 = arith.index_cast %swap3A_389 : i32 to index
    %swap3A_391 = arith.constant 16 : index
    %swap3A_392 = tpu.vector_load %arg4[%swap3A_390, %swap3A_391] {strides = array<i32>} : memref<104x128xi32, #tpu.memory_space<vmem>>, vector<16xi32>,
    tpu.vector_store %arg4[%swap3A_390, %swap3A_391], %get3A_388 {strides = array<i32>} : memref<104x128xi32, #tpu.memory_space<vmem>>, vector<16xi32>,
    %get3A_393 = arith.constant 672 : index
    %get3A_394 = tpu.vector_load %arg5[%get3A_393] {strides = array<i32>} : memref<13312xi32, #tpu.memory_space<vmem>>, vector<16xi32>,
    %swap3A_395 = arith.constant 5 : i32
    %swap3A_396 = arith.index_cast %swap3A_395 : i32 to index
    %swap3A_397 = arith.constant 32 : index
    %swap3A_398 = tpu.vector_load %arg4[%swap3A_396, %swap3A_397] {strides = array<i32>} : memref<104x128xi32, #tpu.memory_space<vmem>>, vector<16xi32>,
    tpu.vector_store %arg4[%swap3A_396, %swap3A_397], %get3A_394 {strides = array<i32>} : memref<104x128xi32, #tpu.memory_space<vmem>>, vector<16xi32>,
    %get3A_399 = arith.constant 688 : index
    %get3A_400 = tpu.vector_load %arg5[%get3A_399] {strides = array<i32>} : memref<13312xi32, #tpu.memory_space<vmem>>, vector<16xi32>,
    %swap3A_401 = arith.constant 5 : i32
    %swap3A_402 = arith.index_cast %swap3A_401 : i32 to index
    %swap3A_403 = arith.constant 48 : index
    %swap3A_404 = tpu.vector_load %arg4[%swap3A_402, %swap3A_403] {strides = array<i32>} : memref<104x128xi32, #tpu.memory_space<vmem>>, vector<16xi32>,
    tpu.vector_store %arg4[%swap3A_402, %swap3A_403], %get3A_400 {strides = array<i32>} : memref<104x128xi32, #tpu.memory_space<vmem>>, vector<16xi32>,
    %get3A_405 = arith.constant 704 : index
    %get3A_406 = tpu.vector_load %arg5[%get3A_405] {strides = array<i32>} : memref<13312xi32, #tpu.memory_space<vmem>>, vector<16xi32>,
    %swap3A_407 = arith.constant 5 : i32
    %swap3A_408 = arith.index_cast %swap3A_407 : i32 to index
    %swap3A_409 = arith.constant 64 : index
    %swap3A_410 = tpu.vector_load %arg4[%swap3A_408, %swap3A_409] {strides = array<i32>} : memref<104x128xi32, #tpu.memory_space<vmem>>, vector<16xi32>,
    tpu.vector_store %arg4[%swap3A_408, %swap3A_409], %get3A_406 {strides = array<i32>} : memref<104x128xi32, #tpu.memory_space<vmem>>, vector<16xi32>,
    %get3A_411 = arith.constant 720 : index
    %get3A_412 = tpu.vector_load %arg5[%get3A_411] {strides = array<i32>} : memref<13312xi32, #tpu.memory_space<vmem>>, vector<16xi32>,
    %swap3A_413 = arith.constant 5 : i32
    %swap3A_414 = arith.index_cast %swap3A_413 : i32 to index
    %swap3A_415 = arith.constant 80 : index
    %swap3A_416 = tpu.vector_load %arg4[%swap3A_414, %swap3A_415] {strides = array<i32>} : memref<104x128xi32, #tpu.memory_space<vmem>>, vector<16xi32>,
    tpu.vector_store %arg4[%swap3A_414, %swap3A_415], %get3A_412 {strides = array<i32>} : memref<104x128xi32, #tpu.memory_space<vmem>>, vector<16xi32>,
    %get3A_417 = arith.constant 736 : index
    %get3A_418 = tpu.vector_load %arg5[%get3A_417] {strides = array<i32>} : memref<13312xi32, #tpu.memory_space<vmem>>, vector<16xi32>,
    %swap3A_419 = arith.constant 5 : i32
    %swap3A_420 = arith.index_cast %swap3A_419 : i32 to index
    %swap3A_421 = arith.constant 96 : index
    %swap3A_422 = tpu.vector_load %arg4[%swap3A_420, %swap3A_421] {strides = array<i32>} : memref<104x128xi32, #tpu.memory_space<vmem>>, vector<16xi32>,
    tpu.vector_store %arg4[%swap3A_420, %swap3A_421], %get3A_418 {strides = array<i32>} : memref<104x128xi32, #tpu.memory_space<vmem>>, vector<16xi32>,
    %get3A_423 = arith.constant 752 : index
    %get3A_424 = tpu.vector_load %arg5[%get3A_423] {strides = array<i32>} : memref<13312xi32, #tpu.memory_space<vmem>>, vector<16xi32>,
    %swap3A_425 = arith.constant 5 : i32
    %swap3A_426 = arith.index_cast %swap3A_425 : i32 to index
    %swap3A_427 = arith.constant 112 : index
    %swap3A_428 = tpu.vector_load %arg4[%swap3A_426, %swap3A_427] {strides = array<i32>} : memref<104x128xi32, #tpu.memory_space<vmem>>, vector<16xi32>,
    tpu.vector_store %arg4[%swap3A_426, %swap3A_427], %get3A_424 {strides = array<i32>} : memref<104x128xi32, #tpu.memory_space<vmem>>, vector<16xi32>,
    %get3A_429 = arith.constant 768 : index
    %get3A_430 = tpu.vector_load %arg5[%get3A_429] {strides = array<i32>} : memref<13312xi32, #tpu.memory_space<vmem>>, vector<16xi32>,
    %swap3A_431 = arith.constant 6 : i32
    %swap3A_432 = arith.index_cast %swap3A_431 : i32 to index
    %swap3A_433 = arith.constant 0 : index
    %swap3A_434 = tpu.vector_load %arg4[%swap3A_432, %swap3A_433] {strides = array<i32>} : memref<104x128xi32, #tpu.memory_space<vmem>>, vector<16xi32>,
    tpu.vector_store %arg4[%swap3A_432, %swap3A_433], %get3A_430 {strides = array<i32>} : memref<104x128xi32, #tpu.memory_space<vmem>>, vector<16xi32>,
    %get3A_435 = arith.constant 784 : index
    %get3A_436 = tpu.vector_load %arg5[%get3A_435] {strides = array<i32>} : memref<13312xi32, #tpu.memory_space<vmem>>, vector<16xi32>,
    %swap3A_437 = arith.constant 6 : i32
    %swap3A_438 = arith.index_cast %swap3A_437 : i32 to index
    %swap3A_439 = arith.constant 16 : index
    %swap3A_440 = tpu.vector_load %arg4[%swap3A_438, %swap3A_439] {strides = array<i32>} : memref<104x128xi32, #tpu.memory_space<vmem>>, vector<16xi32>,
    tpu.vector_store %arg4[%swap3A_438, %swap3A_439], %get3A_436 {strides = array<i32>} : memref<104x128xi32, #tpu.memory_space<vmem>>, vector<16xi32>,
    %get3A_441 = arith.constant 800 : index
    %get3A_442 = tpu.vector_load %arg5[%get3A_441] {strides = array<i32>} : memref<13312xi32, #tpu.memory_space<vmem>>, vector<16xi32>,
    %swap3A_443 = arith.constant 6 : i32
    %swap3A_444 = arith.index_cast %swap3A_443 : i32 to index
    %swap3A_445 = arith.constant 32 : index
    %swap3A_446 = tpu.vector_load %arg4[%swap3A_444, %swap3A_445] {strides = array<i32>} : memref<104x128xi32, #tpu.memory_space<vmem>>, vector<16xi32>,
    tpu.vector_store %arg4[%swap3A_444, %swap3A_445], %get3A_442 {strides = array<i32>} : memref<104x128xi32, #tpu.memory_space<vmem>>, vector<16xi32>,
    %get3A_447 = arith.constant 816 : index
    %get3A_448 = tpu.vector_load %arg5[%get3A_447] {strides = array<i32>} : memref<13312xi32, #tpu.memory_space<vmem>>, vector<16xi32>,
    %swap3A_449 = arith.constant 6 : i32
    %swap3A_450 = arith.index_cast %swap3A_449 : i32 to index
    %swap3A_451 = arith.constant 48 : index
    %swap3A_452 = tpu.vector_load %arg4[%swap3A_450, %swap3A_451] {strides = array<i32>} : memref<104x128xi32, #tpu.memory_space<vmem>>, vector<16xi32>,
    tpu.vector_store %arg4[%swap3A_450, %swap3A_451], %get3A_448 {strides = array<i32>} : memref<104x128xi32, #tpu.memory_space<vmem>>, vector<16xi32>,
    %get3A_453 = arith.constant 832 : index
    %get3A_454 = tpu.vector_load %arg5[%get3A_453] {strides = array<i32>} : memref<13312xi32, #tpu.memory_space<vmem>>, vector<16xi32>,
    %swap3A_455 = arith.constant 6 : i32
    %swap3A_456 = arith.index_cast %swap3A_455 : i32 to index
    %swap3A_457 = arith.constant 64 : index
    %swap3A_458 = tpu.vector_load %arg4[%swap3A_456, %swap3A_457] {strides = array<i32>} : memref<104x128xi32, #tpu.memory_space<vmem>>, vector<16xi32>,
    tpu.vector_store %arg4[%swap3A_456, %swap3A_457], %get3A_454 {strides = array<i32>} : memref<104x128xi32, #tpu.memory_space<vmem>>, vector<16xi32>,
    %get3A_459 = arith.constant 848 : index
    %get3A_460 = tpu.vector_load %arg5[%get3A_459] {strides = array<i32>} : memref<13312xi32, #tpu.memory_space<vmem>>, vector<16xi32>,
    %swap3A_461 = arith.constant 6 : i32
    %swap3A_462 = arith.index_cast %swap3A_461 : i32 to index
    %swap3A_463 = arith.constant 80 : index
    %swap3A_464 = tpu.vector_load %arg4[%swap3A_462, %swap3A_463] {strides = array<i32>} : memref<104x128xi32, #tpu.memory_space<vmem>>, vector<16xi32>,
    tpu.vector_store %arg4[%swap3A_462, %swap3A_463], %get3A_460 {strides = array<i32>} : memref<104x128xi32, #tpu.memory_space<vmem>>, vector<16xi32>,
    %get3A_465 = arith.constant 864 : index
    %get3A_466 = tpu.vector_load %arg5[%get3A_465] {strides = array<i32>} : memref<13312xi32, #tpu.memory_space<vmem>>, vector<16xi32>,
    %swap3A_467 = arith.constant 6 : i32
    %swap3A_468 = arith.index_cast %swap3A_467 : i32 to index
    %swap3A_469 = arith.constant 96 : index
    %swap3A_470 = tpu.vector_load %arg4[%swap3A_468, %swap3A_469] {strides = array<i32>} : memref<104x128xi32, #tpu.memory_space<vmem>>, vector<16xi32>,
    tpu.vector_store %arg4[%swap3A_468, %swap3A_469], %get3A_466 {strides = array<i32>} : memref<104x128xi32, #tpu.memory_space<vmem>>, vector<16xi32>,
    %get3A_471 = arith.constant 880 : index
    %get3A_472 = tpu.vector_load %arg5[%get3A_471] {strides = array<i32>} : memref<13312xi32, #tpu.memory_space<vmem>>, vector<16xi32>,
    %swap3A_473 = arith.constant 6 : i32
    %swap3A_474 = arith.index_cast %swap3A_473 : i32 to index
    %swap3A_475 = arith.constant 112 : index
    %swap3A_476 = tpu.vector_load %arg4[%swap3A_474, %swap3A_475] {strides = array<i32>} : memref<104x128xi32, #tpu.memory_space<vmem>>, vector<16xi32>,
    tpu.vector_store %arg4[%swap3A_474, %swap3A_475], %get3A_472 {strides = array<i32>} : memref<104x128xi32, #tpu.memory_space<vmem>>, vector<16xi32>,
    %get3A_477 = arith.constant 896 : index
    %get3A_478 = tpu.vector_load %arg5[%get3A_477] {strides = array<i32>} : memref<13312xi32, #tpu.memory_space<vmem>>, vector<16xi32>,
    %swap3A_479 = arith.constant 7 : i32
    %swap3A_480 = arith.index_cast %swap3A_479 : i32 to index
    %swap3A_481 = arith.constant 0 : index
    %swap3A_482 = tpu.vector_load %arg4[%swap3A_480, %swap3A_481] {strides = array<i32>} : memref<104x128xi32, #tpu.memory_space<vmem>>, vector<16xi32>,
    tpu.vector_store %arg4[%swap3A_480, %swap3A_481], %get3A_478 {strides = array<i32>} : memref<104x128xi32, #tpu.memory_space<vmem>>, vector<16xi32>,
    %get3A_483 = arith.constant 912 : index
    %get3A_484 = tpu.vector_load %arg5[%get3A_483] {strides = array<i32>} : memref<13312xi32, #tpu.memory_space<vmem>>, vector<16xi32>,
    %swap3A_485 = arith.constant 7 : i32
    %swap3A_486 = arith.index_cast %swap3A_485 : i32 to index
    %swap3A_487 = arith.constant 16 : index
    %swap3A_488 = tpu.vector_load %arg4[%swap3A_486, %swap3A_487] {strides = array<i32>} : memref<104x128xi32, #tpu.memory_space<vmem>>, vector<16xi32>,
    tpu.vector_store %arg4[%swap3A_486, %swap3A_487], %get3A_484 {strides = array<i32>} : memref<104x128xi32, #tpu.memory_space<vmem>>, vector<16xi32>,
    %get3A_489 = arith.constant 928 : index
    %get3A_490 = tpu.vector_load %arg5[%get3A_489] {strides = array<i32>} : memref<13312xi32, #tpu.memory_space<vmem>>, vector<16xi32>,
    %swap3A_491 = arith.constant 7 : i32
    %swap3A_492 = arith.index_cast %swap3A_491 : i32 to index
    %swap3A_493 = arith.constant 32 : index
    %swap3A_494 = tpu.vector_load %arg4[%swap3A_492, %swap3A_493] {strides = array<i32>} : memref<104x128xi32, #tpu.memory_space<vmem>>, vector<16xi32>,
    tpu.vector_store %arg4[%swap3A_492, %swap3A_493], %get3A_490 {strides = array<i32>} : memref<104x128xi32, #tpu.memory_space<vmem>>, vector<16xi32>,
    %get3A_495 = arith.constant 944 : index
    %get3A_496 = tpu.vector_load %arg5[%get3A_495] {strides = array<i32>} : memref<13312xi32, #tpu.memory_space<vmem>>, vector<16xi32>,
    %swap3A_497 = arith.constant 7 : i32
    %swap3A_498 = arith.index_cast %swap3A_497 : i32 to index
    %swap3A_499 = arith.constant 48 : index
    %swap3A_500 = tpu.vector_load %arg4[%swap3A_498, %swap3A_499] {strides = array<i32>} : memref<104x128xi32, #tpu.memory_space<vmem>>, vector<16xi32>,
    tpu.vector_store %arg4[%swap3A_498, %swap3A_499], %get3A_496 {strides = array<i32>} : memref<104x128xi32, #tpu.memory_space<vmem>>, vector<16xi32>,
    %get3A_501 = arith.constant 960 : index
    %get3A_502 = tpu.vector_load %arg5[%get3A_501] {strides = array<i32>} : memref<13312xi32, #tpu.memory_space<vmem>>, vector<16xi32>,
    %swap3A_503 = arith.constant 7 : i32
    %swap3A_504 = arith.index_cast %swap3A_503 : i32 to index
    %swap3A_505 = arith.constant 64 : index
    %swap3A_506 = tpu.vector_load %arg4[%swap3A_504, %swap3A_505] {strides = array<i32>} : memref<104x128xi32, #tpu.memory_space<vmem>>, vector<16xi32>,
    tpu.vector_store %arg4[%swap3A_504, %swap3A_505], %get3A_502 {strides = array<i32>} : memref<104x128xi32, #tpu.memory_space<vmem>>, vector<16xi32>,
    %get3A_507 = arith.constant 976 : index
    %get3A_508 = tpu.vector_load %arg5[%get3A_507] {strides = array<i32>} : memref<13312xi32, #tpu.memory_space<vmem>>, vector<16xi32>,
    %swap3A_509 = arith.constant 7 : i32
    %swap3A_510 = arith.index_cast %swap3A_509 : i32 to index
    %swap3A_511 = arith.constant 80 : index
    %swap3A_512 = tpu.vector_load %arg4[%swap3A_510, %swap3A_511] {strides = array<i32>} : memref<104x128xi32, #tpu.memory_space<vmem>>, vector<16xi32>,
    tpu.vector_store %arg4[%swap3A_510, %swap3A_511], %get3A_508 {strides = array<i32>} : memref<104x128xi32, #tpu.memory_space<vmem>>, vector<16xi32>,
    %get3A_513 = arith.constant 992 : index
    %get3A_514 = tpu.vector_load %arg5[%get3A_513] {strides = array<i32>} : memref<13312xi32, #tpu.memory_space<vmem>>, vector<16xi32>,
    %swap3A_515 = arith.constant 7 : i32
    %swap3A_516 = arith.index_cast %swap3A_515 : i32 to index
    %swap3A_517 = arith.constant 96 : index
    %swap3A_518 = tpu.vector_load %arg4[%swap3A_516, %swap3A_517] {strides = array<i32>} : memref<104x128xi32, #tpu.memory_space<vmem>>, vector<16xi32>,
    tpu.vector_store %arg4[%swap3A_516, %swap3A_517], %get3A_514 {strides = array<i32>} : memref<104x128xi32, #tpu.memory_space<vmem>>, vector<16xi32>,
    %get3A_519 = arith.constant 1008 : index
    %get3A_520 = tpu.vector_load %arg5[%get3A_519] {strides = array<i32>} : memref<13312xi32, #tpu.memory_space<vmem>>, vector<16xi32>,
    %swap3A_521 = arith.constant 7 : i32
    %swap3A_522 = arith.index_cast %swap3A_521 : i32 to index
    %swap3A_523 = arith.constant 112 : index
    %swap3A_524 = tpu.vector_load %arg4[%swap3A_522, %swap3A_523] {strides = array<i32>} : memref<104x128xi32, #tpu.memory_space<vmem>>, vector<16xi32>,
    tpu.vector_store %arg4[%swap3A_522, %swap3A_523], %get3A_520 {strides = array<i32>} : memref<104x128xi32, #tpu.memory_space<vmem>>, vector<16xi32>,
    %dma_start3A_525 = arith.constant 0 : i32
    %dma_start3A_526 = arith.constant 0 : i32
    %dma_start3A_527 = tpu.memref_slice %arg4[%dma_start3A_525, %dma_start3A_526] : memref<104x128xi32, #tpu.memory_space<vmem>> -> memref<1x128xi32, #tpu.memory_space<vmem>>
    %dma_start3A_528 = tpu.memref_squeeze %dma_start3A_527 : memref<1x128xi32, #tpu.memory_space<vmem>> -> memref<128xi32, #tpu.memory_space<vmem>>
    %dma_start3A_529 = arith.constant 0 : i32
    %dma_start3A_530 = tpu.memref_slice %arg17[%dma_start3A_529] : memref<10240xf32, #tpu.memory_space<vmem_shared>> -> memref<10240xf32, #tpu.memory_space<vmem_shared>>
    tpu.enqueue_indirect_dma source(%arg8 : memref<128xf32, #tpu.memory_space<vmem>>) target(%dma_start3A_530 : memref<10240xf32, #tpu.memory_space<vmem_shared>>) offsets(%dma_start3A_528 : memref<128xi32, #tpu.memory_space<vmem>>) semaphore(%arg18 : memref<!tpu.dma_semaphore, #tpu.memory_space<semaphore_mem>>) {add = true}
    %dma_start3A_531 = arith.constant 1 : i32
    %dma_start3A_532 = arith.constant 0 : i32
    %dma_start3A_533 = tpu.memref_slice %arg4[%dma_start3A_531, %dma_start3A_532] : memref<104x128xi32, #tpu.memory_space<vmem>> -> memref<1x128xi32, #tpu.memory_space<vmem>>
    %dma_start3A_534 = tpu.memref_squeeze %dma_start3A_533 : memref<1x128xi32, #tpu.memory_space<vmem>> -> memref<128xi32, #tpu.memory_space<vmem>>
    %dma_start3A_535 = arith.constant 0 : i32
    %dma_start3A_536 = tpu.memref_slice %arg17[%dma_start3A_535] : memref<10240xf32, #tpu.memory_space<vmem_shared>> -> memref<10240xf32, #tpu.memory_space<vmem_shared>>
    tpu.enqueue_indirect_dma source(%arg8 : memref<128xf32, #tpu.memory_space<vmem>>) target(%dma_start3A_536 : memref<10240xf32, #tpu.memory_space<vmem_shared>>) offsets(%dma_start3A_534 : memref<128xi32, #tpu.memory_space<vmem>>) semaphore(%arg18 : memref<!tpu.dma_semaphore, #tpu.memory_space<semaphore_mem>>) {add = true}
    %dma_start3A_537 = arith.constant 2 : i32
    %dma_start3A_538 = arith.constant 0 : i32
    %dma_start3A_539 = tpu.memref_slice %arg4[%dma_start3A_537, %dma_start3A_538] : memref<104x128xi32, #tpu.memory_space<vmem>> -> memref<1x128xi32, #tpu.memory_space<vmem>>
    %dma_start3A_540 = tpu.memref_squeeze %dma_start3A_539 : memref<1x128xi32, #tpu.memory_space<vmem>> -> memref<128xi32, #tpu.memory_space<vmem>>
    %dma_start3A_541 = arith.constant 0 : i32
    %dma_start3A_542 = tpu.memref_slice %arg17[%dma_start3A_541] : memref<10240xf32, #tpu.memory_space<vmem_shared>> -> memref<10240xf32, #tpu.memory_space<vmem_shared>>
    tpu.enqueue_indirect_dma source(%arg8 : memref<128xf32, #tpu.memory_space<vmem>>) target(%dma_start3A_542 : memref<10240xf32, #tpu.memory_space<vmem_shared>>) offsets(%dma_start3A_540 : memref<128xi32, #tpu.memory_space<vmem>>) semaphore(%arg18 : memref<!tpu.dma_semaphore, #tpu.memory_space<semaphore_mem>>) {add = true}
    %dma_start3A_543 = arith.constant 3 : i32
    %dma_start3A_544 = arith.constant 0 : i32
    %dma_start3A_545 = tpu.memref_slice %arg4[%dma_start3A_543, %dma_start3A_544] : memref<104x128xi32, #tpu.memory_space<vmem>> -> memref<1x128xi32, #tpu.memory_space<vmem>>
    %dma_start3A_546 = tpu.memref_squeeze %dma_start3A_545 : memref<1x128xi32, #tpu.memory_space<vmem>> -> memref<128xi32, #tpu.memory_space<vmem>>
    %dma_start3A_547 = arith.constant 0 : i32
    %dma_start3A_548 = tpu.memref_slice %arg17[%dma_start3A_547] : memref<10240xf32, #tpu.memory_space<vmem_shared>> -> memref<10240xf32, #tpu.memory_space<vmem_shared>>
    tpu.enqueue_indirect_dma source(%arg8 : memref<128xf32, #tpu.memory_space<vmem>>) target(%dma_start3A_548 : memref<10240xf32, #tpu.memory_space<vmem_shared>>) offsets(%dma_start3A_546 : memref<128xi32, #tpu.memory_space<vmem>>) semaphore(%arg18 : memref<!tpu.dma_semaphore, #tpu.memory_space<semaphore_mem>>) {add = true}
    %dma_start3A_549 = arith.constant 4 : i32
    %dma_start3A_550 = arith.constant 0 : i32
    %dma_start3A_551 = tpu.memref_slice %arg4[%dma_start3A_549, %dma_start3A_550] : memref<104x128xi32, #tpu.memory_space<vmem>> -> memref<1x128xi32, #tpu.memory_space<vmem>>
    %dma_start3A_552 = tpu.memref_squeeze %dma_start3A_551 : memref<1x128xi32, #tpu.memory_space<vmem>> -> memref<128xi32, #tpu.memory_space<vmem>>
    %dma_start3A_553 = arith.constant 0 : i32
    %dma_start3A_554 = tpu.memref_slice %arg17[%dma_start3A_553] : memref<10240xf32, #tpu.memory_space<vmem_shared>> -> memref<10240xf32, #tpu.memory_space<vmem_shared>>
    tpu.enqueue_indirect_dma source(%arg8 : memref<128xf32, #tpu.memory_space<vmem>>) target(%dma_start3A_554 : memref<10240xf32, #tpu.memory_space<vmem_shared>>) offsets(%dma_start3A_552 : memref<128xi32, #tpu.memory_space<vmem>>) semaphore(%arg18 : memref<!tpu.dma_semaphore, #tpu.memory_space<semaphore_mem>>) {add = true}
    %dma_start3A_555 = arith.constant 5 : i32
    %dma_start3A_556 = arith.constant 0 : i32
    %dma_start3A_557 = tpu.memref_slice %arg4[%dma_start3A_555, %dma_start3A_556] : memref<104x128xi32, #tpu.memory_space<vmem>> -> memref<1x128xi32, #tpu.memory_space<vmem>>
    %dma_start3A_558 = tpu.memref_squeeze %dma_start3A_557 : memref<1x128xi32, #tpu.memory_space<vmem>> -> memref<128xi32, #tpu.memory_space<vmem>>
    %dma_start3A_559 = arith.constant 0 : i32
    %dma_start3A_560 = tpu.memref_slice %arg17[%dma_start3A_559] : memref<10240xf32, #tpu.memory_space<vmem_shared>> -> memref<10240xf32, #tpu.memory_space<vmem_shared>>
    tpu.enqueue_indirect_dma source(%arg8 : memref<128xf32, #tpu.memory_space<vmem>>) target(%dma_start3A_560 : memref<10240xf32, #tpu.memory_space<vmem_shared>>) offsets(%dma_start3A_558 : memref<128xi32, #tpu.memory_space<vmem>>) semaphore(%arg18 : memref<!tpu.dma_semaphore, #tpu.memory_space<semaphore_mem>>) {add = true}
    %dma_start3A_561 = arith.constant 6 : i32
    %dma_start3A_562 = arith.constant 0 : i32
    %dma_start3A_563 = tpu.memref_slice %arg4[%dma_start3A_561, %dma_start3A_562] : memref<104x128xi32, #tpu.memory_space<vmem>> -> memref<1x128xi32, #tpu.memory_space<vmem>>
    %dma_start3A_564 = tpu.memref_squeeze %dma_start3A_563 : memref<1x128xi32, #tpu.memory_space<vmem>> -> memref<128xi32, #tpu.memory_space<vmem>>
    %dma_start3A_565 = arith.constant 0 : i32
    %dma_start3A_566 = tpu.memref_slice %arg17[%dma_start3A_565] : memref<10240xf32, #tpu.memory_space<vmem_shared>> -> memref<10240xf32, #tpu.memory_space<vmem_shared>>
    tpu.enqueue_indirect_dma source(%arg8 : memref<128xf32, #tpu.memory_space<vmem>>) target(%dma_start3A_566 : memref<10240xf32, #tpu.memory_space<vmem_shared>>) offsets(%dma_start3A_564 : memref<128xi32, #tpu.memory_space<vmem>>) semaphore(%arg18 : memref<!tpu.dma_semaphore, #tpu.memory_space<semaphore_mem>>) {add = true}
    %dma_start3A_567 = arith.constant 7 : i32
    %dma_start3A_568 = arith.constant 0 : i32
    %dma_start3A_569 = tpu.memref_slice %arg4[%dma_start3A_567, %dma_start3A_568] : memref<104x128xi32, #tpu.memory_space<vmem>> -> memref<1x128xi32, #tpu.memory_space<vmem>>
    %dma_start3A_570 = tpu.memref_squeeze %dma_start3A_569 : memref<1x128xi32, #tpu.memory_space<vmem>> -> memref<128xi32, #tpu.memory_space<vmem>>
    %dma_start3A_571 = arith.constant 0 : i32
    %dma_start3A_572 = tpu.memref_slice %arg17[%dma_start3A_571] : memref<10240xf32, #tpu.memory_space<vmem_shared>> -> memref<10240xf32, #tpu.memory_space<vmem_shared>>
    tpu.enqueue_indirect_dma source(%arg8 : memref<128xf32, #tpu.memory_space<vmem>>) target(%dma_start3A_572 : memref<10240xf32, #tpu.memory_space<vmem_shared>>) offsets(%dma_start3A_570 : memref<128xi32, #tpu.memory_space<vmem>>) semaphore(%arg18 : memref<!tpu.dma_semaphore, #tpu.memory_space<semaphore_mem>>) {add = true}
    %get3A_573 = arith.constant 1024 : index
    %get3A_574 = tpu.vector_load %arg5[%get3A_573] {strides = array<i32>} : memref<13312xi32, #tpu.memory_space<vmem>>, vector<16xi32>,
    %swap3A_575 = arith.constant 8 : i32
    %swap3A_576 = arith.index_cast %swap3A_575 : i32 to index
    %swap3A_577 = arith.constant 0 : index
    %swap3A_578 = tpu.vector_load %arg4[%swap3A_576, %swap3A_577] {strides = array<i32>} : memref<104x128xi32, #tpu.memory_space<vmem>>, vector<16xi32>,
    tpu.vector_store %arg4[%swap3A_576, %swap3A_577], %get3A_574 {strides = array<i32>} : memref<104x128xi32, #tpu.memory_space<vmem>>, vector<16xi32>,
    %get3A_579 = arith.constant 1040 : index
    %get3A_580 = tpu.vector_load %arg5[%get3A_579] {strides = array<i32>} : memref<13312xi32, #tpu.memory_space<vmem>>, vector<16xi32>,
    %swap3A_581 = arith.constant 8 : i32
    %swap3A_582 = arith.index_cast %swap3A_581 : i32 to index
    %swap3A_583 = arith.constant 16 : index
    %swap3A_584 = tpu.vector_load %arg4[%swap3A_582, %swap3A_583] {strides = array<i32>} : memref<104x128xi32, #tpu.memory_space<vmem>>, vector<16xi32>,
    tpu.vector_store %arg4[%swap3A_582, %swap3A_583], %get3A_580 {strides = array<i32>} : memref<104x128xi32, #tpu.memory_space<vmem>>, vector<16xi32>,
    %get3A_585 = arith.constant 1056 : index
    %get3A_586 = tpu.vector_load %arg5[%get3A_585] {strides = array<i32>} : memref<13312xi32, #tpu.memory_space<vmem>>, vector<16xi32>,
    %swap3A_587 = arith.constant 8 : i32
    %swap3A_588 = arith.index_cast %swap3A_587 : i32 to index
    %swap3A_589 = arith.constant 32 : index
    %swap3A_590 = tpu.vector_load %arg4[%swap3A_588, %swap3A_589] {strides = array<i32>} : memref<104x128xi32, #tpu.memory_space<vmem>>, vector<16xi32>,
    tpu.vector_store %arg4[%swap3A_588, %swap3A_589], %get3A_586 {strides = array<i32>} : memref<104x128xi32, #tpu.memory_space<vmem>>, vector<16xi32>,
    %get3A_591 = arith.constant 1072 : index
    %get3A_592 = tpu.vector_load %arg5[%get3A_591] {strides = array<i32>} : memref<13312xi32, #tpu.memory_space<vmem>>, vector<16xi32>,
    %swap3A_593 = arith.constant 8 : i32
    %swap3A_594 = arith.index_cast %swap3A_593 : i32 to index
    %swap3A_595 = arith.constant 48 : index
    %swap3A_596 = tpu.vector_load %arg4[%swap3A_594, %swap3A_595] {strides = array<i32>} : memref<104x128xi32, #tpu.memory_space<vmem>>, vector<16xi32>,
    tpu.vector_store %arg4[%swap3A_594, %swap3A_595], %get3A_592 {strides = array<i32>} : memref<104x128xi32, #tpu.memory_space<vmem>>, vector<16xi32>,
    %get3A_597 = arith.constant 1088 : index
    %get3A_598 = tpu.vector_load %arg5[%get3A_597] {strides = array<i32>} : memref<13312xi32, #tpu.memory_space<vmem>>, vector<16xi32>,
    %swap3A_599 = arith.constant 8 : i32
    %swap3A_600 = arith.index_cast %swap3A_599 : i32 to index
    %swap3A_601 = arith.constant 64 : index
    %swap3A_602 = tpu.vector_load %arg4[%swap3A_600, %swap3A_601] {strides = array<i32>} : memref<104x128xi32, #tpu.memory_space<vmem>>, vector<16xi32>,
    tpu.vector_store %arg4[%swap3A_600, %swap3A_601], %get3A_598 {strides = array<i32>} : memref<104x128xi32, #tpu.memory_space<vmem>>, vector<16xi32>,
    %get3A_603 = arith.constant 1104 : index
    %get3A_604 = tpu.vector_load %arg5[%get3A_603] {strides = array<i32>} : memref<13312xi32, #tpu.memory_space<vmem>>, vector<16xi32>,
    %swap3A_605 = arith.constant 8 : i32
    %swap3A_606 = arith.index_cast %swap3A_605 : i32 to index
    %swap3A_607 = arith.constant 80 : index
    %swap3A_608 = tpu.vector_load %arg4[%swap3A_606, %swap3A_607] {strides = array<i32>} : memref<104x128xi32, #tpu.memory_space<vmem>>, vector<16xi32>,
    tpu.vector_store %arg4[%swap3A_606, %swap3A_607], %get3A_604 {strides = array<i32>} : memref<104x128xi32, #tpu.memory_space<vmem>>, vector<16xi32>,
    %get3A_609 = arith.constant 1120 : index
    %get3A_610 = tpu.vector_load %arg5[%get3A_609] {strides = array<i32>} : memref<13312xi32, #tpu.memory_space<vmem>>, vector<16xi32>,
    %swap3A_611 = arith.constant 8 : i32
    %swap3A_612 = arith.index_cast %swap3A_611 : i32 to index
    %swap3A_613 = arith.constant 96 : index
    %swap3A_614 = tpu.vector_load %arg4[%swap3A_612, %swap3A_613] {strides = array<i32>} : memref<104x128xi32, #tpu.memory_space<vmem>>, vector<16xi32>,
    tpu.vector_store %arg4[%swap3A_612, %swap3A_613], %get3A_610 {strides = array<i32>} : memref<104x128xi32, #tpu.memory_space<vmem>>, vector<16xi32>,
    %get3A_615 = arith.constant 1136 : index
    %get3A_616 = tpu.vector_load %arg5[%get3A_615] {strides = array<i32>} : memref<13312xi32, #tpu.memory_space<vmem>>, vector<16xi32>,
    %swap3A_617 = arith.constant 8 : i32
    %swap3A_618 = arith.index_cast %swap3A_617 : i32 to index
    %swap3A_619 = arith.constant 112 : index
    %swap3A_620 = tpu.vector_load %arg4[%swap3A_618, %swap3A_619] {strides = array<i32>} : memref<104x128xi32, #tpu.memory_space<vmem>>, vector<16xi32>,
    tpu.vector_store %arg4[%swap3A_618, %swap3A_619], %get3A_616 {strides = array<i32>} : memref<104x128xi32, #tpu.memory_space<vmem>>, vector<16xi32>,
    %get3A_621 = arith.constant 1152 : index
    %get3A_622 = tpu.vector_load %arg5[%get3A_621] {strides = array<i32>} : memref<13312xi32, #tpu.memory_space<vmem>>, vector<16xi32>,
    %swap3A_623 = arith.constant 9 : i32
    %swap3A_624 = arith.index_cast %swap3A_623 : i32 to index
    %swap3A_625 = arith.constant 0 : index
    %swap3A_626 = tpu.vector_load %arg4[%swap3A_624, %swap3A_625] {strides = array<i32>} : memref<104x128xi32, #tpu.memory_space<vmem>>, vector<16xi32>,
    tpu.vector_store %arg4[%swap3A_624, %swap3A_625], %get3A_622 {strides = array<i32>} : memref<104x128xi32, #tpu.memory_space<vmem>>, vector<16xi32>,
    %get3A_627 = arith.constant 1168 : index
    %get3A_628 = tpu.vector_load %arg5[%get3A_627] {strides = array<i32>} : memref<13312xi32, #tpu.memory_space<vmem>>, vector<16xi32>,
    %swap3A_629 = arith.constant 9 : i32
    %swap3A_630 = arith.index_cast %swap3A_629 : i32 to index
    %swap3A_631 = arith.constant 16 : index
    %swap3A_632 = tpu.vector_load %arg4[%swap3A_630, %swap3A_631] {strides = array<i32>} : memref<104x128xi32, #tpu.memory_space<vmem>>, vector<16xi32>,
    tpu.vector_store %arg4[%swap3A_630, %swap3A_631], %get3A_628 {strides = array<i32>} : memref<104x128xi32, #tpu.memory_space<vmem>>, vector<16xi32>,
    %get3A_633 = arith.constant 1184 : index
    %get3A_634 = tpu.vector_load %arg5[%get3A_633] {strides = array<i32>} : memref<13312xi32, #tpu.memory_space<vmem>>, vector<16xi32>,
    %swap3A_635 = arith.constant 9 : i32
    %swap3A_636 = arith.index_cast %swap3A_635 : i32 to index
    %swap3A_637 = arith.constant 32 : index
    %swap3A_638 = tpu.vector_load %arg4[%swap3A_636, %swap3A_637] {strides = array<i32>} : memref<104x128xi32, #tpu.memory_space<vmem>>, vector<16xi32>,
    tpu.vector_store %arg4[%swap3A_636, %swap3A_637], %get3A_634 {strides = array<i32>} : memref<104x128xi32, #tpu.memory_space<vmem>>, vector<16xi32>,
    %get3A_639 = arith.constant 1200 : index
    %get3A_640 = tpu.vector_load %arg5[%get3A_639] {strides = array<i32>} : memref<13312xi32, #tpu.memory_space<vmem>>, vector<16xi32>,
    %swap3A_641 = arith.constant 9 : i32
    %swap3A_642 = arith.index_cast %swap3A_641 : i32 to index
    %swap3A_643 = arith.constant 48 : index
    %swap3A_644 = tpu.vector_load %arg4[%swap3A_642, %swap3A_643] {strides = array<i32>} : memref<104x128xi32, #tpu.memory_space<vmem>>, vector<16xi32>,
    tpu.vector_store %arg4[%swap3A_642, %swap3A_643], %get3A_640 {strides = array<i32>} : memref<104x128xi32, #tpu.memory_space<vmem>>, vector<16xi32>,
    %get3A_645 = arith.constant 1216 : index
    %get3A_646 = tpu.vector_load %arg5[%get3A_645] {strides = array<i32>} : memref<13312xi32, #tpu.memory_space<vmem>>, vector<16xi32>,
    %swap3A_647 = arith.constant 9 : i32
    %swap3A_648 = arith.index_cast %swap3A_647 : i32 to index
    %swap3A_649 = arith.constant 64 : index
    %swap3A_650 = tpu.vector_load %arg4[%swap3A_648, %swap3A_649] {strides = array<i32>} : memref<104x128xi32, #tpu.memory_space<vmem>>, vector<16xi32>,
    tpu.vector_store %arg4[%swap3A_648, %swap3A_649], %get3A_646 {strides = array<i32>} : memref<104x128xi32, #tpu.memory_space<vmem>>, vector<16xi32>,
    %get3A_651 = arith.constant 1232 : index
    %get3A_652 = tpu.vector_load %arg5[%get3A_651] {strides = array<i32>} : memref<13312xi32, #tpu.memory_space<vmem>>, vector<16xi32>,
    %swap3A_653 = arith.constant 9 : i32
    %swap3A_654 = arith.index_cast %swap3A_653 : i32 to index
    %swap3A_655 = arith.constant 80 : index
    %swap3A_656 = tpu.vector_load %arg4[%swap3A_654, %swap3A_655] {strides = array<i32>} : memref<104x128xi32, #tpu.memory_space<vmem>>, vector<16xi32>,
    tpu.vector_store %arg4[%swap3A_654, %swap3A_655], %get3A_652 {strides = array<i32>} : memref<104x128xi32, #tpu.memory_space<vmem>>, vector<16xi32>,
    %get3A_657 = arith.constant 1248 : index
    %get3A_658 = tpu.vector_load %arg5[%get3A_657] {strides = array<i32>} : memref<13312xi32, #tpu.memory_space<vmem>>, vector<16xi32>,
    %swap3A_659 = arith.constant 9 : i32
    %swap3A_660 = arith.index_cast %swap3A_659 : i32 to index
    %swap3A_661 = arith.constant 96 : index
    %swap3A_662 = tpu.vector_load %arg4[%swap3A_660, %swap3A_661] {strides = array<i32>} : memref<104x128xi32, #tpu.memory_space<vmem>>, vector<16xi32>,
    tpu.vector_store %arg4[%swap3A_660, %swap3A_661], %get3A_658 {strides = array<i32>} : memref<104x128xi32, #tpu.memory_space<vmem>>, vector<16xi32>,
    %get3A_663 = arith.constant 1264 : index
    %get3A_664 = tpu.vector_load %arg5[%get3A_663] {strides = array<i32>} : memref<13312xi32, #tpu.memory_space<vmem>>, vector<16xi32>,
    %swap3A_665 = arith.constant 9 : i32
    %swap3A_666 = arith.index_cast %swap3A_665 : i32 to index
    %swap3A_667 = arith.constant 112 : index
    %swap3A_668 = tpu.vector_load %arg4[%swap3A_666, %swap3A_667] {strides = array<i32>} : memref<104x128xi32, #tpu.memory_space<vmem>>, vector<16xi32>,
    tpu.vector_store %arg4[%swap3A_666, %swap3A_667], %get3A_664 {strides = array<i32>} : memref<104x128xi32, #tpu.memory_space<vmem>>, vector<16xi32>,
    %get3A_669 = arith.constant 1280 : index
    %get3A_670 = tpu.vector_load %arg5[%get3A_669] {strides = array<i32>} : memref<13312xi32, #tpu.memory_space<vmem>>, vector<16xi32>,
    %swap3A_671 = arith.constant 10 : i32
    %swap3A_672 = arith.index_cast %swap3A_671 : i32 to index
    %swap3A_673 = arith.constant 0 : index
    %swap3A_674 = tpu.vector_load %arg4[%swap3A_672, %swap3A_673] {strides = array<i32>} : memref<104x128xi32, #tpu.memory_space<vmem>>, vector<16xi32>,
    tpu.vector_store %arg4[%swap3A_672, %swap3A_673], %get3A_670 {strides = array<i32>} : memref<104x128xi32, #tpu.memory_space<vmem>>, vector<16xi32>,
    %get3A_675 = arith.constant 1296 : index
    %get3A_676 = tpu.vector_load %arg5[%get3A_675] {strides = array<i32>} : memref<13312xi32, #tpu.memory_space<vmem>>, vector<16xi32>,
    %swap3A_677 = arith.constant 10 : i32
    %swap3A_678 = arith.index_cast %swap3A_677 : i32 to index
    %swap3A_679 = arith.constant 16 : index
    %swap3A_680 = tpu.vector_load %arg4[%swap3A_678, %swap3A_679] {strides = array<i32>} : memref<104x128xi32, #tpu.memory_space<vmem>>, vector<16xi32>,
    tpu.vector_store %arg4[%swap3A_678, %swap3A_679], %get3A_676 {strides = array<i32>} : memref<104x128xi32, #tpu.memory_space<vmem>>, vector<16xi32>,
    %get3A_681 = arith.constant 1312 : index
    %get3A_682 = tpu.vector_load %arg5[%get3A_681] {strides = array<i32>} : memref<13312xi32, #tpu.memory_space<vmem>>, vector<16xi32>,
    %swap3A_683 = arith.constant 10 : i32
    %swap3A_684 = arith.index_cast %swap3A_683 : i32 to index
    %swap3A_685 = arith.constant 32 : index
    %swap3A_686 = tpu.vector_load %arg4[%swap3A_684, %swap3A_685] {strides = array<i32>} : memref<104x128xi32, #tpu.memory_space<vmem>>, vector<16xi32>,
    tpu.vector_store %arg4[%swap3A_684, %swap3A_685], %get3A_682 {strides = array<i32>} : memref<104x128xi32, #tpu.memory_space<vmem>>, vector<16xi32>,
    %get3A_687 = arith.constant 1328 : index
    %get3A_688 = tpu.vector_load %arg5[%get3A_687] {strides = array<i32>} : memref<13312xi32, #tpu.memory_space<vmem>>, vector<16xi32>,
    %swap3A_689 = arith.constant 10 : i32
    %swap3A_690 = arith.index_cast %swap3A_689 : i32 to index
    %swap3A_691 = arith.constant 48 : index
    %swap3A_692 = tpu.vector_load %arg4[%swap3A_690, %swap3A_691] {strides = array<i32>} : memref<104x128xi32, #tpu.memory_space<vmem>>, vector<16xi32>,
    tpu.vector_store %arg4[%swap3A_690, %swap3A_691], %get3A_688 {strides = array<i32>} : memref<104x128xi32, #tpu.memory_space<vmem>>, vector<16xi32>,
    %get3A_693 = arith.constant 1344 : index
    %get3A_694 = tpu.vector_load %arg5[%get3A_693] {strides = array<i32>} : memref<13312xi32, #tpu.memory_space<vmem>>, vector<16xi32>,
    %swap3A_695 = arith.constant 10 : i32
    %swap3A_696 = arith.index_cast %swap3A_695 : i32 to index
    %swap3A_697 = arith.constant 64 : index
    %swap3A_698 = tpu.vector_load %arg4[%swap3A_696, %swap3A_697] {strides = array<i32>} : memref<104x128xi32, #tpu.memory_space<vmem>>, vector<16xi32>,
    tpu.vector_store %arg4[%swap3A_696, %swap3A_697], %get3A_694 {strides = array<i32>} : memref<104x128xi32, #tpu.memory_space<vmem>>, vector<16xi32>,
    %get3A_699 = arith.constant 1360 : index
    %get3A_700 = tpu.vector_load %arg5[%get3A_699] {strides = array<i32>} : memref<13312xi32, #tpu.memory_space<vmem>>, vector<16xi32>,
    %swap3A_701 = arith.constant 10 : i32
    %swap3A_702 = arith.index_cast %swap3A_701 : i32 to index
    %swap3A_703 = arith.constant 80 : index
    %swap3A_704 = tpu.vector_load %arg4[%swap3A_702, %swap3A_703] {strides = array<i32>} : memref<104x128xi32, #tpu.memory_space<vmem>>, vector<16xi32>,
    tpu.vector_store %arg4[%swap3A_702, %swap3A_703], %get3A_700 {strides = array<i32>} : memref<104x128xi32, #tpu.memory_space<vmem>>, vector<16xi32>,
    %get3A_705 = arith.constant 1376 : index
    %get3A_706 = tpu.vector_load %arg5[%get3A_705] {strides = array<i32>} : memref<13312xi32, #tpu.memory_space<vmem>>, vector<16xi32>,
    %swap3A_707 = arith.constant 10 : i32
    %swap3A_708 = arith.index_cast %swap3A_707 : i32 to index
    %swap3A_709 = arith.constant 96 : index
    %swap3A_710 = tpu.vector_load %arg4[%swap3A_708, %swap3A_709] {strides = array<i32>} : memref<104x128xi32, #tpu.memory_space<vmem>>, vector<16xi32>,
    tpu.vector_store %arg4[%swap3A_708, %swap3A_709], %get3A_706 {strides = array<i32>} : memref<104x128xi32, #tpu.memory_space<vmem>>, vector<16xi32>,
    %get3A_711 = arith.constant 1392 : index
    %get3A_712 = tpu.vector_load %arg5[%get3A_711] {strides = array<i32>} : memref<13312xi32, #tpu.memory_space<vmem>>, vector<16xi32>,
    %swap3A_713 = arith.constant 10 : i32
    %swap3A_714 = arith.index_cast %swap3A_713 : i32 to index
    %swap3A_715 = arith.constant 112 : index
    %swap3A_716 = tpu.vector_load %arg4[%swap3A_714, %swap3A_715] {strides = array<i32>} : memref<104x128xi32, #tpu.memory_space<vmem>>, vector<16xi32>,
    tpu.vector_store %arg4[%swap3A_714, %swap3A_715], %get3A_712 {strides = array<i32>} : memref<104x128xi32, #tpu.memory_space<vmem>>, vector<16xi32>,
    %get3A_717 = arith.constant 1408 : index
    %get3A_718 = tpu.vector_load %arg5[%get3A_717] {strides = array<i32>} : memref<13312xi32, #tpu.memory_space<vmem>>, vector<16xi32>,
    %swap3A_719 = arith.constant 11 : i32
    %swap3A_720 = arith.index_cast %swap3A_719 : i32 to index
    %swap3A_721 = arith.constant 0 : index
    %swap3A_722 = tpu.vector_load %arg4[%swap3A_720, %swap3A_721] {strides = array<i32>} : memref<104x128xi32, #tpu.memory_space<vmem>>, vector<16xi32>,
    tpu.vector_store %arg4[%swap3A_720, %swap3A_721], %get3A_718 {strides = array<i32>} : memref<104x128xi32, #tpu.memory_space<vmem>>, vector<16xi32>,
    %get3A_723 = arith.constant 1424 : index
    %get3A_724 = tpu.vector_load %arg5[%get3A_723] {strides = array<i32>} : memref<13312xi32, #tpu.memory_space<vmem>>, vector<16xi32>,
    %swap3A_725 = arith.constant 11 : i32
    %swap3A_726 = arith.index_cast %swap3A_725 : i32 to index
    %swap3A_727 = arith.constant 16 : index
    %swap3A_728 = tpu.vector_load %arg4[%swap3A_726, %swap3A_727] {strides = array<i32>} : memref<104x128xi32, #tpu.memory_space<vmem>>, vector<16xi32>,
    tpu.vector_store %arg4[%swap3A_726, %swap3A_727], %get3A_724 {strides = array<i32>} : memref<104x128xi32, #tpu.memory_space<vmem>>, vector<16xi32>,
    %get3A_729 = arith.constant 1440 : index
    %get3A_730 = tpu.vector_load %arg5[%get3A_729] {strides = array<i32>} : memref<13312xi32, #tpu.memory_space<vmem>>, vector<16xi32>,
    %swap3A_731 = arith.constant 11 : i32
    %swap3A_732 = arith.index_cast %swap3A_731 : i32 to index
    %swap3A_733 = arith.constant 32 : index
    %swap3A_734 = tpu.vector_load %arg4[%swap3A_732, %swap3A_733] {strides = array<i32>} : memref<104x128xi32, #tpu.memory_space<vmem>>, vector<16xi32>,
    tpu.vector_store %arg4[%swap3A_732, %swap3A_733], %get3A_730 {strides = array<i32>} : memref<104x128xi32, #tpu.memory_space<vmem>>, vector<16xi32>,
    %get3A_735 = arith.constant 1456 : index
    %get3A_736 = tpu.vector_load %arg5[%get3A_735] {strides = array<i32>} : memref<13312xi32, #tpu.memory_space<vmem>>, vector<16xi32>,
    %swap3A_737 = arith.constant 11 : i32
    %swap3A_738 = arith.index_cast %swap3A_737 : i32 to index
    %swap3A_739 = arith.constant 48 : index
    %swap3A_740 = tpu.vector_load %arg4[%swap3A_738, %swap3A_739] {strides = array<i32>} : memref<104x128xi32, #tpu.memory_space<vmem>>, vector<16xi32>,
    tpu.vector_store %arg4[%swap3A_738, %swap3A_739], %get3A_736 {strides = array<i32>} : memref<104x128xi32, #tpu.memory_space<vmem>>, vector<16xi32>,
    %get3A_741 = arith.constant 1472 : index
    %get3A_742 = tpu.vector_load %arg5[%get3A_741] {strides = array<i32>} : memref<13312xi32, #tpu.memory_space<vmem>>, vector<16xi32>,
    %swap3A_743 = arith.constant 11 : i32
    %swap3A_744 = arith.index_cast %swap3A_743 : i32 to index
    %swap3A_745 = arith.constant 64 : index
    %swap3A_746 = tpu.vector_load %arg4[%swap3A_744, %swap3A_745] {strides = array<i32>} : memref<104x128xi32, #tpu.memory_space<vmem>>, vector<16xi32>,
    tpu.vector_store %arg4[%swap3A_744, %swap3A_745], %get3A_742 {strides = array<i32>} : memref<104x128xi32, #tpu.memory_space<vmem>>, vector<16xi32>,
    %get3A_747 = arith.constant 1488 : index
    %get3A_748 = tpu.vector_load %arg5[%get3A_747] {strides = array<i32>} : memref<13312xi32, #tpu.memory_space<vmem>>, vector<16xi32>,
    %swap3A_749 = arith.constant 11 : i32
    %swap3A_750 = arith.index_cast %swap3A_749 : i32 to index
    %swap3A_751 = arith.constant 80 : index
    %swap3A_752 = tpu.vector_load %arg4[%swap3A_750, %swap3A_751] {strides = array<i32>} : memref<104x128xi32, #tpu.memory_space<vmem>>, vector<16xi32>,
    tpu.vector_store %arg4[%swap3A_750, %swap3A_751], %get3A_748 {strides = array<i32>} : memref<104x128xi32, #tpu.memory_space<vmem>>, vector<16xi32>,
    %get3A_753 = arith.constant 1504 : index
    %get3A_754 = tpu.vector_load %arg5[%get3A_753] {strides = array<i32>} : memref<13312xi32, #tpu.memory_space<vmem>>, vector<16xi32>,
    %swap3A_755 = arith.constant 11 : i32
    %swap3A_756 = arith.index_cast %swap3A_755 : i32 to index
    %swap3A_757 = arith.constant 96 : index
    %swap3A_758 = tpu.vector_load %arg4[%swap3A_756, %swap3A_757] {strides = array<i32>} : memref<104x128xi32, #tpu.memory_space<vmem>>, vector<16xi32>,
    tpu.vector_store %arg4[%swap3A_756, %swap3A_757], %get3A_754 {strides = array<i32>} : memref<104x128xi32, #tpu.memory_space<vmem>>, vector<16xi32>,
    %get3A_759 = arith.constant 1520 : index
    %get3A_760 = tpu.vector_load %arg5[%get3A_759] {strides = array<i32>} : memref<13312xi32, #tpu.memory_space<vmem>>, vector<16xi32>,
    %swap3A_761 = arith.constant 11 : i32
    %swap3A_762 = arith.index_cast %swap3A_761 : i32 to index
    %swap3A_763 = arith.constant 112 : index
    %swap3A_764 = tpu.vector_load %arg4[%swap3A_762, %swap3A_763] {strides = array<i32>} : memref<104x128xi32, #tpu.memory_space<vmem>>, vector<16xi32>,
    tpu.vector_store %arg4[%swap3A_762, %swap3A_763], %get3A_760 {strides = array<i32>} : memref<104x128xi32, #tpu.memory_space<vmem>>, vector<16xi32>,
    %get3A_765 = arith.constant 1536 : index
    %get3A_766 = tpu.vector_load %arg5[%get3A_765] {strides = array<i32>} : memref<13312xi32, #tpu.memory_space<vmem>>, vector<16xi32>,
    %swap3A_767 = arith.constant 12 : i32
    %swap3A_768 = arith.index_cast %swap3A_767 : i32 to index
    %swap3A_769 = arith.constant 0 : index
    %swap3A_770 = tpu.vector_load %arg4[%swap3A_768, %swap3A_769] {strides = array<i32>} : memref<104x128xi32, #tpu.memory_space<vmem>>, vector<16xi32>,
    tpu.vector_store %arg4[%swap3A_768, %swap3A_769], %get3A_766 {strides = array<i32>} : memref<104x128xi32, #tpu.memory_space<vmem>>, vector<16xi32>,
    %get3A_771 = arith.constant 1552 : index
    %get3A_772 = tpu.vector_load %arg5[%get3A_771] {strides = array<i32>} : memref<13312xi32, #tpu.memory_space<vmem>>, vector<16xi32>,
    %swap3A_773 = arith.constant 12 : i32
    %swap3A_774 = arith.index_cast %swap3A_773 : i32 to index
    %swap3A_775 = arith.constant 16 : index
    %swap3A_776 = tpu.vector_load %arg4[%swap3A_774, %swap3A_775] {strides = array<i32>} : memref<104x128xi32, #tpu.memory_space<vmem>>, vector<16xi32>,
    tpu.vector_store %arg4[%swap3A_774, %swap3A_775], %get3A_772 {strides = array<i32>} : memref<104x128xi32, #tpu.memory_space<vmem>>, vector<16xi32>,
    %get3A_777 = arith.constant 1568 : index
    %get3A_778 = tpu.vector_load %arg5[%get3A_777] {strides = array<i32>} : memref<13312xi32, #tpu.memory_space<vmem>>, vector<16xi32>,
    %swap3A_779 = arith.constant 12 : i32
    %swap3A_780 = arith.index_cast %swap3A_779 : i32 to index
    %swap3A_781 = arith.constant 32 : index
    %swap3A_782 = tpu.vector_load %arg4[%swap3A_780, %swap3A_781] {strides = array<i32>} : memref<104x128xi32, #tpu.memory_space<vmem>>, vector<16xi32>,
    tpu.vector_store %arg4[%swap3A_780, %swap3A_781], %get3A_778 {strides = array<i32>} : memref<104x128xi32, #tpu.memory_space<vmem>>, vector<16xi32>,
    %get3A_783 = arith.constant 1584 : index
    %get3A_784 = tpu.vector_load %arg5[%get3A_783] {strides = array<i32>} : memref<13312xi32, #tpu.memory_space<vmem>>, vector<16xi32>,
    %swap3A_785 = arith.constant 12 : i32
    %swap3A_786 = arith.index_cast %swap3A_785 : i32 to index
    %swap3A_787 = arith.constant 48 : index
    %swap3A_788 = tpu.vector_load %arg4[%swap3A_786, %swap3A_787] {strides = array<i32>} : memref<104x128xi32, #tpu.memory_space<vmem>>, vector<16xi32>,
    tpu.vector_store %arg4[%swap3A_786, %swap3A_787], %get3A_784 {strides = array<i32>} : memref<104x128xi32, #tpu.memory_space<vmem>>, vector<16xi32>,
    %get3A_789 = arith.constant 1600 : index
    %get3A_790 = tpu.vector_load %arg5[%get3A_789] {strides = array<i32>} : memref<13312xi32, #tpu.memory_space<vmem>>, vector<16xi32>,
    %swap3A_791 = arith.constant 12 : i32
    %swap3A_792 = arith.index_cast %swap3A_791 : i32 to index
    %swap3A_793 = arith.constant 64 : index
    %swap3A_794 = tpu.vector_load %arg4[%swap3A_792, %swap3A_793] {strides = array<i32>} : memref<104x128xi32, #tpu.memory_space<vmem>>, vector<16xi32>,
    tpu.vector_store %arg4[%swap3A_792, %swap3A_793], %get3A_790 {strides = array<i32>} : memref<104x128xi32, #tpu.memory_space<vmem>>, vector<16xi32>,
    %get3A_795 = arith.constant 1616 : index
    %get3A_796 = tpu.vector_load %arg5[%get3A_795] {strides = array<i32>} : memref<13312xi32, #tpu.memory_space<vmem>>, vector<16xi32>,
    %swap3A_797 = arith.constant 12 : i32
    %swap3A_798 = arith.index_cast %swap3A_797 : i32 to index
    %swap3A_799 = arith.constant 80 : index
    %swap3A_800 = tpu.vector_load %arg4[%swap3A_798, %swap3A_799] {strides = array<i32>} : memref<104x128xi32, #tpu.memory_space<vmem>>, vector<16xi32>,
    tpu.vector_store %arg4[%swap3A_798, %swap3A_799], %get3A_796 {strides = array<i32>} : memref<104x128xi32, #tpu.memory_space<vmem>>, vector<16xi32>,
    %get3A_801 = arith.constant 1632 : index
    %get3A_802 = tpu.vector_load %arg5[%get3A_801] {strides = array<i32>} : memref<13312xi32, #tpu.memory_space<vmem>>, vector<16xi32>,
    %swap3A_803 = arith.constant 12 : i32
    %swap3A_804 = arith.index_cast %swap3A_803 : i32 to index
    %swap3A_805 = arith.constant 96 : index
    %swap3A_806 = tpu.vector_load %arg4[%swap3A_804, %swap3A_805] {strides = array<i32>} : memref<104x128xi32, #tpu.memory_space<vmem>>, vector<16xi32>,
    tpu.vector_store %arg4[%swap3A_804, %swap3A_805], %get3A_802 {strides = array<i32>} : memref<104x128xi32, #tpu.memory_space<vmem>>, vector<16xi32>,
    %get3A_807 = arith.constant 1648 : index
    %get3A_808 = tpu.vector_load %arg5[%get3A_807] {strides = array<i32>} : memref<13312xi32, #tpu.memory_space<vmem>>, vector<16xi32>,
    %swap3A_809 = arith.constant 12 : i32
    %swap3A_810 = arith.index_cast %swap3A_809 : i32 to index
    %swap3A_811 = arith.constant 112 : index
    %swap3A_812 = tpu.vector_load %arg4[%swap3A_810, %swap3A_811] {strides = array<i32>} : memref<104x128xi32, #tpu.memory_space<vmem>>, vector<16xi32>,
    tpu.vector_store %arg4[%swap3A_810, %swap3A_811], %get3A_808 {strides = array<i32>} : memref<104x128xi32, #tpu.memory_space<vmem>>, vector<16xi32>,
    %get3A_813 = arith.constant 1664 : index
    %get3A_814 = tpu.vector_load %arg5[%get3A_813] {strides = array<i32>} : memref<13312xi32, #tpu.memory_space<vmem>>, vector<16xi32>,
    %swap3A_815 = arith.constant 13 : i32
    %swap3A_816 = arith.index_cast %swap3A_815 : i32 to index
    %swap3A_817 = arith.constant 0 : index
    %swap3A_818 = tpu.vector_load %arg4[%swap3A_816, %swap3A_817] {strides = array<i32>} : memref<104x128xi32, #tpu.memory_space<vmem>>, vector<16xi32>,
    tpu.vector_store %arg4[%swap3A_816, %swap3A_817], %get3A_814 {strides = array<i32>} : memref<104x128xi32, #tpu.memory_space<vmem>>, vector<16xi32>,
    %get3A_819 = arith.constant 1680 : index
    %get3A_820 = tpu.vector_load %arg5[%get3A_819] {strides = array<i32>} : memref<13312xi32, #tpu.memory_space<vmem>>, vector<16xi32>,
    %swap3A_821 = arith.constant 13 : i32
    %swap3A_822 = arith.index_cast %swap3A_821 : i32 to index
    %swap3A_823 = arith.constant 16 : index
    %swap3A_824 = tpu.vector_load %arg4[%swap3A_822, %swap3A_823] {strides = array<i32>} : memref<104x128xi32, #tpu.memory_space<vmem>>, vector<16xi32>,
    tpu.vector_store %arg4[%swap3A_822, %swap3A_823], %get3A_820 {strides = array<i32>} : memref<104x128xi32, #tpu.memory_space<vmem>>, vector<16xi32>,
    %get3A_825 = arith.constant 1696 : index
    %get3A_826 = tpu.vector_load %arg5[%get3A_825] {strides = array<i32>} : memref<13312xi32, #tpu.memory_space<vmem>>, vector<16xi32>,
    %swap3A_827 = arith.constant 13 : i32
    %swap3A_828 = arith.index_cast %swap3A_827 : i32 to index
    %swap3A_829 = arith.constant 32 : index
    %swap3A_830 = tpu.vector_load %arg4[%swap3A_828, %swap3A_829] {strides = array<i32>} : memref<104x128xi32, #tpu.memory_space<vmem>>, vector<16xi32>,
    tpu.vector_store %arg4[%swap3A_828, %swap3A_829], %get3A_826 {strides = array<i32>} : memref<104x128xi32, #tpu.memory_space<vmem>>, vector<16xi32>,
    %get3A_831 = arith.constant 1712 : index
    %get3A_832 = tpu.vector_load %arg5[%get3A_831] {strides = array<i32>} : memref<13312xi32, #tpu.memory_space<vmem>>, vector<16xi32>,
    %swap3A_833 = arith.constant 13 : i32
    %swap3A_834 = arith.index_cast %swap3A_833 : i32 to index
    %swap3A_835 = arith.constant 48 : index
    %swap3A_836 = tpu.vector_load %arg4[%swap3A_834, %swap3A_835] {strides = array<i32>} : memref<104x128xi32, #tpu.memory_space<vmem>>, vector<16xi32>,
    tpu.vector_store %arg4[%swap3A_834, %swap3A_835], %get3A_832 {strides = array<i32>} : memref<104x128xi32, #tpu.memory_space<vmem>>, vector<16xi32>,
    %get3A_837 = arith.constant 1728 : index
    %get3A_838 = tpu.vector_load %arg5[%get3A_837] {strides = array<i32>} : memref<13312xi32, #tpu.memory_space<vmem>>, vector<16xi32>,
    %swap3A_839 = arith.constant 13 : i32
    %swap3A_840 = arith.index_cast %swap3A_839 : i32 to index
    %swap3A_841 = arith.constant 64 : index
    %swap3A_842 = tpu.vector_load %arg4[%swap3A_840, %swap3A_841] {strides = array<i32>} : memref<104x128xi32, #tpu.memory_space<vmem>>, vector<16xi32>,
    tpu.vector_store %arg4[%swap3A_840, %swap3A_841], %get3A_838 {strides = array<i32>} : memref<104x128xi32, #tpu.memory_space<vmem>>, vector<16xi32>,
    %get3A_843 = arith.constant 1744 : index
    %get3A_844 = tpu.vector_load %arg5[%get3A_843] {strides = array<i32>} : memref<13312xi32, #tpu.memory_space<vmem>>, vector<16xi32>,
    %swap3A_845 = arith.constant 13 : i32
    %swap3A_846 = arith.index_cast %swap3A_845 : i32 to index
    %swap3A_847 = arith.constant 80 : index
    %swap3A_848 = tpu.vector_load %arg4[%swap3A_846, %swap3A_847] {strides = array<i32>} : memref<104x128xi32, #tpu.memory_space<vmem>>, vector<16xi32>,
    tpu.vector_store %arg4[%swap3A_846, %swap3A_847], %get3A_844 {strides = array<i32>} : memref<104x128xi32, #tpu.memory_space<vmem>>, vector<16xi32>,
    %get3A_849 = arith.constant 1760 : index
    %get3A_850 = tpu.vector_load %arg5[%get3A_849] {strides = array<i32>} : memref<13312xi32, #tpu.memory_space<vmem>>, vector<16xi32>,
    %swap3A_851 = arith.constant 13 : i32
    %swap3A_852 = arith.index_cast %swap3A_851 : i32 to index
    %swap3A_853 = arith.constant 96 : index
    %swap3A_854 = tpu.vector_load %arg4[%swap3A_852, %swap3A_853] {strides = array<i32>} : memref<104x128xi32, #tpu.memory_space<vmem>>, vector<16xi32>,
    tpu.vector_store %arg4[%swap3A_852, %swap3A_853], %get3A_850 {strides = array<i32>} : memref<104x128xi32, #tpu.memory_space<vmem>>, vector<16xi32>,
    %get3A_855 = arith.constant 1776 : index
    %get3A_856 = tpu.vector_load %arg5[%get3A_855] {strides = array<i32>} : memref<13312xi32, #tpu.memory_space<vmem>>, vector<16xi32>,
    %swap3A_857 = arith.constant 13 : i32
    %swap3A_858 = arith.index_cast %swap3A_857 : i32 to index
    %swap3A_859 = arith.constant 112 : index
    %swap3A_860 = tpu.vector_load %arg4[%swap3A_858, %swap3A_859] {strides = array<i32>} : memref<104x128xi32, #tpu.memory_space<vmem>>, vector<16xi32>,
    tpu.vector_store %arg4[%swap3A_858, %swap3A_859], %get3A_856 {strides = array<i32>} : memref<104x128xi32, #tpu.memory_space<vmem>>, vector<16xi32>,
    %get3A_861 = arith.constant 1792 : index
    %get3A_862 = tpu.vector_load %arg5[%get3A_861] {strides = array<i32>} : memref<13312xi32, #tpu.memory_space<vmem>>, vector<16xi32>,
    %swap3A_863 = arith.constant 14 : i32
    %swap3A_864 = arith.index_cast %swap3A_863 : i32 to index
    %swap3A_865 = arith.constant 0 : index
    %swap3A_866 = tpu.vector_load %arg4[%swap3A_864, %swap3A_865] {strides = array<i32>} : memref<104x128xi32, #tpu.memory_space<vmem>>, vector<16xi32>,
    tpu.vector_store %arg4[%swap3A_864, %swap3A_865], %get3A_862 {strides = array<i32>} : memref<104x128xi32, #tpu.memory_space<vmem>>, vector<16xi32>,
    %get3A_867 = arith.constant 1808 : index
    %get3A_868 = tpu.vector_load %arg5[%get3A_867] {strides = array<i32>} : memref<13312xi32, #tpu.memory_space<vmem>>, vector<16xi32>,
    %swap3A_869 = arith.constant 14 : i32
    %swap3A_870 = arith.index_cast %swap3A_869 : i32 to index
    %swap3A_871 = arith.constant 16 : index
    %swap3A_872 = tpu.vector_load %arg4[%swap3A_870, %swap3A_871] {strides = array<i32>} : memref<104x128xi32, #tpu.memory_space<vmem>>, vector<16xi32>,
    tpu.vector_store %arg4[%swap3A_870, %swap3A_871], %get3A_868 {strides = array<i32>} : memref<104x128xi32, #tpu.memory_space<vmem>>, vector<16xi32>,
    %get3A_873 = arith.constant 1824 : index
    %get3A_874 = tpu.vector_load %arg5[%get3A_873] {strides = array<i32>} : memref<13312xi32, #tpu.memory_space<vmem>>, vector<16xi32>,
    %swap3A_875 = arith.constant 14 : i32
    %swap3A_876 = arith.index_cast %swap3A_875 : i32 to index
    %swap3A_877 = arith.constant 32 : index
    %swap3A_878 = tpu.vector_load %arg4[%swap3A_876, %swap3A_877] {strides = array<i32>} : memref<104x128xi32, #tpu.memory_space<vmem>>, vector<16xi32>,
    tpu.vector_store %arg4[%swap3A_876, %swap3A_877], %get3A_874 {strides = array<i32>} : memref<104x128xi32, #tpu.memory_space<vmem>>, vector<16xi32>,
    %get3A_879 = arith.constant 1840 : index
    %get3A_880 = tpu.vector_load %arg5[%get3A_879] {strides = array<i32>} : memref<13312xi32, #tpu.memory_space<vmem>>, vector<16xi32>,
    %swap3A_881 = arith.constant 14 : i32
    %swap3A_882 = arith.index_cast %swap3A_881 : i32 to index
    %swap3A_883 = arith.constant 48 : index
    %swap3A_884 = tpu.vector_load %arg4[%swap3A_882, %swap3A_883] {strides = array<i32>} : memref<104x128xi32, #tpu.memory_space<vmem>>, vector<16xi32>,
    tpu.vector_store %arg4[%swap3A_882, %swap3A_883], %get3A_880 {strides = array<i32>} : memref<104x128xi32, #tpu.memory_space<vmem>>, vector<16xi32>,
    %get3A_885 = arith.constant 1856 : index
    %get3A_886 = tpu.vector_load %arg5[%get3A_885] {strides = array<i32>} : memref<13312xi32, #tpu.memory_space<vmem>>, vector<16xi32>,
    %swap3A_887 = arith.constant 14 : i32
    %swap3A_888 = arith.index_cast %swap3A_887 : i32 to index
    %swap3A_889 = arith.constant 64 : index
    %swap3A_890 = tpu.vector_load %arg4[%swap3A_888, %swap3A_889] {strides = array<i32>} : memref<104x128xi32, #tpu.memory_space<vmem>>, vector<16xi32>,
    tpu.vector_store %arg4[%swap3A_888, %swap3A_889], %get3A_886 {strides = array<i32>} : memref<104x128xi32, #tpu.memory_space<vmem>>, vector<16xi32>,
    %get3A_891 = arith.constant 1872 : index
    %get3A_892 = tpu.vector_load %arg5[%get3A_891] {strides = array<i32>} : memref<13312xi32, #tpu.memory_space<vmem>>, vector<16xi32>,
    %swap3A_893 = arith.constant 14 : i32
    %swap3A_894 = arith.index_cast %swap3A_893 : i32 to index
    %swap3A_895 = arith.constant 80 : index
    %swap3A_896 = tpu.vector_load %arg4[%swap3A_894, %swap3A_895] {strides = array<i32>} : memref<104x128xi32, #tpu.memory_space<vmem>>, vector<16xi32>,
    tpu.vector_store %arg4[%swap3A_894, %swap3A_895], %get3A_892 {strides = array<i32>} : memref<104x128xi32, #tpu.memory_space<vmem>>, vector<16xi32>,
    %get3A_897 = arith.constant 1888 : index
    %get3A_898 = tpu.vector_load %arg5[%get3A_897] {strides = array<i32>} : memref<13312xi32, #tpu.memory_space<vmem>>, vector<16xi32>,
    %swap3A_899 = arith.constant 14 : i32
    %swap3A_900 = arith.index_cast %swap3A_899 : i32 to index
    %swap3A_901 = arith.constant 96 : index
    %swap3A_902 = tpu.vector_load %arg4[%swap3A_900, %swap3A_901] {strides = array<i32>} : memref<104x128xi32, #tpu.memory_space<vmem>>, vector<16xi32>,
    tpu.vector_store %arg4[%swap3A_900, %swap3A_901], %get3A_898 {strides = array<i32>} : memref<104x128xi32, #tpu.memory_space<vmem>>, vector<16xi32>,
    %get3A_903 = arith.constant 1904 : index
    %get3A_904 = tpu.vector_load %arg5[%get3A_903] {strides = array<i32>} : memref<13312xi32, #tpu.memory_space<vmem>>, vector<16xi32>,
    %swap3A_905 = arith.constant 14 : i32
    %swap3A_906 = arith.index_cast %swap3A_905 : i32 to index
    %swap3A_907 = arith.constant 112 : index
    %swap3A_908 = tpu.vector_load %arg4[%swap3A_906, %swap3A_907] {strides = array<i32>} : memref<104x128xi32, #tpu.memory_space<vmem>>, vector<16xi32>,
    tpu.vector_store %arg4[%swap3A_906, %swap3A_907], %get3A_904 {strides = array<i32>} : memref<104x128xi32, #tpu.memory_space<vmem>>, vector<16xi32>,
    %get3A_909 = arith.constant 1920 : index
    %get3A_910 = tpu.vector_load %arg5[%get3A_909] {strides = array<i32>} : memref<13312xi32, #tpu.memory_space<vmem>>, vector<16xi32>,
    %swap3A_911 = arith.constant 15 : i32
    %swap3A_912 = arith.index_cast %swap3A_911 : i32 to index
    %swap3A_913 = arith.constant 0 : index
    %swap3A_914 = tpu.vector_load %arg4[%swap3A_912, %swap3A_913] {strides = array<i32>} : memref<104x128xi32, #tpu.memory_space<vmem>>, vector<16xi32>,
    tpu.vector_store %arg4[%swap3A_912, %swap3A_913], %get3A_910 {strides = array<i32>} : memref<104x128xi32, #tpu.memory_space<vmem>>, vector<16xi32>,
    %get3A_915 = arith.constant 1936 : index
    %get3A_916 = tpu.vector_load %arg5[%get3A_915] {strides = array<i32>} : memref<13312xi32, #tpu.memory_space<vmem>>, vector<16xi32>,
    %swap3A_917 = arith.constant 15 : i32
    %swap3A_918 = arith.index_cast %swap3A_917 : i32 to index
    %swap3A_919 = arith.constant 16 : index
    %swap3A_920 = tpu.vector_load %arg4[%swap3A_918, %swap3A_919] {strides = array<i32>} : memref<104x128xi32, #tpu.memory_space<vmem>>, vector<16xi32>,
    tpu.vector_store %arg4[%swap3A_918, %swap3A_919], %get3A_916 {strides = array<i32>} : memref<104x128xi32, #tpu.memory_space<vmem>>, vector<16xi32>,
    %get3A_921 = arith.constant 1952 : index
    %get3A_922 = tpu.vector_load %arg5[%get3A_921] {strides = array<i32>} : memref<13312xi32, #tpu.memory_space<vmem>>, vector<16xi32>,
    %swap3A_923 = arith.constant 15 : i32
    %swap3A_924 = arith.index_cast %swap3A_923 : i32 to index
    %swap3A_925 = arith.constant 32 : index
    %swap3A_926 = tpu.vector_load %arg4[%swap3A_924, %swap3A_925] {strides = array<i32>} : memref<104x128xi32, #tpu.memory_space<vmem>>, vector<16xi32>,
    tpu.vector_store %arg4[%swap3A_924, %swap3A_925], %get3A_922 {strides = array<i32>} : memref<104x128xi32, #tpu.memory_space<vmem>>, vector<16xi32>,
    %get3A_927 = arith.constant 1968 : index
    %get3A_928 = tpu.vector_load %arg5[%get3A_927] {strides = array<i32>} : memref<13312xi32, #tpu.memory_space<vmem>>, vector<16xi32>,
    %swap3A_929 = arith.constant 15 : i32
    %swap3A_930 = arith.index_cast %swap3A_929 : i32 to index
    %swap3A_931 = arith.constant 48 : index
    %swap3A_932 = tpu.vector_load %arg4[%swap3A_930, %swap3A_931] {strides = array<i32>} : memref<104x128xi32, #tpu.memory_space<vmem>>, vector<16xi32>,
    tpu.vector_store %arg4[%swap3A_930, %swap3A_931], %get3A_928 {strides = array<i32>} : memref<104x128xi32, #tpu.memory_space<vmem>>, vector<16xi32>,
    %get3A_933 = arith.constant 1984 : index
    %get3A_934 = tpu.vector_load %arg5[%get3A_933] {strides = array<i32>} : memref<13312xi32, #tpu.memory_space<vmem>>, vector<16xi32>,
    %swap3A_935 = arith.constant 15 : i32
    %swap3A_936 = arith.index_cast %swap3A_935 : i32 to index
    %swap3A_937 = arith.constant 64 : index
    %swap3A_938 = tpu.vector_load %arg4[%swap3A_936, %swap3A_937] {strides = array<i32>} : memref<104x128xi32, #tpu.memory_space<vmem>>, vector<16xi32>,
    tpu.vector_store %arg4[%swap3A_936, %swap3A_937], %get3A_934 {strides = array<i32>} : memref<104x128xi32, #tpu.memory_space<vmem>>, vector<16xi32>,
    %get3A_939 = arith.constant 2000 : index
    %get3A_940 = tpu.vector_load %arg5[%get3A_939] {strides = array<i32>} : memref<13312xi32, #tpu.memory_space<vmem>>, vector<16xi32>,
    %swap3A_941 = arith.constant 15 : i32
    %swap3A_942 = arith.index_cast %swap3A_941 : i32 to index
    %swap3A_943 = arith.constant 80 : index
    %swap3A_944 = tpu.vector_load %arg4[%swap3A_942, %swap3A_943] {strides = array<i32>} : memref<104x128xi32, #tpu.memory_space<vmem>>, vector<16xi32>,
    tpu.vector_store %arg4[%swap3A_942, %swap3A_943], %get3A_940 {strides = array<i32>} : memref<104x128xi32, #tpu.memory_space<vmem>>, vector<16xi32>,
    %get3A_945 = arith.constant 2016 : index
    %get3A_946 = tpu.vector_load %arg5[%get3A_945] {strides = array<i32>} : memref<13312xi32, #tpu.memory_space<vmem>>, vector<16xi32>,
    %swap3A_947 = arith.constant 15 : i32
    %swap3A_948 = arith.index_cast %swap3A_947 : i32 to index
    %swap3A_949 = arith.constant 96 : index
    %swap3A_950 = tpu.vector_load %arg4[%swap3A_948, %swap3A_949] {strides = array<i32>} : memref<104x128xi32, #tpu.memory_space<vmem>>, vector<16xi32>,
    tpu.vector_store %arg4[%swap3A_948, %swap3A_949], %get3A_946 {strides = array<i32>} : memref<104x128xi32, #tpu.memory_space<vmem>>, vector<16xi32>,
    %get3A_951 = arith.constant 2032 : index
    %get3A_952 = tpu.vector_load %arg5[%get3A_951] {strides = array<i32>} : memref<13312xi32, #tpu.memory_space<vmem>>, vector<16xi32>,
    %swap3A_953 = arith.constant 15 : i32
    %swap3A_954 = arith.index_cast %swap3A_953 : i32 to index
    %swap3A_955 = arith.constant 112 : index
    %swap3A_956 = tpu.vector_load %arg4[%swap3A_954, %swap3A_955] {strides = array<i32>} : memref<104x128xi32, #tpu.memory_space<vmem>>, vector<16xi32>,
    tpu.vector_store %arg4[%swap3A_954, %swap3A_955], %get3A_952 {strides = array<i32>} : memref<104x128xi32, #tpu.memory_space<vmem>>, vector<16xi32>,
    %dma_start3A_957 = arith.constant 8 : i32
    %dma_start3A_958 = arith.constant 0 : i32
    %dma_start3A_959 = tpu.memref_slice %arg4[%dma_start3A_957, %dma_start3A_958] : memref<104x128xi32, #tpu.memory_space<vmem>> -> memref<1x128xi32, #tpu.memory_space<vmem>>
    %dma_start3A_960 = tpu.memref_squeeze %dma_start3A_959 : memref<1x128xi32, #tpu.memory_space<vmem>> -> memref<128xi32, #tpu.memory_space<vmem>>
    %dma_start3A_961 = arith.constant 0 : i32
    %dma_start3A_962 = tpu.memref_slice %arg17[%dma_start3A_961] : memref<10240xf32, #tpu.memory_space<vmem_shared>> -> memref<10240xf32, #tpu.memory_space<vmem_shared>>
    tpu.enqueue_indirect_dma source(%arg8 : memref<128xf32, #tpu.memory_space<vmem>>) target(%dma_start3A_962 : memref<10240xf32, #tpu.memory_space<vmem_shared>>) offsets(%dma_start3A_960 : memref<128xi32, #tpu.memory_space<vmem>>) semaphore(%arg18 : memref<!tpu.dma_semaphore, #tpu.memory_space<semaphore_mem>>) {add = true}
    %dma_start3A_963 = arith.constant 9 : i32
    %dma_start3A_964 = arith.constant 0 : i32
    %dma_start3A_965 = tpu.memref_slice %arg4[%dma_start3A_963, %dma_start3A_964] : memref<104x128xi32, #tpu.memory_space<vmem>> -> memref<1x128xi32, #tpu.memory_space<vmem>>
    %dma_start3A_966 = tpu.memref_squeeze %dma_start3A_965 : memref<1x128xi32, #tpu.memory_space<vmem>> -> memref<128xi32, #tpu.memory_space<vmem>>
    %dma_start3A_967 = arith.constant 0 : i32
    %dma_start3A_968 = tpu.memref_slice %arg17[%dma_start3A_967] : memref<10240xf32, #tpu.memory_space<vmem_shared>> -> memref<10240xf32, #tpu.memory_space<vmem_shared>>
    tpu.enqueue_indirect_dma source(%arg8 : memref<128xf32, #tpu.memory_space<vmem>>) target(%dma_start3A_968 : memref<10240xf32, #tpu.memory_space<vmem_shared>>) offsets(%dma_start3A_966 : memref<128xi32, #tpu.memory_space<vmem>>) semaphore(%arg18 : memref<!tpu.dma_semaphore, #tpu.memory_space<semaphore_mem>>) {add = true}
    %dma_start3A_969 = arith.constant 10 : i32
    %dma_start3A_970 = arith.constant 0 : i32
    %dma_start3A_971 = tpu.memref_slice %arg4[%dma_start3A_969, %dma_start3A_970] : memref<104x128xi32, #tpu.memory_space<vmem>> -> memref<1x128xi32, #tpu.memory_space<vmem>>
    %dma_start3A_972 = tpu.memref_squeeze %dma_start3A_971 : memref<1x128xi32, #tpu.memory_space<vmem>> -> memref<128xi32, #tpu.memory_space<vmem>>
    %dma_start3A_973 = arith.constant 0 : i32
    %dma_start3A_974 = tpu.memref_slice %arg17[%dma_start3A_973] : memref<10240xf32, #tpu.memory_space<vmem_shared>> -> memref<10240xf32, #tpu.memory_space<vmem_shared>>
    tpu.enqueue_indirect_dma source(%arg8 : memref<128xf32, #tpu.memory_space<vmem>>) target(%dma_start3A_974 : memref<10240xf32, #tpu.memory_space<vmem_shared>>) offsets(%dma_start3A_972 : memref<128xi32, #tpu.memory_space<vmem>>) semaphore(%arg18 : memref<!tpu.dma_semaphore, #tpu.memory_space<semaphore_mem>>) {add = true}
    %dma_start3A_975 = arith.constant 11 : i32
    %dma_start3A_976 = arith.constant 0 : i32
    %dma_start3A_977 = tpu.memref_slice %arg4[%dma_start3A_975, %dma_start3A_976] : memref<104x128xi32, #tpu.memory_space<vmem>> -> memref<1x128xi32, #tpu.memory_space<vmem>>
    %dma_start3A_978 = tpu.memref_squeeze %dma_start3A_977 : memref<1x128xi32, #tpu.memory_space<vmem>> -> memref<128xi32, #tpu.memory_space<vmem>>
    %dma_start3A_979 = arith.constant 0 : i32
    %dma_start3A_980 = tpu.memref_slice %arg17[%dma_start3A_979] : memref<10240xf32, #tpu.memory_space<vmem_shared>> -> memref<10240xf32, #tpu.memory_space<vmem_shared>>
    tpu.enqueue_indirect_dma source(%arg8 : memref<128xf32, #tpu.memory_space<vmem>>) target(%dma_start3A_980 : memref<10240xf32, #tpu.memory_space<vmem_shared>>) offsets(%dma_start3A_978 : memref<128xi32, #tpu.memory_space<vmem>>) semaphore(%arg18 : memref<!tpu.dma_semaphore, #tpu.memory_space<semaphore_mem>>) {add = true}
    %dma_start3A_981 = arith.constant 12 : i32
    %dma_start3A_982 = arith.constant 0 : i32
    %dma_start3A_983 = tpu.memref_slice %arg4[%dma_start3A_981, %dma_start3A_982] : memref<104x128xi32, #tpu.memory_space<vmem>> -> memref<1x128xi32, #tpu.memory_space<vmem>>
    %dma_start3A_984 = tpu.memref_squeeze %dma_start3A_983 : memref<1x128xi32, #tpu.memory_space<vmem>> -> memref<128xi32, #tpu.memory_space<vmem>>
    %dma_start3A_985 = arith.constant 0 : i32
    %dma_start3A_986 = tpu.memref_slice %arg17[%dma_start3A_985] : memref<10240xf32, #tpu.memory_space<vmem_shared>> -> memref<10240xf32, #tpu.memory_space<vmem_shared>>
    tpu.enqueue_indirect_dma source(%arg8 : memref<128xf32, #tpu.memory_space<vmem>>) target(%dma_start3A_986 : memref<10240xf32, #tpu.memory_space<vmem_shared>>) offsets(%dma_start3A_984 : memref<128xi32, #tpu.memory_space<vmem>>) semaphore(%arg18 : memref<!tpu.dma_semaphore, #tpu.memory_space<semaphore_mem>>) {add = true}
    %dma_start3A_987 = arith.constant 13 : i32
    %dma_start3A_988 = arith.constant 0 : i32
    %dma_start3A_989 = tpu.memref_slice %arg4[%dma_start3A_987, %dma_start3A_988] : memref<104x128xi32, #tpu.memory_space<vmem>> -> memref<1x128xi32, #tpu.memory_space<vmem>>
    %dma_start3A_990 = tpu.memref_squeeze %dma_start3A_989 : memref<1x128xi32, #tpu.memory_space<vmem>> -> memref<128xi32, #tpu.memory_space<vmem>>
    %dma_start3A_991 = arith.constant 0 : i32
    %dma_start3A_992 = tpu.memref_slice %arg17[%dma_start3A_991] : memref<10240xf32, #tpu.memory_space<vmem_shared>> -> memref<10240xf32, #tpu.memory_space<vmem_shared>>
    tpu.enqueue_indirect_dma source(%arg8 : memref<128xf32, #tpu.memory_space<vmem>>) target(%dma_start3A_992 : memref<10240xf32, #tpu.memory_space<vmem_shared>>) offsets(%dma_start3A_990 : memref<128xi32, #tpu.memory_space<vmem>>) semaphore(%arg18 : memref<!tpu.dma_semaphore, #tpu.memory_space<semaphore_mem>>) {add = true}
    %dma_start3A_993 = arith.constant 14 : i32
    %dma_start3A_994 = arith.constant 0 : i32
    %dma_start3A_995 = tpu.memref_slice %arg4[%dma_start3A_993, %dma_start3A_994] : memref<104x128xi32, #tpu.memory_space<vmem>> -> memref<1x128xi32, #tpu.memory_space<vmem>>
    %dma_start3A_996 = tpu.memref_squeeze %dma_start3A_995 : memref<1x128xi32, #tpu.memory_space<vmem>> -> memref<128xi32, #tpu.memory_space<vmem>>
    %dma_start3A_997 = arith.constant 0 : i32
    %dma_start3A_998 = tpu.memref_slice %arg17[%dma_start3A_997] : memref<10240xf32, #tpu.memory_space<vmem_shared>> -> memref<10240xf32, #tpu.memory_space<vmem_shared>>
    tpu.enqueue_indirect_dma source(%arg8 : memref<128xf32, #tpu.memory_space<vmem>>) target(%dma_start3A_998 : memref<10240xf32, #tpu.memory_space<vmem_shared>>) offsets(%dma_start3A_996 : memref<128xi32, #tpu.memory_space<vmem>>) semaphore(%arg18 : memref<!tpu.dma_semaphore, #tpu.memory_space<semaphore_mem>>) {add = true}
    %dma_start3A_999 = arith.constant 15 : i32
    %dma_start3A_1000 = arith.constant 0 : i32
    %dma_start3A_1001 = tpu.memref_slice %arg4[%dma_start3A_999, %dma_start3A_1000] : memref<104x128xi32, #tpu.memory_space<vmem>> -> memref<1x128xi32, #tpu.memory_space<vmem>>
    %dma_start3A_1002 = tpu.memref_squeeze %dma_start3A_1001 : memref<1x128xi32, #tpu.memory_space<vmem>> -> memref<128xi32, #tpu.memory_space<vmem>>
    %dma_start3A_1003 = arith.constant 0 : i32
    %dma_start3A_1004 = tpu.memref_slice %arg17[%dma_start3A_1003] : memref<10240xf32, #tpu.memory_space<vmem_shared>> -> memref<10240xf32, #tpu.memory_space<vmem_shared>>
    tpu.enqueue_indirect_dma source(%arg8 : memref<128xf32, #tpu.memory_space<vmem>>) target(%dma_start3A_1004 : memref<10240xf32, #tpu.memory_space<vmem_shared>>) offsets(%dma_start3A_1002 : memref<128xi32, #tpu.memory_space<vmem>>) semaphore(%arg18 : memref<!tpu.dma_semaphore, #tpu.memory_space<semaphore_mem>>) {add = true}
    %while3A = arith.constant 2 : i32
    %while3A_1005 = arith.constant 0 : i32
    %while3A_1006 = arith.subi %select_n3A, %while3A : i32
    %while3A_1007 = arith.addi %while3A, %while3A_1006 : i32
    %while3A_1008 = arith.constant 1 : i32
    %while3A_1009 = arith.divsi %while3A_1006, %while3A_1008 : i32
    %while3A_1010 = arith.muli %while3A_1009, %while3A_1008 : i32
    %while3A_1011 = arith.addi %while3A, %while3A_1010 : i32
    %while3A_1012 = arith.constant 1 : i32
    %while3A_1013 = scf.for %while3A_1185 = %while3A to %while3A_1011 step %while3A_1012 iter_args(%while3A_1186 = %while3A_1005) -> (i32)  : i32 {
      %mul3A_1187 = arith.constant 8 : i32
      %mul3A_1188 = arith.muli %while3A_1185, %mul3A_1187 : i32
      %add3A_1189 = arith.constant 0 : i32
      %add3A_1190 = arith.addi %mul3A_1188, %add3A_1189 : i32
      %mul3A_1191 = arith.constant 128 : i32
      %mul3A_1192 = arith.muli %add3A_1190, %mul3A_1191 : i32
      %add3A_1193 = arith.constant 0 : i32
      %add3A_1194 = arith.addi %mul3A_1192, %add3A_1193 : i32
      %get3A_1195 = arith.index_cast %add3A_1194 : i32 to index
      %get3A_1196 = tpu.vector_load %arg5[%get3A_1195] {strides = array<i32>} : memref<13312xi32, #tpu.memory_space<vmem>>, vector<16xi32>,
      %swap3A_1197 = arith.index_cast %add3A_1190 : i32 to index
      %swap3A_1198 = arith.constant 0 : index
      %swap3A_1199 = tpu.vector_load %arg4[%swap3A_1197, %swap3A_1198] {strides = array<i32>} : memref<104x128xi32, #tpu.memory_space<vmem>>, vector<16xi32>,
      tpu.vector_store %arg4[%swap3A_1197, %swap3A_1198], %get3A_1196 {strides = array<i32>} : memref<104x128xi32, #tpu.memory_space<vmem>>, vector<16xi32>,
      %mul3A_1200 = arith.constant 128 : i32
      %mul3A_1201 = arith.muli %add3A_1190, %mul3A_1200 : i32
      %add3A_1202 = arith.constant 16 : i32
      %add3A_1203 = arith.addi %mul3A_1201, %add3A_1202 : i32
      %get3A_1204 = arith.index_cast %add3A_1203 : i32 to index
      %get3A_1205 = tpu.vector_load %arg5[%get3A_1204] {strides = array<i32>} : memref<13312xi32, #tpu.memory_space<vmem>>, vector<16xi32>,
      %swap3A_1206 = arith.index_cast %add3A_1190 : i32 to index
      %swap3A_1207 = arith.constant 16 : index
      %swap3A_1208 = tpu.vector_load %arg4[%swap3A_1206, %swap3A_1207] {strides = array<i32>} : memref<104x128xi32, #tpu.memory_space<vmem>>, vector<16xi32>,
      tpu.vector_store %arg4[%swap3A_1206, %swap3A_1207], %get3A_1205 {strides = array<i32>} : memref<104x128xi32, #tpu.memory_space<vmem>>, vector<16xi32>,
      %mul3A_1209 = arith.constant 128 : i32
      %mul3A_1210 = arith.muli %add3A_1190, %mul3A_1209 : i32
      %add3A_1211 = arith.constant 32 : i32
      %add3A_1212 = arith.addi %mul3A_1210, %add3A_1211 : i32
      %get3A_1213 = arith.index_cast %add3A_1212 : i32 to index
      %get3A_1214 = tpu.vector_load %arg5[%get3A_1213] {strides = array<i32>} : memref<13312xi32, #tpu.memory_space<vmem>>, vector<16xi32>,
      %swap3A_1215 = arith.index_cast %add3A_1190 : i32 to index
      %swap3A_1216 = arith.constant 32 : index
      %swap3A_1217 = tpu.vector_load %arg4[%swap3A_1215, %swap3A_1216] {strides = array<i32>} : memref<104x128xi32, #tpu.memory_space<vmem>>, vector<16xi32>,
      tpu.vector_store %arg4[%swap3A_1215, %swap3A_1216], %get3A_1214 {strides = array<i32>} : memref<104x128xi32, #tpu.memory_space<vmem>>, vector<16xi32>,
      %mul3A_1218 = arith.constant 128 : i32
      %mul3A_1219 = arith.muli %add3A_1190, %mul3A_1218 : i32
      %add3A_1220 = arith.constant 48 : i32
      %add3A_1221 = arith.addi %mul3A_1219, %add3A_1220 : i32
      %get3A_1222 = arith.index_cast %add3A_1221 : i32 to index
      %get3A_1223 = tpu.vector_load %arg5[%get3A_1222] {strides = array<i32>} : memref<13312xi32, #tpu.memory_space<vmem>>, vector<16xi32>,
      %swap3A_1224 = arith.index_cast %add3A_1190 : i32 to index
      %swap3A_1225 = arith.constant 48 : index
      %swap3A_1226 = tpu.vector_load %arg4[%swap3A_1224, %swap3A_1225] {strides = array<i32>} : memref<104x128xi32, #tpu.memory_space<vmem>>, vector<16xi32>,
      tpu.vector_store %arg4[%swap3A_1224, %swap3A_1225], %get3A_1223 {strides = array<i32>} : memref<104x128xi32, #tpu.memory_space<vmem>>, vector<16xi32>,
      %mul3A_1227 = arith.constant 128 : i32
      %mul3A_1228 = arith.muli %add3A_1190, %mul3A_1227 : i32
      %add3A_1229 = arith.constant 64 : i32
      %add3A_1230 = arith.addi %mul3A_1228, %add3A_1229 : i32
      %get3A_1231 = arith.index_cast %add3A_1230 : i32 to index
      %get3A_1232 = tpu.vector_load %arg5[%get3A_1231] {strides = array<i32>} : memref<13312xi32, #tpu.memory_space<vmem>>, vector<16xi32>,
      %swap3A_1233 = arith.index_cast %add3A_1190 : i32 to index
      %swap3A_1234 = arith.constant 64 : index
      %swap3A_1235 = tpu.vector_load %arg4[%swap3A_1233, %swap3A_1234] {strides = array<i32>} : memref<104x128xi32, #tpu.memory_space<vmem>>, vector<16xi32>,
      tpu.vector_store %arg4[%swap3A_1233, %swap3A_1234], %get3A_1232 {strides = array<i32>} : memref<104x128xi32, #tpu.memory_space<vmem>>, vector<16xi32>,
      %mul3A_1236 = arith.constant 128 : i32
      %mul3A_1237 = arith.muli %add3A_1190, %mul3A_1236 : i32
      %add3A_1238 = arith.constant 80 : i32
      %add3A_1239 = arith.addi %mul3A_1237, %add3A_1238 : i32
      %get3A_1240 = arith.index_cast %add3A_1239 : i32 to index
      %get3A_1241 = tpu.vector_load %arg5[%get3A_1240] {strides = array<i32>} : memref<13312xi32, #tpu.memory_space<vmem>>, vector<16xi32>,
      %swap3A_1242 = arith.index_cast %add3A_1190 : i32 to index
      %swap3A_1243 = arith.constant 80 : index
      %swap3A_1244 = tpu.vector_load %arg4[%swap3A_1242, %swap3A_1243] {strides = array<i32>} : memref<104x128xi32, #tpu.memory_space<vmem>>, vector<16xi32>,
      tpu.vector_store %arg4[%swap3A_1242, %swap3A_1243], %get3A_1241 {strides = array<i32>} : memref<104x128xi32, #tpu.memory_space<vmem>>, vector<16xi32>,
      %mul3A_1245 = arith.constant 128 : i32
      %mul3A_1246 = arith.muli %add3A_1190, %mul3A_1245 : i32
      %add3A_1247 = arith.constant 96 : i32
      %add3A_1248 = arith.addi %mul3A_1246, %add3A_1247 : i32
      %get3A_1249 = arith.index_cast %add3A_1248 : i32 to index
      %get3A_1250 = tpu.vector_load %arg5[%get3A_1249] {strides = array<i32>} : memref<13312xi32, #tpu.memory_space<vmem>>, vector<16xi32>,
      %swap3A_1251 = arith.index_cast %add3A_1190 : i32 to index
      %swap3A_1252 = arith.constant 96 : index
      %swap3A_1253 = tpu.vector_load %arg4[%swap3A_1251, %swap3A_1252] {strides = array<i32>} : memref<104x128xi32, #tpu.memory_space<vmem>>, vector<16xi32>,
      tpu.vector_store %arg4[%swap3A_1251, %swap3A_1252], %get3A_1250 {strides = array<i32>} : memref<104x128xi32, #tpu.memory_space<vmem>>, vector<16xi32>,
      %mul3A_1254 = arith.constant 128 : i32
      %mul3A_1255 = arith.muli %add3A_1190, %mul3A_1254 : i32
      %add3A_1256 = arith.constant 112 : i32
      %add3A_1257 = arith.addi %mul3A_1255, %add3A_1256 : i32
      %get3A_1258 = arith.index_cast %add3A_1257 : i32 to index
      %get3A_1259 = tpu.vector_load %arg5[%get3A_1258] {strides = array<i32>} : memref<13312xi32, #tpu.memory_space<vmem>>, vector<16xi32>,
      %swap3A_1260 = arith.index_cast %add3A_1190 : i32 to index
      %swap3A_1261 = arith.constant 112 : index
      %swap3A_1262 = tpu.vector_load %arg4[%swap3A_1260, %swap3A_1261] {strides = array<i32>} : memref<104x128xi32, #tpu.memory_space<vmem>>, vector<16xi32>,
      tpu.vector_store %arg4[%swap3A_1260, %swap3A_1261], %get3A_1259 {strides = array<i32>} : memref<104x128xi32, #tpu.memory_space<vmem>>, vector<16xi32>,
      %mul3A_1263 = arith.constant 8 : i32
      %mul3A_1264 = arith.muli %while3A_1185, %mul3A_1263 : i32
      %add3A_1265 = arith.constant 1 : i32
      %add3A_1266 = arith.addi %mul3A_1264, %add3A_1265 : i32
      %mul3A_1267 = arith.constant 128 : i32
      %mul3A_1268 = arith.muli %add3A_1266, %mul3A_1267 : i32
      %add3A_1269 = arith.constant 0 : i32
      %add3A_1270 = arith.addi %mul3A_1268, %add3A_1269 : i32
      %get3A_1271 = arith.index_cast %add3A_1270 : i32 to index
      %get3A_1272 = tpu.vector_load %arg5[%get3A_1271] {strides = array<i32>} : memref<13312xi32, #tpu.memory_space<vmem>>, vector<16xi32>,
      %swap3A_1273 = arith.index_cast %add3A_1266 : i32 to index
      %swap3A_1274 = arith.constant 0 : index
      %swap3A_1275 = tpu.vector_load %arg4[%swap3A_1273, %swap3A_1274] {strides = array<i32>} : memref<104x128xi32, #tpu.memory_space<vmem>>, vector<16xi32>,
      tpu.vector_store %arg4[%swap3A_1273, %swap3A_1274], %get3A_1272 {strides = array<i32>} : memref<104x128xi32, #tpu.memory_space<vmem>>, vector<16xi32>,
      %mul3A_1276 = arith.constant 128 : i32
      %mul3A_1277 = arith.muli %add3A_1266, %mul3A_1276 : i32
      %add3A_1278 = arith.constant 16 : i32
      %add3A_1279 = arith.addi %mul3A_1277, %add3A_1278 : i32
      %get3A_1280 = arith.index_cast %add3A_1279 : i32 to index
      %get3A_1281 = tpu.vector_load %arg5[%get3A_1280] {strides = array<i32>} : memref<13312xi32, #tpu.memory_space<vmem>>, vector<16xi32>,
      %swap3A_1282 = arith.index_cast %add3A_1266 : i32 to index
      %swap3A_1283 = arith.constant 16 : index
      %swap3A_1284 = tpu.vector_load %arg4[%swap3A_1282, %swap3A_1283] {strides = array<i32>} : memref<104x128xi32, #tpu.memory_space<vmem>>, vector<16xi32>,
      tpu.vector_store %arg4[%swap3A_1282, %swap3A_1283], %get3A_1281 {strides = array<i32>} : memref<104x128xi32, #tpu.memory_space<vmem>>, vector<16xi32>,
      %mul3A_1285 = arith.constant 128 : i32
      %mul3A_1286 = arith.muli %add3A_1266, %mul3A_1285 : i32
      %add3A_1287 = arith.constant 32 : i32
      %add3A_1288 = arith.addi %mul3A_1286, %add3A_1287 : i32
      %get3A_1289 = arith.index_cast %add3A_1288 : i32 to index
      %get3A_1290 = tpu.vector_load %arg5[%get3A_1289] {strides = array<i32>} : memref<13312xi32, #tpu.memory_space<vmem>>, vector<16xi32>,
      %swap3A_1291 = arith.index_cast %add3A_1266 : i32 to index
      %swap3A_1292 = arith.constant 32 : index
      %swap3A_1293 = tpu.vector_load %arg4[%swap3A_1291, %swap3A_1292] {strides = array<i32>} : memref<104x128xi32, #tpu.memory_space<vmem>>, vector<16xi32>,
      tpu.vector_store %arg4[%swap3A_1291, %swap3A_1292], %get3A_1290 {strides = array<i32>} : memref<104x128xi32, #tpu.memory_space<vmem>>, vector<16xi32>,
      %mul3A_1294 = arith.constant 128 : i32
      %mul3A_1295 = arith.muli %add3A_1266, %mul3A_1294 : i32
      %add3A_1296 = arith.constant 48 : i32
      %add3A_1297 = arith.addi %mul3A_1295, %add3A_1296 : i32
      %get3A_1298 = arith.index_cast %add3A_1297 : i32 to index
      %get3A_1299 = tpu.vector_load %arg5[%get3A_1298] {strides = array<i32>} : memref<13312xi32, #tpu.memory_space<vmem>>, vector<16xi32>,
      %swap3A_1300 = arith.index_cast %add3A_1266 : i32 to index
      %swap3A_1301 = arith.constant 48 : index
      %swap3A_1302 = tpu.vector_load %arg4[%swap3A_1300, %swap3A_1301] {strides = array<i32>} : memref<104x128xi32, #tpu.memory_space<vmem>>, vector<16xi32>,
      tpu.vector_store %arg4[%swap3A_1300, %swap3A_1301], %get3A_1299 {strides = array<i32>} : memref<104x128xi32, #tpu.memory_space<vmem>>, vector<16xi32>,
      %mul3A_1303 = arith.constant 128 : i32
      %mul3A_1304 = arith.muli %add3A_1266, %mul3A_1303 : i32
      %add3A_1305 = arith.constant 64 : i32
      %add3A_1306 = arith.addi %mul3A_1304, %add3A_1305 : i32
      %get3A_1307 = arith.index_cast %add3A_1306 : i32 to index
      %get3A_1308 = tpu.vector_load %arg5[%get3A_1307] {strides = array<i32>} : memref<13312xi32, #tpu.memory_space<vmem>>, vector<16xi32>,
      %swap3A_1309 = arith.index_cast %add3A_1266 : i32 to index
      %swap3A_1310 = arith.constant 64 : index
      %swap3A_1311 = tpu.vector_load %arg4[%swap3A_1309, %swap3A_1310] {strides = array<i32>} : memref<104x128xi32, #tpu.memory_space<vmem>>, vector<16xi32>,
      tpu.vector_store %arg4[%swap3A_1309, %swap3A_1310], %get3A_1308 {strides = array<i32>} : memref<104x128xi32, #tpu.memory_space<vmem>>, vector<16xi32>,
      %mul3A_1312 = arith.constant 128 : i32
      %mul3A_1313 = arith.muli %add3A_1266, %mul3A_1312 : i32
      %add3A_1314 = arith.constant 80 : i32
      %add3A_1315 = arith.addi %mul3A_1313, %add3A_1314 : i32
      %get3A_1316 = arith.index_cast %add3A_1315 : i32 to index
      %get3A_1317 = tpu.vector_load %arg5[%get3A_1316] {strides = array<i32>} : memref<13312xi32, #tpu.memory_space<vmem>>, vector<16xi32>,
      %swap3A_1318 = arith.index_cast %add3A_1266 : i32 to index
      %swap3A_1319 = arith.constant 80 : index
      %swap3A_1320 = tpu.vector_load %arg4[%swap3A_1318, %swap3A_1319] {strides = array<i32>} : memref<104x128xi32, #tpu.memory_space<vmem>>, vector<16xi32>,
      tpu.vector_store %arg4[%swap3A_1318, %swap3A_1319], %get3A_1317 {strides = array<i32>} : memref<104x128xi32, #tpu.memory_space<vmem>>, vector<16xi32>,
      %mul3A_1321 = arith.constant 128 : i32
      %mul3A_1322 = arith.muli %add3A_1266, %mul3A_1321 : i32
      %add3A_1323 = arith.constant 96 : i32
      %add3A_1324 = arith.addi %mul3A_1322, %add3A_1323 : i32
      %get3A_1325 = arith.index_cast %add3A_1324 : i32 to index
      %get3A_1326 = tpu.vector_load %arg5[%get3A_1325] {strides = array<i32>} : memref<13312xi32, #tpu.memory_space<vmem>>, vector<16xi32>,
      %swap3A_1327 = arith.index_cast %add3A_1266 : i32 to index
      %swap3A_1328 = arith.constant 96 : index
      %swap3A_1329 = tpu.vector_load %arg4[%swap3A_1327, %swap3A_1328] {strides = array<i32>} : memref<104x128xi32, #tpu.memory_space<vmem>>, vector<16xi32>,
      tpu.vector_store %arg4[%swap3A_1327, %swap3A_1328], %get3A_1326 {strides = array<i32>} : memref<104x128xi32, #tpu.memory_space<vmem>>, vector<16xi32>,
      %mul3A_1330 = arith.constant 128 : i32
      %mul3A_1331 = arith.muli %add3A_1266, %mul3A_1330 : i32
      %add3A_1332 = arith.constant 112 : i32
      %add3A_1333 = arith.addi %mul3A_1331, %add3A_1332 : i32
      %get3A_1334 = arith.index_cast %add3A_1333 : i32 to index
      %get3A_1335 = tpu.vector_load %arg5[%get3A_1334] {strides = array<i32>} : memref<13312xi32, #tpu.memory_space<vmem>>, vector<16xi32>,
      %swap3A_1336 = arith.index_cast %add3A_1266 : i32 to index
      %swap3A_1337 = arith.constant 112 : index
      %swap3A_1338 = tpu.vector_load %arg4[%swap3A_1336, %swap3A_1337] {strides = array<i32>} : memref<104x128xi32, #tpu.memory_space<vmem>>, vector<16xi32>,
      tpu.vector_store %arg4[%swap3A_1336, %swap3A_1337], %get3A_1335 {strides = array<i32>} : memref<104x128xi32, #tpu.memory_space<vmem>>, vector<16xi32>,
      %mul3A_1339 = arith.constant 8 : i32
      %mul3A_1340 = arith.muli %while3A_1185, %mul3A_1339 : i32
      %add3A_1341 = arith.constant 2 : i32
      %add3A_1342 = arith.addi %mul3A_1340, %add3A_1341 : i32
      %mul3A_1343 = arith.constant 128 : i32
      %mul3A_1344 = arith.muli %add3A_1342, %mul3A_1343 : i32
      %add3A_1345 = arith.constant 0 : i32
      %add3A_1346 = arith.addi %mul3A_1344, %add3A_1345 : i32
      %get3A_1347 = arith.index_cast %add3A_1346 : i32 to index
      %get3A_1348 = tpu.vector_load %arg5[%get3A_1347] {strides = array<i32>} : memref<13312xi32, #tpu.memory_space<vmem>>, vector<16xi32>,
      %swap3A_1349 = arith.index_cast %add3A_1342 : i32 to index
      %swap3A_1350 = arith.constant 0 : index
      %swap3A_1351 = tpu.vector_load %arg4[%swap3A_1349, %swap3A_1350] {strides = array<i32>} : memref<104x128xi32, #tpu.memory_space<vmem>>, vector<16xi32>,
      tpu.vector_store %arg4[%swap3A_1349, %swap3A_1350], %get3A_1348 {strides = array<i32>} : memref<104x128xi32, #tpu.memory_space<vmem>>, vector<16xi32>,
      %mul3A_1352 = arith.constant 128 : i32
      %mul3A_1353 = arith.muli %add3A_1342, %mul3A_1352 : i32
      %add3A_1354 = arith.constant 16 : i32
      %add3A_1355 = arith.addi %mul3A_1353, %add3A_1354 : i32
      %get3A_1356 = arith.index_cast %add3A_1355 : i32 to index
      %get3A_1357 = tpu.vector_load %arg5[%get3A_1356] {strides = array<i32>} : memref<13312xi32, #tpu.memory_space<vmem>>, vector<16xi32>,
      %swap3A_1358 = arith.index_cast %add3A_1342 : i32 to index
      %swap3A_1359 = arith.constant 16 : index
      %swap3A_1360 = tpu.vector_load %arg4[%swap3A_1358, %swap3A_1359] {strides = array<i32>} : memref<104x128xi32, #tpu.memory_space<vmem>>, vector<16xi32>,
      tpu.vector_store %arg4[%swap3A_1358, %swap3A_1359], %get3A_1357 {strides = array<i32>} : memref<104x128xi32, #tpu.memory_space<vmem>>, vector<16xi32>,
      %mul3A_1361 = arith.constant 128 : i32
      %mul3A_1362 = arith.muli %add3A_1342, %mul3A_1361 : i32
      %add3A_1363 = arith.constant 32 : i32
      %add3A_1364 = arith.addi %mul3A_1362, %add3A_1363 : i32
      %get3A_1365 = arith.index_cast %add3A_1364 : i32 to index
      %get3A_1366 = tpu.vector_load %arg5[%get3A_1365] {strides = array<i32>} : memref<13312xi32, #tpu.memory_space<vmem>>, vector<16xi32>,
      %swap3A_1367 = arith.index_cast %add3A_1342 : i32 to index
      %swap3A_1368 = arith.constant 32 : index
      %swap3A_1369 = tpu.vector_load %arg4[%swap3A_1367, %swap3A_1368] {strides = array<i32>} : memref<104x128xi32, #tpu.memory_space<vmem>>, vector<16xi32>,
      tpu.vector_store %arg4[%swap3A_1367, %swap3A_1368], %get3A_1366 {strides = array<i32>} : memref<104x128xi32, #tpu.memory_space<vmem>>, vector<16xi32>,
      %mul3A_1370 = arith.constant 128 : i32
      %mul3A_1371 = arith.muli %add3A_1342, %mul3A_1370 : i32
      %add3A_1372 = arith.constant 48 : i32
      %add3A_1373 = arith.addi %mul3A_1371, %add3A_1372 : i32
      %get3A_1374 = arith.index_cast %add3A_1373 : i32 to index
      %get3A_1375 = tpu.vector_load %arg5[%get3A_1374] {strides = array<i32>} : memref<13312xi32, #tpu.memory_space<vmem>>, vector<16xi32>,
      %swap3A_1376 = arith.index_cast %add3A_1342 : i32 to index
      %swap3A_1377 = arith.constant 48 : index
      %swap3A_1378 = tpu.vector_load %arg4[%swap3A_1376, %swap3A_1377] {strides = array<i32>} : memref<104x128xi32, #tpu.memory_space<vmem>>, vector<16xi32>,
      tpu.vector_store %arg4[%swap3A_1376, %swap3A_1377], %get3A_1375 {strides = array<i32>} : memref<104x128xi32, #tpu.memory_space<vmem>>, vector<16xi32>,
      %mul3A_1379 = arith.constant 128 : i32
      %mul3A_1380 = arith.muli %add3A_1342, %mul3A_1379 : i32
      %add3A_1381 = arith.constant 64 : i32
      %add3A_1382 = arith.addi %mul3A_1380, %add3A_1381 : i32
      %get3A_1383 = arith.index_cast %add3A_1382 : i32 to index
      %get3A_1384 = tpu.vector_load %arg5[%get3A_1383] {strides = array<i32>} : memref<13312xi32, #tpu.memory_space<vmem>>, vector<16xi32>,
      %swap3A_1385 = arith.index_cast %add3A_1342 : i32 to index
      %swap3A_1386 = arith.constant 64 : index
      %swap3A_1387 = tpu.vector_load %arg4[%swap3A_1385, %swap3A_1386] {strides = array<i32>} : memref<104x128xi32, #tpu.memory_space<vmem>>, vector<16xi32>,
      tpu.vector_store %arg4[%swap3A_1385, %swap3A_1386], %get3A_1384 {strides = array<i32>} : memref<104x128xi32, #tpu.memory_space<vmem>>, vector<16xi32>,
      %mul3A_1388 = arith.constant 128 : i32
      %mul3A_1389 = arith.muli %add3A_1342, %mul3A_1388 : i32
      %add3A_1390 = arith.constant 80 : i32
      %add3A_1391 = arith.addi %mul3A_1389, %add3A_1390 : i32
      %get3A_1392 = arith.index_cast %add3A_1391 : i32 to index
      %get3A_1393 = tpu.vector_load %arg5[%get3A_1392] {strides = array<i32>} : memref<13312xi32, #tpu.memory_space<vmem>>, vector<16xi32>,
      %swap3A_1394 = arith.index_cast %add3A_1342 : i32 to index
      %swap3A_1395 = arith.constant 80 : index
      %swap3A_1396 = tpu.vector_load %arg4[%swap3A_1394, %swap3A_1395] {strides = array<i32>} : memref<104x128xi32, #tpu.memory_space<vmem>>, vector<16xi32>,
      tpu.vector_store %arg4[%swap3A_1394, %swap3A_1395], %get3A_1393 {strides = array<i32>} : memref<104x128xi32, #tpu.memory_space<vmem>>, vector<16xi32>,
      %mul3A_1397 = arith.constant 128 : i32
      %mul3A_1398 = arith.muli %add3A_1342, %mul3A_1397 : i32
      %add3A_1399 = arith.constant 96 : i32
      %add3A_1400 = arith.addi %mul3A_1398, %add3A_1399 : i32
      %get3A_1401 = arith.index_cast %add3A_1400 : i32 to index
      %get3A_1402 = tpu.vector_load %arg5[%get3A_1401] {strides = array<i32>} : memref<13312xi32, #tpu.memory_space<vmem>>, vector<16xi32>,
      %swap3A_1403 = arith.index_cast %add3A_1342 : i32 to index
      %swap3A_1404 = arith.constant 96 : index
      %swap3A_1405 = tpu.vector_load %arg4[%swap3A_1403, %swap3A_1404] {strides = array<i32>} : memref<104x128xi32, #tpu.memory_space<vmem>>, vector<16xi32>,
      tpu.vector_store %arg4[%swap3A_1403, %swap3A_1404], %get3A_1402 {strides = array<i32>} : memref<104x128xi32, #tpu.memory_space<vmem>>, vector<16xi32>,
      %mul3A_1406 = arith.constant 128 : i32
      %mul3A_1407 = arith.muli %add3A_1342, %mul3A_1406 : i32
      %add3A_1408 = arith.constant 112 : i32
      %add3A_1409 = arith.addi %mul3A_1407, %add3A_1408 : i32
      %get3A_1410 = arith.index_cast %add3A_1409 : i32 to index
      %get3A_1411 = tpu.vector_load %arg5[%get3A_1410] {strides = array<i32>} : memref<13312xi32, #tpu.memory_space<vmem>>, vector<16xi32>,
      %swap3A_1412 = arith.index_cast %add3A_1342 : i32 to index
      %swap3A_1413 = arith.constant 112 : index
      %swap3A_1414 = tpu.vector_load %arg4[%swap3A_1412, %swap3A_1413] {strides = array<i32>} : memref<104x128xi32, #tpu.memory_space<vmem>>, vector<16xi32>,
      tpu.vector_store %arg4[%swap3A_1412, %swap3A_1413], %get3A_1411 {strides = array<i32>} : memref<104x128xi32, #tpu.memory_space<vmem>>, vector<16xi32>,
      %mul3A_1415 = arith.constant 8 : i32
      %mul3A_1416 = arith.muli %while3A_1185, %mul3A_1415 : i32
      %add3A_1417 = arith.constant 3 : i32
      %add3A_1418 = arith.addi %mul3A_1416, %add3A_1417 : i32
      %mul3A_1419 = arith.constant 128 : i32
      %mul3A_1420 = arith.muli %add3A_1418, %mul3A_1419 : i32
      %add3A_1421 = arith.constant 0 : i32
      %add3A_1422 = arith.addi %mul3A_1420, %add3A_1421 : i32
      %get3A_1423 = arith.index_cast %add3A_1422 : i32 to index
      %get3A_1424 = tpu.vector_load %arg5[%get3A_1423] {strides = array<i32>} : memref<13312xi32, #tpu.memory_space<vmem>>, vector<16xi32>,
      %swap3A_1425 = arith.index_cast %add3A_1418 : i32 to index
      %swap3A_1426 = arith.constant 0 : index
      %swap3A_1427 = tpu.vector_load %arg4[%swap3A_1425, %swap3A_1426] {strides = array<i32>} : memref<104x128xi32, #tpu.memory_space<vmem>>, vector<16xi32>,
      tpu.vector_store %arg4[%swap3A_1425, %swap3A_1426], %get3A_1424 {strides = array<i32>} : memref<104x128xi32, #tpu.memory_space<vmem>>, vector<16xi32>,
      %mul3A_1428 = arith.constant 128 : i32
      %mul3A_1429 = arith.muli %add3A_1418, %mul3A_1428 : i32
      %add3A_1430 = arith.constant 16 : i32
      %add3A_1431 = arith.addi %mul3A_1429, %add3A_1430 : i32
      %get3A_1432 = arith.index_cast %add3A_1431 : i32 to index
      %get3A_1433 = tpu.vector_load %arg5[%get3A_1432] {strides = array<i32>} : memref<13312xi32, #tpu.memory_space<vmem>>, vector<16xi32>,
      %swap3A_1434 = arith.index_cast %add3A_1418 : i32 to index
      %swap3A_1435 = arith.constant 16 : index
      %swap3A_1436 = tpu.vector_load %arg4[%swap3A_1434, %swap3A_1435] {strides = array<i32>} : memref<104x128xi32, #tpu.memory_space<vmem>>, vector<16xi32>,
      tpu.vector_store %arg4[%swap3A_1434, %swap3A_1435], %get3A_1433 {strides = array<i32>} : memref<104x128xi32, #tpu.memory_space<vmem>>, vector<16xi32>,
      %mul3A_1437 = arith.constant 128 : i32
      %mul3A_1438 = arith.muli %add3A_1418, %mul3A_1437 : i32
      %add3A_1439 = arith.constant 32 : i32
      %add3A_1440 = arith.addi %mul3A_1438, %add3A_1439 : i32
      %get3A_1441 = arith.index_cast %add3A_1440 : i32 to index
      %get3A_1442 = tpu.vector_load %arg5[%get3A_1441] {strides = array<i32>} : memref<13312xi32, #tpu.memory_space<vmem>>, vector<16xi32>,
      %swap3A_1443 = arith.index_cast %add3A_1418 : i32 to index
      %swap3A_1444 = arith.constant 32 : index
      %swap3A_1445 = tpu.vector_load %arg4[%swap3A_1443, %swap3A_1444] {strides = array<i32>} : memref<104x128xi32, #tpu.memory_space<vmem>>, vector<16xi32>,
      tpu.vector_store %arg4[%swap3A_1443, %swap3A_1444], %get3A_1442 {strides = array<i32>} : memref<104x128xi32, #tpu.memory_space<vmem>>, vector<16xi32>,
      %mul3A_1446 = arith.constant 128 : i32
      %mul3A_1447 = arith.muli %add3A_1418, %mul3A_1446 : i32
      %add3A_1448 = arith.constant 48 : i32
      %add3A_1449 = arith.addi %mul3A_1447, %add3A_1448 : i32
      %get3A_1450 = arith.index_cast %add3A_1449 : i32 to index
      %get3A_1451 = tpu.vector_load %arg5[%get3A_1450] {strides = array<i32>} : memref<13312xi32, #tpu.memory_space<vmem>>, vector<16xi32>,
      %swap3A_1452 = arith.index_cast %add3A_1418 : i32 to index
      %swap3A_1453 = arith.constant 48 : index
      %swap3A_1454 = tpu.vector_load %arg4[%swap3A_1452, %swap3A_1453] {strides = array<i32>} : memref<104x128xi32, #tpu.memory_space<vmem>>, vector<16xi32>,
      tpu.vector_store %arg4[%swap3A_1452, %swap3A_1453], %get3A_1451 {strides = array<i32>} : memref<104x128xi32, #tpu.memory_space<vmem>>, vector<16xi32>,
      %mul3A_1455 = arith.constant 128 : i32
      %mul3A_1456 = arith.muli %add3A_1418, %mul3A_1455 : i32
      %add3A_1457 = arith.constant 64 : i32
      %add3A_1458 = arith.addi %mul3A_1456, %add3A_1457 : i32
      %get3A_1459 = arith.index_cast %add3A_1458 : i32 to index
      %get3A_1460 = tpu.vector_load %arg5[%get3A_1459] {strides = array<i32>} : memref<13312xi32, #tpu.memory_space<vmem>>, vector<16xi32>,
      %swap3A_1461 = arith.index_cast %add3A_1418 : i32 to index
      %swap3A_1462 = arith.constant 64 : index
      %swap3A_1463 = tpu.vector_load %arg4[%swap3A_1461, %swap3A_1462] {strides = array<i32>} : memref<104x128xi32, #tpu.memory_space<vmem>>, vector<16xi32>,
      tpu.vector_store %arg4[%swap3A_1461, %swap3A_1462], %get3A_1460 {strides = array<i32>} : memref<104x128xi32, #tpu.memory_space<vmem>>, vector<16xi32>,
      %mul3A_1464 = arith.constant 128 : i32
      %mul3A_1465 = arith.muli %add3A_1418, %mul3A_1464 : i32
      %add3A_1466 = arith.constant 80 : i32
      %add3A_1467 = arith.addi %mul3A_1465, %add3A_1466 : i32
      %get3A_1468 = arith.index_cast %add3A_1467 : i32 to index
      %get3A_1469 = tpu.vector_load %arg5[%get3A_1468] {strides = array<i32>} : memref<13312xi32, #tpu.memory_space<vmem>>, vector<16xi32>,
      %swap3A_1470 = arith.index_cast %add3A_1418 : i32 to index
      %swap3A_1471 = arith.constant 80 : index
      %swap3A_1472 = tpu.vector_load %arg4[%swap3A_1470, %swap3A_1471] {strides = array<i32>} : memref<104x128xi32, #tpu.memory_space<vmem>>, vector<16xi32>,
      tpu.vector_store %arg4[%swap3A_1470, %swap3A_1471], %get3A_1469 {strides = array<i32>} : memref<104x128xi32, #tpu.memory_space<vmem>>, vector<16xi32>,
      %mul3A_1473 = arith.constant 128 : i32
      %mul3A_1474 = arith.muli %add3A_1418, %mul3A_1473 : i32
      %add3A_1475 = arith.constant 96 : i32
      %add3A_1476 = arith.addi %mul3A_1474, %add3A_1475 : i32
      %get3A_1477 = arith.index_cast %add3A_1476 : i32 to index
      %get3A_1478 = tpu.vector_load %arg5[%get3A_1477] {strides = array<i32>} : memref<13312xi32, #tpu.memory_space<vmem>>, vector<16xi32>,
      %swap3A_1479 = arith.index_cast %add3A_1418 : i32 to index
      %swap3A_1480 = arith.constant 96 : index
      %swap3A_1481 = tpu.vector_load %arg4[%swap3A_1479, %swap3A_1480] {strides = array<i32>} : memref<104x128xi32, #tpu.memory_space<vmem>>, vector<16xi32>,
      tpu.vector_store %arg4[%swap3A_1479, %swap3A_1480], %get3A_1478 {strides = array<i32>} : memref<104x128xi32, #tpu.memory_space<vmem>>, vector<16xi32>,
      %mul3A_1482 = arith.constant 128 : i32
      %mul3A_1483 = arith.muli %add3A_1418, %mul3A_1482 : i32
      %add3A_1484 = arith.constant 112 : i32
      %add3A_1485 = arith.addi %mul3A_1483, %add3A_1484 : i32
      %get3A_1486 = arith.index_cast %add3A_1485 : i32 to index
      %get3A_1487 = tpu.vector_load %arg5[%get3A_1486] {strides = array<i32>} : memref<13312xi32, #tpu.memory_space<vmem>>, vector<16xi32>,
      %swap3A_1488 = arith.index_cast %add3A_1418 : i32 to index
      %swap3A_1489 = arith.constant 112 : index
      %swap3A_1490 = tpu.vector_load %arg4[%swap3A_1488, %swap3A_1489] {strides = array<i32>} : memref<104x128xi32, #tpu.memory_space<vmem>>, vector<16xi32>,
      tpu.vector_store %arg4[%swap3A_1488, %swap3A_1489], %get3A_1487 {strides = array<i32>} : memref<104x128xi32, #tpu.memory_space<vmem>>, vector<16xi32>,
      %mul3A_1491 = arith.constant 8 : i32
      %mul3A_1492 = arith.muli %while3A_1185, %mul3A_1491 : i32
      %add3A_1493 = arith.constant 4 : i32
      %add3A_1494 = arith.addi %mul3A_1492, %add3A_1493 : i32
      %mul3A_1495 = arith.constant 128 : i32
      %mul3A_1496 = arith.muli %add3A_1494, %mul3A_1495 : i32
      %add3A_1497 = arith.constant 0 : i32
      %add3A_1498 = arith.addi %mul3A_1496, %add3A_1497 : i32
      %get3A_1499 = arith.index_cast %add3A_1498 : i32 to index
      %get3A_1500 = tpu.vector_load %arg5[%get3A_1499] {strides = array<i32>} : memref<13312xi32, #tpu.memory_space<vmem>>, vector<16xi32>,
      %swap3A_1501 = arith.index_cast %add3A_1494 : i32 to index
      %swap3A_1502 = arith.constant 0 : index
      %swap3A_1503 = tpu.vector_load %arg4[%swap3A_1501, %swap3A_1502] {strides = array<i32>} : memref<104x128xi32, #tpu.memory_space<vmem>>, vector<16xi32>,
      tpu.vector_store %arg4[%swap3A_1501, %swap3A_1502], %get3A_1500 {strides = array<i32>} : memref<104x128xi32, #tpu.memory_space<vmem>>, vector<16xi32>,
      %mul3A_1504 = arith.constant 128 : i32
      %mul3A_1505 = arith.muli %add3A_1494, %mul3A_1504 : i32
      %add3A_1506 = arith.constant 16 : i32
      %add3A_1507 = arith.addi %mul3A_1505, %add3A_1506 : i32
      %get3A_1508 = arith.index_cast %add3A_1507 : i32 to index
      %get3A_1509 = tpu.vector_load %arg5[%get3A_1508] {strides = array<i32>} : memref<13312xi32, #tpu.memory_space<vmem>>, vector<16xi32>,
      %swap3A_1510 = arith.index_cast %add3A_1494 : i32 to index
      %swap3A_1511 = arith.constant 16 : index
      %swap3A_1512 = tpu.vector_load %arg4[%swap3A_1510, %swap3A_1511] {strides = array<i32>} : memref<104x128xi32, #tpu.memory_space<vmem>>, vector<16xi32>,
      tpu.vector_store %arg4[%swap3A_1510, %swap3A_1511], %get3A_1509 {strides = array<i32>} : memref<104x128xi32, #tpu.memory_space<vmem>>, vector<16xi32>,
      %mul3A_1513 = arith.constant 128 : i32
      %mul3A_1514 = arith.muli %add3A_1494, %mul3A_1513 : i32
      %add3A_1515 = arith.constant 32 : i32
      %add3A_1516 = arith.addi %mul3A_1514, %add3A_1515 : i32
      %get3A_1517 = arith.index_cast %add3A_1516 : i32 to index
      %get3A_1518 = tpu.vector_load %arg5[%get3A_1517] {strides = array<i32>} : memref<13312xi32, #tpu.memory_space<vmem>>, vector<16xi32>,
      %swap3A_1519 = arith.index_cast %add3A_1494 : i32 to index
      %swap3A_1520 = arith.constant 32 : index
      %swap3A_1521 = tpu.vector_load %arg4[%swap3A_1519, %swap3A_1520] {strides = array<i32>} : memref<104x128xi32, #tpu.memory_space<vmem>>, vector<16xi32>,
      tpu.vector_store %arg4[%swap3A_1519, %swap3A_1520], %get3A_1518 {strides = array<i32>} : memref<104x128xi32, #tpu.memory_space<vmem>>, vector<16xi32>,
      %mul3A_1522 = arith.constant 128 : i32
      %mul3A_1523 = arith.muli %add3A_1494, %mul3A_1522 : i32
      %add3A_1524 = arith.constant 48 : i32
      %add3A_1525 = arith.addi %mul3A_1523, %add3A_1524 : i32
      %get3A_1526 = arith.index_cast %add3A_1525 : i32 to index
      %get3A_1527 = tpu.vector_load %arg5[%get3A_1526] {strides = array<i32>} : memref<13312xi32, #tpu.memory_space<vmem>>, vector<16xi32>,
      %swap3A_1528 = arith.index_cast %add3A_1494 : i32 to index
      %swap3A_1529 = arith.constant 48 : index
      %swap3A_1530 = tpu.vector_load %arg4[%swap3A_1528, %swap3A_1529] {strides = array<i32>} : memref<104x128xi32, #tpu.memory_space<vmem>>, vector<16xi32>,
      tpu.vector_store %arg4[%swap3A_1528, %swap3A_1529], %get3A_1527 {strides = array<i32>} : memref<104x128xi32, #tpu.memory_space<vmem>>, vector<16xi32>,
      %mul3A_1531 = arith.constant 128 : i32
      %mul3A_1532 = arith.muli %add3A_1494, %mul3A_1531 : i32
      %add3A_1533 = arith.constant 64 : i32
      %add3A_1534 = arith.addi %mul3A_1532, %add3A_1533 : i32
      %get3A_1535 = arith.index_cast %add3A_1534 : i32 to index
      %get3A_1536 = tpu.vector_load %arg5[%get3A_1535] {strides = array<i32>} : memref<13312xi32, #tpu.memory_space<vmem>>, vector<16xi32>,
      %swap3A_1537 = arith.index_cast %add3A_1494 : i32 to index
      %swap3A_1538 = arith.constant 64 : index
      %swap3A_1539 = tpu.vector_load %arg4[%swap3A_1537, %swap3A_1538] {strides = array<i32>} : memref<104x128xi32, #tpu.memory_space<vmem>>, vector<16xi32>,
      tpu.vector_store %arg4[%swap3A_1537, %swap3A_1538], %get3A_1536 {strides = array<i32>} : memref<104x128xi32, #tpu.memory_space<vmem>>, vector<16xi32>,
      %mul3A_1540 = arith.constant 128 : i32
      %mul3A_1541 = arith.muli %add3A_1494, %mul3A_1540 : i32
      %add3A_1542 = arith.constant 80 : i32
      %add3A_1543 = arith.addi %mul3A_1541, %add3A_1542 : i32
      %get3A_1544 = arith.index_cast %add3A_1543 : i32 to index
      %get3A_1545 = tpu.vector_load %arg5[%get3A_1544] {strides = array<i32>} : memref<13312xi32, #tpu.memory_space<vmem>>, vector<16xi32>,
      %swap3A_1546 = arith.index_cast %add3A_1494 : i32 to index
      %swap3A_1547 = arith.constant 80 : index
      %swap3A_1548 = tpu.vector_load %arg4[%swap3A_1546, %swap3A_1547] {strides = array<i32>} : memref<104x128xi32, #tpu.memory_space<vmem>>, vector<16xi32>,
      tpu.vector_store %arg4[%swap3A_1546, %swap3A_1547], %get3A_1545 {strides = array<i32>} : memref<104x128xi32, #tpu.memory_space<vmem>>, vector<16xi32>,
      %mul3A_1549 = arith.constant 128 : i32
      %mul3A_1550 = arith.muli %add3A_1494, %mul3A_1549 : i32
      %add3A_1551 = arith.constant 96 : i32
      %add3A_1552 = arith.addi %mul3A_1550, %add3A_1551 : i32
      %get3A_1553 = arith.index_cast %add3A_1552 : i32 to index
      %get3A_1554 = tpu.vector_load %arg5[%get3A_1553] {strides = array<i32>} : memref<13312xi32, #tpu.memory_space<vmem>>, vector<16xi32>,
      %swap3A_1555 = arith.index_cast %add3A_1494 : i32 to index
      %swap3A_1556 = arith.constant 96 : index
      %swap3A_1557 = tpu.vector_load %arg4[%swap3A_1555, %swap3A_1556] {strides = array<i32>} : memref<104x128xi32, #tpu.memory_space<vmem>>, vector<16xi32>,
      tpu.vector_store %arg4[%swap3A_1555, %swap3A_1556], %get3A_1554 {strides = array<i32>} : memref<104x128xi32, #tpu.memory_space<vmem>>, vector<16xi32>,
      %mul3A_1558 = arith.constant 128 : i32
      %mul3A_1559 = arith.muli %add3A_1494, %mul3A_1558 : i32
      %add3A_1560 = arith.constant 112 : i32
      %add3A_1561 = arith.addi %mul3A_1559, %add3A_1560 : i32
      %get3A_1562 = arith.index_cast %add3A_1561 : i32 to index
      %get3A_1563 = tpu.vector_load %arg5[%get3A_1562] {strides = array<i32>} : memref<13312xi32, #tpu.memory_space<vmem>>, vector<16xi32>,
      %swap3A_1564 = arith.index_cast %add3A_1494 : i32 to index
      %swap3A_1565 = arith.constant 112 : index
      %swap3A_1566 = tpu.vector_load %arg4[%swap3A_1564, %swap3A_1565] {strides = array<i32>} : memref<104x128xi32, #tpu.memory_space<vmem>>, vector<16xi32>,
      tpu.vector_store %arg4[%swap3A_1564, %swap3A_1565], %get3A_1563 {strides = array<i32>} : memref<104x128xi32, #tpu.memory_space<vmem>>, vector<16xi32>,
      %mul3A_1567 = arith.constant 8 : i32
      %mul3A_1568 = arith.muli %while3A_1185, %mul3A_1567 : i32
      %add3A_1569 = arith.constant 5 : i32
      %add3A_1570 = arith.addi %mul3A_1568, %add3A_1569 : i32
      %mul3A_1571 = arith.constant 128 : i32
      %mul3A_1572 = arith.muli %add3A_1570, %mul3A_1571 : i32
      %add3A_1573 = arith.constant 0 : i32
      %add3A_1574 = arith.addi %mul3A_1572, %add3A_1573 : i32
      %get3A_1575 = arith.index_cast %add3A_1574 : i32 to index
      %get3A_1576 = tpu.vector_load %arg5[%get3A_1575] {strides = array<i32>} : memref<13312xi32, #tpu.memory_space<vmem>>, vector<16xi32>,
      %swap3A_1577 = arith.index_cast %add3A_1570 : i32 to index
      %swap3A_1578 = arith.constant 0 : index
      %swap3A_1579 = tpu.vector_load %arg4[%swap3A_1577, %swap3A_1578] {strides = array<i32>} : memref<104x128xi32, #tpu.memory_space<vmem>>, vector<16xi32>,
      tpu.vector_store %arg4[%swap3A_1577, %swap3A_1578], %get3A_1576 {strides = array<i32>} : memref<104x128xi32, #tpu.memory_space<vmem>>, vector<16xi32>,
      %mul3A_1580 = arith.constant 128 : i32
      %mul3A_1581 = arith.muli %add3A_1570, %mul3A_1580 : i32
      %add3A_1582 = arith.constant 16 : i32
      %add3A_1583 = arith.addi %mul3A_1581, %add3A_1582 : i32
      %get3A_1584 = arith.index_cast %add3A_1583 : i32 to index
      %get3A_1585 = tpu.vector_load %arg5[%get3A_1584] {strides = array<i32>} : memref<13312xi32, #tpu.memory_space<vmem>>, vector<16xi32>,
      %swap3A_1586 = arith.index_cast %add3A_1570 : i32 to index
      %swap3A_1587 = arith.constant 16 : index
      %swap3A_1588 = tpu.vector_load %arg4[%swap3A_1586, %swap3A_1587] {strides = array<i32>} : memref<104x128xi32, #tpu.memory_space<vmem>>, vector<16xi32>,
      tpu.vector_store %arg4[%swap3A_1586, %swap3A_1587], %get3A_1585 {strides = array<i32>} : memref<104x128xi32, #tpu.memory_space<vmem>>, vector<16xi32>,
      %mul3A_1589 = arith.constant 128 : i32
      %mul3A_1590 = arith.muli %add3A_1570, %mul3A_1589 : i32
      %add3A_1591 = arith.constant 32 : i32
      %add3A_1592 = arith.addi %mul3A_1590, %add3A_1591 : i32
      %get3A_1593 = arith.index_cast %add3A_1592 : i32 to index
      %get3A_1594 = tpu.vector_load %arg5[%get3A_1593] {strides = array<i32>} : memref<13312xi32, #tpu.memory_space<vmem>>, vector<16xi32>,
      %swap3A_1595 = arith.index_cast %add3A_1570 : i32 to index
      %swap3A_1596 = arith.constant 32 : index
      %swap3A_1597 = tpu.vector_load %arg4[%swap3A_1595, %swap3A_1596] {strides = array<i32>} : memref<104x128xi32, #tpu.memory_space<vmem>>, vector<16xi32>,
      tpu.vector_store %arg4[%swap3A_1595, %swap3A_1596], %get3A_1594 {strides = array<i32>} : memref<104x128xi32, #tpu.memory_space<vmem>>, vector<16xi32>,
      %mul3A_1598 = arith.constant 128 : i32
      %mul3A_1599 = arith.muli %add3A_1570, %mul3A_1598 : i32
      %add3A_1600 = arith.constant 48 : i32
      %add3A_1601 = arith.addi %mul3A_1599, %add3A_1600 : i32
      %get3A_1602 = arith.index_cast %add3A_1601 : i32 to index
      %get3A_1603 = tpu.vector_load %arg5[%get3A_1602] {strides = array<i32>} : memref<13312xi32, #tpu.memory_space<vmem>>, vector<16xi32>,
      %swap3A_1604 = arith.index_cast %add3A_1570 : i32 to index
      %swap3A_1605 = arith.constant 48 : index
      %swap3A_1606 = tpu.vector_load %arg4[%swap3A_1604, %swap3A_1605] {strides = array<i32>} : memref<104x128xi32, #tpu.memory_space<vmem>>, vector<16xi32>,
      tpu.vector_store %arg4[%swap3A_1604, %swap3A_1605], %get3A_1603 {strides = array<i32>} : memref<104x128xi32, #tpu.memory_space<vmem>>, vector<16xi32>,
      %mul3A_1607 = arith.constant 128 : i32
      %mul3A_1608 = arith.muli %add3A_1570, %mul3A_1607 : i32
      %add3A_1609 = arith.constant 64 : i32
      %add3A_1610 = arith.addi %mul3A_1608, %add3A_1609 : i32
      %get3A_1611 = arith.index_cast %add3A_1610 : i32 to index
      %get3A_1612 = tpu.vector_load %arg5[%get3A_1611] {strides = array<i32>} : memref<13312xi32, #tpu.memory_space<vmem>>, vector<16xi32>,
      %swap3A_1613 = arith.index_cast %add3A_1570 : i32 to index
      %swap3A_1614 = arith.constant 64 : index
      %swap3A_1615 = tpu.vector_load %arg4[%swap3A_1613, %swap3A_1614] {strides = array<i32>} : memref<104x128xi32, #tpu.memory_space<vmem>>, vector<16xi32>,
      tpu.vector_store %arg4[%swap3A_1613, %swap3A_1614], %get3A_1612 {strides = array<i32>} : memref<104x128xi32, #tpu.memory_space<vmem>>, vector<16xi32>,
      %mul3A_1616 = arith.constant 128 : i32
      %mul3A_1617 = arith.muli %add3A_1570, %mul3A_1616 : i32
      %add3A_1618 = arith.constant 80 : i32
      %add3A_1619 = arith.addi %mul3A_1617, %add3A_1618 : i32
      %get3A_1620 = arith.index_cast %add3A_1619 : i32 to index
      %get3A_1621 = tpu.vector_load %arg5[%get3A_1620] {strides = array<i32>} : memref<13312xi32, #tpu.memory_space<vmem>>, vector<16xi32>,
      %swap3A_1622 = arith.index_cast %add3A_1570 : i32 to index
      %swap3A_1623 = arith.constant 80 : index
      %swap3A_1624 = tpu.vector_load %arg4[%swap3A_1622, %swap3A_1623] {strides = array<i32>} : memref<104x128xi32, #tpu.memory_space<vmem>>, vector<16xi32>,
      tpu.vector_store %arg4[%swap3A_1622, %swap3A_1623], %get3A_1621 {strides = array<i32>} : memref<104x128xi32, #tpu.memory_space<vmem>>, vector<16xi32>,
      %mul3A_1625 = arith.constant 128 : i32
      %mul3A_1626 = arith.muli %add3A_1570, %mul3A_1625 : i32
      %add3A_1627 = arith.constant 96 : i32
      %add3A_1628 = arith.addi %mul3A_1626, %add3A_1627 : i32
      %get3A_1629 = arith.index_cast %add3A_1628 : i32 to index
      %get3A_1630 = tpu.vector_load %arg5[%get3A_1629] {strides = array<i32>} : memref<13312xi32, #tpu.memory_space<vmem>>, vector<16xi32>,
      %swap3A_1631 = arith.index_cast %add3A_1570 : i32 to index
      %swap3A_1632 = arith.constant 96 : index
      %swap3A_1633 = tpu.vector_load %arg4[%swap3A_1631, %swap3A_1632] {strides = array<i32>} : memref<104x128xi32, #tpu.memory_space<vmem>>, vector<16xi32>,
      tpu.vector_store %arg4[%swap3A_1631, %swap3A_1632], %get3A_1630 {strides = array<i32>} : memref<104x128xi32, #tpu.memory_space<vmem>>, vector<16xi32>,
      %mul3A_1634 = arith.constant 128 : i32
      %mul3A_1635 = arith.muli %add3A_1570, %mul3A_1634 : i32
      %add3A_1636 = arith.constant 112 : i32
      %add3A_1637 = arith.addi %mul3A_1635, %add3A_1636 : i32
      %get3A_1638 = arith.index_cast %add3A_1637 : i32 to index
      %get3A_1639 = tpu.vector_load %arg5[%get3A_1638] {strides = array<i32>} : memref<13312xi32, #tpu.memory_space<vmem>>, vector<16xi32>,
      %swap3A_1640 = arith.index_cast %add3A_1570 : i32 to index
      %swap3A_1641 = arith.constant 112 : index
      %swap3A_1642 = tpu.vector_load %arg4[%swap3A_1640, %swap3A_1641] {strides = array<i32>} : memref<104x128xi32, #tpu.memory_space<vmem>>, vector<16xi32>,
      tpu.vector_store %arg4[%swap3A_1640, %swap3A_1641], %get3A_1639 {strides = array<i32>} : memref<104x128xi32, #tpu.memory_space<vmem>>, vector<16xi32>,
      %mul3A_1643 = arith.constant 8 : i32
      %mul3A_1644 = arith.muli %while3A_1185, %mul3A_1643 : i32
      %add3A_1645 = arith.constant 6 : i32
      %add3A_1646 = arith.addi %mul3A_1644, %add3A_1645 : i32
      %mul3A_1647 = arith.constant 128 : i32
      %mul3A_1648 = arith.muli %add3A_1646, %mul3A_1647 : i32
      %add3A_1649 = arith.constant 0 : i32
      %add3A_1650 = arith.addi %mul3A_1648, %add3A_1649 : i32
      %get3A_1651 = arith.index_cast %add3A_1650 : i32 to index
      %get3A_1652 = tpu.vector_load %arg5[%get3A_1651] {strides = array<i32>} : memref<13312xi32, #tpu.memory_space<vmem>>, vector<16xi32>,
      %swap3A_1653 = arith.index_cast %add3A_1646 : i32 to index
      %swap3A_1654 = arith.constant 0 : index
      %swap3A_1655 = tpu.vector_load %arg4[%swap3A_1653, %swap3A_1654] {strides = array<i32>} : memref<104x128xi32, #tpu.memory_space<vmem>>, vector<16xi32>,
      tpu.vector_store %arg4[%swap3A_1653, %swap3A_1654], %get3A_1652 {strides = array<i32>} : memref<104x128xi32, #tpu.memory_space<vmem>>, vector<16xi32>,
      %mul3A_1656 = arith.constant 128 : i32
      %mul3A_1657 = arith.muli %add3A_1646, %mul3A_1656 : i32
      %add3A_1658 = arith.constant 16 : i32
      %add3A_1659 = arith.addi %mul3A_1657, %add3A_1658 : i32
      %get3A_1660 = arith.index_cast %add3A_1659 : i32 to index
      %get3A_1661 = tpu.vector_load %arg5[%get3A_1660] {strides = array<i32>} : memref<13312xi32, #tpu.memory_space<vmem>>, vector<16xi32>,
      %swap3A_1662 = arith.index_cast %add3A_1646 : i32 to index
      %swap3A_1663 = arith.constant 16 : index
      %swap3A_1664 = tpu.vector_load %arg4[%swap3A_1662, %swap3A_1663] {strides = array<i32>} : memref<104x128xi32, #tpu.memory_space<vmem>>, vector<16xi32>,
      tpu.vector_store %arg4[%swap3A_1662, %swap3A_1663], %get3A_1661 {strides = array<i32>} : memref<104x128xi32, #tpu.memory_space<vmem>>, vector<16xi32>,
      %mul3A_1665 = arith.constant 128 : i32
      %mul3A_1666 = arith.muli %add3A_1646, %mul3A_1665 : i32
      %add3A_1667 = arith.constant 32 : i32
      %add3A_1668 = arith.addi %mul3A_1666, %add3A_1667 : i32
      %get3A_1669 = arith.index_cast %add3A_1668 : i32 to index
      %get3A_1670 = tpu.vector_load %arg5[%get3A_1669] {strides = array<i32>} : memref<13312xi32, #tpu.memory_space<vmem>>, vector<16xi32>,
      %swap3A_1671 = arith.index_cast %add3A_1646 : i32 to index
      %swap3A_1672 = arith.constant 32 : index
      %swap3A_1673 = tpu.vector_load %arg4[%swap3A_1671, %swap3A_1672] {strides = array<i32>} : memref<104x128xi32, #tpu.memory_space<vmem>>, vector<16xi32>,
      tpu.vector_store %arg4[%swap3A_1671, %swap3A_1672], %get3A_1670 {strides = array<i32>} : memref<104x128xi32, #tpu.memory_space<vmem>>, vector<16xi32>,
      %mul3A_1674 = arith.constant 128 : i32
      %mul3A_1675 = arith.muli %add3A_1646, %mul3A_1674 : i32
      %add3A_1676 = arith.constant 48 : i32
      %add3A_1677 = arith.addi %mul3A_1675, %add3A_1676 : i32
      %get3A_1678 = arith.index_cast %add3A_1677 : i32 to index
      %get3A_1679 = tpu.vector_load %arg5[%get3A_1678] {strides = array<i32>} : memref<13312xi32, #tpu.memory_space<vmem>>, vector<16xi32>,
      %swap3A_1680 = arith.index_cast %add3A_1646 : i32 to index
      %swap3A_1681 = arith.constant 48 : index
      %swap3A_1682 = tpu.vector_load %arg4[%swap3A_1680, %swap3A_1681] {strides = array<i32>} : memref<104x128xi32, #tpu.memory_space<vmem>>, vector<16xi32>,
      tpu.vector_store %arg4[%swap3A_1680, %swap3A_1681], %get3A_1679 {strides = array<i32>} : memref<104x128xi32, #tpu.memory_space<vmem>>, vector<16xi32>,
      %mul3A_1683 = arith.constant 128 : i32
      %mul3A_1684 = arith.muli %add3A_1646, %mul3A_1683 : i32
      %add3A_1685 = arith.constant 64 : i32
      %add3A_1686 = arith.addi %mul3A_1684, %add3A_1685 : i32
      %get3A_1687 = arith.index_cast %add3A_1686 : i32 to index
      %get3A_1688 = tpu.vector_load %arg5[%get3A_1687] {strides = array<i32>} : memref<13312xi32, #tpu.memory_space<vmem>>, vector<16xi32>,
      %swap3A_1689 = arith.index_cast %add3A_1646 : i32 to index
      %swap3A_1690 = arith.constant 64 : index
      %swap3A_1691 = tpu.vector_load %arg4[%swap3A_1689, %swap3A_1690] {strides = array<i32>} : memref<104x128xi32, #tpu.memory_space<vmem>>, vector<16xi32>,
      tpu.vector_store %arg4[%swap3A_1689, %swap3A_1690], %get3A_1688 {strides = array<i32>} : memref<104x128xi32, #tpu.memory_space<vmem>>, vector<16xi32>,
      %mul3A_1692 = arith.constant 128 : i32
      %mul3A_1693 = arith.muli %add3A_1646, %mul3A_1692 : i32
      %add3A_1694 = arith.constant 80 : i32
      %add3A_1695 = arith.addi %mul3A_1693, %add3A_1694 : i32
      %get3A_1696 = arith.index_cast %add3A_1695 : i32 to index
      %get3A_1697 = tpu.vector_load %arg5[%get3A_1696] {strides = array<i32>} : memref<13312xi32, #tpu.memory_space<vmem>>, vector<16xi32>,
      %swap3A_1698 = arith.index_cast %add3A_1646 : i32 to index
      %swap3A_1699 = arith.constant 80 : index
      %swap3A_1700 = tpu.vector_load %arg4[%swap3A_1698, %swap3A_1699] {strides = array<i32>} : memref<104x128xi32, #tpu.memory_space<vmem>>, vector<16xi32>,
      tpu.vector_store %arg4[%swap3A_1698, %swap3A_1699], %get3A_1697 {strides = array<i32>} : memref<104x128xi32, #tpu.memory_space<vmem>>, vector<16xi32>,
      %mul3A_1701 = arith.constant 128 : i32
      %mul3A_1702 = arith.muli %add3A_1646, %mul3A_1701 : i32
      %add3A_1703 = arith.constant 96 : i32
      %add3A_1704 = arith.addi %mul3A_1702, %add3A_1703 : i32
      %get3A_1705 = arith.index_cast %add3A_1704 : i32 to index
      %get3A_1706 = tpu.vector_load %arg5[%get3A_1705] {strides = array<i32>} : memref<13312xi32, #tpu.memory_space<vmem>>, vector<16xi32>,
      %swap3A_1707 = arith.index_cast %add3A_1646 : i32 to index
      %swap3A_1708 = arith.constant 96 : index
      %swap3A_1709 = tpu.vector_load %arg4[%swap3A_1707, %swap3A_1708] {strides = array<i32>} : memref<104x128xi32, #tpu.memory_space<vmem>>, vector<16xi32>,
      tpu.vector_store %arg4[%swap3A_1707, %swap3A_1708], %get3A_1706 {strides = array<i32>} : memref<104x128xi32, #tpu.memory_space<vmem>>, vector<16xi32>,
      %mul3A_1710 = arith.constant 128 : i32
      %mul3A_1711 = arith.muli %add3A_1646, %mul3A_1710 : i32
      %add3A_1712 = arith.constant 112 : i32
      %add3A_1713 = arith.addi %mul3A_1711, %add3A_1712 : i32
      %get3A_1714 = arith.index_cast %add3A_1713 : i32 to index
      %get3A_1715 = tpu.vector_load %arg5[%get3A_1714] {strides = array<i32>} : memref<13312xi32, #tpu.memory_space<vmem>>, vector<16xi32>,
      %swap3A_1716 = arith.index_cast %add3A_1646 : i32 to index
      %swap3A_1717 = arith.constant 112 : index
      %swap3A_1718 = tpu.vector_load %arg4[%swap3A_1716, %swap3A_1717] {strides = array<i32>} : memref<104x128xi32, #tpu.memory_space<vmem>>, vector<16xi32>,
      tpu.vector_store %arg4[%swap3A_1716, %swap3A_1717], %get3A_1715 {strides = array<i32>} : memref<104x128xi32, #tpu.memory_space<vmem>>, vector<16xi32>,
      %mul3A_1719 = arith.constant 8 : i32
      %mul3A_1720 = arith.muli %while3A_1185, %mul3A_1719 : i32
      %add3A_1721 = arith.constant 7 : i32
      %add3A_1722 = arith.addi %mul3A_1720, %add3A_1721 : i32
      %mul3A_1723 = arith.constant 128 : i32
      %mul3A_1724 = arith.muli %add3A_1722, %mul3A_1723 : i32
      %add3A_1725 = arith.constant 0 : i32
      %add3A_1726 = arith.addi %mul3A_1724, %add3A_1725 : i32
      %get3A_1727 = arith.index_cast %add3A_1726 : i32 to index
      %get3A_1728 = tpu.vector_load %arg5[%get3A_1727] {strides = array<i32>} : memref<13312xi32, #tpu.memory_space<vmem>>, vector<16xi32>,
      %swap3A_1729 = arith.index_cast %add3A_1722 : i32 to index
      %swap3A_1730 = arith.constant 0 : index
      %swap3A_1731 = tpu.vector_load %arg4[%swap3A_1729, %swap3A_1730] {strides = array<i32>} : memref<104x128xi32, #tpu.memory_space<vmem>>, vector<16xi32>,
      tpu.vector_store %arg4[%swap3A_1729, %swap3A_1730], %get3A_1728 {strides = array<i32>} : memref<104x128xi32, #tpu.memory_space<vmem>>, vector<16xi32>,
      %mul3A_1732 = arith.constant 128 : i32
      %mul3A_1733 = arith.muli %add3A_1722, %mul3A_1732 : i32
      %add3A_1734 = arith.constant 16 : i32
      %add3A_1735 = arith.addi %mul3A_1733, %add3A_1734 : i32
      %get3A_1736 = arith.index_cast %add3A_1735 : i32 to index
      %get3A_1737 = tpu.vector_load %arg5[%get3A_1736] {strides = array<i32>} : memref<13312xi32, #tpu.memory_space<vmem>>, vector<16xi32>,
      %swap3A_1738 = arith.index_cast %add3A_1722 : i32 to index
      %swap3A_1739 = arith.constant 16 : index
      %swap3A_1740 = tpu.vector_load %arg4[%swap3A_1738, %swap3A_1739] {strides = array<i32>} : memref<104x128xi32, #tpu.memory_space<vmem>>, vector<16xi32>,
      tpu.vector_store %arg4[%swap3A_1738, %swap3A_1739], %get3A_1737 {strides = array<i32>} : memref<104x128xi32, #tpu.memory_space<vmem>>, vector<16xi32>,
      %mul3A_1741 = arith.constant 128 : i32
      %mul3A_1742 = arith.muli %add3A_1722, %mul3A_1741 : i32
      %add3A_1743 = arith.constant 32 : i32
      %add3A_1744 = arith.addi %mul3A_1742, %add3A_1743 : i32
      %get3A_1745 = arith.index_cast %add3A_1744 : i32 to index
      %get3A_1746 = tpu.vector_load %arg5[%get3A_1745] {strides = array<i32>} : memref<13312xi32, #tpu.memory_space<vmem>>, vector<16xi32>,
      %swap3A_1747 = arith.index_cast %add3A_1722 : i32 to index
      %swap3A_1748 = arith.constant 32 : index
      %swap3A_1749 = tpu.vector_load %arg4[%swap3A_1747, %swap3A_1748] {strides = array<i32>} : memref<104x128xi32, #tpu.memory_space<vmem>>, vector<16xi32>,
      tpu.vector_store %arg4[%swap3A_1747, %swap3A_1748], %get3A_1746 {strides = array<i32>} : memref<104x128xi32, #tpu.memory_space<vmem>>, vector<16xi32>,
      %mul3A_1750 = arith.constant 128 : i32
      %mul3A_1751 = arith.muli %add3A_1722, %mul3A_1750 : i32
      %add3A_1752 = arith.constant 48 : i32
      %add3A_1753 = arith.addi %mul3A_1751, %add3A_1752 : i32
      %get3A_1754 = arith.index_cast %add3A_1753 : i32 to index
      %get3A_1755 = tpu.vector_load %arg5[%get3A_1754] {strides = array<i32>} : memref<13312xi32, #tpu.memory_space<vmem>>, vector<16xi32>,
      %swap3A_1756 = arith.index_cast %add3A_1722 : i32 to index
      %swap3A_1757 = arith.constant 48 : index
      %swap3A_1758 = tpu.vector_load %arg4[%swap3A_1756, %swap3A_1757] {strides = array<i32>} : memref<104x128xi32, #tpu.memory_space<vmem>>, vector<16xi32>,
      tpu.vector_store %arg4[%swap3A_1756, %swap3A_1757], %get3A_1755 {strides = array<i32>} : memref<104x128xi32, #tpu.memory_space<vmem>>, vector<16xi32>,
      %mul3A_1759 = arith.constant 128 : i32
      %mul3A_1760 = arith.muli %add3A_1722, %mul3A_1759 : i32
      %add3A_1761 = arith.constant 64 : i32
      %add3A_1762 = arith.addi %mul3A_1760, %add3A_1761 : i32
      %get3A_1763 = arith.index_cast %add3A_1762 : i32 to index
      %get3A_1764 = tpu.vector_load %arg5[%get3A_1763] {strides = array<i32>} : memref<13312xi32, #tpu.memory_space<vmem>>, vector<16xi32>,
      %swap3A_1765 = arith.index_cast %add3A_1722 : i32 to index
      %swap3A_1766 = arith.constant 64 : index
      %swap3A_1767 = tpu.vector_load %arg4[%swap3A_1765, %swap3A_1766] {strides = array<i32>} : memref<104x128xi32, #tpu.memory_space<vmem>>, vector<16xi32>,
      tpu.vector_store %arg4[%swap3A_1765, %swap3A_1766], %get3A_1764 {strides = array<i32>} : memref<104x128xi32, #tpu.memory_space<vmem>>, vector<16xi32>,
      %mul3A_1768 = arith.constant 128 : i32
      %mul3A_1769 = arith.muli %add3A_1722, %mul3A_1768 : i32
      %add3A_1770 = arith.constant 80 : i32
      %add3A_1771 = arith.addi %mul3A_1769, %add3A_1770 : i32
      %get3A_1772 = arith.index_cast %add3A_1771 : i32 to index
      %get3A_1773 = tpu.vector_load %arg5[%get3A_1772] {strides = array<i32>} : memref<13312xi32, #tpu.memory_space<vmem>>, vector<16xi32>,
      %swap3A_1774 = arith.index_cast %add3A_1722 : i32 to index
      %swap3A_1775 = arith.constant 80 : index
      %swap3A_1776 = tpu.vector_load %arg4[%swap3A_1774, %swap3A_1775] {strides = array<i32>} : memref<104x128xi32, #tpu.memory_space<vmem>>, vector<16xi32>,
      tpu.vector_store %arg4[%swap3A_1774, %swap3A_1775], %get3A_1773 {strides = array<i32>} : memref<104x128xi32, #tpu.memory_space<vmem>>, vector<16xi32>,
      %mul3A_1777 = arith.constant 128 : i32
      %mul3A_1778 = arith.muli %add3A_1722, %mul3A_1777 : i32
      %add3A_1779 = arith.constant 96 : i32
      %add3A_1780 = arith.addi %mul3A_1778, %add3A_1779 : i32
      %get3A_1781 = arith.index_cast %add3A_1780 : i32 to index
      %get3A_1782 = tpu.vector_load %arg5[%get3A_1781] {strides = array<i32>} : memref<13312xi32, #tpu.memory_space<vmem>>, vector<16xi32>,
      %swap3A_1783 = arith.index_cast %add3A_1722 : i32 to index
      %swap3A_1784 = arith.constant 96 : index
      %swap3A_1785 = tpu.vector_load %arg4[%swap3A_1783, %swap3A_1784] {strides = array<i32>} : memref<104x128xi32, #tpu.memory_space<vmem>>, vector<16xi32>,
      tpu.vector_store %arg4[%swap3A_1783, %swap3A_1784], %get3A_1782 {strides = array<i32>} : memref<104x128xi32, #tpu.memory_space<vmem>>, vector<16xi32>,
      %mul3A_1786 = arith.constant 128 : i32
      %mul3A_1787 = arith.muli %add3A_1722, %mul3A_1786 : i32
      %add3A_1788 = arith.constant 112 : i32
      %add3A_1789 = arith.addi %mul3A_1787, %add3A_1788 : i32
      %get3A_1790 = arith.index_cast %add3A_1789 : i32 to index
      %get3A_1791 = tpu.vector_load %arg5[%get3A_1790] {strides = array<i32>} : memref<13312xi32, #tpu.memory_space<vmem>>, vector<16xi32>,
      %swap3A_1792 = arith.index_cast %add3A_1722 : i32 to index
      %swap3A_1793 = arith.constant 112 : index
      %swap3A_1794 = tpu.vector_load %arg4[%swap3A_1792, %swap3A_1793] {strides = array<i32>} : memref<104x128xi32, #tpu.memory_space<vmem>>, vector<16xi32>,
      tpu.vector_store %arg4[%swap3A_1792, %swap3A_1793], %get3A_1791 {strides = array<i32>} : memref<104x128xi32, #tpu.memory_space<vmem>>, vector<16xi32>,
      %mul3A_1795 = arith.constant 8 : i32
      %mul3A_1796 = arith.muli %while3A_1185, %mul3A_1795 : i32
      %add3A_1797 = arith.constant 0 : i32
      %add3A_1798 = arith.addi %mul3A_1796, %add3A_1797 : i32
      %dma_start3A_1799 = arith.constant 0 : i32
      %dma_start3A_1800 = tpu.memref_slice %arg4[%add3A_1798, %dma_start3A_1799] : memref<104x128xi32, #tpu.memory_space<vmem>> -> memref<1x128xi32, #tpu.memory_space<vmem>>
      %dma_start3A_1801 = tpu.memref_squeeze %dma_start3A_1800 : memref<1x128xi32, #tpu.memory_space<vmem>> -> memref<128xi32, #tpu.memory_space<vmem>>
      %dma_start3A_1802 = arith.constant 0 : i32
      %dma_start3A_1803 = tpu.memref_slice %arg17[%dma_start3A_1802] : memref<10240xf32, #tpu.memory_space<vmem_shared>> -> memref<10240xf32, #tpu.memory_space<vmem_shared>>
      tpu.enqueue_indirect_dma source(%arg8 : memref<128xf32, #tpu.memory_space<vmem>>) target(%dma_start3A_1803 : memref<10240xf32, #tpu.memory_space<vmem_shared>>) offsets(%dma_start3A_1801 : memref<128xi32, #tpu.memory_space<vmem>>) semaphore(%arg18 : memref<!tpu.dma_semaphore, #tpu.memory_space<semaphore_mem>>) {add = true}
      %mul3A_1804 = arith.constant 8 : i32
      %mul3A_1805 = arith.muli %while3A_1185, %mul3A_1804 : i32
      %add3A_1806 = arith.constant 1 : i32
      %add3A_1807 = arith.addi %mul3A_1805, %add3A_1806 : i32
      %dma_start3A_1808 = arith.constant 0 : i32
      %dma_start3A_1809 = tpu.memref_slice %arg4[%add3A_1807, %dma_start3A_1808] : memref<104x128xi32, #tpu.memory_space<vmem>> -> memref<1x128xi32, #tpu.memory_space<vmem>>
      %dma_start3A_1810 = tpu.memref_squeeze %dma_start3A_1809 : memref<1x128xi32, #tpu.memory_space<vmem>> -> memref<128xi32, #tpu.memory_space<vmem>>
      %dma_start3A_1811 = arith.constant 0 : i32
      %dma_start3A_1812 = tpu.memref_slice %arg17[%dma_start3A_1811] : memref<10240xf32, #tpu.memory_space<vmem_shared>> -> memref<10240xf32, #tpu.memory_space<vmem_shared>>
      tpu.enqueue_indirect_dma source(%arg8 : memref<128xf32, #tpu.memory_space<vmem>>) target(%dma_start3A_1812 : memref<10240xf32, #tpu.memory_space<vmem_shared>>) offsets(%dma_start3A_1810 : memref<128xi32, #tpu.memory_space<vmem>>) semaphore(%arg18 : memref<!tpu.dma_semaphore, #tpu.memory_space<semaphore_mem>>) {add = true}
      %mul3A_1813 = arith.constant 8 : i32
      %mul3A_1814 = arith.muli %while3A_1185, %mul3A_1813 : i32
      %add3A_1815 = arith.constant 2 : i32
      %add3A_1816 = arith.addi %mul3A_1814, %add3A_1815 : i32
      %dma_start3A_1817 = arith.constant 0 : i32
      %dma_start3A_1818 = tpu.memref_slice %arg4[%add3A_1816, %dma_start3A_1817] : memref<104x128xi32, #tpu.memory_space<vmem>> -> memref<1x128xi32, #tpu.memory_space<vmem>>
      %dma_start3A_1819 = tpu.memref_squeeze %dma_start3A_1818 : memref<1x128xi32, #tpu.memory_space<vmem>> -> memref<128xi32, #tpu.memory_space<vmem>>
      %dma_start3A_1820 = arith.constant 0 : i32
      %dma_start3A_1821 = tpu.memref_slice %arg17[%dma_start3A_1820] : memref<10240xf32, #tpu.memory_space<vmem_shared>> -> memref<10240xf32, #tpu.memory_space<vmem_shared>>
      tpu.enqueue_indirect_dma source(%arg8 : memref<128xf32, #tpu.memory_space<vmem>>) target(%dma_start3A_1821 : memref<10240xf32, #tpu.memory_space<vmem_shared>>) offsets(%dma_start3A_1819 : memref<128xi32, #tpu.memory_space<vmem>>) semaphore(%arg18 : memref<!tpu.dma_semaphore, #tpu.memory_space<semaphore_mem>>) {add = true}
      %mul3A_1822 = arith.constant 8 : i32
      %mul3A_1823 = arith.muli %while3A_1185, %mul3A_1822 : i32
      %add3A_1824 = arith.constant 3 : i32
      %add3A_1825 = arith.addi %mul3A_1823, %add3A_1824 : i32
      %dma_start3A_1826 = arith.constant 0 : i32
      %dma_start3A_1827 = tpu.memref_slice %arg4[%add3A_1825, %dma_start3A_1826] : memref<104x128xi32, #tpu.memory_space<vmem>> -> memref<1x128xi32, #tpu.memory_space<vmem>>
      %dma_start3A_1828 = tpu.memref_squeeze %dma_start3A_1827 : memref<1x128xi32, #tpu.memory_space<vmem>> -> memref<128xi32, #tpu.memory_space<vmem>>
      %dma_start3A_1829 = arith.constant 0 : i32
      %dma_start3A_1830 = tpu.memref_slice %arg17[%dma_start3A_1829] : memref<10240xf32, #tpu.memory_space<vmem_shared>> -> memref<10240xf32, #tpu.memory_space<vmem_shared>>
      tpu.enqueue_indirect_dma source(%arg8 : memref<128xf32, #tpu.memory_space<vmem>>) target(%dma_start3A_1830 : memref<10240xf32, #tpu.memory_space<vmem_shared>>) offsets(%dma_start3A_1828 : memref<128xi32, #tpu.memory_space<vmem>>) semaphore(%arg18 : memref<!tpu.dma_semaphore, #tpu.memory_space<semaphore_mem>>) {add = true}
      %mul3A_1831 = arith.constant 8 : i32
      %mul3A_1832 = arith.muli %while3A_1185, %mul3A_1831 : i32
      %add3A_1833 = arith.constant 4 : i32
      %add3A_1834 = arith.addi %mul3A_1832, %add3A_1833 : i32
      %dma_start3A_1835 = arith.constant 0 : i32
      %dma_start3A_1836 = tpu.memref_slice %arg4[%add3A_1834, %dma_start3A_1835] : memref<104x128xi32, #tpu.memory_space<vmem>> -> memref<1x128xi32, #tpu.memory_space<vmem>>
      %dma_start3A_1837 = tpu.memref_squeeze %dma_start3A_1836 : memref<1x128xi32, #tpu.memory_space<vmem>> -> memref<128xi32, #tpu.memory_space<vmem>>
      %dma_start3A_1838 = arith.constant 0 : i32
      %dma_start3A_1839 = tpu.memref_slice %arg17[%dma_start3A_1838] : memref<10240xf32, #tpu.memory_space<vmem_shared>> -> memref<10240xf32, #tpu.memory_space<vmem_shared>>
      tpu.enqueue_indirect_dma source(%arg8 : memref<128xf32, #tpu.memory_space<vmem>>) target(%dma_start3A_1839 : memref<10240xf32, #tpu.memory_space<vmem_shared>>) offsets(%dma_start3A_1837 : memref<128xi32, #tpu.memory_space<vmem>>) semaphore(%arg18 : memref<!tpu.dma_semaphore, #tpu.memory_space<semaphore_mem>>) {add = true}
      %mul3A_1840 = arith.constant 8 : i32
      %mul3A_1841 = arith.muli %while3A_1185, %mul3A_1840 : i32
      %add3A_1842 = arith.constant 5 : i32
      %add3A_1843 = arith.addi %mul3A_1841, %add3A_1842 : i32
      %dma_start3A_1844 = arith.constant 0 : i32
      %dma_start3A_1845 = tpu.memref_slice %arg4[%add3A_1843, %dma_start3A_1844] : memref<104x128xi32, #tpu.memory_space<vmem>> -> memref<1x128xi32, #tpu.memory_space<vmem>>
      %dma_start3A_1846 = tpu.memref_squeeze %dma_start3A_1845 : memref<1x128xi32, #tpu.memory_space<vmem>> -> memref<128xi32, #tpu.memory_space<vmem>>
      %dma_start3A_1847 = arith.constant 0 : i32
      %dma_start3A_1848 = tpu.memref_slice %arg17[%dma_start3A_1847] : memref<10240xf32, #tpu.memory_space<vmem_shared>> -> memref<10240xf32, #tpu.memory_space<vmem_shared>>
      tpu.enqueue_indirect_dma source(%arg8 : memref<128xf32, #tpu.memory_space<vmem>>) target(%dma_start3A_1848 : memref<10240xf32, #tpu.memory_space<vmem_shared>>) offsets(%dma_start3A_1846 : memref<128xi32, #tpu.memory_space<vmem>>) semaphore(%arg18 : memref<!tpu.dma_semaphore, #tpu.memory_space<semaphore_mem>>) {add = true}
      %mul3A_1849 = arith.constant 8 : i32
      %mul3A_1850 = arith.muli %while3A_1185, %mul3A_1849 : i32
      %add3A_1851 = arith.constant 6 : i32
      %add3A_1852 = arith.addi %mul3A_1850, %add3A_1851 : i32
      %dma_start3A_1853 = arith.constant 0 : i32
      %dma_start3A_1854 = tpu.memref_slice %arg4[%add3A_1852, %dma_start3A_1853] : memref<104x128xi32, #tpu.memory_space<vmem>> -> memref<1x128xi32, #tpu.memory_space<vmem>>
      %dma_start3A_1855 = tpu.memref_squeeze %dma_start3A_1854 : memref<1x128xi32, #tpu.memory_space<vmem>> -> memref<128xi32, #tpu.memory_space<vmem>>
      %dma_start3A_1856 = arith.constant 0 : i32
      %dma_start3A_1857 = tpu.memref_slice %arg17[%dma_start3A_1856] : memref<10240xf32, #tpu.memory_space<vmem_shared>> -> memref<10240xf32, #tpu.memory_space<vmem_shared>>
      tpu.enqueue_indirect_dma source(%arg8 : memref<128xf32, #tpu.memory_space<vmem>>) target(%dma_start3A_1857 : memref<10240xf32, #tpu.memory_space<vmem_shared>>) offsets(%dma_start3A_1855 : memref<128xi32, #tpu.memory_space<vmem>>) semaphore(%arg18 : memref<!tpu.dma_semaphore, #tpu.memory_space<semaphore_mem>>) {add = true}
      %mul3A_1858 = arith.constant 8 : i32
      %mul3A_1859 = arith.muli %while3A_1185, %mul3A_1858 : i32
      %add3A_1860 = arith.constant 7 : i32
      %add3A_1861 = arith.addi %mul3A_1859, %add3A_1860 : i32
      %dma_start3A_1862 = arith.constant 0 : i32
      %dma_start3A_1863 = tpu.memref_slice %arg4[%add3A_1861, %dma_start3A_1862] : memref<104x128xi32, #tpu.memory_space<vmem>> -> memref<1x128xi32, #tpu.memory_space<vmem>>
      %dma_start3A_1864 = tpu.memref_squeeze %dma_start3A_1863 : memref<1x128xi32, #tpu.memory_space<vmem>> -> memref<128xi32, #tpu.memory_space<vmem>>
      %dma_start3A_1865 = arith.constant 0 : i32
      %dma_start3A_1866 = tpu.memref_slice %arg17[%dma_start3A_1865] : memref<10240xf32, #tpu.memory_space<vmem_shared>> -> memref<10240xf32, #tpu.memory_space<vmem_shared>>
      tpu.enqueue_indirect_dma source(%arg8 : memref<128xf32, #tpu.memory_space<vmem>>) target(%dma_start3A_1866 : memref<10240xf32, #tpu.memory_space<vmem_shared>>) offsets(%dma_start3A_1864 : memref<128xi32, #tpu.memory_space<vmem>>) semaphore(%arg18 : memref<!tpu.dma_semaphore, #tpu.memory_space<semaphore_mem>>) {add = true}
      %sub3A_1867 = arith.constant 2 : i32
      %sub3A_1868 = arith.subi %while3A_1185, %sub3A_1867 : i32
      %mul3A_1869 = arith.constant 8 : i32
      %mul3A_1870 = arith.muli %sub3A_1868, %mul3A_1869 : i32
      %add3A_1871 = arith.constant 0 : i32
      %add3A_1872 = arith.addi %mul3A_1870, %add3A_1871 : i32
      %dma_wait3A_1873 = arith.constant 0 : i32
      %dma_wait3A_1874 = tpu.memref_slice %arg4[%add3A_1872, %dma_wait3A_1873] : memref<104x128xi32, #tpu.memory_space<vmem>> -> memref<1x128xi32, #tpu.memory_space<vmem>>
      %dma_wait3A_1875 = tpu.memref_squeeze %dma_wait3A_1874 : memref<1x128xi32, #tpu.memory_space<vmem>> -> memref<128xi32, #tpu.memory_space<vmem>>
      %dma_wait3A_1876 = arith.constant 0 : i32
      %dma_wait3A_1877 = tpu.memref_slice %arg17[%dma_wait3A_1876] : memref<10240xf32, #tpu.memory_space<vmem_shared>> -> memref<10240xf32, #tpu.memory_space<vmem_shared>>
      tpu.wait_indirect_dma semaphore(%arg18 : memref<!tpu.dma_semaphore, #tpu.memory_space<semaphore_mem>>) src(%arg8 : memref<128xf32, #tpu.memory_space<vmem>>) dst(%dma_wait3A_1877 : memref<10240xf32, #tpu.memory_space<vmem_shared>>)
      %mul3A_1878 = arith.constant 8 : i32
      %mul3A_1879 = arith.muli %sub3A_1868, %mul3A_1878 : i32
      %add3A_1880 = arith.constant 1 : i32
      %add3A_1881 = arith.addi %mul3A_1879, %add3A_1880 : i32
      %dma_wait3A_1882 = arith.constant 0 : i32
      %dma_wait3A_1883 = tpu.memref_slice %arg4[%add3A_1881, %dma_wait3A_1882] : memref<104x128xi32, #tpu.memory_space<vmem>> -> memref<1x128xi32, #tpu.memory_space<vmem>>
      %dma_wait3A_1884 = tpu.memref_squeeze %dma_wait3A_1883 : memref<1x128xi32, #tpu.memory_space<vmem>> -> memref<128xi32, #tpu.memory_space<vmem>>
      %dma_wait3A_1885 = arith.constant 0 : i32
      %dma_wait3A_1886 = tpu.memref_slice %arg17[%dma_wait3A_1885] : memref<10240xf32, #tpu.memory_space<vmem_shared>> -> memref<10240xf32, #tpu.memory_space<vmem_shared>>
      tpu.wait_indirect_dma semaphore(%arg18 : memref<!tpu.dma_semaphore, #tpu.memory_space<semaphore_mem>>) src(%arg8 : memref<128xf32, #tpu.memory_space<vmem>>) dst(%dma_wait3A_1886 : memref<10240xf32, #tpu.memory_space<vmem_shared>>)
      %mul3A_1887 = arith.constant 8 : i32
      %mul3A_1888 = arith.muli %sub3A_1868, %mul3A_1887 : i32
      %add3A_1889 = arith.constant 2 : i32
      %add3A_1890 = arith.addi %mul3A_1888, %add3A_1889 : i32
      %dma_wait3A_1891 = arith.constant 0 : i32
      %dma_wait3A_1892 = tpu.memref_slice %arg4[%add3A_1890, %dma_wait3A_1891] : memref<104x128xi32, #tpu.memory_space<vmem>> -> memref<1x128xi32, #tpu.memory_space<vmem>>
      %dma_wait3A_1893 = tpu.memref_squeeze %dma_wait3A_1892 : memref<1x128xi32, #tpu.memory_space<vmem>> -> memref<128xi32, #tpu.memory_space<vmem>>
      %dma_wait3A_1894 = arith.constant 0 : i32
      %dma_wait3A_1895 = tpu.memref_slice %arg17[%dma_wait3A_1894] : memref<10240xf32, #tpu.memory_space<vmem_shared>> -> memref<10240xf32, #tpu.memory_space<vmem_shared>>
      tpu.wait_indirect_dma semaphore(%arg18 : memref<!tpu.dma_semaphore, #tpu.memory_space<semaphore_mem>>) src(%arg8 : memref<128xf32, #tpu.memory_space<vmem>>) dst(%dma_wait3A_1895 : memref<10240xf32, #tpu.memory_space<vmem_shared>>)
      %mul3A_1896 = arith.constant 8 : i32
      %mul3A_1897 = arith.muli %sub3A_1868, %mul3A_1896 : i32
      %add3A_1898 = arith.constant 3 : i32
      %add3A_1899 = arith.addi %mul3A_1897, %add3A_1898 : i32
      %dma_wait3A_1900 = arith.constant 0 : i32
      %dma_wait3A_1901 = tpu.memref_slice %arg4[%add3A_1899, %dma_wait3A_1900] : memref<104x128xi32, #tpu.memory_space<vmem>> -> memref<1x128xi32, #tpu.memory_space<vmem>>
      %dma_wait3A_1902 = tpu.memref_squeeze %dma_wait3A_1901 : memref<1x128xi32, #tpu.memory_space<vmem>> -> memref<128xi32, #tpu.memory_space<vmem>>
      %dma_wait3A_1903 = arith.constant 0 : i32
      %dma_wait3A_1904 = tpu.memref_slice %arg17[%dma_wait3A_1903] : memref<10240xf32, #tpu.memory_space<vmem_shared>> -> memref<10240xf32, #tpu.memory_space<vmem_shared>>
      tpu.wait_indirect_dma semaphore(%arg18 : memref<!tpu.dma_semaphore, #tpu.memory_space<semaphore_mem>>) src(%arg8 : memref<128xf32, #tpu.memory_space<vmem>>) dst(%dma_wait3A_1904 : memref<10240xf32, #tpu.memory_space<vmem_shared>>)
      %mul3A_1905 = arith.constant 8 : i32
      %mul3A_1906 = arith.muli %sub3A_1868, %mul3A_1905 : i32
      %add3A_1907 = arith.constant 4 : i32
      %add3A_1908 = arith.addi %mul3A_1906, %add3A_1907 : i32
      %dma_wait3A_1909 = arith.constant 0 : i32
      %dma_wait3A_1910 = tpu.memref_slice %arg4[%add3A_1908, %dma_wait3A_1909] : memref<104x128xi32, #tpu.memory_space<vmem>> -> memref<1x128xi32, #tpu.memory_space<vmem>>
      %dma_wait3A_1911 = tpu.memref_squeeze %dma_wait3A_1910 : memref<1x128xi32, #tpu.memory_space<vmem>> -> memref<128xi32, #tpu.memory_space<vmem>>
      %dma_wait3A_1912 = arith.constant 0 : i32
      %dma_wait3A_1913 = tpu.memref_slice %arg17[%dma_wait3A_1912] : memref<10240xf32, #tpu.memory_space<vmem_shared>> -> memref<10240xf32, #tpu.memory_space<vmem_shared>>
      tpu.wait_indirect_dma semaphore(%arg18 : memref<!tpu.dma_semaphore, #tpu.memory_space<semaphore_mem>>) src(%arg8 : memref<128xf32, #tpu.memory_space<vmem>>) dst(%dma_wait3A_1913 : memref<10240xf32, #tpu.memory_space<vmem_shared>>)
      %mul3A_1914 = arith.constant 8 : i32
      %mul3A_1915 = arith.muli %sub3A_1868, %mul3A_1914 : i32
      %add3A_1916 = arith.constant 5 : i32
      %add3A_1917 = arith.addi %mul3A_1915, %add3A_1916 : i32
      %dma_wait3A_1918 = arith.constant 0 : i32
      %dma_wait3A_1919 = tpu.memref_slice %arg4[%add3A_1917, %dma_wait3A_1918] : memref<104x128xi32, #tpu.memory_space<vmem>> -> memref<1x128xi32, #tpu.memory_space<vmem>>
      %dma_wait3A_1920 = tpu.memref_squeeze %dma_wait3A_1919 : memref<1x128xi32, #tpu.memory_space<vmem>> -> memref<128xi32, #tpu.memory_space<vmem>>
      %dma_wait3A_1921 = arith.constant 0 : i32
      %dma_wait3A_1922 = tpu.memref_slice %arg17[%dma_wait3A_1921] : memref<10240xf32, #tpu.memory_space<vmem_shared>> -> memref<10240xf32, #tpu.memory_space<vmem_shared>>
      tpu.wait_indirect_dma semaphore(%arg18 : memref<!tpu.dma_semaphore, #tpu.memory_space<semaphore_mem>>) src(%arg8 : memref<128xf32, #tpu.memory_space<vmem>>) dst(%dma_wait3A_1922 : memref<10240xf32, #tpu.memory_space<vmem_shared>>)
      %mul3A_1923 = arith.constant 8 : i32
      %mul3A_1924 = arith.muli %sub3A_1868, %mul3A_1923 : i32
      %add3A_1925 = arith.constant 6 : i32
      %add3A_1926 = arith.addi %mul3A_1924, %add3A_1925 : i32
      %dma_wait3A_1927 = arith.constant 0 : i32
      %dma_wait3A_1928 = tpu.memref_slice %arg4[%add3A_1926, %dma_wait3A_1927] : memref<104x128xi32, #tpu.memory_space<vmem>> -> memref<1x128xi32, #tpu.memory_space<vmem>>
      %dma_wait3A_1929 = tpu.memref_squeeze %dma_wait3A_1928 : memref<1x128xi32, #tpu.memory_space<vmem>> -> memref<128xi32, #tpu.memory_space<vmem>>
      %dma_wait3A_1930 = arith.constant 0 : i32
      %dma_wait3A_1931 = tpu.memref_slice %arg17[%dma_wait3A_1930] : memref<10240xf32, #tpu.memory_space<vmem_shared>> -> memref<10240xf32, #tpu.memory_space<vmem_shared>>
      tpu.wait_indirect_dma semaphore(%arg18 : memref<!tpu.dma_semaphore, #tpu.memory_space<semaphore_mem>>) src(%arg8 : memref<128xf32, #tpu.memory_space<vmem>>) dst(%dma_wait3A_1931 : memref<10240xf32, #tpu.memory_space<vmem_shared>>)
      %mul3A_1932 = arith.constant 8 : i32
      %mul3A_1933 = arith.muli %sub3A_1868, %mul3A_1932 : i32
      %add3A_1934 = arith.constant 7 : i32
      %add3A_1935 = arith.addi %mul3A_1933, %add3A_1934 : i32
      %dma_wait3A_1936 = arith.constant 0 : i32
      %dma_wait3A_1937 = tpu.memref_slice %arg4[%add3A_1935, %dma_wait3A_1936] : memref<104x128xi32, #tpu.memory_space<vmem>> -> memref<1x128xi32, #tpu.memory_space<vmem>>
      %dma_wait3A_1938 = tpu.memref_squeeze %dma_wait3A_1937 : memref<1x128xi32, #tpu.memory_space<vmem>> -> memref<128xi32, #tpu.memory_space<vmem>>
      %dma_wait3A_1939 = arith.constant 0 : i32
      %dma_wait3A_1940 = tpu.memref_slice %arg17[%dma_wait3A_1939] : memref<10240xf32, #tpu.memory_space<vmem_shared>> -> memref<10240xf32, #tpu.memory_space<vmem_shared>>
      tpu.wait_indirect_dma semaphore(%arg18 : memref<!tpu.dma_semaphore, #tpu.memory_space<semaphore_mem>>) src(%arg8 : memref<128xf32, #tpu.memory_space<vmem>>) dst(%dma_wait3A_1940 : memref<10240xf32, #tpu.memory_space<vmem_shared>>)
      %while3A_1941 = arith.constant 0 : i32
      scf.yield %while3A_1941 : i32
    }
    %while3A_1014 = arith.constant 1 : i32
    %while3A_1015 = scf.for %while3A_1185 = %while3A_1011 to %while3A_1007 step %while3A_1014 iter_args(%while3A_1186 = %while3A_1013) -> (i32)  : i32 {
      %mul3A_1187 = arith.constant 8 : i32
      %mul3A_1188 = arith.muli %while3A_1185, %mul3A_1187 : i32
      %add3A_1189 = arith.constant 0 : i32
      %add3A_1190 = arith.addi %mul3A_1188, %add3A_1189 : i32
      %mul3A_1191 = arith.constant 128 : i32
      %mul3A_1192 = arith.muli %add3A_1190, %mul3A_1191 : i32
      %add3A_1193 = arith.constant 0 : i32
      %add3A_1194 = arith.addi %mul3A_1192, %add3A_1193 : i32
      %get3A_1195 = arith.index_cast %add3A_1194 : i32 to index
      %get3A_1196 = tpu.vector_load %arg5[%get3A_1195] {strides = array<i32>} : memref<13312xi32, #tpu.memory_space<vmem>>, vector<16xi32>,
      %swap3A_1197 = arith.index_cast %add3A_1190 : i32 to index
      %swap3A_1198 = arith.constant 0 : index
      %swap3A_1199 = tpu.vector_load %arg4[%swap3A_1197, %swap3A_1198] {strides = array<i32>} : memref<104x128xi32, #tpu.memory_space<vmem>>, vector<16xi32>,
      tpu.vector_store %arg4[%swap3A_1197, %swap3A_1198], %get3A_1196 {strides = array<i32>} : memref<104x128xi32, #tpu.memory_space<vmem>>, vector<16xi32>,
      %mul3A_1200 = arith.constant 128 : i32
      %mul3A_1201 = arith.muli %add3A_1190, %mul3A_1200 : i32
      %add3A_1202 = arith.constant 16 : i32
      %add3A_1203 = arith.addi %mul3A_1201, %add3A_1202 : i32
      %get3A_1204 = arith.index_cast %add3A_1203 : i32 to index
      %get3A_1205 = tpu.vector_load %arg5[%get3A_1204] {strides = array<i32>} : memref<13312xi32, #tpu.memory_space<vmem>>, vector<16xi32>,
      %swap3A_1206 = arith.index_cast %add3A_1190 : i32 to index
      %swap3A_1207 = arith.constant 16 : index
      %swap3A_1208 = tpu.vector_load %arg4[%swap3A_1206, %swap3A_1207] {strides = array<i32>} : memref<104x128xi32, #tpu.memory_space<vmem>>, vector<16xi32>,
      tpu.vector_store %arg4[%swap3A_1206, %swap3A_1207], %get3A_1205 {strides = array<i32>} : memref<104x128xi32, #tpu.memory_space<vmem>>, vector<16xi32>,
      %mul3A_1209 = arith.constant 128 : i32
      %mul3A_1210 = arith.muli %add3A_1190, %mul3A_1209 : i32
      %add3A_1211 = arith.constant 32 : i32
      %add3A_1212 = arith.addi %mul3A_1210, %add3A_1211 : i32
      %get3A_1213 = arith.index_cast %add3A_1212 : i32 to index
      %get3A_1214 = tpu.vector_load %arg5[%get3A_1213] {strides = array<i32>} : memref<13312xi32, #tpu.memory_space<vmem>>, vector<16xi32>,
      %swap3A_1215 = arith.index_cast %add3A_1190 : i32 to index
      %swap3A_1216 = arith.constant 32 : index
      %swap3A_1217 = tpu.vector_load %arg4[%swap3A_1215, %swap3A_1216] {strides = array<i32>} : memref<104x128xi32, #tpu.memory_space<vmem>>, vector<16xi32>,
      tpu.vector_store %arg4[%swap3A_1215, %swap3A_1216], %get3A_1214 {strides = array<i32>} : memref<104x128xi32, #tpu.memory_space<vmem>>, vector<16xi32>,
      %mul3A_1218 = arith.constant 128 : i32
      %mul3A_1219 = arith.muli %add3A_1190, %mul3A_1218 : i32
      %add3A_1220 = arith.constant 48 : i32
      %add3A_1221 = arith.addi %mul3A_1219, %add3A_1220 : i32
      %get3A_1222 = arith.index_cast %add3A_1221 : i32 to index
      %get3A_1223 = tpu.vector_load %arg5[%get3A_1222] {strides = array<i32>} : memref<13312xi32, #tpu.memory_space<vmem>>, vector<16xi32>,
      %swap3A_1224 = arith.index_cast %add3A_1190 : i32 to index
      %swap3A_1225 = arith.constant 48 : index
      %swap3A_1226 = tpu.vector_load %arg4[%swap3A_1224, %swap3A_1225] {strides = array<i32>} : memref<104x128xi32, #tpu.memory_space<vmem>>, vector<16xi32>,
      tpu.vector_store %arg4[%swap3A_1224, %swap3A_1225], %get3A_1223 {strides = array<i32>} : memref<104x128xi32, #tpu.memory_space<vmem>>, vector<16xi32>,
      %mul3A_1227 = arith.constant 128 : i32
      %mul3A_1228 = arith.muli %add3A_1190, %mul3A_1227 : i32
      %add3A_1229 = arith.constant 64 : i32
      %add3A_1230 = arith.addi %mul3A_1228, %add3A_1229 : i32
      %get3A_1231 = arith.index_cast %add3A_1230 : i32 to index
      %get3A_1232 = tpu.vector_load %arg5[%get3A_1231] {strides = array<i32>} : memref<13312xi32, #tpu.memory_space<vmem>>, vector<16xi32>,
      %swap3A_1233 = arith.index_cast %add3A_1190 : i32 to index
      %swap3A_1234 = arith.constant 64 : index
      %swap3A_1235 = tpu.vector_load %arg4[%swap3A_1233, %swap3A_1234] {strides = array<i32>} : memref<104x128xi32, #tpu.memory_space<vmem>>, vector<16xi32>,
      tpu.vector_store %arg4[%swap3A_1233, %swap3A_1234], %get3A_1232 {strides = array<i32>} : memref<104x128xi32, #tpu.memory_space<vmem>>, vector<16xi32>,
      %mul3A_1236 = arith.constant 128 : i32
      %mul3A_1237 = arith.muli %add3A_1190, %mul3A_1236 : i32
      %add3A_1238 = arith.constant 80 : i32
      %add3A_1239 = arith.addi %mul3A_1237, %add3A_1238 : i32
      %get3A_1240 = arith.index_cast %add3A_1239 : i32 to index
      %get3A_1241 = tpu.vector_load %arg5[%get3A_1240] {strides = array<i32>} : memref<13312xi32, #tpu.memory_space<vmem>>, vector<16xi32>,
      %swap3A_1242 = arith.index_cast %add3A_1190 : i32 to index
      %swap3A_1243 = arith.constant 80 : index
      %swap3A_1244 = tpu.vector_load %arg4[%swap3A_1242, %swap3A_1243] {strides = array<i32>} : memref<104x128xi32, #tpu.memory_space<vmem>>, vector<16xi32>,
      tpu.vector_store %arg4[%swap3A_1242, %swap3A_1243], %get3A_1241 {strides = array<i32>} : memref<104x128xi32, #tpu.memory_space<vmem>>, vector<16xi32>,
      %mul3A_1245 = arith.constant 128 : i32
      %mul3A_1246 = arith.muli %add3A_1190, %mul3A_1245 : i32
      %add3A_1247 = arith.constant 96 : i32
      %add3A_1248 = arith.addi %mul3A_1246, %add3A_1247 : i32
      %get3A_1249 = arith.index_cast %add3A_1248 : i32 to index
      %get3A_1250 = tpu.vector_load %arg5[%get3A_1249] {strides = array<i32>} : memref<13312xi32, #tpu.memory_space<vmem>>, vector<16xi32>,
      %swap3A_1251 = arith.index_cast %add3A_1190 : i32 to index
      %swap3A_1252 = arith.constant 96 : index
      %swap3A_1253 = tpu.vector_load %arg4[%swap3A_1251, %swap3A_1252] {strides = array<i32>} : memref<104x128xi32, #tpu.memory_space<vmem>>, vector<16xi32>,
      tpu.vector_store %arg4[%swap3A_1251, %swap3A_1252], %get3A_1250 {strides = array<i32>} : memref<104x128xi32, #tpu.memory_space<vmem>>, vector<16xi32>,
      %mul3A_1254 = arith.constant 128 : i32
      %mul3A_1255 = arith.muli %add3A_1190, %mul3A_1254 : i32
      %add3A_1256 = arith.constant 112 : i32
      %add3A_1257 = arith.addi %mul3A_1255, %add3A_1256 : i32
      %get3A_1258 = arith.index_cast %add3A_1257 : i32 to index
      %get3A_1259 = tpu.vector_load %arg5[%get3A_1258] {strides = array<i32>} : memref<13312xi32, #tpu.memory_space<vmem>>, vector<16xi32>,
      %swap3A_1260 = arith.index_cast %add3A_1190 : i32 to index
      %swap3A_1261 = arith.constant 112 : index
      %swap3A_1262 = tpu.vector_load %arg4[%swap3A_1260, %swap3A_1261] {strides = array<i32>} : memref<104x128xi32, #tpu.memory_space<vmem>>, vector<16xi32>,
      tpu.vector_store %arg4[%swap3A_1260, %swap3A_1261], %get3A_1259 {strides = array<i32>} : memref<104x128xi32, #tpu.memory_space<vmem>>, vector<16xi32>,
      %mul3A_1263 = arith.constant 8 : i32
      %mul3A_1264 = arith.muli %while3A_1185, %mul3A_1263 : i32
      %add3A_1265 = arith.constant 1 : i32
      %add3A_1266 = arith.addi %mul3A_1264, %add3A_1265 : i32
      %mul3A_1267 = arith.constant 128 : i32
      %mul3A_1268 = arith.muli %add3A_1266, %mul3A_1267 : i32
      %add3A_1269 = arith.constant 0 : i32
      %add3A_1270 = arith.addi %mul3A_1268, %add3A_1269 : i32
      %get3A_1271 = arith.index_cast %add3A_1270 : i32 to index
      %get3A_1272 = tpu.vector_load %arg5[%get3A_1271] {strides = array<i32>} : memref<13312xi32, #tpu.memory_space<vmem>>, vector<16xi32>,
      %swap3A_1273 = arith.index_cast %add3A_1266 : i32 to index
      %swap3A_1274 = arith.constant 0 : index
      %swap3A_1275 = tpu.vector_load %arg4[%swap3A_1273, %swap3A_1274] {strides = array<i32>} : memref<104x128xi32, #tpu.memory_space<vmem>>, vector<16xi32>,
      tpu.vector_store %arg4[%swap3A_1273, %swap3A_1274], %get3A_1272 {strides = array<i32>} : memref<104x128xi32, #tpu.memory_space<vmem>>, vector<16xi32>,
      %mul3A_1276 = arith.constant 128 : i32
      %mul3A_1277 = arith.muli %add3A_1266, %mul3A_1276 : i32
      %add3A_1278 = arith.constant 16 : i32
      %add3A_1279 = arith.addi %mul3A_1277, %add3A_1278 : i32
      %get3A_1280 = arith.index_cast %add3A_1279 : i32 to index
      %get3A_1281 = tpu.vector_load %arg5[%get3A_1280] {strides = array<i32>} : memref<13312xi32, #tpu.memory_space<vmem>>, vector<16xi32>,
      %swap3A_1282 = arith.index_cast %add3A_1266 : i32 to index
      %swap3A_1283 = arith.constant 16 : index
      %swap3A_1284 = tpu.vector_load %arg4[%swap3A_1282, %swap3A_1283] {strides = array<i32>} : memref<104x128xi32, #tpu.memory_space<vmem>>, vector<16xi32>,
      tpu.vector_store %arg4[%swap3A_1282, %swap3A_1283], %get3A_1281 {strides = array<i32>} : memref<104x128xi32, #tpu.memory_space<vmem>>, vector<16xi32>,
      %mul3A_1285 = arith.constant 128 : i32
      %mul3A_1286 = arith.muli %add3A_1266, %mul3A_1285 : i32
      %add3A_1287 = arith.constant 32 : i32
      %add3A_1288 = arith.addi %mul3A_1286, %add3A_1287 : i32
      %get3A_1289 = arith.index_cast %add3A_1288 : i32 to index
      %get3A_1290 = tpu.vector_load %arg5[%get3A_1289] {strides = array<i32>} : memref<13312xi32, #tpu.memory_space<vmem>>, vector<16xi32>,
      %swap3A_1291 = arith.index_cast %add3A_1266 : i32 to index
      %swap3A_1292 = arith.constant 32 : index
      %swap3A_1293 = tpu.vector_load %arg4[%swap3A_1291, %swap3A_1292] {strides = array<i32>} : memref<104x128xi32, #tpu.memory_space<vmem>>, vector<16xi32>,
      tpu.vector_store %arg4[%swap3A_1291, %swap3A_1292], %get3A_1290 {strides = array<i32>} : memref<104x128xi32, #tpu.memory_space<vmem>>, vector<16xi32>,
      %mul3A_1294 = arith.constant 128 : i32
      %mul3A_1295 = arith.muli %add3A_1266, %mul3A_1294 : i32
      %add3A_1296 = arith.constant 48 : i32
      %add3A_1297 = arith.addi %mul3A_1295, %add3A_1296 : i32
      %get3A_1298 = arith.index_cast %add3A_1297 : i32 to index
      %get3A_1299 = tpu.vector_load %arg5[%get3A_1298] {strides = array<i32>} : memref<13312xi32, #tpu.memory_space<vmem>>, vector<16xi32>,
      %swap3A_1300 = arith.index_cast %add3A_1266 : i32 to index
      %swap3A_1301 = arith.constant 48 : index
      %swap3A_1302 = tpu.vector_load %arg4[%swap3A_1300, %swap3A_1301] {strides = array<i32>} : memref<104x128xi32, #tpu.memory_space<vmem>>, vector<16xi32>,
      tpu.vector_store %arg4[%swap3A_1300, %swap3A_1301], %get3A_1299 {strides = array<i32>} : memref<104x128xi32, #tpu.memory_space<vmem>>, vector<16xi32>,
      %mul3A_1303 = arith.constant 128 : i32
      %mul3A_1304 = arith.muli %add3A_1266, %mul3A_1303 : i32
      %add3A_1305 = arith.constant 64 : i32
      %add3A_1306 = arith.addi %mul3A_1304, %add3A_1305 : i32
      %get3A_1307 = arith.index_cast %add3A_1306 : i32 to index
      %get3A_1308 = tpu.vector_load %arg5[%get3A_1307] {strides = array<i32>} : memref<13312xi32, #tpu.memory_space<vmem>>, vector<16xi32>,
      %swap3A_1309 = arith.index_cast %add3A_1266 : i32 to index
      %swap3A_1310 = arith.constant 64 : index
      %swap3A_1311 = tpu.vector_load %arg4[%swap3A_1309, %swap3A_1310] {strides = array<i32>} : memref<104x128xi32, #tpu.memory_space<vmem>>, vector<16xi32>,
      tpu.vector_store %arg4[%swap3A_1309, %swap3A_1310], %get3A_1308 {strides = array<i32>} : memref<104x128xi32, #tpu.memory_space<vmem>>, vector<16xi32>,
      %mul3A_1312 = arith.constant 128 : i32
      %mul3A_1313 = arith.muli %add3A_1266, %mul3A_1312 : i32
      %add3A_1314 = arith.constant 80 : i32
      %add3A_1315 = arith.addi %mul3A_1313, %add3A_1314 : i32
      %get3A_1316 = arith.index_cast %add3A_1315 : i32 to index
      %get3A_1317 = tpu.vector_load %arg5[%get3A_1316] {strides = array<i32>} : memref<13312xi32, #tpu.memory_space<vmem>>, vector<16xi32>,
      %swap3A_1318 = arith.index_cast %add3A_1266 : i32 to index
      %swap3A_1319 = arith.constant 80 : index
      %swap3A_1320 = tpu.vector_load %arg4[%swap3A_1318, %swap3A_1319] {strides = array<i32>} : memref<104x128xi32, #tpu.memory_space<vmem>>, vector<16xi32>,
      tpu.vector_store %arg4[%swap3A_1318, %swap3A_1319], %get3A_1317 {strides = array<i32>} : memref<104x128xi32, #tpu.memory_space<vmem>>, vector<16xi32>,
      %mul3A_1321 = arith.constant 128 : i32
      %mul3A_1322 = arith.muli %add3A_1266, %mul3A_1321 : i32
      %add3A_1323 = arith.constant 96 : i32
      %add3A_1324 = arith.addi %mul3A_1322, %add3A_1323 : i32
      %get3A_1325 = arith.index_cast %add3A_1324 : i32 to index
      %get3A_1326 = tpu.vector_load %arg5[%get3A_1325] {strides = array<i32>} : memref<13312xi32, #tpu.memory_space<vmem>>, vector<16xi32>,
      %swap3A_1327 = arith.index_cast %add3A_1266 : i32 to index
      %swap3A_1328 = arith.constant 96 : index
      %swap3A_1329 = tpu.vector_load %arg4[%swap3A_1327, %swap3A_1328] {strides = array<i32>} : memref<104x128xi32, #tpu.memory_space<vmem>>, vector<16xi32>,
      tpu.vector_store %arg4[%swap3A_1327, %swap3A_1328], %get3A_1326 {strides = array<i32>} : memref<104x128xi32, #tpu.memory_space<vmem>>, vector<16xi32>,
      %mul3A_1330 = arith.constant 128 : i32
      %mul3A_1331 = arith.muli %add3A_1266, %mul3A_1330 : i32
      %add3A_1332 = arith.constant 112 : i32
      %add3A_1333 = arith.addi %mul3A_1331, %add3A_1332 : i32
      %get3A_1334 = arith.index_cast %add3A_1333 : i32 to index
      %get3A_1335 = tpu.vector_load %arg5[%get3A_1334] {strides = array<i32>} : memref<13312xi32, #tpu.memory_space<vmem>>, vector<16xi32>,
      %swap3A_1336 = arith.index_cast %add3A_1266 : i32 to index
      %swap3A_1337 = arith.constant 112 : index
      %swap3A_1338 = tpu.vector_load %arg4[%swap3A_1336, %swap3A_1337] {strides = array<i32>} : memref<104x128xi32, #tpu.memory_space<vmem>>, vector<16xi32>,
      tpu.vector_store %arg4[%swap3A_1336, %swap3A_1337], %get3A_1335 {strides = array<i32>} : memref<104x128xi32, #tpu.memory_space<vmem>>, vector<16xi32>,
      %mul3A_1339 = arith.constant 8 : i32
      %mul3A_1340 = arith.muli %while3A_1185, %mul3A_1339 : i32
      %add3A_1341 = arith.constant 2 : i32
      %add3A_1342 = arith.addi %mul3A_1340, %add3A_1341 : i32
      %mul3A_1343 = arith.constant 128 : i32
      %mul3A_1344 = arith.muli %add3A_1342, %mul3A_1343 : i32
      %add3A_1345 = arith.constant 0 : i32
      %add3A_1346 = arith.addi %mul3A_1344, %add3A_1345 : i32
      %get3A_1347 = arith.index_cast %add3A_1346 : i32 to index
      %get3A_1348 = tpu.vector_load %arg5[%get3A_1347] {strides = array<i32>} : memref<13312xi32, #tpu.memory_space<vmem>>, vector<16xi32>,
      %swap3A_1349 = arith.index_cast %add3A_1342 : i32 to index
      %swap3A_1350 = arith.constant 0 : index
      %swap3A_1351 = tpu.vector_load %arg4[%swap3A_1349, %swap3A_1350] {strides = array<i32>} : memref<104x128xi32, #tpu.memory_space<vmem>>, vector<16xi32>,
      tpu.vector_store %arg4[%swap3A_1349, %swap3A_1350], %get3A_1348 {strides = array<i32>} : memref<104x128xi32, #tpu.memory_space<vmem>>, vector<16xi32>,
      %mul3A_1352 = arith.constant 128 : i32
      %mul3A_1353 = arith.muli %add3A_1342, %mul3A_1352 : i32
      %add3A_1354 = arith.constant 16 : i32
      %add3A_1355 = arith.addi %mul3A_1353, %add3A_1354 : i32
      %get3A_1356 = arith.index_cast %add3A_1355 : i32 to index
      %get3A_1357 = tpu.vector_load %arg5[%get3A_1356] {strides = array<i32>} : memref<13312xi32, #tpu.memory_space<vmem>>, vector<16xi32>,
      %swap3A_1358 = arith.index_cast %add3A_1342 : i32 to index
      %swap3A_1359 = arith.constant 16 : index
      %swap3A_1360 = tpu.vector_load %arg4[%swap3A_1358, %swap3A_1359] {strides = array<i32>} : memref<104x128xi32, #tpu.memory_space<vmem>>, vector<16xi32>,
      tpu.vector_store %arg4[%swap3A_1358, %swap3A_1359], %get3A_1357 {strides = array<i32>} : memref<104x128xi32, #tpu.memory_space<vmem>>, vector<16xi32>,
      %mul3A_1361 = arith.constant 128 : i32
      %mul3A_1362 = arith.muli %add3A_1342, %mul3A_1361 : i32
      %add3A_1363 = arith.constant 32 : i32
      %add3A_1364 = arith.addi %mul3A_1362, %add3A_1363 : i32
      %get3A_1365 = arith.index_cast %add3A_1364 : i32 to index
      %get3A_1366 = tpu.vector_load %arg5[%get3A_1365] {strides = array<i32>} : memref<13312xi32, #tpu.memory_space<vmem>>, vector<16xi32>,
      %swap3A_1367 = arith.index_cast %add3A_1342 : i32 to index
      %swap3A_1368 = arith.constant 32 : index
      %swap3A_1369 = tpu.vector_load %arg4[%swap3A_1367, %swap3A_1368] {strides = array<i32>} : memref<104x128xi32, #tpu.memory_space<vmem>>, vector<16xi32>,
      tpu.vector_store %arg4[%swap3A_1367, %swap3A_1368], %get3A_1366 {strides = array<i32>} : memref<104x128xi32, #tpu.memory_space<vmem>>, vector<16xi32>,
      %mul3A_1370 = arith.constant 128 : i32
      %mul3A_1371 = arith.muli %add3A_1342, %mul3A_1370 : i32
      %add3A_1372 = arith.constant 48 : i32
      %add3A_1373 = arith.addi %mul3A_1371, %add3A_1372 : i32
      %get3A_1374 = arith.index_cast %add3A_1373 : i32 to index
      %get3A_1375 = tpu.vector_load %arg5[%get3A_1374] {strides = array<i32>} : memref<13312xi32, #tpu.memory_space<vmem>>, vector<16xi32>,
      %swap3A_1376 = arith.index_cast %add3A_1342 : i32 to index
      %swap3A_1377 = arith.constant 48 : index
      %swap3A_1378 = tpu.vector_load %arg4[%swap3A_1376, %swap3A_1377] {strides = array<i32>} : memref<104x128xi32, #tpu.memory_space<vmem>>, vector<16xi32>,
      tpu.vector_store %arg4[%swap3A_1376, %swap3A_1377], %get3A_1375 {strides = array<i32>} : memref<104x128xi32, #tpu.memory_space<vmem>>, vector<16xi32>,
      %mul3A_1379 = arith.constant 128 : i32
      %mul3A_1380 = arith.muli %add3A_1342, %mul3A_1379 : i32
      %add3A_1381 = arith.constant 64 : i32
      %add3A_1382 = arith.addi %mul3A_1380, %add3A_1381 : i32
      %get3A_1383 = arith.index_cast %add3A_1382 : i32 to index
      %get3A_1384 = tpu.vector_load %arg5[%get3A_1383] {strides = array<i32>} : memref<13312xi32, #tpu.memory_space<vmem>>, vector<16xi32>,
      %swap3A_1385 = arith.index_cast %add3A_1342 : i32 to index
      %swap3A_1386 = arith.constant 64 : index
      %swap3A_1387 = tpu.vector_load %arg4[%swap3A_1385, %swap3A_1386] {strides = array<i32>} : memref<104x128xi32, #tpu.memory_space<vmem>>, vector<16xi32>,
      tpu.vector_store %arg4[%swap3A_1385, %swap3A_1386], %get3A_1384 {strides = array<i32>} : memref<104x128xi32, #tpu.memory_space<vmem>>, vector<16xi32>,
      %mul3A_1388 = arith.constant 128 : i32
      %mul3A_1389 = arith.muli %add3A_1342, %mul3A_1388 : i32
      %add3A_1390 = arith.constant 80 : i32
      %add3A_1391 = arith.addi %mul3A_1389, %add3A_1390 : i32
      %get3A_1392 = arith.index_cast %add3A_1391 : i32 to index
      %get3A_1393 = tpu.vector_load %arg5[%get3A_1392] {strides = array<i32>} : memref<13312xi32, #tpu.memory_space<vmem>>, vector<16xi32>,
      %swap3A_1394 = arith.index_cast %add3A_1342 : i32 to index
      %swap3A_1395 = arith.constant 80 : index
      %swap3A_1396 = tpu.vector_load %arg4[%swap3A_1394, %swap3A_1395] {strides = array<i32>} : memref<104x128xi32, #tpu.memory_space<vmem>>, vector<16xi32>,
      tpu.vector_store %arg4[%swap3A_1394, %swap3A_1395], %get3A_1393 {strides = array<i32>} : memref<104x128xi32, #tpu.memory_space<vmem>>, vector<16xi32>,
      %mul3A_1397 = arith.constant 128 : i32
      %mul3A_1398 = arith.muli %add3A_1342, %mul3A_1397 : i32
      %add3A_1399 = arith.constant 96 : i32
      %add3A_1400 = arith.addi %mul3A_1398, %add3A_1399 : i32
      %get3A_1401 = arith.index_cast %add3A_1400 : i32 to index
      %get3A_1402 = tpu.vector_load %arg5[%get3A_1401] {strides = array<i32>} : memref<13312xi32, #tpu.memory_space<vmem>>, vector<16xi32>,
      %swap3A_1403 = arith.index_cast %add3A_1342 : i32 to index
      %swap3A_1404 = arith.constant 96 : index
      %swap3A_1405 = tpu.vector_load %arg4[%swap3A_1403, %swap3A_1404] {strides = array<i32>} : memref<104x128xi32, #tpu.memory_space<vmem>>, vector<16xi32>,
      tpu.vector_store %arg4[%swap3A_1403, %swap3A_1404], %get3A_1402 {strides = array<i32>} : memref<104x128xi32, #tpu.memory_space<vmem>>, vector<16xi32>,
      %mul3A_1406 = arith.constant 128 : i32
      %mul3A_1407 = arith.muli %add3A_1342, %mul3A_1406 : i32
      %add3A_1408 = arith.constant 112 : i32
      %add3A_1409 = arith.addi %mul3A_1407, %add3A_1408 : i32
      %get3A_1410 = arith.index_cast %add3A_1409 : i32 to index
      %get3A_1411 = tpu.vector_load %arg5[%get3A_1410] {strides = array<i32>} : memref<13312xi32, #tpu.memory_space<vmem>>, vector<16xi32>,
      %swap3A_1412 = arith.index_cast %add3A_1342 : i32 to index
      %swap3A_1413 = arith.constant 112 : index
      %swap3A_1414 = tpu.vector_load %arg4[%swap3A_1412, %swap3A_1413] {strides = array<i32>} : memref<104x128xi32, #tpu.memory_space<vmem>>, vector<16xi32>,
      tpu.vector_store %arg4[%swap3A_1412, %swap3A_1413], %get3A_1411 {strides = array<i32>} : memref<104x128xi32, #tpu.memory_space<vmem>>, vector<16xi32>,
      %mul3A_1415 = arith.constant 8 : i32
      %mul3A_1416 = arith.muli %while3A_1185, %mul3A_1415 : i32
      %add3A_1417 = arith.constant 3 : i32
      %add3A_1418 = arith.addi %mul3A_1416, %add3A_1417 : i32
      %mul3A_1419 = arith.constant 128 : i32
      %mul3A_1420 = arith.muli %add3A_1418, %mul3A_1419 : i32
      %add3A_1421 = arith.constant 0 : i32
      %add3A_1422 = arith.addi %mul3A_1420, %add3A_1421 : i32
      %get3A_1423 = arith.index_cast %add3A_1422 : i32 to index
      %get3A_1424 = tpu.vector_load %arg5[%get3A_1423] {strides = array<i32>} : memref<13312xi32, #tpu.memory_space<vmem>>, vector<16xi32>,
      %swap3A_1425 = arith.index_cast %add3A_1418 : i32 to index
      %swap3A_1426 = arith.constant 0 : index
      %swap3A_1427 = tpu.vector_load %arg4[%swap3A_1425, %swap3A_1426] {strides = array<i32>} : memref<104x128xi32, #tpu.memory_space<vmem>>, vector<16xi32>,
      tpu.vector_store %arg4[%swap3A_1425, %swap3A_1426], %get3A_1424 {strides = array<i32>} : memref<104x128xi32, #tpu.memory_space<vmem>>, vector<16xi32>,
      %mul3A_1428 = arith.constant 128 : i32
      %mul3A_1429 = arith.muli %add3A_1418, %mul3A_1428 : i32
      %add3A_1430 = arith.constant 16 : i32
      %add3A_1431 = arith.addi %mul3A_1429, %add3A_1430 : i32
      %get3A_1432 = arith.index_cast %add3A_1431 : i32 to index
      %get3A_1433 = tpu.vector_load %arg5[%get3A_1432] {strides = array<i32>} : memref<13312xi32, #tpu.memory_space<vmem>>, vector<16xi32>,
      %swap3A_1434 = arith.index_cast %add3A_1418 : i32 to index
      %swap3A_1435 = arith.constant 16 : index
      %swap3A_1436 = tpu.vector_load %arg4[%swap3A_1434, %swap3A_1435] {strides = array<i32>} : memref<104x128xi32, #tpu.memory_space<vmem>>, vector<16xi32>,
      tpu.vector_store %arg4[%swap3A_1434, %swap3A_1435], %get3A_1433 {strides = array<i32>} : memref<104x128xi32, #tpu.memory_space<vmem>>, vector<16xi32>,
      %mul3A_1437 = arith.constant 128 : i32
      %mul3A_1438 = arith.muli %add3A_1418, %mul3A_1437 : i32
      %add3A_1439 = arith.constant 32 : i32
      %add3A_1440 = arith.addi %mul3A_1438, %add3A_1439 : i32
      %get3A_1441 = arith.index_cast %add3A_1440 : i32 to index
      %get3A_1442 = tpu.vector_load %arg5[%get3A_1441] {strides = array<i32>} : memref<13312xi32, #tpu.memory_space<vmem>>, vector<16xi32>,
      %swap3A_1443 = arith.index_cast %add3A_1418 : i32 to index
      %swap3A_1444 = arith.constant 32 : index
      %swap3A_1445 = tpu.vector_load %arg4[%swap3A_1443, %swap3A_1444] {strides = array<i32>} : memref<104x128xi32, #tpu.memory_space<vmem>>, vector<16xi32>,
      tpu.vector_store %arg4[%swap3A_1443, %swap3A_1444], %get3A_1442 {strides = array<i32>} : memref<104x128xi32, #tpu.memory_space<vmem>>, vector<16xi32>,
      %mul3A_1446 = arith.constant 128 : i32
      %mul3A_1447 = arith.muli %add3A_1418, %mul3A_1446 : i32
      %add3A_1448 = arith.constant 48 : i32
      %add3A_1449 = arith.addi %mul3A_1447, %add3A_1448 : i32
      %get3A_1450 = arith.index_cast %add3A_1449 : i32 to index
      %get3A_1451 = tpu.vector_load %arg5[%get3A_1450] {strides = array<i32>} : memref<13312xi32, #tpu.memory_space<vmem>>, vector<16xi32>,
      %swap3A_1452 = arith.index_cast %add3A_1418 : i32 to index
      %swap3A_1453 = arith.constant 48 : index
      %swap3A_1454 = tpu.vector_load %arg4[%swap3A_1452, %swap3A_1453] {strides = array<i32>} : memref<104x128xi32, #tpu.memory_space<vmem>>, vector<16xi32>,
      tpu.vector_store %arg4[%swap3A_1452, %swap3A_1453], %get3A_1451 {strides = array<i32>} : memref<104x128xi32, #tpu.memory_space<vmem>>, vector<16xi32>,
      %mul3A_1455 = arith.constant 128 : i32
      %mul3A_1456 = arith.muli %add3A_1418, %mul3A_1455 : i32
      %add3A_1457 = arith.constant 64 : i32
      %add3A_1458 = arith.addi %mul3A_1456, %add3A_1457 : i32
      %get3A_1459 = arith.index_cast %add3A_1458 : i32 to index
      %get3A_1460 = tpu.vector_load %arg5[%get3A_1459] {strides = array<i32>} : memref<13312xi32, #tpu.memory_space<vmem>>, vector<16xi32>,
      %swap3A_1461 = arith.index_cast %add3A_1418 : i32 to index
      %swap3A_1462 = arith.constant 64 : index
      %swap3A_1463 = tpu.vector_load %arg4[%swap3A_1461, %swap3A_1462] {strides = array<i32>} : memref<104x128xi32, #tpu.memory_space<vmem>>, vector<16xi32>,
      tpu.vector_store %arg4[%swap3A_1461, %swap3A_1462], %get3A_1460 {strides = array<i32>} : memref<104x128xi32, #tpu.memory_space<vmem>>, vector<16xi32>,
      %mul3A_1464 = arith.constant 128 : i32
      %mul3A_1465 = arith.muli %add3A_1418, %mul3A_1464 : i32
      %add3A_1466 = arith.constant 80 : i32
      %add3A_1467 = arith.addi %mul3A_1465, %add3A_1466 : i32
      %get3A_1468 = arith.index_cast %add3A_1467 : i32 to index
      %get3A_1469 = tpu.vector_load %arg5[%get3A_1468] {strides = array<i32>} : memref<13312xi32, #tpu.memory_space<vmem>>, vector<16xi32>,
      %swap3A_1470 = arith.index_cast %add3A_1418 : i32 to index
      %swap3A_1471 = arith.constant 80 : index
      %swap3A_1472 = tpu.vector_load %arg4[%swap3A_1470, %swap3A_1471] {strides = array<i32>} : memref<104x128xi32, #tpu.memory_space<vmem>>, vector<16xi32>,
      tpu.vector_store %arg4[%swap3A_1470, %swap3A_1471], %get3A_1469 {strides = array<i32>} : memref<104x128xi32, #tpu.memory_space<vmem>>, vector<16xi32>,
      %mul3A_1473 = arith.constant 128 : i32
      %mul3A_1474 = arith.muli %add3A_1418, %mul3A_1473 : i32
      %add3A_1475 = arith.constant 96 : i32
      %add3A_1476 = arith.addi %mul3A_1474, %add3A_1475 : i32
      %get3A_1477 = arith.index_cast %add3A_1476 : i32 to index
      %get3A_1478 = tpu.vector_load %arg5[%get3A_1477] {strides = array<i32>} : memref<13312xi32, #tpu.memory_space<vmem>>, vector<16xi32>,
      %swap3A_1479 = arith.index_cast %add3A_1418 : i32 to index
      %swap3A_1480 = arith.constant 96 : index
      %swap3A_1481 = tpu.vector_load %arg4[%swap3A_1479, %swap3A_1480] {strides = array<i32>} : memref<104x128xi32, #tpu.memory_space<vmem>>, vector<16xi32>,
      tpu.vector_store %arg4[%swap3A_1479, %swap3A_1480], %get3A_1478 {strides = array<i32>} : memref<104x128xi32, #tpu.memory_space<vmem>>, vector<16xi32>,
      %mul3A_1482 = arith.constant 128 : i32
      %mul3A_1483 = arith.muli %add3A_1418, %mul3A_1482 : i32
      %add3A_1484 = arith.constant 112 : i32
      %add3A_1485 = arith.addi %mul3A_1483, %add3A_1484 : i32
      %get3A_1486 = arith.index_cast %add3A_1485 : i32 to index
      %get3A_1487 = tpu.vector_load %arg5[%get3A_1486] {strides = array<i32>} : memref<13312xi32, #tpu.memory_space<vmem>>, vector<16xi32>,
      %swap3A_1488 = arith.index_cast %add3A_1418 : i32 to index
      %swap3A_1489 = arith.constant 112 : index
      %swap3A_1490 = tpu.vector_load %arg4[%swap3A_1488, %swap3A_1489] {strides = array<i32>} : memref<104x128xi32, #tpu.memory_space<vmem>>, vector<16xi32>,
      tpu.vector_store %arg4[%swap3A_1488, %swap3A_1489], %get3A_1487 {strides = array<i32>} : memref<104x128xi32, #tpu.memory_space<vmem>>, vector<16xi32>,
      %mul3A_1491 = arith.constant 8 : i32
      %mul3A_1492 = arith.muli %while3A_1185, %mul3A_1491 : i32
      %add3A_1493 = arith.constant 4 : i32
      %add3A_1494 = arith.addi %mul3A_1492, %add3A_1493 : i32
      %mul3A_1495 = arith.constant 128 : i32
      %mul3A_1496 = arith.muli %add3A_1494, %mul3A_1495 : i32
      %add3A_1497 = arith.constant 0 : i32
      %add3A_1498 = arith.addi %mul3A_1496, %add3A_1497 : i32
      %get3A_1499 = arith.index_cast %add3A_1498 : i32 to index
      %get3A_1500 = tpu.vector_load %arg5[%get3A_1499] {strides = array<i32>} : memref<13312xi32, #tpu.memory_space<vmem>>, vector<16xi32>,
      %swap3A_1501 = arith.index_cast %add3A_1494 : i32 to index
      %swap3A_1502 = arith.constant 0 : index
      %swap3A_1503 = tpu.vector_load %arg4[%swap3A_1501, %swap3A_1502] {strides = array<i32>} : memref<104x128xi32, #tpu.memory_space<vmem>>, vector<16xi32>,
      tpu.vector_store %arg4[%swap3A_1501, %swap3A_1502], %get3A_1500 {strides = array<i32>} : memref<104x128xi32, #tpu.memory_space<vmem>>, vector<16xi32>,
      %mul3A_1504 = arith.constant 128 : i32
      %mul3A_1505 = arith.muli %add3A_1494, %mul3A_1504 : i32
      %add3A_1506 = arith.constant 16 : i32
      %add3A_1507 = arith.addi %mul3A_1505, %add3A_1506 : i32
      %get3A_1508 = arith.index_cast %add3A_1507 : i32 to index
      %get3A_1509 = tpu.vector_load %arg5[%get3A_1508] {strides = array<i32>} : memref<13312xi32, #tpu.memory_space<vmem>>, vector<16xi32>,
      %swap3A_1510 = arith.index_cast %add3A_1494 : i32 to index
      %swap3A_1511 = arith.constant 16 : index
      %swap3A_1512 = tpu.vector_load %arg4[%swap3A_1510, %swap3A_1511] {strides = array<i32>} : memref<104x128xi32, #tpu.memory_space<vmem>>, vector<16xi32>,
      tpu.vector_store %arg4[%swap3A_1510, %swap3A_1511], %get3A_1509 {strides = array<i32>} : memref<104x128xi32, #tpu.memory_space<vmem>>, vector<16xi32>,
      %mul3A_1513 = arith.constant 128 : i32
      %mul3A_1514 = arith.muli %add3A_1494, %mul3A_1513 : i32
      %add3A_1515 = arith.constant 32 : i32
      %add3A_1516 = arith.addi %mul3A_1514, %add3A_1515 : i32
      %get3A_1517 = arith.index_cast %add3A_1516 : i32 to index
      %get3A_1518 = tpu.vector_load %arg5[%get3A_1517] {strides = array<i32>} : memref<13312xi32, #tpu.memory_space<vmem>>, vector<16xi32>,
      %swap3A_1519 = arith.index_cast %add3A_1494 : i32 to index
      %swap3A_1520 = arith.constant 32 : index
      %swap3A_1521 = tpu.vector_load %arg4[%swap3A_1519, %swap3A_1520] {strides = array<i32>} : memref<104x128xi32, #tpu.memory_space<vmem>>, vector<16xi32>,
      tpu.vector_store %arg4[%swap3A_1519, %swap3A_1520], %get3A_1518 {strides = array<i32>} : memref<104x128xi32, #tpu.memory_space<vmem>>, vector<16xi32>,
      %mul3A_1522 = arith.constant 128 : i32
      %mul3A_1523 = arith.muli %add3A_1494, %mul3A_1522 : i32
      %add3A_1524 = arith.constant 48 : i32
      %add3A_1525 = arith.addi %mul3A_1523, %add3A_1524 : i32
      %get3A_1526 = arith.index_cast %add3A_1525 : i32 to index
      %get3A_1527 = tpu.vector_load %arg5[%get3A_1526] {strides = array<i32>} : memref<13312xi32, #tpu.memory_space<vmem>>, vector<16xi32>,
      %swap3A_1528 = arith.index_cast %add3A_1494 : i32 to index
      %swap3A_1529 = arith.constant 48 : index
      %swap3A_1530 = tpu.vector_load %arg4[%swap3A_1528, %swap3A_1529] {strides = array<i32>} : memref<104x128xi32, #tpu.memory_space<vmem>>, vector<16xi32>,
      tpu.vector_store %arg4[%swap3A_1528, %swap3A_1529], %get3A_1527 {strides = array<i32>} : memref<104x128xi32, #tpu.memory_space<vmem>>, vector<16xi32>,
      %mul3A_1531 = arith.constant 128 : i32
      %mul3A_1532 = arith.muli %add3A_1494, %mul3A_1531 : i32
      %add3A_1533 = arith.constant 64 : i32
      %add3A_1534 = arith.addi %mul3A_1532, %add3A_1533 : i32
      %get3A_1535 = arith.index_cast %add3A_1534 : i32 to index
      %get3A_1536 = tpu.vector_load %arg5[%get3A_1535] {strides = array<i32>} : memref<13312xi32, #tpu.memory_space<vmem>>, vector<16xi32>,
      %swap3A_1537 = arith.index_cast %add3A_1494 : i32 to index
      %swap3A_1538 = arith.constant 64 : index
      %swap3A_1539 = tpu.vector_load %arg4[%swap3A_1537, %swap3A_1538] {strides = array<i32>} : memref<104x128xi32, #tpu.memory_space<vmem>>, vector<16xi32>,
      tpu.vector_store %arg4[%swap3A_1537, %swap3A_1538], %get3A_1536 {strides = array<i32>} : memref<104x128xi32, #tpu.memory_space<vmem>>, vector<16xi32>,
      %mul3A_1540 = arith.constant 128 : i32
      %mul3A_1541 = arith.muli %add3A_1494, %mul3A_1540 : i32
      %add3A_1542 = arith.constant 80 : i32
      %add3A_1543 = arith.addi %mul3A_1541, %add3A_1542 : i32
      %get3A_1544 = arith.index_cast %add3A_1543 : i32 to index
      %get3A_1545 = tpu.vector_load %arg5[%get3A_1544] {strides = array<i32>} : memref<13312xi32, #tpu.memory_space<vmem>>, vector<16xi32>,
      %swap3A_1546 = arith.index_cast %add3A_1494 : i32 to index
      %swap3A_1547 = arith.constant 80 : index
      %swap3A_1548 = tpu.vector_load %arg4[%swap3A_1546, %swap3A_1547] {strides = array<i32>} : memref<104x128xi32, #tpu.memory_space<vmem>>, vector<16xi32>,
      tpu.vector_store %arg4[%swap3A_1546, %swap3A_1547], %get3A_1545 {strides = array<i32>} : memref<104x128xi32, #tpu.memory_space<vmem>>, vector<16xi32>,
      %mul3A_1549 = arith.constant 128 : i32
      %mul3A_1550 = arith.muli %add3A_1494, %mul3A_1549 : i32
      %add3A_1551 = arith.constant 96 : i32
      %add3A_1552 = arith.addi %mul3A_1550, %add3A_1551 : i32
      %get3A_1553 = arith.index_cast %add3A_1552 : i32 to index
      %get3A_1554 = tpu.vector_load %arg5[%get3A_1553] {strides = array<i32>} : memref<13312xi32, #tpu.memory_space<vmem>>, vector<16xi32>,
      %swap3A_1555 = arith.index_cast %add3A_1494 : i32 to index
      %swap3A_1556 = arith.constant 96 : index
      %swap3A_1557 = tpu.vector_load %arg4[%swap3A_1555, %swap3A_1556] {strides = array<i32>} : memref<104x128xi32, #tpu.memory_space<vmem>>, vector<16xi32>,
      tpu.vector_store %arg4[%swap3A_1555, %swap3A_1556], %get3A_1554 {strides = array<i32>} : memref<104x128xi32, #tpu.memory_space<vmem>>, vector<16xi32>,
      %mul3A_1558 = arith.constant 128 : i32
      %mul3A_1559 = arith.muli %add3A_1494, %mul3A_1558 : i32
      %add3A_1560 = arith.constant 112 : i32
      %add3A_1561 = arith.addi %mul3A_1559, %add3A_1560 : i32
      %get3A_1562 = arith.index_cast %add3A_1561 : i32 to index
      %get3A_1563 = tpu.vector_load %arg5[%get3A_1562] {strides = array<i32>} : memref<13312xi32, #tpu.memory_space<vmem>>, vector<16xi32>,
      %swap3A_1564 = arith.index_cast %add3A_1494 : i32 to index
      %swap3A_1565 = arith.constant 112 : index
      %swap3A_1566 = tpu.vector_load %arg4[%swap3A_1564, %swap3A_1565] {strides = array<i32>} : memref<104x128xi32, #tpu.memory_space<vmem>>, vector<16xi32>,
      tpu.vector_store %arg4[%swap3A_1564, %swap3A_1565], %get3A_1563 {strides = array<i32>} : memref<104x128xi32, #tpu.memory_space<vmem>>, vector<16xi32>,
      %mul3A_1567 = arith.constant 8 : i32
      %mul3A_1568 = arith.muli %while3A_1185, %mul3A_1567 : i32
      %add3A_1569 = arith.constant 5 : i32
      %add3A_1570 = arith.addi %mul3A_1568, %add3A_1569 : i32
      %mul3A_1571 = arith.constant 128 : i32
      %mul3A_1572 = arith.muli %add3A_1570, %mul3A_1571 : i32
      %add3A_1573 = arith.constant 0 : i32
      %add3A_1574 = arith.addi %mul3A_1572, %add3A_1573 : i32
      %get3A_1575 = arith.index_cast %add3A_1574 : i32 to index
      %get3A_1576 = tpu.vector_load %arg5[%get3A_1575] {strides = array<i32>} : memref<13312xi32, #tpu.memory_space<vmem>>, vector<16xi32>,
      %swap3A_1577 = arith.index_cast %add3A_1570 : i32 to index
      %swap3A_1578 = arith.constant 0 : index
      %swap3A_1579 = tpu.vector_load %arg4[%swap3A_1577, %swap3A_1578] {strides = array<i32>} : memref<104x128xi32, #tpu.memory_space<vmem>>, vector<16xi32>,
      tpu.vector_store %arg4[%swap3A_1577, %swap3A_1578], %get3A_1576 {strides = array<i32>} : memref<104x128xi32, #tpu.memory_space<vmem>>, vector<16xi32>,
      %mul3A_1580 = arith.constant 128 : i32
      %mul3A_1581 = arith.muli %add3A_1570, %mul3A_1580 : i32
      %add3A_1582 = arith.constant 16 : i32
      %add3A_1583 = arith.addi %mul3A_1581, %add3A_1582 : i32
      %get3A_1584 = arith.index_cast %add3A_1583 : i32 to index
      %get3A_1585 = tpu.vector_load %arg5[%get3A_1584] {strides = array<i32>} : memref<13312xi32, #tpu.memory_space<vmem>>, vector<16xi32>,
      %swap3A_1586 = arith.index_cast %add3A_1570 : i32 to index
      %swap3A_1587 = arith.constant 16 : index
      %swap3A_1588 = tpu.vector_load %arg4[%swap3A_1586, %swap3A_1587] {strides = array<i32>} : memref<104x128xi32, #tpu.memory_space<vmem>>, vector<16xi32>,
      tpu.vector_store %arg4[%swap3A_1586, %swap3A_1587], %get3A_1585 {strides = array<i32>} : memref<104x128xi32, #tpu.memory_space<vmem>>, vector<16xi32>,
      %mul3A_1589 = arith.constant 128 : i32
      %mul3A_1590 = arith.muli %add3A_1570, %mul3A_1589 : i32
      %add3A_1591 = arith.constant 32 : i32
      %add3A_1592 = arith.addi %mul3A_1590, %add3A_1591 : i32
      %get3A_1593 = arith.index_cast %add3A_1592 : i32 to index
      %get3A_1594 = tpu.vector_load %arg5[%get3A_1593] {strides = array<i32>} : memref<13312xi32, #tpu.memory_space<vmem>>, vector<16xi32>,
      %swap3A_1595 = arith.index_cast %add3A_1570 : i32 to index
      %swap3A_1596 = arith.constant 32 : index
      %swap3A_1597 = tpu.vector_load %arg4[%swap3A_1595, %swap3A_1596] {strides = array<i32>} : memref<104x128xi32, #tpu.memory_space<vmem>>, vector<16xi32>,
      tpu.vector_store %arg4[%swap3A_1595, %swap3A_1596], %get3A_1594 {strides = array<i32>} : memref<104x128xi32, #tpu.memory_space<vmem>>, vector<16xi32>,
      %mul3A_1598 = arith.constant 128 : i32
      %mul3A_1599 = arith.muli %add3A_1570, %mul3A_1598 : i32
      %add3A_1600 = arith.constant 48 : i32
      %add3A_1601 = arith.addi %mul3A_1599, %add3A_1600 : i32
      %get3A_1602 = arith.index_cast %add3A_1601 : i32 to index
      %get3A_1603 = tpu.vector_load %arg5[%get3A_1602] {strides = array<i32>} : memref<13312xi32, #tpu.memory_space<vmem>>, vector<16xi32>,
      %swap3A_1604 = arith.index_cast %add3A_1570 : i32 to index
      %swap3A_1605 = arith.constant 48 : index
      %swap3A_1606 = tpu.vector_load %arg4[%swap3A_1604, %swap3A_1605] {strides = array<i32>} : memref<104x128xi32, #tpu.memory_space<vmem>>, vector<16xi32>,
      tpu.vector_store %arg4[%swap3A_1604, %swap3A_1605], %get3A_1603 {strides = array<i32>} : memref<104x128xi32, #tpu.memory_space<vmem>>, vector<16xi32>,
      %mul3A_1607 = arith.constant 128 : i32
      %mul3A_1608 = arith.muli %add3A_1570, %mul3A_1607 : i32
      %add3A_1609 = arith.constant 64 : i32
      %add3A_1610 = arith.addi %mul3A_1608, %add3A_1609 : i32
      %get3A_1611 = arith.index_cast %add3A_1610 : i32 to index
      %get3A_1612 = tpu.vector_load %arg5[%get3A_1611] {strides = array<i32>} : memref<13312xi32, #tpu.memory_space<vmem>>, vector<16xi32>,
      %swap3A_1613 = arith.index_cast %add3A_1570 : i32 to index
      %swap3A_1614 = arith.constant 64 : index
      %swap3A_1615 = tpu.vector_load %arg4[%swap3A_1613, %swap3A_1614] {strides = array<i32>} : memref<104x128xi32, #tpu.memory_space<vmem>>, vector<16xi32>,
      tpu.vector_store %arg4[%swap3A_1613, %swap3A_1614], %get3A_1612 {strides = array<i32>} : memref<104x128xi32, #tpu.memory_space<vmem>>, vector<16xi32>,
      %mul3A_1616 = arith.constant 128 : i32
      %mul3A_1617 = arith.muli %add3A_1570, %mul3A_1616 : i32
      %add3A_1618 = arith.constant 80 : i32
      %add3A_1619 = arith.addi %mul3A_1617, %add3A_1618 : i32
      %get3A_1620 = arith.index_cast %add3A_1619 : i32 to index
      %get3A_1621 = tpu.vector_load %arg5[%get3A_1620] {strides = array<i32>} : memref<13312xi32, #tpu.memory_space<vmem>>, vector<16xi32>,
      %swap3A_1622 = arith.index_cast %add3A_1570 : i32 to index
      %swap3A_1623 = arith.constant 80 : index
      %swap3A_1624 = tpu.vector_load %arg4[%swap3A_1622, %swap3A_1623] {strides = array<i32>} : memref<104x128xi32, #tpu.memory_space<vmem>>, vector<16xi32>,
      tpu.vector_store %arg4[%swap3A_1622, %swap3A_1623], %get3A_1621 {strides = array<i32>} : memref<104x128xi32, #tpu.memory_space<vmem>>, vector<16xi32>,
      %mul3A_1625 = arith.constant 128 : i32
      %mul3A_1626 = arith.muli %add3A_1570, %mul3A_1625 : i32
      %add3A_1627 = arith.constant 96 : i32
      %add3A_1628 = arith.addi %mul3A_1626, %add3A_1627 : i32
      %get3A_1629 = arith.index_cast %add3A_1628 : i32 to index
      %get3A_1630 = tpu.vector_load %arg5[%get3A_1629] {strides = array<i32>} : memref<13312xi32, #tpu.memory_space<vmem>>, vector<16xi32>,
      %swap3A_1631 = arith.index_cast %add3A_1570 : i32 to index
      %swap3A_1632 = arith.constant 96 : index
      %swap3A_1633 = tpu.vector_load %arg4[%swap3A_1631, %swap3A_1632] {strides = array<i32>} : memref<104x128xi32, #tpu.memory_space<vmem>>, vector<16xi32>,
      tpu.vector_store %arg4[%swap3A_1631, %swap3A_1632], %get3A_1630 {strides = array<i32>} : memref<104x128xi32, #tpu.memory_space<vmem>>, vector<16xi32>,
      %mul3A_1634 = arith.constant 128 : i32
      %mul3A_1635 = arith.muli %add3A_1570, %mul3A_1634 : i32
      %add3A_1636 = arith.constant 112 : i32
      %add3A_1637 = arith.addi %mul3A_1635, %add3A_1636 : i32
      %get3A_1638 = arith.index_cast %add3A_1637 : i32 to index
      %get3A_1639 = tpu.vector_load %arg5[%get3A_1638] {strides = array<i32>} : memref<13312xi32, #tpu.memory_space<vmem>>, vector<16xi32>,
      %swap3A_1640 = arith.index_cast %add3A_1570 : i32 to index
      %swap3A_1641 = arith.constant 112 : index
      %swap3A_1642 = tpu.vector_load %arg4[%swap3A_1640, %swap3A_1641] {strides = array<i32>} : memref<104x128xi32, #tpu.memory_space<vmem>>, vector<16xi32>,
      tpu.vector_store %arg4[%swap3A_1640, %swap3A_1641], %get3A_1639 {strides = array<i32>} : memref<104x128xi32, #tpu.memory_space<vmem>>, vector<16xi32>,
      %mul3A_1643 = arith.constant 8 : i32
      %mul3A_1644 = arith.muli %while3A_1185, %mul3A_1643 : i32
      %add3A_1645 = arith.constant 6 : i32
      %add3A_1646 = arith.addi %mul3A_1644, %add3A_1645 : i32
      %mul3A_1647 = arith.constant 128 : i32
      %mul3A_1648 = arith.muli %add3A_1646, %mul3A_1647 : i32
      %add3A_1649 = arith.constant 0 : i32
      %add3A_1650 = arith.addi %mul3A_1648, %add3A_1649 : i32
      %get3A_1651 = arith.index_cast %add3A_1650 : i32 to index
      %get3A_1652 = tpu.vector_load %arg5[%get3A_1651] {strides = array<i32>} : memref<13312xi32, #tpu.memory_space<vmem>>, vector<16xi32>,
      %swap3A_1653 = arith.index_cast %add3A_1646 : i32 to index
      %swap3A_1654 = arith.constant 0 : index
      %swap3A_1655 = tpu.vector_load %arg4[%swap3A_1653, %swap3A_1654] {strides = array<i32>} : memref<104x128xi32, #tpu.memory_space<vmem>>, vector<16xi32>,
      tpu.vector_store %arg4[%swap3A_1653, %swap3A_1654], %get3A_1652 {strides = array<i32>} : memref<104x128xi32, #tpu.memory_space<vmem>>, vector<16xi32>,
      %mul3A_1656 = arith.constant 128 : i32
      %mul3A_1657 = arith.muli %add3A_1646, %mul3A_1656 : i32
      %add3A_1658 = arith.constant 16 : i32
      %add3A_1659 = arith.addi %mul3A_1657, %add3A_1658 : i32
      %get3A_1660 = arith.index_cast %add3A_1659 : i32 to index
      %get3A_1661 = tpu.vector_load %arg5[%get3A_1660] {strides = array<i32>} : memref<13312xi32, #tpu.memory_space<vmem>>, vector<16xi32>,
      %swap3A_1662 = arith.index_cast %add3A_1646 : i32 to index
      %swap3A_1663 = arith.constant 16 : index
      %swap3A_1664 = tpu.vector_load %arg4[%swap3A_1662, %swap3A_1663] {strides = array<i32>} : memref<104x128xi32, #tpu.memory_space<vmem>>, vector<16xi32>,
      tpu.vector_store %arg4[%swap3A_1662, %swap3A_1663], %get3A_1661 {strides = array<i32>} : memref<104x128xi32, #tpu.memory_space<vmem>>, vector<16xi32>,
      %mul3A_1665 = arith.constant 128 : i32
      %mul3A_1666 = arith.muli %add3A_1646, %mul3A_1665 : i32
      %add3A_1667 = arith.constant 32 : i32
      %add3A_1668 = arith.addi %mul3A_1666, %add3A_1667 : i32
      %get3A_1669 = arith.index_cast %add3A_1668 : i32 to index
      %get3A_1670 = tpu.vector_load %arg5[%get3A_1669] {strides = array<i32>} : memref<13312xi32, #tpu.memory_space<vmem>>, vector<16xi32>,
      %swap3A_1671 = arith.index_cast %add3A_1646 : i32 to index
      %swap3A_1672 = arith.constant 32 : index
      %swap3A_1673 = tpu.vector_load %arg4[%swap3A_1671, %swap3A_1672] {strides = array<i32>} : memref<104x128xi32, #tpu.memory_space<vmem>>, vector<16xi32>,
      tpu.vector_store %arg4[%swap3A_1671, %swap3A_1672], %get3A_1670 {strides = array<i32>} : memref<104x128xi32, #tpu.memory_space<vmem>>, vector<16xi32>,
      %mul3A_1674 = arith.constant 128 : i32
      %mul3A_1675 = arith.muli %add3A_1646, %mul3A_1674 : i32
      %add3A_1676 = arith.constant 48 : i32
      %add3A_1677 = arith.addi %mul3A_1675, %add3A_1676 : i32
      %get3A_1678 = arith.index_cast %add3A_1677 : i32 to index
      %get3A_1679 = tpu.vector_load %arg5[%get3A_1678] {strides = array<i32>} : memref<13312xi32, #tpu.memory_space<vmem>>, vector<16xi32>,
      %swap3A_1680 = arith.index_cast %add3A_1646 : i32 to index
      %swap3A_1681 = arith.constant 48 : index
      %swap3A_1682 = tpu.vector_load %arg4[%swap3A_1680, %swap3A_1681] {strides = array<i32>} : memref<104x128xi32, #tpu.memory_space<vmem>>, vector<16xi32>,
      tpu.vector_store %arg4[%swap3A_1680, %swap3A_1681], %get3A_1679 {strides = array<i32>} : memref<104x128xi32, #tpu.memory_space<vmem>>, vector<16xi32>,
      %mul3A_1683 = arith.constant 128 : i32
      %mul3A_1684 = arith.muli %add3A_1646, %mul3A_1683 : i32
      %add3A_1685 = arith.constant 64 : i32
      %add3A_1686 = arith.addi %mul3A_1684, %add3A_1685 : i32
      %get3A_1687 = arith.index_cast %add3A_1686 : i32 to index
      %get3A_1688 = tpu.vector_load %arg5[%get3A_1687] {strides = array<i32>} : memref<13312xi32, #tpu.memory_space<vmem>>, vector<16xi32>,
      %swap3A_1689 = arith.index_cast %add3A_1646 : i32 to index
      %swap3A_1690 = arith.constant 64 : index
      %swap3A_1691 = tpu.vector_load %arg4[%swap3A_1689, %swap3A_1690] {strides = array<i32>} : memref<104x128xi32, #tpu.memory_space<vmem>>, vector<16xi32>,
      tpu.vector_store %arg4[%swap3A_1689, %swap3A_1690], %get3A_1688 {strides = array<i32>} : memref<104x128xi32, #tpu.memory_space<vmem>>, vector<16xi32>,
      %mul3A_1692 = arith.constant 128 : i32
      %mul3A_1693 = arith.muli %add3A_1646, %mul3A_1692 : i32
      %add3A_1694 = arith.constant 80 : i32
      %add3A_1695 = arith.addi %mul3A_1693, %add3A_1694 : i32
      %get3A_1696 = arith.index_cast %add3A_1695 : i32 to index
      %get3A_1697 = tpu.vector_load %arg5[%get3A_1696] {strides = array<i32>} : memref<13312xi32, #tpu.memory_space<vmem>>, vector<16xi32>,
      %swap3A_1698 = arith.index_cast %add3A_1646 : i32 to index
      %swap3A_1699 = arith.constant 80 : index
      %swap3A_1700 = tpu.vector_load %arg4[%swap3A_1698, %swap3A_1699] {strides = array<i32>} : memref<104x128xi32, #tpu.memory_space<vmem>>, vector<16xi32>,
      tpu.vector_store %arg4[%swap3A_1698, %swap3A_1699], %get3A_1697 {strides = array<i32>} : memref<104x128xi32, #tpu.memory_space<vmem>>, vector<16xi32>,
      %mul3A_1701 = arith.constant 128 : i32
      %mul3A_1702 = arith.muli %add3A_1646, %mul3A_1701 : i32
      %add3A_1703 = arith.constant 96 : i32
      %add3A_1704 = arith.addi %mul3A_1702, %add3A_1703 : i32
      %get3A_1705 = arith.index_cast %add3A_1704 : i32 to index
      %get3A_1706 = tpu.vector_load %arg5[%get3A_1705] {strides = array<i32>} : memref<13312xi32, #tpu.memory_space<vmem>>, vector<16xi32>,
      %swap3A_1707 = arith.index_cast %add3A_1646 : i32 to index
      %swap3A_1708 = arith.constant 96 : index
      %swap3A_1709 = tpu.vector_load %arg4[%swap3A_1707, %swap3A_1708] {strides = array<i32>} : memref<104x128xi32, #tpu.memory_space<vmem>>, vector<16xi32>,
      tpu.vector_store %arg4[%swap3A_1707, %swap3A_1708], %get3A_1706 {strides = array<i32>} : memref<104x128xi32, #tpu.memory_space<vmem>>, vector<16xi32>,
      %mul3A_1710 = arith.constant 128 : i32
      %mul3A_1711 = arith.muli %add3A_1646, %mul3A_1710 : i32
      %add3A_1712 = arith.constant 112 : i32
      %add3A_1713 = arith.addi %mul3A_1711, %add3A_1712 : i32
      %get3A_1714 = arith.index_cast %add3A_1713 : i32 to index
      %get3A_1715 = tpu.vector_load %arg5[%get3A_1714] {strides = array<i32>} : memref<13312xi32, #tpu.memory_space<vmem>>, vector<16xi32>,
      %swap3A_1716 = arith.index_cast %add3A_1646 : i32 to index
      %swap3A_1717 = arith.constant 112 : index
      %swap3A_1718 = tpu.vector_load %arg4[%swap3A_1716, %swap3A_1717] {strides = array<i32>} : memref<104x128xi32, #tpu.memory_space<vmem>>, vector<16xi32>,
      tpu.vector_store %arg4[%swap3A_1716, %swap3A_1717], %get3A_1715 {strides = array<i32>} : memref<104x128xi32, #tpu.memory_space<vmem>>, vector<16xi32>,
      %mul3A_1719 = arith.constant 8 : i32
      %mul3A_1720 = arith.muli %while3A_1185, %mul3A_1719 : i32
      %add3A_1721 = arith.constant 7 : i32
      %add3A_1722 = arith.addi %mul3A_1720, %add3A_1721 : i32
      %mul3A_1723 = arith.constant 128 : i32
      %mul3A_1724 = arith.muli %add3A_1722, %mul3A_1723 : i32
      %add3A_1725 = arith.constant 0 : i32
      %add3A_1726 = arith.addi %mul3A_1724, %add3A_1725 : i32
      %get3A_1727 = arith.index_cast %add3A_1726 : i32 to index
      %get3A_1728 = tpu.vector_load %arg5[%get3A_1727] {strides = array<i32>} : memref<13312xi32, #tpu.memory_space<vmem>>, vector<16xi32>,
      %swap3A_1729 = arith.index_cast %add3A_1722 : i32 to index
      %swap3A_1730 = arith.constant 0 : index
      %swap3A_1731 = tpu.vector_load %arg4[%swap3A_1729, %swap3A_1730] {strides = array<i32>} : memref<104x128xi32, #tpu.memory_space<vmem>>, vector<16xi32>,
      tpu.vector_store %arg4[%swap3A_1729, %swap3A_1730], %get3A_1728 {strides = array<i32>} : memref<104x128xi32, #tpu.memory_space<vmem>>, vector<16xi32>,
      %mul3A_1732 = arith.constant 128 : i32
      %mul3A_1733 = arith.muli %add3A_1722, %mul3A_1732 : i32
      %add3A_1734 = arith.constant 16 : i32
      %add3A_1735 = arith.addi %mul3A_1733, %add3A_1734 : i32
      %get3A_1736 = arith.index_cast %add3A_1735 : i32 to index
      %get3A_1737 = tpu.vector_load %arg5[%get3A_1736] {strides = array<i32>} : memref<13312xi32, #tpu.memory_space<vmem>>, vector<16xi32>,
      %swap3A_1738 = arith.index_cast %add3A_1722 : i32 to index
      %swap3A_1739 = arith.constant 16 : index
      %swap3A_1740 = tpu.vector_load %arg4[%swap3A_1738, %swap3A_1739] {strides = array<i32>} : memref<104x128xi32, #tpu.memory_space<vmem>>, vector<16xi32>,
      tpu.vector_store %arg4[%swap3A_1738, %swap3A_1739], %get3A_1737 {strides = array<i32>} : memref<104x128xi32, #tpu.memory_space<vmem>>, vector<16xi32>,
      %mul3A_1741 = arith.constant 128 : i32
      %mul3A_1742 = arith.muli %add3A_1722, %mul3A_1741 : i32
      %add3A_1743 = arith.constant 32 : i32
      %add3A_1744 = arith.addi %mul3A_1742, %add3A_1743 : i32
      %get3A_1745 = arith.index_cast %add3A_1744 : i32 to index
      %get3A_1746 = tpu.vector_load %arg5[%get3A_1745] {strides = array<i32>} : memref<13312xi32, #tpu.memory_space<vmem>>, vector<16xi32>,
      %swap3A_1747 = arith.index_cast %add3A_1722 : i32 to index
      %swap3A_1748 = arith.constant 32 : index
      %swap3A_1749 = tpu.vector_load %arg4[%swap3A_1747, %swap3A_1748] {strides = array<i32>} : memref<104x128xi32, #tpu.memory_space<vmem>>, vector<16xi32>,
      tpu.vector_store %arg4[%swap3A_1747, %swap3A_1748], %get3A_1746 {strides = array<i32>} : memref<104x128xi32, #tpu.memory_space<vmem>>, vector<16xi32>,
      %mul3A_1750 = arith.constant 128 : i32
      %mul3A_1751 = arith.muli %add3A_1722, %mul3A_1750 : i32
      %add3A_1752 = arith.constant 48 : i32
      %add3A_1753 = arith.addi %mul3A_1751, %add3A_1752 : i32
      %get3A_1754 = arith.index_cast %add3A_1753 : i32 to index
      %get3A_1755 = tpu.vector_load %arg5[%get3A_1754] {strides = array<i32>} : memref<13312xi32, #tpu.memory_space<vmem>>, vector<16xi32>,
      %swap3A_1756 = arith.index_cast %add3A_1722 : i32 to index
      %swap3A_1757 = arith.constant 48 : index
      %swap3A_1758 = tpu.vector_load %arg4[%swap3A_1756, %swap3A_1757] {strides = array<i32>} : memref<104x128xi32, #tpu.memory_space<vmem>>, vector<16xi32>,
      tpu.vector_store %arg4[%swap3A_1756, %swap3A_1757], %get3A_1755 {strides = array<i32>} : memref<104x128xi32, #tpu.memory_space<vmem>>, vector<16xi32>,
      %mul3A_1759 = arith.constant 128 : i32
      %mul3A_1760 = arith.muli %add3A_1722, %mul3A_1759 : i32
      %add3A_1761 = arith.constant 64 : i32
      %add3A_1762 = arith.addi %mul3A_1760, %add3A_1761 : i32
      %get3A_1763 = arith.index_cast %add3A_1762 : i32 to index
      %get3A_1764 = tpu.vector_load %arg5[%get3A_1763] {strides = array<i32>} : memref<13312xi32, #tpu.memory_space<vmem>>, vector<16xi32>,
      %swap3A_1765 = arith.index_cast %add3A_1722 : i32 to index
      %swap3A_1766 = arith.constant 64 : index
      %swap3A_1767 = tpu.vector_load %arg4[%swap3A_1765, %swap3A_1766] {strides = array<i32>} : memref<104x128xi32, #tpu.memory_space<vmem>>, vector<16xi32>,
      tpu.vector_store %arg4[%swap3A_1765, %swap3A_1766], %get3A_1764 {strides = array<i32>} : memref<104x128xi32, #tpu.memory_space<vmem>>, vector<16xi32>,
      %mul3A_1768 = arith.constant 128 : i32
      %mul3A_1769 = arith.muli %add3A_1722, %mul3A_1768 : i32
      %add3A_1770 = arith.constant 80 : i32
      %add3A_1771 = arith.addi %mul3A_1769, %add3A_1770 : i32
      %get3A_1772 = arith.index_cast %add3A_1771 : i32 to index
      %get3A_1773 = tpu.vector_load %arg5[%get3A_1772] {strides = array<i32>} : memref<13312xi32, #tpu.memory_space<vmem>>, vector<16xi32>,
      %swap3A_1774 = arith.index_cast %add3A_1722 : i32 to index
      %swap3A_1775 = arith.constant 80 : index
      %swap3A_1776 = tpu.vector_load %arg4[%swap3A_1774, %swap3A_1775] {strides = array<i32>} : memref<104x128xi32, #tpu.memory_space<vmem>>, vector<16xi32>,
      tpu.vector_store %arg4[%swap3A_1774, %swap3A_1775], %get3A_1773 {strides = array<i32>} : memref<104x128xi32, #tpu.memory_space<vmem>>, vector<16xi32>,
      %mul3A_1777 = arith.constant 128 : i32
      %mul3A_1778 = arith.muli %add3A_1722, %mul3A_1777 : i32
      %add3A_1779 = arith.constant 96 : i32
      %add3A_1780 = arith.addi %mul3A_1778, %add3A_1779 : i32
      %get3A_1781 = arith.index_cast %add3A_1780 : i32 to index
      %get3A_1782 = tpu.vector_load %arg5[%get3A_1781] {strides = array<i32>} : memref<13312xi32, #tpu.memory_space<vmem>>, vector<16xi32>,
      %swap3A_1783 = arith.index_cast %add3A_1722 : i32 to index
      %swap3A_1784 = arith.constant 96 : index
      %swap3A_1785 = tpu.vector_load %arg4[%swap3A_1783, %swap3A_1784] {strides = array<i32>} : memref<104x128xi32, #tpu.memory_space<vmem>>, vector<16xi32>,
      tpu.vector_store %arg4[%swap3A_1783, %swap3A_1784], %get3A_1782 {strides = array<i32>} : memref<104x128xi32, #tpu.memory_space<vmem>>, vector<16xi32>,
      %mul3A_1786 = arith.constant 128 : i32
      %mul3A_1787 = arith.muli %add3A_1722, %mul3A_1786 : i32
      %add3A_1788 = arith.constant 112 : i32
      %add3A_1789 = arith.addi %mul3A_1787, %add3A_1788 : i32
      %get3A_1790 = arith.index_cast %add3A_1789 : i32 to index
      %get3A_1791 = tpu.vector_load %arg5[%get3A_1790] {strides = array<i32>} : memref<13312xi32, #tpu.memory_space<vmem>>, vector<16xi32>,
      %swap3A_1792 = arith.index_cast %add3A_1722 : i32 to index
      %swap3A_1793 = arith.constant 112 : index
      %swap3A_1794 = tpu.vector_load %arg4[%swap3A_1792, %swap3A_1793] {strides = array<i32>} : memref<104x128xi32, #tpu.memory_space<vmem>>, vector<16xi32>,
      tpu.vector_store %arg4[%swap3A_1792, %swap3A_1793], %get3A_1791 {strides = array<i32>} : memref<104x128xi32, #tpu.memory_space<vmem>>, vector<16xi32>,
      %mul3A_1795 = arith.constant 8 : i32
      %mul3A_1796 = arith.muli %while3A_1185, %mul3A_1795 : i32
      %add3A_1797 = arith.constant 0 : i32
      %add3A_1798 = arith.addi %mul3A_1796, %add3A_1797 : i32
      %dma_start3A_1799 = arith.constant 0 : i32
      %dma_start3A_1800 = tpu.memref_slice %arg4[%add3A_1798, %dma_start3A_1799] : memref<104x128xi32, #tpu.memory_space<vmem>> -> memref<1x128xi32, #tpu.memory_space<vmem>>
      %dma_start3A_1801 = tpu.memref_squeeze %dma_start3A_1800 : memref<1x128xi32, #tpu.memory_space<vmem>> -> memref<128xi32, #tpu.memory_space<vmem>>
      %dma_start3A_1802 = arith.constant 0 : i32
      %dma_start3A_1803 = tpu.memref_slice %arg17[%dma_start3A_1802] : memref<10240xf32, #tpu.memory_space<vmem_shared>> -> memref<10240xf32, #tpu.memory_space<vmem_shared>>
      tpu.enqueue_indirect_dma source(%arg8 : memref<128xf32, #tpu.memory_space<vmem>>) target(%dma_start3A_1803 : memref<10240xf32, #tpu.memory_space<vmem_shared>>) offsets(%dma_start3A_1801 : memref<128xi32, #tpu.memory_space<vmem>>) semaphore(%arg18 : memref<!tpu.dma_semaphore, #tpu.memory_space<semaphore_mem>>) {add = true}
      %mul3A_1804 = arith.constant 8 : i32
      %mul3A_1805 = arith.muli %while3A_1185, %mul3A_1804 : i32
      %add3A_1806 = arith.constant 1 : i32
      %add3A_1807 = arith.addi %mul3A_1805, %add3A_1806 : i32
      %dma_start3A_1808 = arith.constant 0 : i32
      %dma_start3A_1809 = tpu.memref_slice %arg4[%add3A_1807, %dma_start3A_1808] : memref<104x128xi32, #tpu.memory_space<vmem>> -> memref<1x128xi32, #tpu.memory_space<vmem>>
      %dma_start3A_1810 = tpu.memref_squeeze %dma_start3A_1809 : memref<1x128xi32, #tpu.memory_space<vmem>> -> memref<128xi32, #tpu.memory_space<vmem>>
      %dma_start3A_1811 = arith.constant 0 : i32
      %dma_start3A_1812 = tpu.memref_slice %arg17[%dma_start3A_1811] : memref<10240xf32, #tpu.memory_space<vmem_shared>> -> memref<10240xf32, #tpu.memory_space<vmem_shared>>
      tpu.enqueue_indirect_dma source(%arg8 : memref<128xf32, #tpu.memory_space<vmem>>) target(%dma_start3A_1812 : memref<10240xf32, #tpu.memory_space<vmem_shared>>) offsets(%dma_start3A_1810 : memref<128xi32, #tpu.memory_space<vmem>>) semaphore(%arg18 : memref<!tpu.dma_semaphore, #tpu.memory_space<semaphore_mem>>) {add = true}
      %mul3A_1813 = arith.constant 8 : i32
      %mul3A_1814 = arith.muli %while3A_1185, %mul3A_1813 : i32
      %add3A_1815 = arith.constant 2 : i32
      %add3A_1816 = arith.addi %mul3A_1814, %add3A_1815 : i32
      %dma_start3A_1817 = arith.constant 0 : i32
      %dma_start3A_1818 = tpu.memref_slice %arg4[%add3A_1816, %dma_start3A_1817] : memref<104x128xi32, #tpu.memory_space<vmem>> -> memref<1x128xi32, #tpu.memory_space<vmem>>
      %dma_start3A_1819 = tpu.memref_squeeze %dma_start3A_1818 : memref<1x128xi32, #tpu.memory_space<vmem>> -> memref<128xi32, #tpu.memory_space<vmem>>
      %dma_start3A_1820 = arith.constant 0 : i32
      %dma_start3A_1821 = tpu.memref_slice %arg17[%dma_start3A_1820] : memref<10240xf32, #tpu.memory_space<vmem_shared>> -> memref<10240xf32, #tpu.memory_space<vmem_shared>>
      tpu.enqueue_indirect_dma source(%arg8 : memref<128xf32, #tpu.memory_space<vmem>>) target(%dma_start3A_1821 : memref<10240xf32, #tpu.memory_space<vmem_shared>>) offsets(%dma_start3A_1819 : memref<128xi32, #tpu.memory_space<vmem>>) semaphore(%arg18 : memref<!tpu.dma_semaphore, #tpu.memory_space<semaphore_mem>>) {add = true}
      %mul3A_1822 = arith.constant 8 : i32
      %mul3A_1823 = arith.muli %while3A_1185, %mul3A_1822 : i32
      %add3A_1824 = arith.constant 3 : i32
      %add3A_1825 = arith.addi %mul3A_1823, %add3A_1824 : i32
      %dma_start3A_1826 = arith.constant 0 : i32
      %dma_start3A_1827 = tpu.memref_slice %arg4[%add3A_1825, %dma_start3A_1826] : memref<104x128xi32, #tpu.memory_space<vmem>> -> memref<1x128xi32, #tpu.memory_space<vmem>>
      %dma_start3A_1828 = tpu.memref_squeeze %dma_start3A_1827 : memref<1x128xi32, #tpu.memory_space<vmem>> -> memref<128xi32, #tpu.memory_space<vmem>>
      %dma_start3A_1829 = arith.constant 0 : i32
      %dma_start3A_1830 = tpu.memref_slice %arg17[%dma_start3A_1829] : memref<10240xf32, #tpu.memory_space<vmem_shared>> -> memref<10240xf32, #tpu.memory_space<vmem_shared>>
      tpu.enqueue_indirect_dma source(%arg8 : memref<128xf32, #tpu.memory_space<vmem>>) target(%dma_start3A_1830 : memref<10240xf32, #tpu.memory_space<vmem_shared>>) offsets(%dma_start3A_1828 : memref<128xi32, #tpu.memory_space<vmem>>) semaphore(%arg18 : memref<!tpu.dma_semaphore, #tpu.memory_space<semaphore_mem>>) {add = true}
      %mul3A_1831 = arith.constant 8 : i32
      %mul3A_1832 = arith.muli %while3A_1185, %mul3A_1831 : i32
      %add3A_1833 = arith.constant 4 : i32
      %add3A_1834 = arith.addi %mul3A_1832, %add3A_1833 : i32
      %dma_start3A_1835 = arith.constant 0 : i32
      %dma_start3A_1836 = tpu.memref_slice %arg4[%add3A_1834, %dma_start3A_1835] : memref<104x128xi32, #tpu.memory_space<vmem>> -> memref<1x128xi32, #tpu.memory_space<vmem>>
      %dma_start3A_1837 = tpu.memref_squeeze %dma_start3A_1836 : memref<1x128xi32, #tpu.memory_space<vmem>> -> memref<128xi32, #tpu.memory_space<vmem>>
      %dma_start3A_1838 = arith.constant 0 : i32
      %dma_start3A_1839 = tpu.memref_slice %arg17[%dma_start3A_1838] : memref<10240xf32, #tpu.memory_space<vmem_shared>> -> memref<10240xf32, #tpu.memory_space<vmem_shared>>
      tpu.enqueue_indirect_dma source(%arg8 : memref<128xf32, #tpu.memory_space<vmem>>) target(%dma_start3A_1839 : memref<10240xf32, #tpu.memory_space<vmem_shared>>) offsets(%dma_start3A_1837 : memref<128xi32, #tpu.memory_space<vmem>>) semaphore(%arg18 : memref<!tpu.dma_semaphore, #tpu.memory_space<semaphore_mem>>) {add = true}
      %mul3A_1840 = arith.constant 8 : i32
      %mul3A_1841 = arith.muli %while3A_1185, %mul3A_1840 : i32
      %add3A_1842 = arith.constant 5 : i32
      %add3A_1843 = arith.addi %mul3A_1841, %add3A_1842 : i32
      %dma_start3A_1844 = arith.constant 0 : i32
      %dma_start3A_1845 = tpu.memref_slice %arg4[%add3A_1843, %dma_start3A_1844] : memref<104x128xi32, #tpu.memory_space<vmem>> -> memref<1x128xi32, #tpu.memory_space<vmem>>
      %dma_start3A_1846 = tpu.memref_squeeze %dma_start3A_1845 : memref<1x128xi32, #tpu.memory_space<vmem>> -> memref<128xi32, #tpu.memory_space<vmem>>
      %dma_start3A_1847 = arith.constant 0 : i32
      %dma_start3A_1848 = tpu.memref_slice %arg17[%dma_start3A_1847] : memref<10240xf32, #tpu.memory_space<vmem_shared>> -> memref<10240xf32, #tpu.memory_space<vmem_shared>>
      tpu.enqueue_indirect_dma source(%arg8 : memref<128xf32, #tpu.memory_space<vmem>>) target(%dma_start3A_1848 : memref<10240xf32, #tpu.memory_space<vmem_shared>>) offsets(%dma_start3A_1846 : memref<128xi32, #tpu.memory_space<vmem>>) semaphore(%arg18 : memref<!tpu.dma_semaphore, #tpu.memory_space<semaphore_mem>>) {add = true}
      %mul3A_1849 = arith.constant 8 : i32
      %mul3A_1850 = arith.muli %while3A_1185, %mul3A_1849 : i32
      %add3A_1851 = arith.constant 6 : i32
      %add3A_1852 = arith.addi %mul3A_1850, %add3A_1851 : i32
      %dma_start3A_1853 = arith.constant 0 : i32
      %dma_start3A_1854 = tpu.memref_slice %arg4[%add3A_1852, %dma_start3A_1853] : memref<104x128xi32, #tpu.memory_space<vmem>> -> memref<1x128xi32, #tpu.memory_space<vmem>>
      %dma_start3A_1855 = tpu.memref_squeeze %dma_start3A_1854 : memref<1x128xi32, #tpu.memory_space<vmem>> -> memref<128xi32, #tpu.memory_space<vmem>>
      %dma_start3A_1856 = arith.constant 0 : i32
      %dma_start3A_1857 = tpu.memref_slice %arg17[%dma_start3A_1856] : memref<10240xf32, #tpu.memory_space<vmem_shared>> -> memref<10240xf32, #tpu.memory_space<vmem_shared>>
      tpu.enqueue_indirect_dma source(%arg8 : memref<128xf32, #tpu.memory_space<vmem>>) target(%dma_start3A_1857 : memref<10240xf32, #tpu.memory_space<vmem_shared>>) offsets(%dma_start3A_1855 : memref<128xi32, #tpu.memory_space<vmem>>) semaphore(%arg18 : memref<!tpu.dma_semaphore, #tpu.memory_space<semaphore_mem>>) {add = true}
      %mul3A_1858 = arith.constant 8 : i32
      %mul3A_1859 = arith.muli %while3A_1185, %mul3A_1858 : i32
      %add3A_1860 = arith.constant 7 : i32
      %add3A_1861 = arith.addi %mul3A_1859, %add3A_1860 : i32
      %dma_start3A_1862 = arith.constant 0 : i32
      %dma_start3A_1863 = tpu.memref_slice %arg4[%add3A_1861, %dma_start3A_1862] : memref<104x128xi32, #tpu.memory_space<vmem>> -> memref<1x128xi32, #tpu.memory_space<vmem>>
      %dma_start3A_1864 = tpu.memref_squeeze %dma_start3A_1863 : memref<1x128xi32, #tpu.memory_space<vmem>> -> memref<128xi32, #tpu.memory_space<vmem>>
      %dma_start3A_1865 = arith.constant 0 : i32
      %dma_start3A_1866 = tpu.memref_slice %arg17[%dma_start3A_1865] : memref<10240xf32, #tpu.memory_space<vmem_shared>> -> memref<10240xf32, #tpu.memory_space<vmem_shared>>
      tpu.enqueue_indirect_dma source(%arg8 : memref<128xf32, #tpu.memory_space<vmem>>) target(%dma_start3A_1866 : memref<10240xf32, #tpu.memory_space<vmem_shared>>) offsets(%dma_start3A_1864 : memref<128xi32, #tpu.memory_space<vmem>>) semaphore(%arg18 : memref<!tpu.dma_semaphore, #tpu.memory_space<semaphore_mem>>) {add = true}
      %sub3A_1867 = arith.constant 2 : i32
      %sub3A_1868 = arith.subi %while3A_1185, %sub3A_1867 : i32
      %mul3A_1869 = arith.constant 8 : i32
      %mul3A_1870 = arith.muli %sub3A_1868, %mul3A_1869 : i32
      %add3A_1871 = arith.constant 0 : i32
      %add3A_1872 = arith.addi %mul3A_1870, %add3A_1871 : i32
      %dma_wait3A_1873 = arith.constant 0 : i32
      %dma_wait3A_1874 = tpu.memref_slice %arg4[%add3A_1872, %dma_wait3A_1873] : memref<104x128xi32, #tpu.memory_space<vmem>> -> memref<1x128xi32, #tpu.memory_space<vmem>>
      %dma_wait3A_1875 = tpu.memref_squeeze %dma_wait3A_1874 : memref<1x128xi32, #tpu.memory_space<vmem>> -> memref<128xi32, #tpu.memory_space<vmem>>
      %dma_wait3A_1876 = arith.constant 0 : i32
      %dma_wait3A_1877 = tpu.memref_slice %arg17[%dma_wait3A_1876] : memref<10240xf32, #tpu.memory_space<vmem_shared>> -> memref<10240xf32, #tpu.memory_space<vmem_shared>>
      tpu.wait_indirect_dma semaphore(%arg18 : memref<!tpu.dma_semaphore, #tpu.memory_space<semaphore_mem>>) src(%arg8 : memref<128xf32, #tpu.memory_space<vmem>>) dst(%dma_wait3A_1877 : memref<10240xf32, #tpu.memory_space<vmem_shared>>)
      %mul3A_1878 = arith.constant 8 : i32
      %mul3A_1879 = arith.muli %sub3A_1868, %mul3A_1878 : i32
      %add3A_1880 = arith.constant 1 : i32
      %add3A_1881 = arith.addi %mul3A_1879, %add3A_1880 : i32
      %dma_wait3A_1882 = arith.constant 0 : i32
      %dma_wait3A_1883 = tpu.memref_slice %arg4[%add3A_1881, %dma_wait3A_1882] : memref<104x128xi32, #tpu.memory_space<vmem>> -> memref<1x128xi32, #tpu.memory_space<vmem>>
      %dma_wait3A_1884 = tpu.memref_squeeze %dma_wait3A_1883 : memref<1x128xi32, #tpu.memory_space<vmem>> -> memref<128xi32, #tpu.memory_space<vmem>>
      %dma_wait3A_1885 = arith.constant 0 : i32
      %dma_wait3A_1886 = tpu.memref_slice %arg17[%dma_wait3A_1885] : memref<10240xf32, #tpu.memory_space<vmem_shared>> -> memref<10240xf32, #tpu.memory_space<vmem_shared>>
      tpu.wait_indirect_dma semaphore(%arg18 : memref<!tpu.dma_semaphore, #tpu.memory_space<semaphore_mem>>) src(%arg8 : memref<128xf32, #tpu.memory_space<vmem>>) dst(%dma_wait3A_1886 : memref<10240xf32, #tpu.memory_space<vmem_shared>>)
      %mul3A_1887 = arith.constant 8 : i32
      %mul3A_1888 = arith.muli %sub3A_1868, %mul3A_1887 : i32
      %add3A_1889 = arith.constant 2 : i32
      %add3A_1890 = arith.addi %mul3A_1888, %add3A_1889 : i32
      %dma_wait3A_1891 = arith.constant 0 : i32
      %dma_wait3A_1892 = tpu.memref_slice %arg4[%add3A_1890, %dma_wait3A_1891] : memref<104x128xi32, #tpu.memory_space<vmem>> -> memref<1x128xi32, #tpu.memory_space<vmem>>
      %dma_wait3A_1893 = tpu.memref_squeeze %dma_wait3A_1892 : memref<1x128xi32, #tpu.memory_space<vmem>> -> memref<128xi32, #tpu.memory_space<vmem>>
      %dma_wait3A_1894 = arith.constant 0 : i32
      %dma_wait3A_1895 = tpu.memref_slice %arg17[%dma_wait3A_1894] : memref<10240xf32, #tpu.memory_space<vmem_shared>> -> memref<10240xf32, #tpu.memory_space<vmem_shared>>
      tpu.wait_indirect_dma semaphore(%arg18 : memref<!tpu.dma_semaphore, #tpu.memory_space<semaphore_mem>>) src(%arg8 : memref<128xf32, #tpu.memory_space<vmem>>) dst(%dma_wait3A_1895 : memref<10240xf32, #tpu.memory_space<vmem_shared>>)
      %mul3A_1896 = arith.constant 8 : i32
      %mul3A_1897 = arith.muli %sub3A_1868, %mul3A_1896 : i32
      %add3A_1898 = arith.constant 3 : i32
      %add3A_1899 = arith.addi %mul3A_1897, %add3A_1898 : i32
      %dma_wait3A_1900 = arith.constant 0 : i32
      %dma_wait3A_1901 = tpu.memref_slice %arg4[%add3A_1899, %dma_wait3A_1900] : memref<104x128xi32, #tpu.memory_space<vmem>> -> memref<1x128xi32, #tpu.memory_space<vmem>>
      %dma_wait3A_1902 = tpu.memref_squeeze %dma_wait3A_1901 : memref<1x128xi32, #tpu.memory_space<vmem>> -> memref<128xi32, #tpu.memory_space<vmem>>
      %dma_wait3A_1903 = arith.constant 0 : i32
      %dma_wait3A_1904 = tpu.memref_slice %arg17[%dma_wait3A_1903] : memref<10240xf32, #tpu.memory_space<vmem_shared>> -> memref<10240xf32, #tpu.memory_space<vmem_shared>>
      tpu.wait_indirect_dma semaphore(%arg18 : memref<!tpu.dma_semaphore, #tpu.memory_space<semaphore_mem>>) src(%arg8 : memref<128xf32, #tpu.memory_space<vmem>>) dst(%dma_wait3A_1904 : memref<10240xf32, #tpu.memory_space<vmem_shared>>)
      %mul3A_1905 = arith.constant 8 : i32
      %mul3A_1906 = arith.muli %sub3A_1868, %mul3A_1905 : i32
      %add3A_1907 = arith.constant 4 : i32
      %add3A_1908 = arith.addi %mul3A_1906, %add3A_1907 : i32
      %dma_wait3A_1909 = arith.constant 0 : i32
      %dma_wait3A_1910 = tpu.memref_slice %arg4[%add3A_1908, %dma_wait3A_1909] : memref<104x128xi32, #tpu.memory_space<vmem>> -> memref<1x128xi32, #tpu.memory_space<vmem>>
      %dma_wait3A_1911 = tpu.memref_squeeze %dma_wait3A_1910 : memref<1x128xi32, #tpu.memory_space<vmem>> -> memref<128xi32, #tpu.memory_space<vmem>>
      %dma_wait3A_1912 = arith.constant 0 : i32
      %dma_wait3A_1913 = tpu.memref_slice %arg17[%dma_wait3A_1912] : memref<10240xf32, #tpu.memory_space<vmem_shared>> -> memref<10240xf32, #tpu.memory_space<vmem_shared>>
      tpu.wait_indirect_dma semaphore(%arg18 : memref<!tpu.dma_semaphore, #tpu.memory_space<semaphore_mem>>) src(%arg8 : memref<128xf32, #tpu.memory_space<vmem>>) dst(%dma_wait3A_1913 : memref<10240xf32, #tpu.memory_space<vmem_shared>>)
      %mul3A_1914 = arith.constant 8 : i32
      %mul3A_1915 = arith.muli %sub3A_1868, %mul3A_1914 : i32
      %add3A_1916 = arith.constant 5 : i32
      %add3A_1917 = arith.addi %mul3A_1915, %add3A_1916 : i32
      %dma_wait3A_1918 = arith.constant 0 : i32
      %dma_wait3A_1919 = tpu.memref_slice %arg4[%add3A_1917, %dma_wait3A_1918] : memref<104x128xi32, #tpu.memory_space<vmem>> -> memref<1x128xi32, #tpu.memory_space<vmem>>
      %dma_wait3A_1920 = tpu.memref_squeeze %dma_wait3A_1919 : memref<1x128xi32, #tpu.memory_space<vmem>> -> memref<128xi32, #tpu.memory_space<vmem>>
      %dma_wait3A_1921 = arith.constant 0 : i32
      %dma_wait3A_1922 = tpu.memref_slice %arg17[%dma_wait3A_1921] : memref<10240xf32, #tpu.memory_space<vmem_shared>> -> memref<10240xf32, #tpu.memory_space<vmem_shared>>
      tpu.wait_indirect_dma semaphore(%arg18 : memref<!tpu.dma_semaphore, #tpu.memory_space<semaphore_mem>>) src(%arg8 : memref<128xf32, #tpu.memory_space<vmem>>) dst(%dma_wait3A_1922 : memref<10240xf32, #tpu.memory_space<vmem_shared>>)
      %mul3A_1923 = arith.constant 8 : i32
      %mul3A_1924 = arith.muli %sub3A_1868, %mul3A_1923 : i32
      %add3A_1925 = arith.constant 6 : i32
      %add3A_1926 = arith.addi %mul3A_1924, %add3A_1925 : i32
      %dma_wait3A_1927 = arith.constant 0 : i32
      %dma_wait3A_1928 = tpu.memref_slice %arg4[%add3A_1926, %dma_wait3A_1927] : memref<104x128xi32, #tpu.memory_space<vmem>> -> memref<1x128xi32, #tpu.memory_space<vmem>>
      %dma_wait3A_1929 = tpu.memref_squeeze %dma_wait3A_1928 : memref<1x128xi32, #tpu.memory_space<vmem>> -> memref<128xi32, #tpu.memory_space<vmem>>
      %dma_wait3A_1930 = arith.constant 0 : i32
      %dma_wait3A_1931 = tpu.memref_slice %arg17[%dma_wait3A_1930] : memref<10240xf32, #tpu.memory_space<vmem_shared>> -> memref<10240xf32, #tpu.memory_space<vmem_shared>>
      tpu.wait_indirect_dma semaphore(%arg18 : memref<!tpu.dma_semaphore, #tpu.memory_space<semaphore_mem>>) src(%arg8 : memref<128xf32, #tpu.memory_space<vmem>>) dst(%dma_wait3A_1931 : memref<10240xf32, #tpu.memory_space<vmem_shared>>)
      %mul3A_1932 = arith.constant 8 : i32
      %mul3A_1933 = arith.muli %sub3A_1868, %mul3A_1932 : i32
      %add3A_1934 = arith.constant 7 : i32
      %add3A_1935 = arith.addi %mul3A_1933, %add3A_1934 : i32
      %dma_wait3A_1936 = arith.constant 0 : i32
      %dma_wait3A_1937 = tpu.memref_slice %arg4[%add3A_1935, %dma_wait3A_1936] : memref<104x128xi32, #tpu.memory_space<vmem>> -> memref<1x128xi32, #tpu.memory_space<vmem>>
      %dma_wait3A_1938 = tpu.memref_squeeze %dma_wait3A_1937 : memref<1x128xi32, #tpu.memory_space<vmem>> -> memref<128xi32, #tpu.memory_space<vmem>>
      %dma_wait3A_1939 = arith.constant 0 : i32
      %dma_wait3A_1940 = tpu.memref_slice %arg17[%dma_wait3A_1939] : memref<10240xf32, #tpu.memory_space<vmem_shared>> -> memref<10240xf32, #tpu.memory_space<vmem_shared>>
      tpu.wait_indirect_dma semaphore(%arg18 : memref<!tpu.dma_semaphore, #tpu.memory_space<semaphore_mem>>) src(%arg8 : memref<128xf32, #tpu.memory_space<vmem>>) dst(%dma_wait3A_1940 : memref<10240xf32, #tpu.memory_space<vmem_shared>>)
      %while3A_1941 = arith.constant 0 : i32
      scf.yield %while3A_1941 : i32
    }
    %sub3A = arith.constant 2 : i32
    %sub3A_1016 = arith.subi %select_n3A, %sub3A : i32
    %mul3A_1017 = arith.constant 8 : i32
    %mul3A_1018 = arith.muli %sub3A_1016, %mul3A_1017 : i32
    %add3A_1019 = arith.constant 0 : i32
    %add3A_1020 = arith.addi %mul3A_1018, %add3A_1019 : i32
    %dma_wait3A = arith.constant 0 : i32
    %dma_wait3A_1021 = tpu.memref_slice %arg4[%add3A_1020, %dma_wait3A] : memref<104x128xi32, #tpu.memory_space<vmem>> -> memref<1x128xi32, #tpu.memory_space<vmem>>
    %dma_wait3A_1022 = tpu.memref_squeeze %dma_wait3A_1021 : memref<1x128xi32, #tpu.memory_space<vmem>> -> memref<128xi32, #tpu.memory_space<vmem>>
    %dma_wait3A_1023 = arith.constant 0 : i32
    %dma_wait3A_1024 = tpu.memref_slice %arg17[%dma_wait3A_1023] : memref<10240xf32, #tpu.memory_space<vmem_shared>> -> memref<10240xf32, #tpu.memory_space<vmem_shared>>
    tpu.wait_indirect_dma semaphore(%arg18 : memref<!tpu.dma_semaphore, #tpu.memory_space<semaphore_mem>>) src(%arg8 : memref<128xf32, #tpu.memory_space<vmem>>) dst(%dma_wait3A_1024 : memref<10240xf32, #tpu.memory_space<vmem_shared>>)
    %mul3A_1025 = arith.constant 8 : i32
    %mul3A_1026 = arith.muli %sub3A_1016, %mul3A_1025 : i32
    %add3A_1027 = arith.constant 1 : i32
    %add3A_1028 = arith.addi %mul3A_1026, %add3A_1027 : i32
    %dma_wait3A_1029 = arith.constant 0 : i32
    %dma_wait3A_1030 = tpu.memref_slice %arg4[%add3A_1028, %dma_wait3A_1029] : memref<104x128xi32, #tpu.memory_space<vmem>> -> memref<1x128xi32, #tpu.memory_space<vmem>>
    %dma_wait3A_1031 = tpu.memref_squeeze %dma_wait3A_1030 : memref<1x128xi32, #tpu.memory_space<vmem>> -> memref<128xi32, #tpu.memory_space<vmem>>
    %dma_wait3A_1032 = arith.constant 0 : i32
    %dma_wait3A_1033 = tpu.memref_slice %arg17[%dma_wait3A_1032] : memref<10240xf32, #tpu.memory_space<vmem_shared>> -> memref<10240xf32, #tpu.memory_space<vmem_shared>>
    tpu.wait_indirect_dma semaphore(%arg18 : memref<!tpu.dma_semaphore, #tpu.memory_space<semaphore_mem>>) src(%arg8 : memref<128xf32, #tpu.memory_space<vmem>>) dst(%dma_wait3A_1033 : memref<10240xf32, #tpu.memory_space<vmem_shared>>)
    %mul3A_1034 = arith.constant 8 : i32
    %mul3A_1035 = arith.muli %sub3A_1016, %mul3A_1034 : i32
    %add3A_1036 = arith.constant 2 : i32
    %add3A_1037 = arith.addi %mul3A_1035, %add3A_1036 : i32
    %dma_wait3A_1038 = arith.constant 0 : i32
    %dma_wait3A_1039 = tpu.memref_slice %arg4[%add3A_1037, %dma_wait3A_1038] : memref<104x128xi32, #tpu.memory_space<vmem>> -> memref<1x128xi32, #tpu.memory_space<vmem>>
    %dma_wait3A_1040 = tpu.memref_squeeze %dma_wait3A_1039 : memref<1x128xi32, #tpu.memory_space<vmem>> -> memref<128xi32, #tpu.memory_space<vmem>>
    %dma_wait3A_1041 = arith.constant 0 : i32
    %dma_wait3A_1042 = tpu.memref_slice %arg17[%dma_wait3A_1041] : memref<10240xf32, #tpu.memory_space<vmem_shared>> -> memref<10240xf32, #tpu.memory_space<vmem_shared>>
    tpu.wait_indirect_dma semaphore(%arg18 : memref<!tpu.dma_semaphore, #tpu.memory_space<semaphore_mem>>) src(%arg8 : memref<128xf32, #tpu.memory_space<vmem>>) dst(%dma_wait3A_1042 : memref<10240xf32, #tpu.memory_space<vmem_shared>>)
    %mul3A_1043 = arith.constant 8 : i32
    %mul3A_1044 = arith.muli %sub3A_1016, %mul3A_1043 : i32
    %add3A_1045 = arith.constant 3 : i32
    %add3A_1046 = arith.addi %mul3A_1044, %add3A_1045 : i32
    %dma_wait3A_1047 = arith.constant 0 : i32
    %dma_wait3A_1048 = tpu.memref_slice %arg4[%add3A_1046, %dma_wait3A_1047] : memref<104x128xi32, #tpu.memory_space<vmem>> -> memref<1x128xi32, #tpu.memory_space<vmem>>
    %dma_wait3A_1049 = tpu.memref_squeeze %dma_wait3A_1048 : memref<1x128xi32, #tpu.memory_space<vmem>> -> memref<128xi32, #tpu.memory_space<vmem>>
    %dma_wait3A_1050 = arith.constant 0 : i32
    %dma_wait3A_1051 = tpu.memref_slice %arg17[%dma_wait3A_1050] : memref<10240xf32, #tpu.memory_space<vmem_shared>> -> memref<10240xf32, #tpu.memory_space<vmem_shared>>
    tpu.wait_indirect_dma semaphore(%arg18 : memref<!tpu.dma_semaphore, #tpu.memory_space<semaphore_mem>>) src(%arg8 : memref<128xf32, #tpu.memory_space<vmem>>) dst(%dma_wait3A_1051 : memref<10240xf32, #tpu.memory_space<vmem_shared>>)
    %mul3A_1052 = arith.constant 8 : i32
    %mul3A_1053 = arith.muli %sub3A_1016, %mul3A_1052 : i32
    %add3A_1054 = arith.constant 4 : i32
    %add3A_1055 = arith.addi %mul3A_1053, %add3A_1054 : i32
    %dma_wait3A_1056 = arith.constant 0 : i32
    %dma_wait3A_1057 = tpu.memref_slice %arg4[%add3A_1055, %dma_wait3A_1056] : memref<104x128xi32, #tpu.memory_space<vmem>> -> memref<1x128xi32, #tpu.memory_space<vmem>>
    %dma_wait3A_1058 = tpu.memref_squeeze %dma_wait3A_1057 : memref<1x128xi32, #tpu.memory_space<vmem>> -> memref<128xi32, #tpu.memory_space<vmem>>
    %dma_wait3A_1059 = arith.constant 0 : i32
    %dma_wait3A_1060 = tpu.memref_slice %arg17[%dma_wait3A_1059] : memref<10240xf32, #tpu.memory_space<vmem_shared>> -> memref<10240xf32, #tpu.memory_space<vmem_shared>>
    tpu.wait_indirect_dma semaphore(%arg18 : memref<!tpu.dma_semaphore, #tpu.memory_space<semaphore_mem>>) src(%arg8 : memref<128xf32, #tpu.memory_space<vmem>>) dst(%dma_wait3A_1060 : memref<10240xf32, #tpu.memory_space<vmem_shared>>)
    %mul3A_1061 = arith.constant 8 : i32
    %mul3A_1062 = arith.muli %sub3A_1016, %mul3A_1061 : i32
    %add3A_1063 = arith.constant 5 : i32
    %add3A_1064 = arith.addi %mul3A_1062, %add3A_1063 : i32
    %dma_wait3A_1065 = arith.constant 0 : i32
    %dma_wait3A_1066 = tpu.memref_slice %arg4[%add3A_1064, %dma_wait3A_1065] : memref<104x128xi32, #tpu.memory_space<vmem>> -> memref<1x128xi32, #tpu.memory_space<vmem>>
    %dma_wait3A_1067 = tpu.memref_squeeze %dma_wait3A_1066 : memref<1x128xi32, #tpu.memory_space<vmem>> -> memref<128xi32, #tpu.memory_space<vmem>>
    %dma_wait3A_1068 = arith.constant 0 : i32
    %dma_wait3A_1069 = tpu.memref_slice %arg17[%dma_wait3A_1068] : memref<10240xf32, #tpu.memory_space<vmem_shared>> -> memref<10240xf32, #tpu.memory_space<vmem_shared>>
    tpu.wait_indirect_dma semaphore(%arg18 : memref<!tpu.dma_semaphore, #tpu.memory_space<semaphore_mem>>) src(%arg8 : memref<128xf32, #tpu.memory_space<vmem>>) dst(%dma_wait3A_1069 : memref<10240xf32, #tpu.memory_space<vmem_shared>>)
    %mul3A_1070 = arith.constant 8 : i32
    %mul3A_1071 = arith.muli %sub3A_1016, %mul3A_1070 : i32
    %add3A_1072 = arith.constant 6 : i32
    %add3A_1073 = arith.addi %mul3A_1071, %add3A_1072 : i32
    %dma_wait3A_1074 = arith.constant 0 : i32
    %dma_wait3A_1075 = tpu.memref_slice %arg4[%add3A_1073, %dma_wait3A_1074] : memref<104x128xi32, #tpu.memory_space<vmem>> -> memref<1x128xi32, #tpu.memory_space<vmem>>
    %dma_wait3A_1076 = tpu.memref_squeeze %dma_wait3A_1075 : memref<1x128xi32, #tpu.memory_space<vmem>> -> memref<128xi32, #tpu.memory_space<vmem>>
    %dma_wait3A_1077 = arith.constant 0 : i32
    %dma_wait3A_1078 = tpu.memref_slice %arg17[%dma_wait3A_1077] : memref<10240xf32, #tpu.memory_space<vmem_shared>> -> memref<10240xf32, #tpu.memory_space<vmem_shared>>
    tpu.wait_indirect_dma semaphore(%arg18 : memref<!tpu.dma_semaphore, #tpu.memory_space<semaphore_mem>>) src(%arg8 : memref<128xf32, #tpu.memory_space<vmem>>) dst(%dma_wait3A_1078 : memref<10240xf32, #tpu.memory_space<vmem_shared>>)
    %mul3A_1079 = arith.constant 8 : i32
    %mul3A_1080 = arith.muli %sub3A_1016, %mul3A_1079 : i32
    %add3A_1081 = arith.constant 7 : i32
    %add3A_1082 = arith.addi %mul3A_1080, %add3A_1081 : i32
    %dma_wait3A_1083 = arith.constant 0 : i32
    %dma_wait3A_1084 = tpu.memref_slice %arg4[%add3A_1082, %dma_wait3A_1083] : memref<104x128xi32, #tpu.memory_space<vmem>> -> memref<1x128xi32, #tpu.memory_space<vmem>>
    %dma_wait3A_1085 = tpu.memref_squeeze %dma_wait3A_1084 : memref<1x128xi32, #tpu.memory_space<vmem>> -> memref<128xi32, #tpu.memory_space<vmem>>
    %dma_wait3A_1086 = arith.constant 0 : i32
    %dma_wait3A_1087 = tpu.memref_slice %arg17[%dma_wait3A_1086] : memref<10240xf32, #tpu.memory_space<vmem_shared>> -> memref<10240xf32, #tpu.memory_space<vmem_shared>>
    tpu.wait_indirect_dma semaphore(%arg18 : memref<!tpu.dma_semaphore, #tpu.memory_space<semaphore_mem>>) src(%arg8 : memref<128xf32, #tpu.memory_space<vmem>>) dst(%dma_wait3A_1087 : memref<10240xf32, #tpu.memory_space<vmem_shared>>)
    %sub3A_1088 = arith.constant 1 : i32
    %sub3A_1089 = arith.subi %select_n3A, %sub3A_1088 : i32
    %mul3A_1090 = arith.constant 8 : i32
    %mul3A_1091 = arith.muli %sub3A_1089, %mul3A_1090 : i32
    %add3A_1092 = arith.constant 0 : i32
    %add3A_1093 = arith.addi %mul3A_1091, %add3A_1092 : i32
    %dma_wait3A_1094 = arith.constant 0 : i32
    %dma_wait3A_1095 = tpu.memref_slice %arg4[%add3A_1093, %dma_wait3A_1094] : memref<104x128xi32, #tpu.memory_space<vmem>> -> memref<1x128xi32, #tpu.memory_space<vmem>>
    %dma_wait3A_1096 = tpu.memref_squeeze %dma_wait3A_1095 : memref<1x128xi32, #tpu.memory_space<vmem>> -> memref<128xi32, #tpu.memory_space<vmem>>
    %dma_wait3A_1097 = arith.constant 0 : i32
    %dma_wait3A_1098 = tpu.memref_slice %arg17[%dma_wait3A_1097] : memref<10240xf32, #tpu.memory_space<vmem_shared>> -> memref<10240xf32, #tpu.memory_space<vmem_shared>>
    tpu.wait_indirect_dma semaphore(%arg18 : memref<!tpu.dma_semaphore, #tpu.memory_space<semaphore_mem>>) src(%arg8 : memref<128xf32, #tpu.memory_space<vmem>>) dst(%dma_wait3A_1098 : memref<10240xf32, #tpu.memory_space<vmem_shared>>)
    %mul3A_1099 = arith.constant 8 : i32
    %mul3A_1100 = arith.muli %sub3A_1089, %mul3A_1099 : i32
    %add3A_1101 = arith.constant 1 : i32
    %add3A_1102 = arith.addi %mul3A_1100, %add3A_1101 : i32
    %dma_wait3A_1103 = arith.constant 0 : i32
    %dma_wait3A_1104 = tpu.memref_slice %arg4[%add3A_1102, %dma_wait3A_1103] : memref<104x128xi32, #tpu.memory_space<vmem>> -> memref<1x128xi32, #tpu.memory_space<vmem>>
    %dma_wait3A_1105 = tpu.memref_squeeze %dma_wait3A_1104 : memref<1x128xi32, #tpu.memory_space<vmem>> -> memref<128xi32, #tpu.memory_space<vmem>>
    %dma_wait3A_1106 = arith.constant 0 : i32
    %dma_wait3A_1107 = tpu.memref_slice %arg17[%dma_wait3A_1106] : memref<10240xf32, #tpu.memory_space<vmem_shared>> -> memref<10240xf32, #tpu.memory_space<vmem_shared>>
    tpu.wait_indirect_dma semaphore(%arg18 : memref<!tpu.dma_semaphore, #tpu.memory_space<semaphore_mem>>) src(%arg8 : memref<128xf32, #tpu.memory_space<vmem>>) dst(%dma_wait3A_1107 : memref<10240xf32, #tpu.memory_space<vmem_shared>>)
    %mul3A_1108 = arith.constant 8 : i32
    %mul3A_1109 = arith.muli %sub3A_1089, %mul3A_1108 : i32
    %add3A_1110 = arith.constant 2 : i32
    %add3A_1111 = arith.addi %mul3A_1109, %add3A_1110 : i32
    %dma_wait3A_1112 = arith.constant 0 : i32
    %dma_wait3A_1113 = tpu.memref_slice %arg4[%add3A_1111, %dma_wait3A_1112] : memref<104x128xi32, #tpu.memory_space<vmem>> -> memref<1x128xi32, #tpu.memory_space<vmem>>
    %dma_wait3A_1114 = tpu.memref_squeeze %dma_wait3A_1113 : memref<1x128xi32, #tpu.memory_space<vmem>> -> memref<128xi32, #tpu.memory_space<vmem>>
    %dma_wait3A_1115 = arith.constant 0 : i32
    %dma_wait3A_1116 = tpu.memref_slice %arg17[%dma_wait3A_1115] : memref<10240xf32, #tpu.memory_space<vmem_shared>> -> memref<10240xf32, #tpu.memory_space<vmem_shared>>
    tpu.wait_indirect_dma semaphore(%arg18 : memref<!tpu.dma_semaphore, #tpu.memory_space<semaphore_mem>>) src(%arg8 : memref<128xf32, #tpu.memory_space<vmem>>) dst(%dma_wait3A_1116 : memref<10240xf32, #tpu.memory_space<vmem_shared>>)
    %mul3A_1117 = arith.constant 8 : i32
    %mul3A_1118 = arith.muli %sub3A_1089, %mul3A_1117 : i32
    %add3A_1119 = arith.constant 3 : i32
    %add3A_1120 = arith.addi %mul3A_1118, %add3A_1119 : i32
    %dma_wait3A_1121 = arith.constant 0 : i32
    %dma_wait3A_1122 = tpu.memref_slice %arg4[%add3A_1120, %dma_wait3A_1121] : memref<104x128xi32, #tpu.memory_space<vmem>> -> memref<1x128xi32, #tpu.memory_space<vmem>>
    %dma_wait3A_1123 = tpu.memref_squeeze %dma_wait3A_1122 : memref<1x128xi32, #tpu.memory_space<vmem>> -> memref<128xi32, #tpu.memory_space<vmem>>
    %dma_wait3A_1124 = arith.constant 0 : i32
    %dma_wait3A_1125 = tpu.memref_slice %arg17[%dma_wait3A_1124] : memref<10240xf32, #tpu.memory_space<vmem_shared>> -> memref<10240xf32, #tpu.memory_space<vmem_shared>>
    tpu.wait_indirect_dma semaphore(%arg18 : memref<!tpu.dma_semaphore, #tpu.memory_space<semaphore_mem>>) src(%arg8 : memref<128xf32, #tpu.memory_space<vmem>>) dst(%dma_wait3A_1125 : memref<10240xf32, #tpu.memory_space<vmem_shared>>)
    %mul3A_1126 = arith.constant 8 : i32
    %mul3A_1127 = arith.muli %sub3A_1089, %mul3A_1126 : i32
    %add3A_1128 = arith.constant 4 : i32
    %add3A_1129 = arith.addi %mul3A_1127, %add3A_1128 : i32
    %dma_wait3A_1130 = arith.constant 0 : i32
    %dma_wait3A_1131 = tpu.memref_slice %arg4[%add3A_1129, %dma_wait3A_1130] : memref<104x128xi32, #tpu.memory_space<vmem>> -> memref<1x128xi32, #tpu.memory_space<vmem>>
    %dma_wait3A_1132 = tpu.memref_squeeze %dma_wait3A_1131 : memref<1x128xi32, #tpu.memory_space<vmem>> -> memref<128xi32, #tpu.memory_space<vmem>>
    %dma_wait3A_1133 = arith.constant 0 : i32
    %dma_wait3A_1134 = tpu.memref_slice %arg17[%dma_wait3A_1133] : memref<10240xf32, #tpu.memory_space<vmem_shared>> -> memref<10240xf32, #tpu.memory_space<vmem_shared>>
    tpu.wait_indirect_dma semaphore(%arg18 : memref<!tpu.dma_semaphore, #tpu.memory_space<semaphore_mem>>) src(%arg8 : memref<128xf32, #tpu.memory_space<vmem>>) dst(%dma_wait3A_1134 : memref<10240xf32, #tpu.memory_space<vmem_shared>>)
    %mul3A_1135 = arith.constant 8 : i32
    %mul3A_1136 = arith.muli %sub3A_1089, %mul3A_1135 : i32
    %add3A_1137 = arith.constant 5 : i32
    %add3A_1138 = arith.addi %mul3A_1136, %add3A_1137 : i32
    %dma_wait3A_1139 = arith.constant 0 : i32
    %dma_wait3A_1140 = tpu.memref_slice %arg4[%add3A_1138, %dma_wait3A_1139] : memref<104x128xi32, #tpu.memory_space<vmem>> -> memref<1x128xi32, #tpu.memory_space<vmem>>
    %dma_wait3A_1141 = tpu.memref_squeeze %dma_wait3A_1140 : memref<1x128xi32, #tpu.memory_space<vmem>> -> memref<128xi32, #tpu.memory_space<vmem>>
    %dma_wait3A_1142 = arith.constant 0 : i32
    %dma_wait3A_1143 = tpu.memref_slice %arg17[%dma_wait3A_1142] : memref<10240xf32, #tpu.memory_space<vmem_shared>> -> memref<10240xf32, #tpu.memory_space<vmem_shared>>
    tpu.wait_indirect_dma semaphore(%arg18 : memref<!tpu.dma_semaphore, #tpu.memory_space<semaphore_mem>>) src(%arg8 : memref<128xf32, #tpu.memory_space<vmem>>) dst(%dma_wait3A_1143 : memref<10240xf32, #tpu.memory_space<vmem_shared>>)
    %mul3A_1144 = arith.constant 8 : i32
    %mul3A_1145 = arith.muli %sub3A_1089, %mul3A_1144 : i32
    %add3A_1146 = arith.constant 6 : i32
    %add3A_1147 = arith.addi %mul3A_1145, %add3A_1146 : i32
    %dma_wait3A_1148 = arith.constant 0 : i32
    %dma_wait3A_1149 = tpu.memref_slice %arg4[%add3A_1147, %dma_wait3A_1148] : memref<104x128xi32, #tpu.memory_space<vmem>> -> memref<1x128xi32, #tpu.memory_space<vmem>>
    %dma_wait3A_1150 = tpu.memref_squeeze %dma_wait3A_1149 : memref<1x128xi32, #tpu.memory_space<vmem>> -> memref<128xi32, #tpu.memory_space<vmem>>
    %dma_wait3A_1151 = arith.constant 0 : i32
    %dma_wait3A_1152 = tpu.memref_slice %arg17[%dma_wait3A_1151] : memref<10240xf32, #tpu.memory_space<vmem_shared>> -> memref<10240xf32, #tpu.memory_space<vmem_shared>>
    tpu.wait_indirect_dma semaphore(%arg18 : memref<!tpu.dma_semaphore, #tpu.memory_space<semaphore_mem>>) src(%arg8 : memref<128xf32, #tpu.memory_space<vmem>>) dst(%dma_wait3A_1152 : memref<10240xf32, #tpu.memory_space<vmem_shared>>)
    %mul3A_1153 = arith.constant 8 : i32
    %mul3A_1154 = arith.muli %sub3A_1089, %mul3A_1153 : i32
    %add3A_1155 = arith.constant 7 : i32
    %add3A_1156 = arith.addi %mul3A_1154, %add3A_1155 : i32
    %dma_wait3A_1157 = arith.constant 0 : i32
    %dma_wait3A_1158 = tpu.memref_slice %arg4[%add3A_1156, %dma_wait3A_1157] : memref<104x128xi32, #tpu.memory_space<vmem>> -> memref<1x128xi32, #tpu.memory_space<vmem>>
    %dma_wait3A_1159 = tpu.memref_squeeze %dma_wait3A_1158 : memref<1x128xi32, #tpu.memory_space<vmem>> -> memref<128xi32, #tpu.memory_space<vmem>>
    %dma_wait3A_1160 = arith.constant 0 : i32
    %dma_wait3A_1161 = tpu.memref_slice %arg17[%dma_wait3A_1160] : memref<10240xf32, #tpu.memory_space<vmem_shared>> -> memref<10240xf32, #tpu.memory_space<vmem_shared>>
    tpu.wait_indirect_dma semaphore(%arg18 : memref<!tpu.dma_semaphore, #tpu.memory_space<semaphore_mem>>) src(%arg8 : memref<128xf32, #tpu.memory_space<vmem>>) dst(%dma_wait3A_1161 : memref<10240xf32, #tpu.memory_space<vmem_shared>>)
    %eq3A_1162 = arith.constant 8 : i32
    %eq3A_1163 = arith.cmpi eq, %arg1, %eq3A_1162 : i32
    %convert_element_type3A_1164 = arith.extui %eq3A_1163 : i1 to i32
    %cond3A_1165 = arith.constant 0 : i32
    %cond3A_1166 = arith.cmpi ne, %convert_element_type3A_1164, %cond3A_1165 : i32
    scf.if %cond3A_1166 {
      "tpu.region"() ({
        %run_scoped3A = tpu.sem_alloc : memref<!tpu.dma_semaphore, #tpu.memory_space<semaphore_mem>>
        %dma_start3A_1185 = arith.constant 0 : i32
        %dma_start3A_1186 = tpu.memref_slice %arg17[%dma_start3A_1185] : memref<10240xf32, #tpu.memory_space<vmem_shared>> -> memref<10240xf32, #tpu.memory_space<vmem_shared>>
        tpu.enqueue_indirect_dma source(%arg9 : memref<64xf32, #tpu.memory_space<vmem>>) target(%dma_start3A_1186 : memref<10240xf32, #tpu.memory_space<vmem_shared>>) offsets(%arg6 : memref<64xi32, #tpu.memory_space<vmem>>) semaphore(%run_scoped3A : memref<!tpu.dma_semaphore, #tpu.memory_space<semaphore_mem>>) {add = true}
        %dma_wait3A_1187 = arith.constant 0 : i32
        %dma_wait3A_1188 = tpu.memref_slice %arg17[%dma_wait3A_1187] : memref<10240xf32, #tpu.memory_space<vmem_shared>> -> memref<10240xf32, #tpu.memory_space<vmem_shared>>
        tpu.wait_indirect_dma semaphore(%run_scoped3A : memref<!tpu.dma_semaphore, #tpu.memory_space<semaphore_mem>>) src(%arg9 : memref<64xf32, #tpu.memory_space<vmem>>) dst(%dma_wait3A_1188 : memref<10240xf32, #tpu.memory_space<vmem_shared>>)
        tpu.yield
      }) : () -> ()
    } else {
    }
    %barrier3A_1167 = arith.constant 0 : index
    tpu.barrier barrier_id(%barrier3A_1167)
    "tpu.trace_stop"() : () -> ()
    "tpu.trace_start"() <{level = 10 : i32, message = "sc_wphase"}> : () -> ()
    "tpu.region"() ({
      %run_scoped3A = tpu.sem_alloc : memref<!tpu.dma_semaphore, #tpu.memory_space<semaphore_mem>>
      %dma_start3A_1185 = tpu.memref_slice %arg17[%mul3A_2] : memref<10240xf32, #tpu.memory_space<vmem_shared>> -> memref<640xf32, #tpu.memory_space<vmem_shared>>
      %dma_start3A_1186 = tpu.memref_slice %arg17[%mul3A_2] : memref<10240xf32, #tpu.memory_space<vmem_shared>> -> memref<640xf32, #tpu.memory_space<vmem_shared>>
      tpu.enqueue_dma source(%dma_start3A_1186 : memref<640xf32, #tpu.memory_space<vmem_shared>>) target(%arg10 : memref<640xf32, #tpu.memory_space<vmem>>) target_semaphore(%run_scoped3A : memref<!tpu.dma_semaphore, #tpu.memory_space<semaphore_mem>>)
      %dma_wait3A_1187 = tpu.memref_slice %arg17[%mul3A_2] : memref<10240xf32, #tpu.memory_space<vmem_shared>> -> memref<640xf32, #tpu.memory_space<vmem_shared>>
      %dma_wait3A_1188 = tpu.memref_slice %arg17[%mul3A_2] : memref<10240xf32, #tpu.memory_space<vmem_shared>> -> memref<640xf32, #tpu.memory_space<vmem_shared>>
      tpu.wait_dma2 semaphore(%run_scoped3A : memref<!tpu.dma_semaphore, #tpu.memory_space<semaphore_mem>>) src(%dma_wait3A_1188 : memref<640xf32, #tpu.memory_space<vmem_shared>>) dst(%arg10 : memref<640xf32, #tpu.memory_space<vmem>>)
      tpu.yield
    }) : () -> ()
    %parallel_loop3A = arith.constant 0 : i32
    %parallel_loop3A_1168 = arith.constant 40 : i32
    %parallel_loop3A_1169 = arith.constant 1 : i32
    scf.for %parallel_loop3A_1185 = %parallel_loop3A to %parallel_loop3A_1168 step %parallel_loop3A_1169  : i32 {
      %parallel_loop3A_1186 = arith.constant 16 : i32
      %parallel_loop3A_1187 = arith.muli %parallel_loop3A_1185, %parallel_loop3A_1186 : i32
      %parallel_loop3A_1188 = arith.index_cast %parallel_loop3A_1187 : i32 to index
      %parallel_loop3A_1189 = tpu.vector_load %arg10[%parallel_loop3A_1188] {strides = array<i32>} : memref<640xf32, #tpu.memory_space<vmem>>, vector<16xf32>,
      %parallel_loop3A_1190 = vector.bitcast %parallel_loop3A_1189 : vector<16xf32> to vector<16xi32>
      %parallel_loop3A_1191 = arith.constant 1 : i32
      %parallel_loop3A_1192 = vector.broadcast %parallel_loop3A_1191 : i32 to vector<16xi32>
      %parallel_loop3A_1193 = arith.shrsi %parallel_loop3A_1190, %parallel_loop3A_1192 : vector<16xi32>
      %parallel_loop3A_1194 = arith.constant 1597463007 : i32
      %parallel_loop3A_1195 = vector.broadcast %parallel_loop3A_1194 : i32 to vector<16xi32>
      %parallel_loop3A_1196 = arith.subi %parallel_loop3A_1195, %parallel_loop3A_1193 : vector<16xi32>
      %parallel_loop3A_1197 = vector.bitcast %parallel_loop3A_1196 : vector<16xi32> to vector<16xf32>
      %parallel_loop3A_1198 = arith.constant 5.000000e-01 : f32
      %parallel_loop3A_1199 = vector.broadcast %parallel_loop3A_1198 : f32 to vector<16xf32>
      %parallel_loop3A_1200 = arith.mulf %parallel_loop3A_1189, %parallel_loop3A_1199 : vector<16xf32>
      %parallel_loop3A_1201 = arith.mulf %parallel_loop3A_1200, %parallel_loop3A_1197 : vector<16xf32>
      %parallel_loop3A_1202 = arith.mulf %parallel_loop3A_1201, %parallel_loop3A_1197 : vector<16xf32>
      %parallel_loop3A_1203 = arith.constant 1.500000e+00 : f32
      %parallel_loop3A_1204 = vector.broadcast %parallel_loop3A_1203 : f32 to vector<16xf32>
      %parallel_loop3A_1205 = arith.subf %parallel_loop3A_1204, %parallel_loop3A_1202 : vector<16xf32>
      %parallel_loop3A_1206 = arith.mulf %parallel_loop3A_1197, %parallel_loop3A_1205 : vector<16xf32>
      %parallel_loop3A_1207 = arith.mulf %parallel_loop3A_1200, %parallel_loop3A_1206 : vector<16xf32>
      %parallel_loop3A_1208 = arith.mulf %parallel_loop3A_1207, %parallel_loop3A_1206 : vector<16xf32>
      %parallel_loop3A_1209 = arith.constant 1.500000e+00 : f32
      %parallel_loop3A_1210 = vector.broadcast %parallel_loop3A_1209 : f32 to vector<16xf32>
      %parallel_loop3A_1211 = arith.subf %parallel_loop3A_1210, %parallel_loop3A_1208 : vector<16xf32>
      %parallel_loop3A_1212 = arith.mulf %parallel_loop3A_1206, %parallel_loop3A_1211 : vector<16xf32>
      %parallel_loop3A_1213 = arith.mulf %parallel_loop3A_1200, %parallel_loop3A_1212 : vector<16xf32>
      %parallel_loop3A_1214 = arith.mulf %parallel_loop3A_1213, %parallel_loop3A_1212 : vector<16xf32>
      %parallel_loop3A_1215 = arith.constant 1.500000e+00 : f32
      %parallel_loop3A_1216 = vector.broadcast %parallel_loop3A_1215 : f32 to vector<16xf32>
      %parallel_loop3A_1217 = arith.subf %parallel_loop3A_1216, %parallel_loop3A_1214 : vector<16xf32>
      %parallel_loop3A_1218 = arith.mulf %parallel_loop3A_1212, %parallel_loop3A_1217 : vector<16xf32>
      %parallel_loop3A_1219 = arith.constant 5.000000e-01 : f32
      %parallel_loop3A_1220 = vector.broadcast %parallel_loop3A_1219 : f32 to vector<16xf32>
      %parallel_loop3A_1221 = arith.cmpf ogt, %parallel_loop3A_1189, %parallel_loop3A_1220 : vector<16xf32>
      %parallel_loop3A_1222 = arith.constant 0.000000e+00 : f32
      %parallel_loop3A_1223 = vector.broadcast %parallel_loop3A_1222 : f32 to vector<16xf32>
      %parallel_loop3A_1224 = arith.select %parallel_loop3A_1221, %parallel_loop3A_1218, %parallel_loop3A_1223 : vector<16xi1>, vector<16xf32>
      %parallel_loop3A_1225 = arith.index_cast %parallel_loop3A_1187 : i32 to index
      %parallel_loop3A_1226 = tpu.vector_load %arg10[%parallel_loop3A_1225] {strides = array<i32>} : memref<640xf32, #tpu.memory_space<vmem>>, vector<16xf32>,
      tpu.vector_store %arg10[%parallel_loop3A_1225], %parallel_loop3A_1224 {strides = array<i32>} : memref<640xf32, #tpu.memory_space<vmem>>, vector<16xf32>,
    } {sc.loop_unroll_factor = 8 : i64, sc.parallel_access}
    "tpu.region"() ({
      %run_scoped3A = tpu.sem_alloc : memref<!tpu.dma_semaphore, #tpu.memory_space<semaphore_mem>>
      %dma_start3A_1185 = tpu.memref_slice %arg17[%mul3A_2] : memref<10240xf32, #tpu.memory_space<vmem_shared>> -> memref<640xf32, #tpu.memory_space<vmem_shared>>
      %dma_start3A_1186 = tpu.memref_slice %arg17[%mul3A_2] : memref<10240xf32, #tpu.memory_space<vmem_shared>> -> memref<640xf32, #tpu.memory_space<vmem_shared>>
      tpu.enqueue_dma source(%arg10 : memref<640xf32, #tpu.memory_space<vmem>>) target(%dma_start3A_1186 : memref<640xf32, #tpu.memory_space<vmem_shared>>) target_semaphore(%run_scoped3A : memref<!tpu.dma_semaphore, #tpu.memory_space<semaphore_mem>>)
      %dma_wait3A_1187 = tpu.memref_slice %arg17[%mul3A_2] : memref<10240xf32, #tpu.memory_space<vmem_shared>> -> memref<640xf32, #tpu.memory_space<vmem_shared>>
      %dma_wait3A_1188 = tpu.memref_slice %arg17[%mul3A_2] : memref<10240xf32, #tpu.memory_space<vmem_shared>> -> memref<640xf32, #tpu.memory_space<vmem_shared>>
      tpu.wait_dma2 semaphore(%run_scoped3A : memref<!tpu.dma_semaphore, #tpu.memory_space<semaphore_mem>>) src(%arg10 : memref<640xf32, #tpu.memory_space<vmem>>) dst(%dma_wait3A_1188 : memref<640xf32, #tpu.memory_space<vmem_shared>>)
      tpu.yield
    }) : () -> ()
    %barrier3A_1170 = arith.constant 0 : index
    tpu.barrier barrier_id(%barrier3A_1170)
    "tpu.trace_stop"() : () -> ()
    "tpu.trace_start"() <{level = 10 : i32, message = "sc_wcopy"}> : () -> ()
    "tpu.region"() ({
      %run_scoped3A = tpu.sem_alloc : memref<!tpu.dma_semaphore, #tpu.memory_space<semaphore_mem>>
      tpu.enqueue_dma source(%arg17 : memref<10240xf32, #tpu.memory_space<vmem_shared>>) target(%arg11 : memref<10240xf32, #tpu.memory_space<vmem>>) target_semaphore(%run_scoped3A : memref<!tpu.dma_semaphore, #tpu.memory_space<semaphore_mem>>)
      tpu.wait_dma2 semaphore(%run_scoped3A : memref<!tpu.dma_semaphore, #tpu.memory_space<semaphore_mem>>) src(%arg17 : memref<10240xf32, #tpu.memory_space<vmem_shared>>) dst(%arg11 : memref<10240xf32, #tpu.memory_space<vmem>>)
      tpu.yield
    }) : () -> ()
    %dma_wait3A_1171 = tpu.memref_slice %arg2[%mul3A_123] : memref<419964xi32, #tpu.memory_space<hbm>> -> memref<6560xi32, #tpu.memory_space<hbm>>
    %dma_wait3A_1172 = tpu.memref_slice %arg2[%mul3A_123] : memref<419964xi32, #tpu.memory_space<hbm>> -> memref<6560xi32, #tpu.memory_space<hbm>>
    tpu.wait_dma2 semaphore(%arg19 : memref<!tpu.dma_semaphore, #tpu.memory_space<semaphore_mem>>) src(%dma_wait3A_1172 : memref<6560xi32, #tpu.memory_space<hbm>>) dst(%arg12 : memref<6560xi32, #tpu.memory_space<vmem>>)
    %add3A_1173 = arith.constant 209976 : i32
    %add3A_1174 = arith.addi %add3A_1173, %mul3A_123 : i32
    %dma_wait3A_1175 = tpu.memref_slice %arg2[%add3A_1174] : memref<419964xi32, #tpu.memory_space<hbm>> -> memref<6568xi32, #tpu.memory_space<hbm>>
    %dma_wait3A_1176 = tpu.memref_slice %arg2[%add3A_1174] : memref<419964xi32, #tpu.memory_space<hbm>> -> memref<6568xi32, #tpu.memory_space<hbm>>
    tpu.wait_dma2 semaphore(%arg19 : memref<!tpu.dma_semaphore, #tpu.memory_space<semaphore_mem>>) src(%dma_wait3A_1176 : memref<6568xi32, #tpu.memory_space<hbm>>) dst(%arg13 : memref<6568xi32, #tpu.memory_space<vmem>>)
    %parallel_loop3A_1177 = arith.constant 0 : i32
    %parallel_loop3A_1178 = arith.constant 410 : i32
    %parallel_loop3A_1179 = arith.constant 1 : i32
    "tpu.trace_stop"() : () -> ()
    "tpu.trace_start"() <{level = 10 : i32, message = "sc_gather"}> : () -> ()
    scf.for %parallel_loop3A_1185 = %parallel_loop3A_1177 to %parallel_loop3A_1178 step %parallel_loop3A_1179  : i32 {
      %parallel_loop3A_1186 = arith.constant 16 : i32
      %parallel_loop3A_1187 = arith.muli %parallel_loop3A_1185, %parallel_loop3A_1186 : i32
      %parallel_loop3A_1188 = arith.index_cast %parallel_loop3A_1187 : i32 to index
      %parallel_loop3A_1189 = tpu.vector_load %arg12[%parallel_loop3A_1188] {strides = array<i32>} : memref<6560xi32, #tpu.memory_space<vmem>>, vector<16xi32>,
      %parallel_loop3A_1190 = tpu.vector_load_idx %arg11[%parallel_loop3A_1189] : memref<10240xf32, #tpu.memory_space<vmem>>[vector<16xi32>], vector<16xf32>,
      %parallel_loop3A_1191 = arith.constant 6 : i32
      %parallel_loop3A_1192 = arith.addi %parallel_loop3A_1187, %parallel_loop3A_1191 : i32
      %parallel_loop3A_1193 = arith.index_cast %parallel_loop3A_1192 : i32 to index
      %parallel_loop3A_1194 = tpu.vector_load %arg13[%parallel_loop3A_1193] {strides = array<i32>} : memref<6568xi32, #tpu.memory_space<vmem>>, vector<16xi32>,
      %parallel_loop3A_1195 = tpu.vector_load_idx %arg11[%parallel_loop3A_1194] : memref<10240xf32, #tpu.memory_space<vmem>>[vector<16xi32>], vector<16xf32>,
      %parallel_loop3A_1196 = arith.mulf %parallel_loop3A_1190, %parallel_loop3A_1195 : vector<16xf32>
      %parallel_loop3A_1197 = arith.index_cast %parallel_loop3A_1187 : i32 to index
      %parallel_loop3A_1198 = tpu.vector_load %arg14[%parallel_loop3A_1197] {strides = array<i32>} : memref<6560xf32, #tpu.memory_space<vmem>>, vector<16xf32>,
      tpu.vector_store %arg14[%parallel_loop3A_1197], %parallel_loop3A_1196 {strides = array<i32>} : memref<6560xf32, #tpu.memory_space<vmem>>, vector<16xf32>,
    } {sc.loop_unroll_factor = 8 : i64, sc.parallel_access}
    "tpu.region"() ({
      %run_scoped3A = tpu.sem_alloc : memref<!tpu.dma_semaphore, #tpu.memory_space<semaphore_mem>>
      %dma_start3A_1185 = tpu.memref_slice %arg3[%mul3A_123] : memref<209982xf32, #tpu.memory_space<hbm>> -> memref<6560xf32, #tpu.memory_space<hbm>>
      %dma_start3A_1186 = tpu.memref_slice %arg3[%mul3A_123] : memref<209982xf32, #tpu.memory_space<hbm>> -> memref<6560xf32, #tpu.memory_space<hbm>>
      tpu.enqueue_dma source(%arg14 : memref<6560xf32, #tpu.memory_space<vmem>>) target(%dma_start3A_1186 : memref<6560xf32, #tpu.memory_space<hbm>>) target_semaphore(%run_scoped3A : memref<!tpu.dma_semaphore, #tpu.memory_space<semaphore_mem>>)
      %dma_wait3A_1187 = tpu.memref_slice %arg3[%mul3A_123] : memref<209982xf32, #tpu.memory_space<hbm>> -> memref<6560xf32, #tpu.memory_space<hbm>>
      %dma_wait3A_1188 = tpu.memref_slice %arg3[%mul3A_123] : memref<209982xf32, #tpu.memory_space<hbm>> -> memref<6560xf32, #tpu.memory_space<hbm>>
      tpu.wait_dma2 semaphore(%run_scoped3A : memref<!tpu.dma_semaphore, #tpu.memory_space<semaphore_mem>>) src(%arg14 : memref<6560xf32, #tpu.memory_space<vmem>>) dst(%dma_wait3A_1188 : memref<6560xf32, #tpu.memory_space<hbm>>)
      tpu.yield
    }) : () -> ()
    %eq3A_1180 = arith.constant 31 : i32
    "tpu.trace_stop"() : () -> ()
    %eq3A_1181 = arith.cmpi eq, %add3A, %eq3A_1180 : i32
    %convert_element_type3A_1182 = arith.extui %eq3A_1181 : i1 to i32
    %cond3A_1183 = arith.constant 0 : i32
    %cond3A_1184 = arith.cmpi ne, %convert_element_type3A_1182, %cond3A_1183 : i32
    scf.if %cond3A_1184 {
      %swap3A_1185 = arith.constant 0 : index
      %swap3A_1186 = tpu.vector_load %arg15[%swap3A_1185] {strides = array<i32>} : memref<64xi32, #tpu.memory_space<vmem>>, vector<16xi32>,
      tpu.vector_store %arg15[%swap3A_1185], %broadcast_in_dim3A_116 {strides = array<i32>} : memref<64xi32, #tpu.memory_space<vmem>>, vector<16xi32>,
      %swap3A_1187 = arith.constant 16 : index
      %swap3A_1188 = tpu.vector_load %arg15[%swap3A_1187] {strides = array<i32>} : memref<64xi32, #tpu.memory_space<vmem>>, vector<16xi32>,
      tpu.vector_store %arg15[%swap3A_1187], %broadcast_in_dim3A_116 {strides = array<i32>} : memref<64xi32, #tpu.memory_space<vmem>>, vector<16xi32>,
      %swap3A_1189 = arith.constant 32 : index
      %swap3A_1190 = tpu.vector_load %arg15[%swap3A_1189] {strides = array<i32>} : memref<64xi32, #tpu.memory_space<vmem>>, vector<16xi32>,
      tpu.vector_store %arg15[%swap3A_1189], %broadcast_in_dim3A_116 {strides = array<i32>} : memref<64xi32, #tpu.memory_space<vmem>>, vector<16xi32>,
      %swap3A_1191 = arith.constant 48 : index
      %swap3A_1192 = tpu.vector_load %arg15[%swap3A_1191] {strides = array<i32>} : memref<64xi32, #tpu.memory_space<vmem>>, vector<16xi32>,
      tpu.vector_store %arg15[%swap3A_1191], %broadcast_in_dim3A_116 {strides = array<i32>} : memref<64xi32, #tpu.memory_space<vmem>>, vector<16xi32>,
      "tpu.region"() ({
        %run_scoped3A = tpu.sem_alloc : memref<!tpu.dma_semaphore, #tpu.memory_space<semaphore_mem>>
        %dma_start3A_1232 = arith.constant 0 : i32
        %dma_start3A_1233 = tpu.memref_slice %arg15[%dma_start3A_1232] : memref<64xi32, #tpu.memory_space<vmem>> -> memref<62xi32, #tpu.memory_space<vmem>>
        %dma_start3A_1234 = arith.constant 209920 : i32
        %dma_start3A_1235 = tpu.memref_slice %arg2[%dma_start3A_1234] : memref<419964xi32, #tpu.memory_space<hbm>> -> memref<62xi32, #tpu.memory_space<hbm>>
        %dma_start3A_1236 = arith.constant 0 : i32
        %dma_start3A_1237 = tpu.memref_slice %arg15[%dma_start3A_1236] : memref<64xi32, #tpu.memory_space<vmem>> -> memref<62xi32, #tpu.memory_space<vmem>>
        %dma_start3A_1238 = arith.constant 209920 : i32
        %dma_start3A_1239 = tpu.memref_slice %arg2[%dma_start3A_1238] : memref<419964xi32, #tpu.memory_space<hbm>> -> memref<62xi32, #tpu.memory_space<hbm>>
        tpu.enqueue_dma source(%dma_start3A_1239 : memref<62xi32, #tpu.memory_space<hbm>>) target(%dma_start3A_1237 : memref<62xi32, #tpu.memory_space<vmem>>) target_semaphore(%run_scoped3A : memref<!tpu.dma_semaphore, #tpu.memory_space<semaphore_mem>>)
        %dma_wait3A_1240 = arith.constant 0 : i32
        %dma_wait3A_1241 = tpu.memref_slice %arg15[%dma_wait3A_1240] : memref<64xi32, #tpu.memory_space<vmem>> -> memref<62xi32, #tpu.memory_space<vmem>>
        %dma_wait3A_1242 = arith.constant 209920 : i32
        %dma_wait3A_1243 = tpu.memref_slice %arg2[%dma_wait3A_1242] : memref<419964xi32, #tpu.memory_space<hbm>> -> memref<62xi32, #tpu.memory_space<hbm>>
        %dma_wait3A_1244 = arith.constant 0 : i32
        %dma_wait3A_1245 = tpu.memref_slice %arg15[%dma_wait3A_1244] : memref<64xi32, #tpu.memory_space<vmem>> -> memref<62xi32, #tpu.memory_space<vmem>>
        %dma_wait3A_1246 = arith.constant 209920 : i32
        %dma_wait3A_1247 = tpu.memref_slice %arg2[%dma_wait3A_1246] : memref<419964xi32, #tpu.memory_space<hbm>> -> memref<62xi32, #tpu.memory_space<hbm>>
        tpu.wait_dma2 semaphore(%run_scoped3A : memref<!tpu.dma_semaphore, #tpu.memory_space<semaphore_mem>>) src(%dma_wait3A_1247 : memref<62xi32, #tpu.memory_space<hbm>>) dst(%dma_wait3A_1245 : memref<62xi32, #tpu.memory_space<vmem>>)
        tpu.yield
      }) : () -> ()
      "tpu.region"() ({
        %run_scoped3A = tpu.sem_alloc : memref<!tpu.dma_semaphore, #tpu.memory_space<semaphore_mem>>
        %dma_start3A_1232 = arith.constant 0 : i32
        %dma_start3A_1233 = tpu.memref_slice %arg7[%dma_start3A_1232] : memref<80xi32, #tpu.memory_space<vmem>> -> memref<68xi32, #tpu.memory_space<vmem>>
        %dma_start3A_1234 = arith.constant 419896 : i32
        %dma_start3A_1235 = tpu.memref_slice %arg2[%dma_start3A_1234] : memref<419964xi32, #tpu.memory_space<hbm>> -> memref<68xi32, #tpu.memory_space<hbm>>
        %dma_start3A_1236 = arith.constant 0 : i32
        %dma_start3A_1237 = tpu.memref_slice %arg7[%dma_start3A_1236] : memref<80xi32, #tpu.memory_space<vmem>> -> memref<68xi32, #tpu.memory_space<vmem>>
        %dma_start3A_1238 = arith.constant 419896 : i32
        %dma_start3A_1239 = tpu.memref_slice %arg2[%dma_start3A_1238] : memref<419964xi32, #tpu.memory_space<hbm>> -> memref<68xi32, #tpu.memory_space<hbm>>
        tpu.enqueue_dma source(%dma_start3A_1239 : memref<68xi32, #tpu.memory_space<hbm>>) target(%dma_start3A_1237 : memref<68xi32, #tpu.memory_space<vmem>>) target_semaphore(%run_scoped3A : memref<!tpu.dma_semaphore, #tpu.memory_space<semaphore_mem>>)
        %dma_wait3A_1240 = arith.constant 0 : i32
        %dma_wait3A_1241 = tpu.memref_slice %arg7[%dma_wait3A_1240] : memref<80xi32, #tpu.memory_space<vmem>> -> memref<68xi32, #tpu.memory_space<vmem>>
        %dma_wait3A_1242 = arith.constant 419896 : i32
        %dma_wait3A_1243 = tpu.memref_slice %arg2[%dma_wait3A_1242] : memref<419964xi32, #tpu.memory_space<hbm>> -> memref<68xi32, #tpu.memory_space<hbm>>
        %dma_wait3A_1244 = arith.constant 0 : i32
        %dma_wait3A_1245 = tpu.memref_slice %arg7[%dma_wait3A_1244] : memref<80xi32, #tpu.memory_space<vmem>> -> memref<68xi32, #tpu.memory_space<vmem>>
        %dma_wait3A_1246 = arith.constant 419896 : i32
        %dma_wait3A_1247 = tpu.memref_slice %arg2[%dma_wait3A_1246] : memref<419964xi32, #tpu.memory_space<hbm>> -> memref<68xi32, #tpu.memory_space<hbm>>
        tpu.wait_dma2 semaphore(%run_scoped3A : memref<!tpu.dma_semaphore, #tpu.memory_space<semaphore_mem>>) src(%dma_wait3A_1247 : memref<68xi32, #tpu.memory_space<hbm>>) dst(%dma_wait3A_1245 : memref<68xi32, #tpu.memory_space<vmem>>)
        tpu.yield
      }) : () -> ()
      %get3A_1193 = arith.constant 0 : index
      %get3A_1194 = tpu.vector_load %arg15[%get3A_1193] {strides = array<i32>} : memref<64xi32, #tpu.memory_space<vmem>>, vector<16xi32>,
      %get3A_1195 = arith.constant 6 : index
      %get3A_1196 = tpu.vector_load %arg7[%get3A_1195] {strides = array<i32>} : memref<80xi32, #tpu.memory_space<vmem>>, vector<16xi32>,
      %gather3A = tpu.vector_load_idx %arg11[%get3A_1194] : memref<10240xf32, #tpu.memory_space<vmem>>[vector<16xi32>], vector<16xf32>,
      %gather3A_1197 = tpu.vector_load_idx %arg11[%get3A_1196] : memref<10240xf32, #tpu.memory_space<vmem>>[vector<16xi32>], vector<16xf32>,
      %mul3A_1198 = arith.mulf %gather3A, %gather3A_1197 : vector<16xf32>
      %swap3A_1199 = arith.constant 0 : index
      %swap3A_1200 = tpu.vector_load %arg16[%swap3A_1199] {strides = array<i32>} : memref<64xf32, #tpu.memory_space<vmem>>, vector<16xf32>,
      tpu.vector_store %arg16[%swap3A_1199], %mul3A_1198 {strides = array<i32>} : memref<64xf32, #tpu.memory_space<vmem>>, vector<16xf32>,
      %get3A_1201 = arith.constant 16 : index
      %get3A_1202 = tpu.vector_load %arg15[%get3A_1201] {strides = array<i32>} : memref<64xi32, #tpu.memory_space<vmem>>, vector<16xi32>,
      %get3A_1203 = arith.constant 22 : index
      %get3A_1204 = tpu.vector_load %arg7[%get3A_1203] {strides = array<i32>} : memref<80xi32, #tpu.memory_space<vmem>>, vector<16xi32>,
      %gather3A_1205 = tpu.vector_load_idx %arg11[%get3A_1202] : memref<10240xf32, #tpu.memory_space<vmem>>[vector<16xi32>], vector<16xf32>,
      %gather3A_1206 = tpu.vector_load_idx %arg11[%get3A_1204] : memref<10240xf32, #tpu.memory_space<vmem>>[vector<16xi32>], vector<16xf32>,
      %mul3A_1207 = arith.mulf %gather3A_1205, %gather3A_1206 : vector<16xf32>
      %swap3A_1208 = arith.constant 16 : index
      %swap3A_1209 = tpu.vector_load %arg16[%swap3A_1208] {strides = array<i32>} : memref<64xf32, #tpu.memory_space<vmem>>, vector<16xf32>,
      tpu.vector_store %arg16[%swap3A_1208], %mul3A_1207 {strides = array<i32>} : memref<64xf32, #tpu.memory_space<vmem>>, vector<16xf32>,
      %get3A_1210 = arith.constant 32 : index
      %get3A_1211 = tpu.vector_load %arg15[%get3A_1210] {strides = array<i32>} : memref<64xi32, #tpu.memory_space<vmem>>, vector<16xi32>,
      %get3A_1212 = arith.constant 38 : index
      %get3A_1213 = tpu.vector_load %arg7[%get3A_1212] {strides = array<i32>} : memref<80xi32, #tpu.memory_space<vmem>>, vector<16xi32>,
      %gather3A_1214 = tpu.vector_load_idx %arg11[%get3A_1211] : memref<10240xf32, #tpu.memory_space<vmem>>[vector<16xi32>], vector<16xf32>,
      %gather3A_1215 = tpu.vector_load_idx %arg11[%get3A_1213] : memref<10240xf32, #tpu.memory_space<vmem>>[vector<16xi32>], vector<16xf32>,
      %mul3A_1216 = arith.mulf %gather3A_1214, %gather3A_1215 : vector<16xf32>
      %swap3A_1217 = arith.constant 32 : index
      %swap3A_1218 = tpu.vector_load %arg16[%swap3A_1217] {strides = array<i32>} : memref<64xf32, #tpu.memory_space<vmem>>, vector<16xf32>,
      tpu.vector_store %arg16[%swap3A_1217], %mul3A_1216 {strides = array<i32>} : memref<64xf32, #tpu.memory_space<vmem>>, vector<16xf32>,
      %get3A_1219 = arith.constant 48 : index
      %get3A_1220 = tpu.vector_load %arg15[%get3A_1219] {strides = array<i32>} : memref<64xi32, #tpu.memory_space<vmem>>, vector<16xi32>,
      %get3A_1221 = arith.constant 54 : index
      %get3A_1222 = tpu.vector_load %arg7[%get3A_1221] {strides = array<i32>} : memref<80xi32, #tpu.memory_space<vmem>>, vector<16xi32>,
      %lt3A_1223 = arith.constant 14 : i32
      %lt3A_1224 = vector.broadcast %lt3A_1223 : i32 to vector<16xi32>
      %lt3A_1225 = arith.cmpi slt, %iota3A, %lt3A_1224 : vector<16xi32>
      %select_n3A_1226 = arith.select %lt3A_1225, %get3A_1222, %broadcast_in_dim3A_116 : vector<16xi1>, vector<16xi32>
      %gather3A_1227 = tpu.vector_load_idx %arg11[%get3A_1220] : memref<10240xf32, #tpu.memory_space<vmem>>[vector<16xi32>], vector<16xf32>,
      %gather3A_1228 = tpu.vector_load_idx %arg11[%select_n3A_1226] : memref<10240xf32, #tpu.memory_space<vmem>>[vector<16xi32>], vector<16xf32>,
      %mul3A_1229 = arith.mulf %gather3A_1227, %gather3A_1228 : vector<16xf32>
      %swap3A_1230 = arith.constant 48 : index
      %swap3A_1231 = tpu.vector_load %arg16[%swap3A_1230] {strides = array<i32>} : memref<64xf32, #tpu.memory_space<vmem>>, vector<16xf32>,
      tpu.vector_store %arg16[%swap3A_1230], %mul3A_1229 {strides = array<i32>} : memref<64xf32, #tpu.memory_space<vmem>>, vector<16xf32>,
      "tpu.region"() ({
        %run_scoped3A = tpu.sem_alloc : memref<!tpu.dma_semaphore, #tpu.memory_space<semaphore_mem>>
        %dma_start3A_1232 = arith.constant 0 : i32
        %dma_start3A_1233 = tpu.memref_slice %arg16[%dma_start3A_1232] : memref<64xf32, #tpu.memory_space<vmem>> -> memref<62xf32, #tpu.memory_space<vmem>>
        %dma_start3A_1234 = arith.constant 209920 : i32
        %dma_start3A_1235 = tpu.memref_slice %arg3[%dma_start3A_1234] : memref<209982xf32, #tpu.memory_space<hbm>> -> memref<62xf32, #tpu.memory_space<hbm>>
        %dma_start3A_1236 = arith.constant 209920 : i32
        %dma_start3A_1237 = tpu.memref_slice %arg3[%dma_start3A_1236] : memref<209982xf32, #tpu.memory_space<hbm>> -> memref<62xf32, #tpu.memory_space<hbm>>
        %dma_start3A_1238 = arith.constant 0 : i32
        %dma_start3A_1239 = tpu.memref_slice %arg16[%dma_start3A_1238] : memref<64xf32, #tpu.memory_space<vmem>> -> memref<62xf32, #tpu.memory_space<vmem>>
        tpu.enqueue_dma source(%dma_start3A_1239 : memref<62xf32, #tpu.memory_space<vmem>>) target(%dma_start3A_1237 : memref<62xf32, #tpu.memory_space<hbm>>) target_semaphore(%run_scoped3A : memref<!tpu.dma_semaphore, #tpu.memory_space<semaphore_mem>>)
        %dma_wait3A_1240 = arith.constant 0 : i32
        %dma_wait3A_1241 = tpu.memref_slice %arg16[%dma_wait3A_1240] : memref<64xf32, #tpu.memory_space<vmem>> -> memref<62xf32, #tpu.memory_space<vmem>>
        %dma_wait3A_1242 = arith.constant 209920 : i32
        %dma_wait3A_1243 = tpu.memref_slice %arg3[%dma_wait3A_1242] : memref<209982xf32, #tpu.memory_space<hbm>> -> memref<62xf32, #tpu.memory_space<hbm>>
        %dma_wait3A_1244 = arith.constant 209920 : i32
        %dma_wait3A_1245 = tpu.memref_slice %arg3[%dma_wait3A_1244] : memref<209982xf32, #tpu.memory_space<hbm>> -> memref<62xf32, #tpu.memory_space<hbm>>
        %dma_wait3A_1246 = arith.constant 0 : i32
        %dma_wait3A_1247 = tpu.memref_slice %arg16[%dma_wait3A_1246] : memref<64xf32, #tpu.memory_space<vmem>> -> memref<62xf32, #tpu.memory_space<vmem>>
        tpu.wait_dma2 semaphore(%run_scoped3A : memref<!tpu.dma_semaphore, #tpu.memory_space<semaphore_mem>>) src(%dma_wait3A_1247 : memref<62xf32, #tpu.memory_space<vmem>>) dst(%dma_wait3A_1245 : memref<62xf32, #tpu.memory_space<hbm>>)
        tpu.yield
      }) : () -> ()
    } else {
    }
    return
  }
}

</mosaic_0001>

<sc_bundles>
// kernel: kernel.3.cloned.1.call-start
scs
__scs_entry_jumppad:
0x0: {  	(pc) =	sbr.rel $0x88, $3  }
0x1: {  	(tag) =	ssettag $0x0;
	lr =	simm.s32 $0x1  }
0x2: {  	[smem:$0x3FA0] =	sst lr;
	_ =	strace $0xD0000000  }
0x3: {  	_ = 	snop  }
0x4: {  	_ = 	snop  }
0x5: {  	_ = 	snop  }
0x6: {  	_ = 	snop  }
0x7: {  	_ = 	snop  }
__scs_overlays_trampoline_lowered:
0x8: {  	[smem:$0x3FAF] =	sst s0  }
0x9: {  	[smem:$0x3FB0] =	sst s1  }
0xa: {  	[smem:$0x3FB1] =	sst s2  }
0xb: {  	[smem:$0x3FB2] =	sst s3  }
0xc: {  	[smem:$0x3FB3] =	sst s4  }
0xd: {  	[smem:$0x3FB4] =	sst s5  }
0xe: {  	[smem:$0x3FB5] =	sst s6  }
0xf: {  	[smem:$0x3FB6] =	sst s7  }
0x10: {  	[smem:$0x3FB7] =	sst s8  }
0x11: {  	[smem:$0x3FB8] =	sst s9;
	s0 =	simm.s32 @!p0 $0x0  }
0x12: {  	s1 =	sld [smem:$0x3F9E];
	s0 =	simm.s32 @p0 $0x1  }
0x13: {  	[smem:$0x3FB9] =	sst s0;
	s0 =	simm.s32 @!p1 $0x0  }
0x14: {  	s2 =	sld [smem:$0x3F9D];
	s0 =	simm.s32 @p1 $0x1  }
0x15: {  	[smem:$0x3FBA] =	sst s0;
	s0 =	simm.s32 @!p2 $0x0  }
0x16: {  	s3 =	sld [smem:$0x3FDB];
	s0 =	simm.s32 @p2 $0x1  }
0x17: {  	s4 =	simm.s32 $0x1BF5;
	[smem:$0x3FBC] =	sst s0  }
0x18: {  	s0 =	sld [smem:$0x3F9F];
	_ =	swait.ge [sflag:s4], $0x0  }
0x19: {  	s7 =	sld [smem:$0x3FA0]  }
0x1a: {  	s8 =	sadd.s32 $0xFFFFE003, lr  }
0x1b: {  	s9 =	sadd.s32 $0xFFFFFEF7, lr;
	s5 =	simm.s32 $0xFFFFFFFF;
	p2 =	slt.u32 s8, $0xFFFFF086  }
0x1c: {  	p1 =	slt.u32 s9, $0xF7A;
	s5 =	simm.s32 @!p2 $0x0  }
0x1d: {  	s5 =	simm.s32 @p1 $0x1;
	p0 =	seq.s32 s7, s2  }
0x1e: {  	s7 =	smul.u32 @!p0 $0xF7A, s2;
	p2 =	seq.s32 @!p0 s5, $0x0  }
0x1f: {  	s9 =	smul.u32 $0xF7A, s1;
	s8 =	simm.s32 @!p0 $0x1BF5;
	p2 =	por !p2, p0  }
0x20: {  	[sflag:s8] =	ssyncset.s32 @!p0 $0xFFFFF086;
	s6 =	sadd.s32 @!p0 s3, s7;
	s7 =	simm.s32 @!p0 $0x108  }
0x21: {  	s3 =	sadd.s32 s3, s9;
	s6 =	sadd.s32 @!p0 $0x88, s6;
	s7 =	simm.s32 @p2 $0x1082  }
0x22: {  	[simem:s7], [sflag:s8] =	dma.local @!p0 [hbm:s6], $0xF7A  }
0x23: {  	s9 =	sor.u32 $0xD0000000, s2;
	s6 =	simm.s32 $0x108;
	_ =	swait.ge @!p0 [sflag:s8], $0x0  }
0x24: {  	s3 =	sadd.s32 $0x88, s3;
	s6 =	simm.s32 @!p1 $0x1082;
	[sflag:s4] =	ssyncset.s32 $0xFFFFF086  }
0x25: {  	[simem:s6], [sflag:s4] =	dma.local [hbm:s3], $0xF7A  }
0x26: {  	[smem:$0x3FA0] =	sst s1;
	(tag) =	ssettag s2;
	_ =	strace s9  }
0x27: {  	s1 =	sld [smem:$0x3FB0]  }
0x28: {  	s2 =	sld [smem:$0x3FB1]  }
0x29: {  	s4 =	sld [smem:$0x3FB3]  }
0x2a: {  	p0 =	seq.s32 s5, $0x0;
	s5 =	sld [smem:$0x3FB4]  }
0x2b: {  	s6 =	sld [smem:$0x3FB5]  }
0x2c: {  	s7 =	sld [smem:$0x3FB6]  }
0x2d: {  	s3 =	simm.s32 $0x108;
	s8 =	sld [smem:$0x3FB7]  }
0x2e: {  	s3 =	simm.s32 @!p0 $0x1082;
	s9 =	sld [smem:$0x3FB8]  }
0x2f: {  	lr =	sadd.s32 s0, s3;
	s0 =	sld [smem:$0x3FAF]  }
0x30: {  	s3 =	sld [smem:$0x3FB2]  }
0x31: {  	[smem:$0x3FBB] =	sst s10  }
0x32: {  	s10 =	sld [smem:$0x3FB9];
	_ =	sdelay $0x3  }
0x33: {  	p0 =	seq.s32 s10, $0x1;
	s10 =	sld [smem:$0x3FBB];
	_ =	sdelay $0x3  }
0x34: {  	[smem:$0x3FBB] =	sst s10  }
0x35: {  	s10 =	sld [smem:$0x3FBA];
	_ =	sdelay $0x3  }
0x36: {  	p1 =	seq.s32 s10, $0x1;
	s10 =	sld [smem:$0x3FBB];
	_ =	sdelay $0x3  }
0x37: {  	[smem:$0x3FBB] =	sst s10  }
0x38: {  	s10 =	sld [smem:$0x3FBC]  }
0x39: {  	_ = 	snop;
	(pc) =	sbr.ind lr, $3  }
0x3a: {  	_ = 	snop  }
0x3b: {  	_ = 	snop  }
0x3c: {  	p2 =	seq.s32 s10, $0x1;
	s10 =	sld [smem:$0x3FBB]  }
0x3d: {  	_ =	shalt  }
0x3e: {  	_ =	shalt  }
0x3f: {  	_ =	shalt  }
0x40: {  	_ =	shalt  }
0x41: {  	_ =	shalt  }
0x42: {  	_ =	shalt  }
0x43: {  	_ =	shalt  }
0x44: {  	_ =	shalt  }
0x45: {  	_ =	shalt  }
0x46: {  	_ =	shalt  }
0x47: {  	_ =	shalt  }
0x48: {  	_ =	shalt  }
0x49: {  	_ =	shalt  }
0x4a: {  	_ =	shalt  }
0x4b: {  	_ =	shalt  }
0x4c: {  	_ =	shalt  }
0x4d: {  	_ =	shalt  }
0x4e: {  	_ =	shalt  }
0x4f: {  	_ =	shalt  }
0x50: {  	_ =	shalt  }
0x51: {  	_ =	shalt  }
0x52: {  	_ =	shalt  }
0x53: {  	_ =	shalt  }
0x54: {  	_ =	shalt  }
0x55: {  	_ =	shalt  }
0x56: {  	_ =	shalt  }
0x57: {  	_ =	shalt  }
0x58: {  	_ =	shalt  }
0x59: {  	_ =	shalt  }
0x5a: {  	_ =	shalt  }
0x5b: {  	_ =	shalt  }
0x5c: {  	_ =	shalt  }
0x5d: {  	_ =	shalt  }
0x5e: {  	_ =	shalt  }
0x5f: {  	_ =	shalt  }
0x60: {  	_ =	shalt  }
0x61: {  	_ =	shalt  }
0x62: {  	_ =	shalt  }
0x63: {  	_ =	shalt  }
0x64: {  	_ =	shalt  }
0x65: {  	_ =	shalt  }
0x66: {  	_ =	shalt  }
0x67: {  	_ =	shalt  }
0x68: {  	_ =	shalt  }
0x69: {  	_ =	shalt  }
0x6a: {  	_ =	shalt  }
0x6b: {  	_ =	shalt  }
0x6c: {  	_ =	shalt  }
0x6d: {  	_ =	shalt  }
0x6e: {  	_ =	shalt  }
0x6f: {  	_ =	shalt  }
0x70: {  	_ =	shalt  }
0x71: {  	_ =	shalt  }
0x72: {  	_ =	shalt  }
0x73: {  	_ =	shalt  }
0x74: {  	_ =	shalt  }
0x75: {  	_ =	shalt  }
0x76: {  	_ =	shalt  }
0x77: {  	_ =	shalt  }
0x78: {  	_ =	shalt  }
0x79: {  	_ =	shalt  }
0x7a: {  	_ =	shalt  }
0x7b: {  	_ =	shalt  }
0x7c: {  	_ =	shalt  }
0x7d: {  	_ =	shalt  }
0x7e: {  	_ =	shalt  }
0x7f: {  	_ =	shalt  }
0x80: {  	_ =	shalt  }
0x81: {  	_ =	shalt  }
0x82: {  	_ =	shalt  }
0x83: {  	_ =	shalt  }
0x84: {  	_ =	shalt  }
0x85: {  	_ =	shalt  }
0x86: {  	_ =	shalt  }
0x87: {  	_ =	shalt  }
.Lfunc_end0:
.L_simem_size_0:
called_computation_lowered:
.L_overlay_start_0:
0x88: {  	s2 =	sld [smem:$0x3FD9]  }
0x89: {  	s3 =	sld [smem:$0x3FFE];
	_ =	sdelay $0x1  }
0x8a: {  	s1 =	srdreg.scid  }
0x8b: {  	s0 =	sand.u32 $0x1, s1  }
0x8c: {  	s17 =	sshll.u32 s0, $0xA;
	s2 =	sadd.s32 s3, s2  }
0x8d: {  	s2 =	sadd.s32 s2, s17  }
0x8e: {  	[smem:$0x3FC7] =	sst s2  }
0x8f: {  	_ = 	snop  }
0x90: {  	s2 =	sld [smem:$0x3FD0];
	(tm) =	ssettm $0x1  }
0x91: {  	s18 =	sld [smem:$0x3FFB];
	_ =	sdelay $0x3  }
0x92: {  	_ =	strace s18  }
0x93: {  	s3 =	sld [smem:$0x3FFC];
	_ =	sdelay $0x3  }
0x94: {  	_ =	strace s3  }
0x95: {  	s3 =	sld [smem:$0x3FFD];
	_ =	sdelay $0x3  }
0x96: {  	_ =	strace s3  }
0x97: {  	_ =	strace $0x8FFFFFFF  }
0x98: {  	s19 =	sld [smem:$0x3FDB];
	_ =	sdelay $0x1  }
0x99: {  	s4 =	simm.s32 $_scs_section_size  }
0x9a: {  	s5 =	simm.s32 $_size__tile_overlayer_lowered;
	s6 =	simm.s32 $_tile_overlayer_lowered  }
0x9b: {  	s22 =	simm.s32 $0x1BFF;
	s21 =	sshll.u32 s6, $0x1;
	s3 =	sadd.s32 s4, s19  }
0x9c: {  	s7 =	simm.s32 $0x0;
	s20 =	sshll.u32 s5, $0x1;
	s5 =	sadd.s32 s21, s3  }
0x9d: {  	[timem:s7], [sflag:s22] =	dma.local [hbm:s5], s20  }
0x9e: {  	_ =	swait.ge [sflag:s22], s20  }
0x9f: {  	s4 =	ssub.s32 $0x0, s20;
	[sflag:s22] =	ssyncset.done $0x0  }
0xa0: {  	[sflag:s22] =	ssyncadd.s32 s4;
	_ =	sdelay $0x1  }
0xa1: {  	s23 =	simm.s32 $0x1B8B  }
0xa2: {  	_ =	swait.ge [sflag:s23], $0x1  }
0xa3: {  	[sflag:s23] =	ssyncset.done $0x0  }
0xa4: {  	s25 =	simm.s32 $0x1B8E;
	s24 =	sld [smem:$0x3FFE];
	[sflag:s23] =	ssyncadd.s32 $0xFFFFFFFF  }
0xa5: {  	s26 =	simm.s32 $execute0_lowered;
	[smem:$0x3FD2] =	sst s25  }
0xa6: {  	s5 =	sshll.u32 s26, $0x1;
	_ =	strace $0x80000046;
	[dreg:$0x1] =	wrdreg $0xFFFFFFFF  }
0xa7: {  	s28 =	simm.s32 $_size_execute0_lowered;
	s3 =	sadd.s32 s3, s5;
	[dreg:$0x0] =	wrdreg $0x0  }
0xa8: {  	s5 =	sshll.u32 s28, $0x1;
	[dreg:$0x2] =	wrdreg s3  }
0xa9: {  	[dreg:$0x3] =	wrdreg s5  }
0xaa: {  	[dreg:$0x4] =	wrdreg $0xC0  }
0xab: {  	_ =	task [dreg:s7], $0x5FFFF  }
0xac: {  	[dreg:$0x1] =	wrdreg $0xFFFFFFFF  }
0xad: {  	[dreg:$0x0] =	wrdreg $0x60  }
0xae: {  	[dreg:$0x2] =	wrdreg s24  }
0xaf: {  	[dreg:$0x3] =	wrdreg s2  }
0xb0: {  	[dreg:$0x4] =	wrdreg $0xE3800  }
0xb1: {  	[dreg:$0x5] =	wrdreg $0x9  }
0xb2: {  	_ =	task.clear_ibuf [dreg:s7], $0x6FFFF;
	_ =	strace $0x90000046  }
0xb3: {  	s29 =	simm.s32 $0x9;
	_ =	strace $0x8000004D  }
0xb4: {  	_ =	swait.ge [sflag:s29], $0x1  }
0xb5: {  	[sflag:s29] =	ssyncadd.s32 $0xFFFFFFFF  }
0xb6: {  	_ =	strace $0x9000004D  }
0xb7: {  	_ =	sfence  }
0xb8: {  	s30 =	sld [smem:$0x0];
	_ =	sdelay $0x2  }
0xb9: {  	s31 =	sshll.u32 s1, $0xD;
	s1 =	sshrl.u32 s1, $0x2  }
0xba: {  	s3 =	sand.u32 $0x4000, s31;
	s1 =	sadd.s32 s1, s30  }
0xbb: {  	s0 =	sor.u32 s3, s0;
	s1 =	sshll.u32 s1, $0x11  }
0xbc: {  	s0 =	sor.u32 s1, s0  }
0xbd: {  	s0 =	sadd.s32 $0x8F2B, s0  }
0xbe: {  	[sflag:s0] =	ssyncadd.remote.s32 $0x1  }
0xbf: {  	_ =	sfence.sel $0xFFFF  }
0xc0: {  	[dreg:$0x0] =	wrdreg $0xFFFFFFFF;
	(pc) =	sbr.abs _section_cstart, $3  }
0xc1: {  	[dreg:$0x1] =	wrdreg $0xFFFFFFFF  }
0xc2: {  	_ =	task.clear_ibuf [dreg:s7], $0x2FFFF;
	_ =	strace $0x9FFFFFFF  }
0xc3: {  	(tm) =	ssettm $0x7FFFFFFF  }
tec
execute0_lowered:
.L_overlay_start_1:
0x0: {  	(tag) =	ssettag $0x1  }
0x1: {  	s0 =	rddreg [dreg:$0x0]  }
0x2: {  	s1 =	rddreg [dreg:$0x1]  }
0x3: {  	s2 =	rddreg [dreg:$0x2];
	s3 =	simm.s32 $0x0  }
0x4: {  	s4 =	srdreg.scid;
	s18 =	stileid.u32;
	s19 =	simm.s32 $0x6A00  }
0x5: {  	s20 =	simm.s32 $0x4;
	s21 =	simm.s32 $0x80;
	s22 =	simm.s32 $0x6900  }
0x6: {  	s23 =	simm.s32 $0x700;
	s24 =	simm.s32 $0x780;
	s25 =	simm.s32 $0x1  }
0x7: {  	s26 =	simm.s32 $0x6C80;
	s28 =	simm.s32 $0x2;
	s29 =	simm.s32 $0xC880  }
0x8: {  	s30 =	simm.s32 $0x0;
	[smem:$0x7FF] =	sst s3;
	s4 =	sand.u32 $0x1, s4  }
0x9: {  	s5 =	smul.u32 $0x3400, s18;
	s9 =	sadd.s32 $0x400, s0;
	s8 =	sshll.u32 s18, $0x1  }
0xa: {  	p0 =	seq.s32 s18, $0xF;
	s10 =	smul.u32 $0xA00, s18;
	s13 =	sadd.s32 $0x6A80, s0  }
0xb: {  	s14 =	sadd.s32 $0xD107, s0;
	s15 =	sadd.s32 $0x6680, s1;
	p1 =	sne.s32 s18, $0x8  }
0xc: {  	_ =	strace $0x80000047;
	s6 =	ssub.s32 $0x2, s4;
	s17 =	sor.u32 s4, s8  }
0xd: {  	s7 =	sshrl.u32 s6, $0x1;
	s5 =	sshrl.u32 s5, $0x3;
	s8 =	smul.u32 $0x19A0, s17  }
0xe: {  	s10 =	sshrl.u32 s10, $0x2;
	p2 =	sne.s32 s17, $0x1F;
	s16 =	ssub.s32 s6, s7  }
0xf: {  	s31 =	sadd.s32 s9, s5;
	s5 =	sadd.s32 $0xCC08, s0;
	s6 =	sadd.s32 $0x6A87, s0  }
0x10: {  	s7 =	sadd.s32 $0xD108, s0;
	s10 =	sadd.s32 s10, s2;
	s11 =	sadd.s32 $0x33438, s8  }
0x11: {  	s4 =	sadd.s32 $0x6688, s31;
	s12 =	sshrl.u32 s8, $0x3;
	s11 =	sshrl.u32 s11, $0x3  }
0x12: {  	v0 =	vimm.f32 $0.0e+00;
	s8 =	sadd.s32 s9, s12;
	s9 =	sadd.s32 s9, s11;
	s11 =	simm.s32 $0x8000  }
0x13: {  	v1 =	vimm.f32 $1.000000000e+00;
	vm0 =	vmmov @!p1 $0x3fff;
	vm1 =	vmmov @!p2 $0x3fff;
	s16 =	smax.u32 s16, $0x1;
	s12 =	sadd.s32 s1, s12;
	s11 =	simm.s32 @!p0 $0xB000  }
.LBB2_1:
0x14: {  	s0 =	simm.s32 @p0 $0x0;
	s1 =	simm.s32 @p0 $0x3400  }
0x15: {  	[tilespmem:s1], [sflag:$0x3] =	stream.linear.gather @p0 [hbm4b:s5+s0], $0x2800, $0x38;
	[tilespmem:$0xE600] =	vst v63  }
0x16: {  	s0 =	simm.s32 @!p0 $0x0;
	s1 =	simm.s32 @!p0 $0x3400  }
0x17: {  	[tilespmem:s1], [sflag:$0x3] =	stream.linear.gather @!p0 [hbm4b:s4+s0], $0x3400, $0x38;
	[tilespmem:$0xE600] =	vst v63  }
0x18: {  	[tilespmem:$0x6A00] =	vst v0  }
0x19: {  	[tilespmem:$0x6A10] =	vst v0  }
0x1a: {  	[tilespmem:$0x6A20] =	vst v0  }
0x1b: {  	[tilespmem:$0x6A30] =	vst v0  }
0x1c: {  	[tilespmem:$0x6A40] =	vst v0  }
0x1d: {  	[tilespmem:$0x6A50] =	vst v0  }
0x1e: {  	[tilespmem:$0x6A60] =	vst v0  }
0x1f: {  	[tilespmem:$0x6A70] =	vst v0  }
0x20: {  	[tilespmem:$0x6A80] =	vst v0  }
0x21: {  	[tilespmem:$0x6A90] =	vst v0  }
0x22: {  	[tilespmem:$0x6AA0] =	vst v0  }
0x23: {  	[tilespmem:$0x6AB0] =	vst v0  }
0x24: {  	[tilespmem:$0x6AC0] =	vst v0  }
0x25: {  	[tilespmem:$0x6AD0] =	vst v0  }
0x26: {  	[tilespmem:$0x6AE0] =	vst v0  }
0x27: {  	[tilespmem:$0x6AF0] =	vst v0  }
0x28: {  	[tilespmem:$0x6B00] =	vst v0  }
0x29: {  	[tilespmem:$0x6B10] =	vst v0  }
0x2a: {  	[tilespmem:$0x6B20] =	vst v0  }
0x2b: {  	[tilespmem:$0x6B30] =	vst v0  }
0x2c: {  	[tilespmem:$0x6B40] =	vst v0  }
0x2d: {  	[tilespmem:$0x6B50] =	vst v0  }
0x2e: {  	[tilespmem:$0x6B60] =	vst v0  }
0x2f: {  	[tilespmem:$0x6B70] =	vst v0  }
0x30: {  	[tilespmem:$0x6B80] =	vst v0  }
0x31: {  	[tilespmem:$0x6B90] =	vst v0  }
0x32: {  	[tilespmem:$0x6BA0] =	vst v0  }
0x33: {  	[tilespmem:$0x6BB0] =	vst v0  }
0x34: {  	[tilespmem:$0x6BC0] =	vst v0  }
0x35: {  	[tilespmem:$0x6BD0] =	vst v0  }
0x36: {  	[tilespmem:$0x6BE0] =	vst v0  }
0x37: {  	[tilespmem:$0x6BF0] =	vst v0  }
0x38: {  	[tilespmem:$0x6C00] =	vst v0  }
0x39: {  	[tilespmem:$0x6C10] =	vst v0  }
0x3a: {  	[tilespmem:$0x6C20] =	vst v0  }
0x3b: {  	[tilespmem:$0x6C30] =	vst v0  }
0x3c: {  	[tilespmem:$0x6C40] =	vst v0  }
0x3d: {  	[tilespmem:$0x6C50] =	vst v0  }
0x3e: {  	[tilespmem:$0x6C60] =	vst v0  }
0x3f: {  	[tilespmem:$0x6C70] =	vst v0  }
0x40: {  	[tilespmem:$0x6900] =	vst v1  }
0x41: {  	[tilespmem:$0x6910] =	vst v1  }
0x42: {  	[tilespmem:$0x6920] =	vst v1  }
0x43: {  	[tilespmem:$0x6930] =	vst v1  }
0x44: {  	[tilespmem:$0x6940] =	vst v1  }
0x45: {  	[tilespmem:$0x6950] =	vst v1  }
0x46: {  	[tilespmem:$0x6960] =	vst v1  }
0x47: {  	[tilespmem:$0x6970] =	vst v1  }
0x48: {  	[tilespmem:$0x6980] =	vst v1  }
0x49: {  	[tilespmem:$0x6990] =	vst v1  }
0x4a: {  	[tilespmem:$0x69A0] =	vst v1  }
0x4b: {  	s0 =	simm.s32 @!p1 $0x0;
	s1 =	simm.s32 @!p1 $0x6880;
	[tilespmem:$0x69B0] =	vst v1  }
0x4c: {  	[tilespmem:s1], [sflag:$0x4] =	stream.linear.gather @!p1 [hbm4b:s6+s0], $0x8, $0x38;
	[tilespmem:$0xE600] =	vst v63  }
0x4d: {  	s1 =	simm.s32 @!p1 $0x4  }
0x4e: {  	_ =	swait.ge @!p1 [sflag:s1], $0x8  }
0x4f: {  	[sflag:s1] =	ssyncset.done @!p1 $0x0  }
0x50: {  	s17 =	simm.s32 @!p1 $0x6888;
	[sflag:s1] =	ssyncadd.s32 @!p1 $0xFFFFFFF8  }
0x51: {  	[tilespmem:s17], [sflag:$0x4] =	stream.linear.gather @!p1 [hbm4b:s7+s0], $0x3C, $0x38;
	[tilespmem:$0xE600] =	vst v63  }
0x52: {  	_ =	swait.ge @!p1 [sflag:s1], $0x3C  }
0x53: {  	[sflag:s1] =	ssyncset.done @!p1 $0x0  }
0x54: {  	[sflag:s1] =	ssyncadd.s32 @!p1 $0xFFFFFFC4  }
0x55: {  	v2 =	vld @!p1 [tilespmem:$0x6886]  }
0x56: {  	v3 =	vld @!p1 [tilespmem:$0x6896]  }
0x57: {  	v4 =	vld @!p1 [tilespmem:$0x68A6]  }
0x58: {  	v5 =	vld @!p1 [tilespmem:$0x68B6];
	_ =	sdelay $0x2  }
0x59: {  	[tilespmem:$0x6800] =	vst @!p1 v2  }
0x5a: {  	[tilespmem:$0x6810] =	vst @!p1 v3  }
0x5b: {  	[tilespmem:$0x6820] =	vst @!p1 v4;
	v2 =	vnsel @!p1 vm0, $0x27FF, v5  }
0x5c: {  	s18 =	simm.s32 $0x9480;
	[tilespmem:$0x6830] =	vst @!p1 v2  }
0x5d: {  	[tilespmem:s18], [sflag:$0x2] =	stream.linear.gather [hbm4b:s8+s3], $0x19A0, $0x38;
	[tilespmem:$0xE600] =	vst v63  }
0x5e: {  	s31 =	simm.s32 $0xAE80  }
0x5f: {  	[tilespmem:s31], [sflag:$0x2] =	stream.linear.gather [hbm4b:s9+s3], $0x19A8, $0x38;
	[tilespmem:$0xE600] =	vst v63  }
0x60: {  	_ =	strace $0x80000048  }
0x61: {  	[spmem:s10] =	stream.linear.scatter [tilespmem:s19], [sflag:$0x4], $0x280, $0x200038;
	[tilespmem:$0xE600] =	vst v63  }
0x62: {  	_ =	swait.ge [sflag:s20], $0x280  }
0x63: {  	[sflag:s20] =	ssyncset.done $0x0  }
0x64: {  	[sflag:s20] =	ssyncadd.s32 $0xFFFFFD80  }
0x65: {  	[bflag:$0x0] =	sbarrier.arrive $0xFFFF  }
0x66: {  	_ =	strace $0x90000048  }
0x67: {  	s0 =	simm.s32 @p0 $0x3;
	_ =	strace $0x80000049  }
0x68: {  	_ =	swait.ge @p0 [sflag:s0], $0x2800  }
0x69: {  	[sflag:s0] =	ssyncset.done @p0 $0x0  }
0x6a: {  	[sflag:s0] =	ssyncadd.s32 @p0 $0xFFFFD800;
	s0 =	simm.s32 @!p0 $0x3  }
0x6b: {  	_ =	swait.ge @!p0 [sflag:s0], $0x3400  }
0x6c: {  	[sflag:s0] =	ssyncset.done @!p0 $0x0  }
0x6d: {  	[sflag:s0] =	ssyncadd.s32 @!p0 $0xFFFFCC00  }
0x6e: {  	v2 =	vld [tilespmem:$0x3400]  }
0x6f: {  	v3 =	vld [tilespmem:$0x3410]  }
0x70: {  	v44 =	vld [tilespmem:$0x3420]  }
0x71: {  	v45 =	vld [tilespmem:$0x3430]  }
0x72: {  	v6 =	vld [tilespmem:$0x3440]  }
0x73: {  	v46 =	vld [tilespmem:$0x3470];
	[tilespmem:$0x0] =	vst v2  }
0x74: {  	v47 =	vld [tilespmem:$0x3480];
	[tilespmem:$0x10] =	vst v3  }
0x75: {  	v2 =	vld [tilespmem:$0x3450];
	[tilespmem:$0x20] =	vst v44  }
0x76: {  	v3 =	vld [tilespmem:$0x3460];
	[tilespmem:$0x30] =	vst v45  }
0x77: {  	v48 =	vld [tilespmem:$0x3490];
	[tilespmem:$0x40] =	vst v6  }
0x78: {  	v49 =	vld [tilespmem:$0x34C0];
	[tilespmem:$0x70] =	vst v46  }
0x79: {  	v50 =	vld [tilespmem:$0x34D0];
	[tilespmem:$0x80] =	vst v47  }
0x7a: {  	[tilespmem:$0x50] =	vst v2;
	v2 =	vld [tilespmem:$0x34A0]  }
0x7b: {  	[tilespmem:$0x60] =	vst v3;
	v3 =	vld [tilespmem:$0x34B0]  }
0x7c: {  	v51 =	vld [tilespmem:$0x34E0];
	[tilespmem:$0x90] =	vst v48  }
0x7d: {  	v52 =	vld [tilespmem:$0x3510];
	[tilespmem:$0xC0] =	vst v49  }
0x7e: {  	v53 =	vld [tilespmem:$0x3520];
	[tilespmem:$0xD0] =	vst v50  }
0x7f: {  	[tilespmem:$0xA0] =	vst v2;
	v2 =	vld [tilespmem:$0x34F0]  }
0x80: {  	[tilespmem:$0xB0] =	vst v3;
	v3 =	vld [tilespmem:$0x3500]  }
0x81: {  	v54 =	vld [tilespmem:$0x3530];
	[tilespmem:$0xE0] =	vst v51  }
0x82: {  	v55 =	vld [tilespmem:$0x3560];
	[tilespmem:$0x110] =	vst v52  }
0x83: {  	v56 =	vld [tilespmem:$0x3570];
	[tilespmem:$0x120] =	vst v53  }
0x84: {  	[tilespmem:$0xF0] =	vst v2;
	v2 =	vld [tilespmem:$0x3540]  }
0x85: {  	[tilespmem:$0x100] =	vst v3;
	v3 =	vld [tilespmem:$0x3550]  }
0x86: {  	v57 =	vld [tilespmem:$0x3580];
	[tilespmem:$0x130] =	vst v54  }
0x87: {  	v58 =	vld [tilespmem:$0x35B0];
	[tilespmem:$0x160] =	vst v55  }
0x88: {  	v59 =	vld [tilespmem:$0x35C0];
	[tilespmem:$0x170] =	vst v56  }
0x89: {  	[tilespmem:$0x140] =	vst v2;
	v2 =	vld [tilespmem:$0x3590]  }
0x8a: {  	[tilespmem:$0x150] =	vst v3;
	v3 =	vld [tilespmem:$0x35A0]  }
0x8b: {  	v60 =	vld [tilespmem:$0x35D0];
	[tilespmem:$0x180] =	vst v57  }
0x8c: {  	v61 =	vld [tilespmem:$0x3600];
	[tilespmem:$0x1B0] =	vst v58  }
0x8d: {  	v62 =	vld [tilespmem:$0x3610];
	[tilespmem:$0x1C0] =	vst v59  }
0x8e: {  	[tilespmem:$0x190] =	vst v2;
	v2 =	vld [tilespmem:$0x35E0]  }
0x8f: {  	[tilespmem:$0x1A0] =	vst v3;
	v3 =	vld [tilespmem:$0x35F0]  }
0x90: {  	v63 =	vld [tilespmem:$0x3620];
	[tilespmem:$0x1D0] =	vst v60  }
0x91: {  	v9 =	vld [tilespmem:$0x3650];
	[tilespmem:$0x200] =	vst v61  }
0x92: {  	v10 =	vld [tilespmem:$0x3660];
	[tilespmem:$0x210] =	vst v62  }
0x93: {  	[tilespmem:$0x1E0] =	vst v2;
	v2 =	vld [tilespmem:$0x3630]  }
0x94: {  	[tilespmem:$0x1F0] =	vst v3;
	v3 =	vld [tilespmem:$0x3640]  }
0x95: {  	v11 =	vld [tilespmem:$0x3670];
	[tilespmem:$0x220] =	vst v63  }
0x96: {  	v12 =	vld [tilespmem:$0x36A0];
	[tilespmem:$0x250] =	vst v9  }
0x97: {  	v13 =	vld [tilespmem:$0x36B0];
	[tilespmem:$0x260] =	vst v10  }
0x98: {  	[tilespmem:$0x230] =	vst v2;
	v2 =	vld [tilespmem:$0x3680]  }
0x99: {  	[tilespmem:$0x240] =	vst v3;
	v3 =	vld [tilespmem:$0x3690]  }
0x9a: {  	v14 =	vld [tilespmem:$0x36C0];
	[tilespmem:$0x270] =	vst v11  }
0x9b: {  	v15 =	vld [tilespmem:$0x36F0];
	[tilespmem:$0x2A0] =	vst v12  }
0x9c: {  	v16 =	vld [tilespmem:$0x3700];
	[tilespmem:$0x2B0] =	vst v13  }
0x9d: {  	[tilespmem:$0x280] =	vst v2;
	v2 =	vld [tilespmem:$0x36D0]  }
0x9e: {  	[tilespmem:$0x290] =	vst v3;
	v3 =	vld [tilespmem:$0x36E0]  }
0x9f: {  	v17 =	vld [tilespmem:$0x3710];
	[tilespmem:$0x2C0] =	vst v14  }
0xa0: {  	v18 =	vld [tilespmem:$0x3740];
	[tilespmem:$0x2F0] =	vst v15  }
0xa1: {  	v19 =	vld [tilespmem:$0x3750];
	[tilespmem:$0x300] =	vst v16  }
0xa2: {  	[tilespmem:$0x2D0] =	vst v2;
	v2 =	vld [tilespmem:$0x3720]  }
0xa3: {  	[tilespmem:$0x2E0] =	vst v3;
	v3 =	vld [tilespmem:$0x3730]  }
0xa4: {  	v20 =	vld [tilespmem:$0x3760];
	[tilespmem:$0x310] =	vst v17  }
0xa5: {  	v21 =	vld [tilespmem:$0x3790];
	[tilespmem:$0x340] =	vst v18  }
0xa6: {  	v22 =	vld [tilespmem:$0x37A0];
	[tilespmem:$0x350] =	vst v19  }
0xa7: {  	[tilespmem:$0x320] =	vst v2;
	v2 =	vld [tilespmem:$0x3770]  }
0xa8: {  	[tilespmem:$0x330] =	vst v3;
	v3 =	vld [tilespmem:$0x3780]  }
0xa9: {  	v23 =	vld [tilespmem:$0x37B0];
	[tilespmem:$0x360] =	vst v20  }
0xaa: {  	v24 =	vld [tilespmem:$0x37E0];
	[tilespmem:$0x390] =	vst v21  }
0xab: {  	v25 =	vld [tilespmem:$0x37F0];
	[tilespmem:$0x3A0] =	vst v22  }
0xac: {  	[tilespmem:$0x370] =	vst v2;
	v2 =	vld [tilespmem:$0x37C0]  }
0xad: {  	[tilespmem:$0x380] =	vst v3;
	v3 =	vld [tilespmem:$0x37D0]  }
0xae: {  	[tilespmem:$0x3B0] =	vst v23  }
0xaf: {  	[tilespmem:$0x3E0] =	vst v24  }
0xb0: {  	[tilespmem:$0x3F0] =	vst v25  }
0xb1: {  	[tilespmem:$0x3C0] =	vst v2  }
0xb2: {  	[tilespmem:$0x3D0] =	vst v3  }
0xb3: {  	[spmem:s2] =	stream.indirect.scatter.add.f32 [tilespmem:s22], [sflag:$0x1], $0x1, s3, s21, $0x2000b8;
	[tilespmem:$0xE600] =	vst v63  }
0xb4: {  	_ = 	snop  }
0xb5: {  	[spmem:s2] =	stream.indirect.scatter.add.f32 [tilespmem:s22], [sflag:$0x1], $0x1, s21, s21, $0x2000b8;
	[tilespmem:$0xE600] =	vst v63  }
0xb6: {  	s1 =	simm.s32 $0x100  }
0xb7: {  	[spmem:s2] =	stream.indirect.scatter.add.f32 [tilespmem:s22], [sflag:$0x1], $0x1, s1, s21, $0x2000b8;
	[tilespmem:$0xE600] =	vst v63  }
0xb8: {  	s17 =	simm.s32 $0x180  }
0xb9: {  	[spmem:s2] =	stream.indirect.scatter.add.f32 [tilespmem:s22], [sflag:$0x1], $0x1, s17, s21, $0x2000b8;
	[tilespmem:$0xE600] =	vst v63  }
0xba: {  	s18 =	simm.s32 $0x200  }
0xbb: {  	[spmem:s2] =	stream.indirect.scatter.add.f32 [tilespmem:s22], [sflag:$0x1], $0x1, s18, s21, $0x2000b8;
	[tilespmem:$0xE600] =	vst v63  }
0xbc: {  	s31 =	simm.s32 $0x280  }
0xbd: {  	[spmem:s2] =	stream.indirect.scatter.add.f32 [tilespmem:s22], [sflag:$0x1], $0x1, s31, s21, $0x2000b8;
	[tilespmem:$0xE600] =	vst v63  }
0xbe: {  	s1 =	simm.s32 $0x300  }
0xbf: {  	[spmem:s2] =	stream.indirect.scatter.add.f32 [tilespmem:s22], [sflag:$0x1], $0x1, s1, s21, $0x2000b8;
	[tilespmem:$0xE600] =	vst v63  }
0xc0: {  	s17 =	simm.s32 $0x380  }
0xc1: {  	[spmem:s2] =	stream.indirect.scatter.add.f32 [tilespmem:s22], [sflag:$0x1], $0x1, s17, s21, $0x2000b8;
	[tilespmem:$0xE600] =	vst v63  }
0xc2: {  	v2 =	vld [tilespmem:$0x3800]  }
0xc3: {  	v3 =	vld [tilespmem:$0x3810]  }
0xc4: {  	v26 =	vld [tilespmem:$0x3820]  }
0xc5: {  	v27 =	vld [tilespmem:$0x3830]  }
0xc6: {  	v28 =	vld [tilespmem:$0x3840]  }
0xc7: {  	v29 =	vld [tilespmem:$0x3870];
	[tilespmem:$0x400] =	vst v2  }
0xc8: {  	v30 =	vld [tilespmem:$0x3880];
	[tilespmem:$0x410] =	vst v3  }
0xc9: {  	v2 =	vld [tilespmem:$0x3850];
	[tilespmem:$0x420] =	vst v26  }
0xca: {  	v3 =	vld [tilespmem:$0x3860];
	[tilespmem:$0x430] =	vst v27  }
0xcb: {  	v31 =	vld [tilespmem:$0x3890];
	[tilespmem:$0x440] =	vst v28  }
0xcc: {  	v32 =	vld [tilespmem:$0x38C0];
	[tilespmem:$0x470] =	vst v29  }
0xcd: {  	v33 =	vld [tilespmem:$0x38D0];
	[tilespmem:$0x480] =	vst v30  }
0xce: {  	[tilespmem:$0x450] =	vst v2;
	v2 =	vld [tilespmem:$0x38A0]  }
0xcf: {  	[tilespmem:$0x460] =	vst v3;
	v3 =	vld [tilespmem:$0x38B0]  }
0xd0: {  	v34 =	vld [tilespmem:$0x38E0];
	[tilespmem:$0x490] =	vst v31  }
0xd1: {  	v35 =	vld [tilespmem:$0x3910];
	[tilespmem:$0x4C0] =	vst v32  }
0xd2: {  	v36 =	vld [tilespmem:$0x3920];
	[tilespmem:$0x4D0] =	vst v33  }
0xd3: {  	[tilespmem:$0x4A0] =	vst v2;
	v2 =	vld [tilespmem:$0x38F0]  }
0xd4: {  	[tilespmem:$0x4B0] =	vst v3;
	v3 =	vld [tilespmem:$0x3900]  }
0xd5: {  	v37 =	vld [tilespmem:$0x3930];
	[tilespmem:$0x4E0] =	vst v34  }
0xd6: {  	v38 =	vld [tilespmem:$0x3960];
	[tilespmem:$0x510] =	vst v35  }
0xd7: {  	v39 =	vld [tilespmem:$0x3970];
	[tilespmem:$0x520] =	vst v36  }
0xd8: {  	[tilespmem:$0x4F0] =	vst v2;
	v2 =	vld [tilespmem:$0x3940]  }
0xd9: {  	[tilespmem:$0x500] =	vst v3;
	v3 =	vld [tilespmem:$0x3950]  }
0xda: {  	v40 =	vld [tilespmem:$0x3980];
	[tilespmem:$0x530] =	vst v37  }
0xdb: {  	v41 =	vld [tilespmem:$0x39B0];
	[tilespmem:$0x560] =	vst v38  }
0xdc: {  	v42 =	vld [tilespmem:$0x39C0];
	[tilespmem:$0x570] =	vst v39  }
0xdd: {  	[tilespmem:$0x540] =	vst v2;
	v2 =	vld [tilespmem:$0x3990]  }
0xde: {  	[tilespmem:$0x550] =	vst v3;
	v3 =	vld [tilespmem:$0x39A0]  }
0xdf: {  	v43 =	vld [tilespmem:$0x39D0];
	[tilespmem:$0x580] =	vst v40  }
0xe0: {  	v44 =	vld [tilespmem:$0x3A00];
	[tilespmem:$0x5B0] =	vst v41  }
0xe1: {  	v45 =	vld [tilespmem:$0x3A10];
	[tilespmem:$0x5C0] =	vst v42  }
0xe2: {  	[tilespmem:$0x590] =	vst v2;
	v2 =	vld [tilespmem:$0x39E0]  }
0xe3: {  	[tilespmem:$0x5A0] =	vst v3;
	v3 =	vld [tilespmem:$0x39F0]  }
0xe4: {  	v46 =	vld [tilespmem:$0x3A20];
	[tilespmem:$0x5D0] =	vst v43  }
0xe5: {  	v47 =	vld [tilespmem:$0x3A50];
	[tilespmem:$0x600] =	vst v44  }
0xe6: {  	v48 =	vld [tilespmem:$0x3A60];
	[tilespmem:$0x610] =	vst v45  }
0xe7: {  	[tilespmem:$0x5E0] =	vst v2;
	v2 =	vld [tilespmem:$0x3A30]  }
0xe8: {  	[tilespmem:$0x5F0] =	vst v3;
	v3 =	vld [tilespmem:$0x3A40]  }
0xe9: {  	v49 =	vld [tilespmem:$0x3A70];
	[tilespmem:$0x620] =	vst v46  }
0xea: {  	v50 =	vld [tilespmem:$0x3AA0];
	[tilespmem:$0x650] =	vst v47  }
0xeb: {  	v51 =	vld [tilespmem:$0x3AB0];
	[tilespmem:$0x660] =	vst v48  }
0xec: {  	[tilespmem:$0x630] =	vst v2;
	v2 =	vld [tilespmem:$0x3A80]  }
0xed: {  	[tilespmem:$0x640] =	vst v3;
	v3 =	vld [tilespmem:$0x3A90]  }
0xee: {  	v52 =	vld [tilespmem:$0x3AC0];
	[tilespmem:$0x670] =	vst v49  }
0xef: {  	v53 =	vld [tilespmem:$0x3AF0];
	[tilespmem:$0x6A0] =	vst v50  }
0xf0: {  	v54 =	vld [tilespmem:$0x3B00];
	[tilespmem:$0x6B0] =	vst v51  }
0xf1: {  	[tilespmem:$0x680] =	vst v2;
	v2 =	vld [tilespmem:$0x3AD0]  }
0xf2: {  	[tilespmem:$0x690] =	vst v3;
	v3 =	vld [tilespmem:$0x3AE0]  }
0xf3: {  	v55 =	vld [tilespmem:$0x3B10];
	[tilespmem:$0x6C0] =	vst v52  }
0xf4: {  	v56 =	vld [tilespmem:$0x3B40];
	[tilespmem:$0x6F0] =	vst v53  }
0xf5: {  	v57 =	vld [tilespmem:$0x3B50];
	[tilespmem:$0x700] =	vst v54  }
0xf6: {  	[tilespmem:$0x6D0] =	vst v2;
	v2 =	vld [tilespmem:$0x3B20]  }
0xf7: {  	[tilespmem:$0x6E0] =	vst v3;
	v3 =	vld [tilespmem:$0x3B30]  }
0xf8: {  	v58 =	vld [tilespmem:$0x3B60];
	[tilespmem:$0x710] =	vst v55  }
0xf9: {  	v59 =	vld [tilespmem:$0x3B90];
	[tilespmem:$0x740] =	vst v56  }
0xfa: {  	v60 =	vld [tilespmem:$0x3BA0];
	[tilespmem:$0x750] =	vst v57  }
0xfb: {  	[tilespmem:$0x720] =	vst v2;
	v2 =	vld [tilespmem:$0x3B70]  }
0xfc: {  	[tilespmem:$0x730] =	vst v3;
	v3 =	vld [tilespmem:$0x3B80]  }
0xfd: {  	v61 =	vld [tilespmem:$0x3BB0];
	[tilespmem:$0x760] =	vst v58  }
0xfe: {  	v62 =	vld [tilespmem:$0x3BE0];
	[tilespmem:$0x790] =	vst v59  }
0xff: {  	v63 =	vld [tilespmem:$0x3BF0];
	[tilespmem:$0x7A0] =	vst v60  }
0x100: {  	[tilespmem:$0x770] =	vst v2;
	v2 =	vld [tilespmem:$0x3BC0]  }
0x101: {  	[tilespmem:$0x780] =	vst v3;
	v3 =	vld [tilespmem:$0x3BD0]  }
0x102: {  	[tilespmem:$0x7B0] =	vst v61  }
0x103: {  	[tilespmem:$0x7E0] =	vst v62  }
0x104: {  	[tilespmem:$0x7F0] =	vst v63  }
0x105: {  	[tilespmem:$0x7C0] =	vst v2  }
0x106: {  	s18 =	simm.s32 $0x400;
	[tilespmem:$0x7D0] =	vst v3  }
0x107: {  	[spmem:s2] =	stream.indirect.scatter.add.f32 [tilespmem:s22], [sflag:$0x1], $0x1, s18, s21, $0x2000b8;
	[tilespmem:$0xE600] =	vst v63  }
0x108: {  	s31 =	simm.s32 $0x480  }
0x109: {  	[spmem:s2] =	stream.indirect.scatter.add.f32 [tilespmem:s22], [sflag:$0x1], $0x1, s31, s21, $0x2000b8;
	[tilespmem:$0xE600] =	vst v63  }
0x10a: {  	s1 =	simm.s32 $0x500  }
0x10b: {  	[spmem:s2] =	stream.indirect.scatter.add.f32 [tilespmem:s22], [sflag:$0x1], $0x1, s1, s21, $0x2000b8;
	[tilespmem:$0xE600] =	vst v63  }
0x10c: {  	s17 =	simm.s32 $0x580  }
0x10d: {  	[spmem:s2] =	stream.indirect.scatter.add.f32 [tilespmem:s22], [sflag:$0x1], $0x1, s17, s21, $0x2000b8;
	[tilespmem:$0xE600] =	vst v63  }
0x10e: {  	s18 =	simm.s32 $0x600  }
0x10f: {  	[spmem:s2] =	stream.indirect.scatter.add.f32 [tilespmem:s22], [sflag:$0x1], $0x1, s18, s21, $0x2000b8;
	[tilespmem:$0xE600] =	vst v63  }
0x110: {  	s31 =	simm.s32 $0x680  }
0x111: {  	[spmem:s2] =	stream.indirect.scatter.add.f32 [tilespmem:s22], [sflag:$0x1], $0x1, s31, s21, $0x2000b8;
	[tilespmem:$0xE600] =	vst v63  }
0x112: {  	_ = 	snop  }
0x113: {  	[spmem:s2] =	stream.indirect.scatter.add.f32 [tilespmem:s22], [sflag:$0x1], $0x1, s23, s21, $0x2000b8;
	[tilespmem:$0xE600] =	vst v63  }
0x114: {  	s0 =	simm.s32 $0x0  }
0x115: {  	[spmem:s2] =	stream.indirect.scatter.add.f32 [tilespmem:s22], [sflag:$0x1], $0x1, s24, s21, $0x2000b8;
	[tilespmem:$0xE600] =	vst v63  }
.LBB2_2:
0x116: {  	s1 =	sshra.s32 s0, $0x2  }
0x117: {  	v2 =	vld [tilespmem:s1+$0x3C00]  }
0x118: {  	v3 =	vld [tilespmem:s1+$0x3C10]  }
0x119: {  	v4 =	vld [tilespmem:s1+$0x3C20]  }
0x11a: {  	v5 =	vld [tilespmem:s1+$0x3C30]  }
0x11b: {  	v6 =	vld [tilespmem:s1+$0x3C40]  }
0x11c: {  	v29 =	vld [tilespmem:s1+$0x3C70];
	[tilespmem:s1+$0x800] =	vst v2  }
0x11d: {  	v30 =	vld [tilespmem:s1+$0x3C80];
	[tilespmem:s1+$0x810] =	vst v3  }
0x11e: {  	v2 =	vld [tilespmem:s1+$0x3C50];
	[tilespmem:s1+$0x820] =	vst v4  }
0x11f: {  	v3 =	vld [tilespmem:s1+$0x3C60];
	[tilespmem:s1+$0x830] =	vst v5  }
0x120: {  	v31 =	vld [tilespmem:s1+$0x3C90];
	[tilespmem:s1+$0x840] =	vst v6  }
0x121: {  	v32 =	vld [tilespmem:s1+$0x3CC0];
	[tilespmem:s1+$0x870] =	vst v29  }
0x122: {  	v33 =	vld [tilespmem:s1+$0x3CD0];
	[tilespmem:s1+$0x880] =	vst v30  }
0x123: {  	[tilespmem:s1+$0x850] =	vst v2;
	v2 =	vld [tilespmem:s1+$0x3CA0]  }
0x124: {  	[tilespmem:s1+$0x860] =	vst v3;
	v3 =	vld [tilespmem:s1+$0x3CB0]  }
0x125: {  	v34 =	vld [tilespmem:s1+$0x3CE0];
	[tilespmem:s1+$0x890] =	vst v31  }
0x126: {  	v35 =	vld [tilespmem:s1+$0x3D10];
	[tilespmem:s1+$0x8C0] =	vst v32  }
0x127: {  	v36 =	vld [tilespmem:s1+$0x3D20];
	[tilespmem:s1+$0x8D0] =	vst v33  }
0x128: {  	[tilespmem:s1+$0x8A0] =	vst v2;
	v2 =	vld [tilespmem:s1+$0x3CF0]  }
0x129: {  	[tilespmem:s1+$0x8B0] =	vst v3;
	v3 =	vld [tilespmem:s1+$0x3D00]  }
0x12a: {  	v37 =	vld [tilespmem:s1+$0x3D30];
	[tilespmem:s1+$0x8E0] =	vst v34  }
0x12b: {  	v38 =	vld [tilespmem:s1+$0x3D60];
	[tilespmem:s1+$0x910] =	vst v35  }
0x12c: {  	v39 =	vld [tilespmem:s1+$0x3D70];
	[tilespmem:s1+$0x920] =	vst v36  }
0x12d: {  	[tilespmem:s1+$0x8F0] =	vst v2;
	v2 =	vld [tilespmem:s1+$0x3D40]  }
0x12e: {  	[tilespmem:s1+$0x900] =	vst v3;
	v3 =	vld [tilespmem:s1+$0x3D50]  }
0x12f: {  	v40 =	vld [tilespmem:s1+$0x3D80];
	[tilespmem:s1+$0x930] =	vst v37  }
0x130: {  	v41 =	vld [tilespmem:s1+$0x3DB0];
	[tilespmem:s1+$0x960] =	vst v38  }
0x131: {  	v42 =	vld [tilespmem:s1+$0x3DC0];
	[tilespmem:s1+$0x970] =	vst v39  }
0x132: {  	[tilespmem:s1+$0x940] =	vst v2;
	v2 =	vld [tilespmem:s1+$0x3D90]  }
0x133: {  	[tilespmem:s1+$0x950] =	vst v3;
	v3 =	vld [tilespmem:s1+$0x3DA0]  }
0x134: {  	v43 =	vld [tilespmem:s1+$0x3DD0];
	[tilespmem:s1+$0x980] =	vst v40  }
0x135: {  	v44 =	vld [tilespmem:s1+$0x3E00];
	[tilespmem:s1+$0x9B0] =	vst v41  }
0x136: {  	v45 =	vld [tilespmem:s1+$0x3E10];
	[tilespmem:s1+$0x9C0] =	vst v42  }
0x137: {  	[tilespmem:s1+$0x990] =	vst v2;
	v2 =	vld [tilespmem:s1+$0x3DE0]  }
0x138: {  	[tilespmem:s1+$0x9A0] =	vst v3;
	v3 =	vld [tilespmem:s1+$0x3DF0]  }
0x139: {  	v46 =	vld [tilespmem:s1+$0x3E20];
	[tilespmem:s1+$0x9D0] =	vst v43  }
0x13a: {  	v47 =	vld [tilespmem:s1+$0x3E50];
	[tilespmem:s1+$0xA00] =	vst v44  }
0x13b: {  	v48 =	vld [tilespmem:s1+$0x3E60];
	[tilespmem:s1+$0xA10] =	vst v45  }
0x13c: {  	[tilespmem:s1+$0x9E0] =	vst v2;
	v2 =	vld [tilespmem:s1+$0x3E30]  }
0x13d: {  	[tilespmem:s1+$0x9F0] =	vst v3;
	v3 =	vld [tilespmem:s1+$0x3E40]  }
0x13e: {  	v49 =	vld [tilespmem:s1+$0x3E70];
	[tilespmem:s1+$0xA20] =	vst v46  }
0x13f: {  	v50 =	vld [tilespmem:s1+$0x3EA0];
	[tilespmem:s1+$0xA50] =	vst v47  }
0x140: {  	v51 =	vld [tilespmem:s1+$0x3EB0];
	[tilespmem:s1+$0xA60] =	vst v48  }
0x141: {  	[tilespmem:s1+$0xA30] =	vst v2;
	v2 =	vld [tilespmem:s1+$0x3E80]  }
0x142: {  	[tilespmem:s1+$0xA40] =	vst v3;
	v3 =	vld [tilespmem:s1+$0x3E90]  }
0x143: {  	v52 =	vld [tilespmem:s1+$0x3EC0];
	[tilespmem:s1+$0xA70] =	vst v49  }
0x144: {  	v53 =	vld [tilespmem:s1+$0x3EF0];
	[tilespmem:s1+$0xAA0] =	vst v50  }
0x145: {  	v54 =	vld [tilespmem:s1+$0x3F00];
	[tilespmem:s1+$0xAB0] =	vst v51  }
0x146: {  	[tilespmem:s1+$0xA80] =	vst v2;
	v2 =	vld [tilespmem:s1+$0x3ED0]  }
0x147: {  	[tilespmem:s1+$0xA90] =	vst v3;
	v3 =	vld [tilespmem:s1+$0x3EE0]  }
0x148: {  	v55 =	vld [tilespmem:s1+$0x3F10];
	[tilespmem:s1+$0xAC0] =	vst v52  }
0x149: {  	v56 =	vld [tilespmem:s1+$0x3F40];
	[tilespmem:s1+$0xAF0] =	vst v53  }
0x14a: {  	v57 =	vld [tilespmem:s1+$0x3F50];
	[tilespmem:s1+$0xB00] =	vst v54  }
0x14b: {  	[tilespmem:s1+$0xAD0] =	vst v2;
	v2 =	vld [tilespmem:s1+$0x3F20]  }
0x14c: {  	[tilespmem:s1+$0xAE0] =	vst v3;
	v3 =	vld [tilespmem:s1+$0x3F30]  }
0x14d: {  	v58 =	vld [tilespmem:s1+$0x3F60];
	[tilespmem:s1+$0xB10] =	vst v55  }
0x14e: {  	v59 =	vld [tilespmem:s1+$0x3F90];
	[tilespmem:s1+$0xB40] =	vst v56  }
0x14f: {  	v60 =	vld [tilespmem:s1+$0x3FA0];
	[tilespmem:s1+$0xB50] =	vst v57  }
0x150: {  	[tilespmem:s1+$0xB20] =	vst v2;
	v2 =	vld [tilespmem:s1+$0x3F70]  }
0x151: {  	[tilespmem:s1+$0xB30] =	vst v3;
	v3 =	vld [tilespmem:s1+$0x3F80]  }
0x152: {  	v61 =	vld [tilespmem:s1+$0x3FB0];
	[tilespmem:s1+$0xB60] =	vst v58  }
0x153: {  	v62 =	vld [tilespmem:s1+$0x3FE0];
	[tilespmem:s1+$0xB90] =	vst v59  }
0x154: {  	v63 =	vld [tilespmem:s1+$0x3FF0];
	[tilespmem:s1+$0xBA0] =	vst v60  }
0x155: {  	[tilespmem:s1+$0xB70] =	vst v2;
	v2 =	vld [tilespmem:s1+$0x3FC0]  }
0x156: {  	[tilespmem:s1+$0xB80] =	vst v3;
	v3 =	vld [tilespmem:s1+$0x3FD0]  }
0x157: {  	[tilespmem:s1+$0xBB0] =	vst v61  }
0x158: {  	[tilespmem:s1+$0xBE0] =	vst v62  }
0x159: {  	[tilespmem:s1+$0xBF0] =	vst v63  }
0x15a: {  	[tilespmem:s1+$0xBC0] =	vst v2  }
0x15b: {  	s17 =	sadd.s32 $0x800, s1;
	[tilespmem:s1+$0xBD0] =	vst v3  }
0x15c: {  	[spmem:s2] =	stream.indirect.scatter.add.f32 [tilespmem:s22], [sflag:$0x1], $0x1, s17, s21, $0x2000b8;
	[tilespmem:$0xE600] =	vst v63  }
0x15d: {  	s18 =	sadd.s32 $0x880, s1  }
0x15e: {  	[spmem:s2] =	stream.indirect.scatter.add.f32 [tilespmem:s22], [sflag:$0x1], $0x1, s18, s21, $0x2000b8;
	[tilespmem:$0xE600] =	vst v63  }
0x15f: {  	s31 =	sadd.s32 $0x900, s1  }
0x160: {  	[spmem:s2] =	stream.indirect.scatter.add.f32 [tilespmem:s22], [sflag:$0x1], $0x1, s31, s21, $0x2000b8;
	[tilespmem:$0xE600] =	vst v63  }
0x161: {  	s18 =	sadd.s32 $0x980, s1  }
0x162: {  	[spmem:s2] =	stream.indirect.scatter.add.f32 [tilespmem:s22], [sflag:$0x1], $0x1, s18, s21, $0x2000b8;
	[tilespmem:$0xE600] =	vst v63  }
0x163: {  	s31 =	sadd.s32 $0xA00, s1  }
0x164: {  	[spmem:s2] =	stream.indirect.scatter.add.f32 [tilespmem:s22], [sflag:$0x1], $0x1, s31, s21, $0x2000b8;
	[tilespmem:$0xE600] =	vst v63  }
0x165: {  	s18 =	sadd.s32 $0xA80, s1  }
0x166: {  	[spmem:s2] =	stream.indirect.scatter.add.f32 [tilespmem:s22], [sflag:$0x1], $0x1, s18, s21, $0x2000b8;
	[tilespmem:$0xE600] =	vst v63  }
0x167: {  	s31 =	sadd.s32 $0xB00, s1  }
0x168: {  	[spmem:s2] =	stream.indirect.scatter.add.f32 [tilespmem:s22], [sflag:$0x1], $0x1, s31, s21, $0x2000b8;
	[tilespmem:$0xE600] =	vst v63  }
0x169: {  	s1 =	sadd.s32 $0xB80, s1  }
0x16a: {  	[spmem:s2] =	stream.indirect.scatter.add.f32 [tilespmem:s22], [sflag:$0x1], $0x1, s1, s21, $0x2000b8;
	[tilespmem:$0xE600] =	vst v63  }
0x16b: {  	_ =	swait.ge [sflag:s25], $0x80  }
0x16c: {  	[sflag:s25] =	ssyncset.done $0x0  }
0x16d: {  	[sflag:s25] =	ssyncadd.s32 $0xFFFFFF80  }
0x16e: {  	_ =	swait.ge [sflag:s25], $0x80  }
0x16f: {  	[sflag:s25] =	ssyncset.done $0x0  }
0x170: {  	[sflag:s25] =	ssyncadd.s32 $0xFFFFFF80  }
0x171: {  	_ =	swait.ge [sflag:s25], $0x80  }
0x172: {  	[sflag:s25] =	ssyncset.done $0x0  }
0x173: {  	[sflag:s25] =	ssyncadd.s32 $0xFFFFFF80  }
0x174: {  	_ =	swait.ge [sflag:s25], $0x80  }
0x175: {  	[sflag:s25] =	ssyncset.done $0x0  }
0x176: {  	[sflag:s25] =	ssyncadd.s32 $0xFFFFFF80  }
0x177: {  	_ =	swait.ge [sflag:s25], $0x80  }
0x178: {  	[sflag:s25] =	ssyncset.done $0x0  }
0x179: {  	[sflag:s25] =	ssyncadd.s32 $0xFFFFFF80  }
0x17a: {  	_ =	swait.ge [sflag:s25], $0x80  }
0x17b: {  	[sflag:s25] =	ssyncset.done $0x0  }
0x17c: {  	s0 =	sadd.s32 $0x1000, s0;
	[sflag:s25] =	ssyncadd.s32 $0xFFFFFF80  }
0x17d: {  	p3 =	sne.s32 s11, s0;
	_ =	swait.ge [sflag:s25], $0x80  }
.Ltmp0:
0x17e: {  	[sflag:s25] =	ssyncset.done $0x0;
	(pc) =	sbr.rel @p3 .LBB2_2-.Ltmp0, $4  }
0x17f: {  	[sflag:s25] =	ssyncadd.s32 $0xFFFFFF80  }
0x180: {  	_ =	swait.ge [sflag:s25], $0x80  }
0x181: {  	[sflag:s25] =	ssyncset.done $0x0  }
0x182: {  	[sflag:s25] =	ssyncadd.s32 $0xFFFFFF80  }
0x183: {  	_ =	swait.ge [sflag:s25], $0x80  }
0x184: {  	[sflag:s25] =	ssyncset.done $0x0  }
0x185: {  	[sflag:s25] =	ssyncadd.s32 $0xFFFFFF80  }
0x186: {  	_ =	swait.ge [sflag:s25], $0x80  }
0x187: {  	[sflag:s25] =	ssyncset.done $0x0  }
0x188: {  	[sflag:s25] =	ssyncadd.s32 $0xFFFFFF80  }
0x189: {  	_ =	swait.ge [sflag:s25], $0x80  }
0x18a: {  	[sflag:s25] =	ssyncset.done $0x0  }
0x18b: {  	[sflag:s25] =	ssyncadd.s32 $0xFFFFFF80  }
0x18c: {  	_ =	swait.ge [sflag:s25], $0x80  }
0x18d: {  	[sflag:s25] =	ssyncset.done $0x0  }
0x18e: {  	[sflag:s25] =	ssyncadd.s32 $0xFFFFFF80  }
0x18f: {  	_ =	swait.ge [sflag:s25], $0x80  }
0x190: {  	[sflag:s25] =	ssyncset.done $0x0  }
0x191: {  	[sflag:s25] =	ssyncadd.s32 $0xFFFFFF80  }
0x192: {  	_ =	swait.ge [sflag:s25], $0x80  }
0x193: {  	[sflag:s25] =	ssyncset.done $0x0  }
0x194: {  	[sflag:s25] =	ssyncadd.s32 $0xFFFFFF80  }
0x195: {  	_ =	swait.ge [sflag:s25], $0x80  }
0x196: {  	[sflag:s25] =	ssyncset.done $0x0  }
0x197: {  	[sflag:s25] =	ssyncadd.s32 $0xFFFFFF80  }
0x198: {  	_ =	swait.ge [sflag:s25], $0x80  }
0x199: {  	[sflag:s25] =	ssyncset.done $0x0  }
0x19a: {  	[sflag:s25] =	ssyncadd.s32 $0xFFFFFF80  }
0x19b: {  	_ =	swait.ge [sflag:s25], $0x80  }
0x19c: {  	[sflag:s25] =	ssyncset.done $0x0  }
0x19d: {  	[sflag:s25] =	ssyncadd.s32 $0xFFFFFF80  }
0x19e: {  	_ =	swait.ge [sflag:s25], $0x80  }
0x19f: {  	[sflag:s25] =	ssyncset.done $0x0  }
0x1a0: {  	[sflag:s25] =	ssyncadd.s32 $0xFFFFFF80  }
0x1a1: {  	_ =	swait.ge [sflag:s25], $0x80  }
0x1a2: {  	[sflag:s25] =	ssyncset.done $0x0  }
0x1a3: {  	[sflag:s25] =	ssyncadd.s32 $0xFFFFFF80  }
0x1a4: {  	_ =	swait.ge [sflag:s25], $0x80  }
0x1a5: {  	[sflag:s25] =	ssyncset.done $0x0  }
0x1a6: {  	[sflag:s25] =	ssyncadd.s32 $0xFFFFFF80  }
0x1a7: {  	_ =	swait.ge [sflag:s25], $0x80  }
0x1a8: {  	[sflag:s25] =	ssyncset.done $0x0  }
0x1a9: {  	[sflag:s25] =	ssyncadd.s32 $0xFFFFFF80  }
0x1aa: {  	_ =	swait.ge [sflag:s25], $0x80  }
0x1ab: {  	[sflag:s25] =	ssyncset.done $0x0  }
0x1ac: {  	[sflag:s25] =	ssyncadd.s32 $0xFFFFFF80  }
0x1ad: {  	_ =	swait.ge [sflag:s25], $0x80  }
0x1ae: {  	[sflag:s25] =	ssyncset.done $0x0  }
0x1af: {  	[sflag:s25] =	ssyncadd.s32 $0xFFFFFF80  }
0x1b0: {  	_ =	swait.ge [sflag:s25], $0x80  }
0x1b1: {  	s0 =	simm.s32 @!p1 $0x40;
	[sflag:s25] =	ssyncset.done $0x0  }
0x1b2: {  	s1 =	simm.s32 @!p1 $0x6800;
	s17 =	simm.s32 @!p1 $0x6980;
	[sflag:s25] =	ssyncadd.s32 $0xFFFFFF80  }
0x1b3: {  	[spmem:s2] =	stream.indirect.scatter.add.f32 @!p1 [tilespmem:s17], [sflag:$0x4], $0x1, s1, s0, $0x2000b8;
	[tilespmem:$0xE600] =	vst v63  }
0x1b4: {  	s0 =	simm.s32 @!p1 $0x4  }
0x1b5: {  	_ =	swait.ge @!p1 [sflag:s0], $0x40  }
0x1b6: {  	[sflag:s0] =	ssyncset.done @!p1 $0x0  }
0x1b7: {  	[sflag:s0] =	ssyncadd.s32 @!p1 $0xFFFFFFC0  }
0x1b8: {  	[bflag:$0x0] =	sbarrier.arrive $0xFFFF  }
0x1b9: {  	_ =	strace $0x90000049  }
0x1ba: {  	_ =	strace $0x8000004A  }
0x1bb: {  	[tilespmem:s19], [sflag:$0x4] =	stream.linear.gather [spmem:s10], $0x280, $0x200038;
	[tilespmem:$0xE600] =	vst v63  }
0x1bc: {  	_ =	swait.ge [sflag:s20], $0x280  }
0x1bd: {  	[sflag:s20] =	ssyncset.done $0x0  }
0x1be: {  	s31 =	simm.s32 $0x6A40;
	[sflag:s20] =	ssyncadd.s32 $0xFFFFFD80  }
0x1bf: {  	v15 =	vld [tilespmem:s31+$0x10]  }
0x1c0: {  	v16 =	vld [tilespmem:s31+$0x20];
	_ =	sdelay $0x1  }
0x1c1: {  	v4 =	vld [tilespmem:s31+$0xFFFFFFD0];
	_ =	sdelay $0x1  }
0x1c2: {  	v2 =	vshra.s32 v15, $0x1;
	v14 =	vmul.f32 $5.000000000e-01, v15  }
0x1c3: {  	v6 =	vshra.s32 v16, $0x1;
	v17 =	vmul.f32 $5.000000000e-01, v16;
	v10 =	vsub.s32 $0x5F3759DF, v2  }
0x1c4: {  	v3 =	vld [tilespmem:s31+$0x30];
	v12 =	vsub.s32 $0x5F3759DF, v6;
	v7 =	vmul.f32 v10, v14  }
0x1c5: {  	v5 =	vld [tilespmem:s31+$0xFFFFFFF0];
	v13 =	vshra.s32 v4, $0x1;
	v11 =	vmul.f32 $5.000000000e-01, v4;
	v8 =	vmul.f32 v12, v17  }
0x1c6: {  	v9 =	vld [tilespmem:s31+$0x0];
	v18 =	vsub.s32 $0x5F3759DF, v13;
	v7 =	vmul.f32 v10, v7  }
0x1c7: {  	v2 =	vld [tilespmem:s31+$0xFFFFFFE0];
	v26 =	vmul.f32 v18, v11;
	v8 =	vmul.f32 v12, v8  }
0x1c8: {  	v6 =	vld [tilespmem:s31+$0xFFFFFFC0];
	v13 =	vsub.f32 $1.500000000e+00, v7  }
0x1c9: {  	v19 =	vshra.s32 v3, $0x1;
	v55 =	vmul.f32 v18, v26;
	v21 =	vsub.f32 $1.500000000e+00, v8  }
0x1ca: {  	v20 =	vshra.s32 v5, $0x1;
	v7 =	vmul.f32 $5.000000000e-01, v3;
	v23 =	vmul.f32 v10, v13  }
0x1cb: {  	v19 =	vsub.s32 $0x5F3759DF, v19;
	v8 =	vmul.f32 $5.000000000e-01, v5;
	v21 =	vmul.f32 v12, v21  }
0x1cc: {  	v28 =	vsub.s32 $0x5F3759DF, v20;
	v13 =	vmul.f32 $5.000000000e-01, v9;
	v24 =	vmul.f32 v23, v14  }
0x1cd: {  	v22 =	vshra.s32 v2, $0x1;
	v12 =	vmul.f32 $5.000000000e-01, v6;
	v27 =	vmul.f32 v21, v17  }
0x1ce: {  	v56 =	vsub.s32 $0x5F3759DF, v22;
	v57 =	vmul.f32 v28, v8;
	v20 =	vmul.f32 v24, v23  }
0x1cf: {  	v10 =	vshra.s32 v6, $0x1;
	v30 =	vmul.f32 v19, v7;
	v22 =	vmul.f32 v27, v21  }
0x1d0: {  	v25 =	vsub.s32 $0x5F3759DF, v10;
	v10 =	vmul.f32 $5.000000000e-01, v2;
	v20 =	vsub.f32 $1.500000000e+00, v20  }
0x1d1: {  	v29 =	vmul.f32 v25, v12;
	v30 =	vmul.f32 v19, v30;
	v22 =	vsub.f32 $1.500000000e+00, v22  }
0x1d2: {  	v31 =	vmul.f32 v56, v10;
	v20 =	vmul.f32 v20, v23  }
0x1d3: {  	v29 =	vmul.f32 v25, v29;
	v58 =	vmul.f32 v22, v21  }
0x1d4: {  	v32 =	vshra.s32 v9, $0x1;
	v60 =	vmul.f32 v56, v31;
	v14 =	vmul.f32 v20, v14  }
0x1d5: {  	v23 =	vsub.s32 $0x5F3759DF, v32;
	v22 =	vmul.f32 v28, v57;
	v17 =	vmul.f32 v58, v17  }
0x1d6: {  	vm2 =	vgt.f32 v15, $5.000000000e-01;
	v21 =	vmul.f32 v23, v13;
	v14 =	vmul.f32 v14, v20  }
0x1d7: {  	v61 =	vsub.f32 $1.500000000e+00, v22;
	v22 =	vsub.f32 $1.500000000e+00, v55;
	v17 =	vmul.f32 v17, v58  }
0x1d8: {  	v62 =	vsub.f32 $1.500000000e+00, v60;
	v21 =	vmul.f32 v23, v21;
	v14 =	vsub.f32 $1.500000000e+00, v14  }
0x1d9: {  	v63 =	vsub.f32 $1.500000000e+00, v30;
	v22 =	vmul.f32 v18, v22;
	v17 =	vsub.f32 $1.500000000e+00, v17  }
0x1da: {  	v18 =	vsub.f32 $1.500000000e+00, v21;
	v20 =	vmul.f32 v14, v20;
	v14 =	vmul.f32 v56, v62  }
0x1db: {  	v59 =	vsub.f32 $1.500000000e+00, v29;
	v21 =	vmul.f32 v19, v63;
	v15 =	vmul.f32 v17, v58  }
0x1dc: {  	v17 =	vnsel vm2, $0x0, v20;
	v20 =	vmul.f32 v23, v18;
	v18 =	vmul.f32 v14, v10  }
0x1dd: {  	v19 =	vmul.f32 v28, v61;
	v23 =	vmul.f32 v25, v59;
	vm2 =	vgt.f32 v16, $5.000000000e-01  }
0x1de: {  	[tilespmem:s31+$0x10] =	vst v17;
	v17 =	vnsel vm2, $0x0, v15;
	v15 =	vmul.f32 v20, v13;
	v16 =	vmul.f32 v18, v14  }
0x1df: {  	s1 =	simm.s32 $0x6AC0;
	s0 =	simm.s32 $0x0;
	[tilespmem:s31+$0x20] =	vst v17;
	v18 =	vmul.f32 v22, v11;
	v17 =	vmul.f32 v21, v7  }
.LBB2_4:
0x1e0: {  	v24 =	vld [tilespmem:s1+$0xFFFFFFD0];
	s0 =	sadd.s32 $0x8, s0;
	v25 =	vmul.f32 v23, v12;
	v26 =	vmul.f32 v15, v20;
	vm2 =	vgt.f32 v3, $5.000000000e-01  }
0x1e1: {  	vm3 =	vgt.f32 v5, $5.000000000e-01;
	v15 =	vld [tilespmem:s1+$0x20];
	p3 =	slt.u32 s0, $0x20;
	v18 =	vmul.f32 v18, v22;
	v5 =	vmul.f32 v17, v21  }
0x1e2: {  	v27 =	vmul.f32 v19, v8;
	v17 =	vld [tilespmem:s1+$0x10];
	v25 =	vmul.f32 v25, v23;
	v26 =	vsub.f32 $1.500000000e+00, v26  }
0x1e3: {  	vm4 =	vgt.f32 v2, $5.000000000e-01;
	v3 =	vld [tilespmem:s1+$0x30];
	v18 =	vsub.f32 $1.500000000e+00, v18;
	v28 =	vsub.f32 $1.500000000e+00, v5  }
0x1e4: {  	v27 =	vmul.f32 v27, v19;
	v5 =	vld [tilespmem:s1+$0xFFFFFFF0];
	v25 =	vsub.f32 $1.500000000e+00, v25;
	v20 =	vmul.f32 v26, v20  }
0x1e5: {  	v26 =	vshra.s32 v24, $0x1;
	v2 =	vld [tilespmem:s1+$0xFFFFFFE0];
	v22 =	vmul.f32 v18, v22;
	v18 =	vmul.f32 v28, v21  }
0x1e6: {  	v27 =	vsub.f32 $1.500000000e+00, v27;
	v21 =	vmul.f32 $5.000000000e-01, v24;
	v28 =	vld [tilespmem:s1+$0x0];
	v13 =	vmul.f32 v20, v13  }
0x1e7: {  	vm5 =	vgt.f32 v9, $5.000000000e-01;
	v23 =	vmul.f32 v25, v23;
	v29 =	vld [tilespmem:s1+$0xFFFFFFC0];
	v25 =	vmul.f32 v22, v11  }
0x1e8: {  	v26 =	vsub.s32 $0x5F3759DF, v26;
	v31 =	vmul.f32 v18, v7;
	v11 =	vmovc v21;
	v30 =	vshra.s32 v3, $0x1  }
0x1e9: {  	v37 =	vshra.s32 v17, $0x1;
	v7 =	vmul.f32 $5.000000000e-01, v3;
	v21 =	vshra.s32 v5, $0x1  }
0x1ea: {  	v34 =	vsub.s32 $0x5F3759DF, v37;
	v33 =	vmul.f32 $5.000000000e-01, v5;
	v32 =	vshra.s32 v2, $0x1  }
0x1eb: {  	v36 =	vshra.s32 v15, $0x1;
	v35 =	vmul.f32 $5.000000000e-01, v17;
	v25 =	vmul.f32 v25, v22;
	v9 =	vmovc v28  }
0x1ec: {  	v37 =	vmul.f32 $5.000000000e-01, v15;
	v38 =	vmul.f32 v13, v20;
	v28 =	vshra.s32 v29, $0x1  }
0x1ed: {  	v36 =	vsub.s32 $0x5F3759DF, v36;
	v12 =	vmul.f32 v23, v12;
	v39 =	vmul.f32 v34, v35  }
0x1ee: {  	v41 =	vmul.f32 v36, v37;
	v40 =	vshra.s32 v9, $0x1;
	v13 =	vmul.f32 $5.000000000e-01, v9  }
0x1ef: {  	v30 =	vsub.s32 $0x5F3759DF, v30;
	v42 =	vmul.f32 v12, v23;
	v39 =	vmul.f32 v34, v39  }
0x1f0: {  	v25 =	vsub.f32 $1.500000000e+00, v25;
	v41 =	vmul.f32 v36, v41;
	v28 =	vsub.s32 $0x5F3759DF, v28  }
0x1f1: {  	v43 =	vmul.f32 v26, v11;
	v12 =	vmul.f32 $5.000000000e-01, v29;
	v39 =	vsub.f32 $1.500000000e+00, v39  }
0x1f2: {  	v44 =	vsub.s32 $0x5F3759DF, v21;
	v22 =	vmul.f32 v25, v22;
	v21 =	vsub.f32 $1.500000000e+00, v41  }
0x1f3: {  	v25 =	vmul.f32 $5.000000000e-01, v2;
	v40 =	vsub.s32 $0x5F3759DF, v40;
	v34 =	vmul.f32 v34, v39  }
0x1f4: {  	v32 =	vsub.s32 $0x5F3759DF, v32;
	v39 =	vmul.f32 v26, v43;
	v21 =	vmul.f32 v36, v21  }
0x1f5: {  	v19 =	vmul.f32 v27, v19;
	v27 =	vsub.f32 $1.500000000e+00, v38;
	v36 =	vmul.f32 v34, v35  }
0x1f6: {  	v38 =	vmul.f32 v44, v33;
	v42 =	vsub.f32 $1.500000000e+00, v42;
	v41 =	vmul.f32 v21, v37  }
0x1f7: {  	vm6 =	vgt.f32 v4, $5.000000000e-01;
	v4 =	vmovc v24;
	v43 =	vmul.f32 v28, v12;
	v36 =	vmul.f32 v36, v34  }
0x1f8: {  	vm7 =	vgt.f32 v6, $5.000000000e-01;
	v6 =	vmovc v29;
	v24 =	vmul.f32 v41, v21;
	v41 =	vmul.f32 v30, v7  }
0x1f9: {  	v23 =	vmul.f32 v42, v23;
	v29 =	vmul.f32 v32, v25;
	v36 =	vsub.f32 $1.500000000e+00, v36  }
0x1fa: {  	v42 =	vmul.f32 v28, v43;
	v24 =	vsub.f32 $1.500000000e+00, v24;
	v41 =	vmul.f32 v30, v41  }
0x1fb: {  	v16 =	vsub.f32 $1.500000000e+00, v16;
	v43 =	vmul.f32 v40, v13;
	v34 =	vmul.f32 v36, v34  }
0x1fc: {  	v38 =	vmul.f32 v44, v38;
	v36 =	vsub.f32 $1.500000000e+00, v42;
	v42 =	vmul.f32 v19, v8;
	v8 =	vmovc v33  }
0x1fd: {  	v16 =	vmul.f32 v16, v14;
	v24 =	vmul.f32 v24, v21;
	v21 =	vnsel vm6, $0x0, v22  }
0x1fe: {  	v14 =	vmul.f32 v32, v29;
	v29 =	vsub.f32 $1.500000000e+00, v38;
	v22 =	vmul.f32 v34, v35;
	[tilespmem:s31+$0xFFFFFFD0] =	vst v21  }
0x1ff: {  	v23 =	vnsel vm7, $0x0, v23;
	v33 =	vmul.f32 v16, v10;
	v10 =	vmovc v25;
	v21 =	vmul.f32 v24, v37  }
0x200: {  	v25 =	vsub.f32 $1.500000000e+00, v39;
	v35 =	vmul.f32 v22, v34;
	v22 =	vmul.f32 v42, v19;
	[tilespmem:s31+$0xFFFFFFC0] =	vst v23  }
0x201: {  	v14 =	vsub.f32 $1.500000000e+00, v14;
	v21 =	vmul.f32 v21, v24;
	v23 =	vmul.f32 v33, v16  }
0x202: {  	v31 =	vmul.f32 v31, v18;
	v37 =	vsub.f32 $1.500000000e+00, v22;
	v33 =	vsub.f32 $1.500000000e+00, v41  }
0x203: {  	v22 =	vmul.f32 v26, v25;
	v25 =	vmul.f32 v40, v43;
	v26 =	vsub.f32 $1.500000000e+00, v35  }
0x204: {  	v20 =	vmul.f32 v27, v20;
	v35 =	vsub.f32 $1.500000000e+00, v21;
	v21 =	vmul.f32 v30, v33  }
0x205: {  	v27 =	vsub.f32 $1.500000000e+00, v31;
	v25 =	vsub.f32 $1.500000000e+00, v25;
	v26 =	vmul.f32 v26, v34  }
0x206: {  	v20 =	vnsel vm5, $0x0, v20;
	vm6 =	vgt.f32 v17, $5.000000000e-01;
	v17 =	vsub.f32 $1.500000000e+00, v23  }
0x207: {  	v19 =	vmul.f32 v37, v19;
	v26 =	vnsel vm6, $0x0, v26;
	v24 =	vmul.f32 v35, v24;
	[tilespmem:s31+$0x0] =	vst v20  }
0x208: {  	vm5 =	vgt.f32 v15, $5.000000000e-01;
	v14 =	vmul.f32 v32, v14;
	v23 =	vmul.f32 v28, v36;
	[tilespmem:s1+$0x10] =	vst v26  }
.Ltmp1:
0x209: {  	v18 =	vmul.f32 v27, v18;
	v15 =	vnsel vm5, $0x0, v24;
	v20 =	vmul.f32 v40, v25;
	(pc) =	sbr.rel @p3 .LBB2_4-.Ltmp1, $4  }
0x20a: {  	v17 =	vmul.f32 v17, v16;
	v16 =	vnsel vm3, $0x0, v19;
	v24 =	vmul.f32 v14, v10;
	[tilespmem:s1+$0x20] =	vst v15  }
0x20b: {  	v18 =	vnsel vm2, $0x0, v18;
	v19 =	vmul.f32 v44, v29;
	v15 =	vmul.f32 v20, v13;
	[tilespmem:s31+$0xFFFFFFF0] =	vst v16  }
0x20c: {  	v16 =	vmul.f32 v24, v14;
	v24 =	vnsel vm4, $0x0, v17;
	[tilespmem:s31+$0x30] =	vst v18  }
0x20d: {  	v17 =	vmul.f32 v21, v7;
	v18 =	vmul.f32 v22, v11;
	[tilespmem:s31+$0xFFFFFFE0] =	vst v24;
	s31 =	smov.u32 s1;
	s1 =	sadd.s32 $0x80, s1  }
0x20e: {  	v24 =	vmul.f32 v23, v12  }
0x20f: {  	v15 =	vmul.f32 v15, v20;
	v18 =	vmul.f32 v18, v22  }
0x210: {  	v25 =	vmul.f32 v19, v8;
	v16 =	vsub.f32 $1.500000000e+00, v16;
	v24 =	vmul.f32 v24, v23  }
0x211: {  	vm2 =	vgt.f32 v9, $5.000000000e-01;
	v17 =	vmul.f32 v17, v21;
	v18 =	vsub.f32 $1.500000000e+00, v18  }
0x212: {  	v15 =	vsub.f32 $1.500000000e+00, v15;
	v51 =	vmul.f32 v25, v19;
	v50 =	vsub.f32 $1.500000000e+00, v24  }
0x213: {  	v9 =	vmul.f32 v16, v14;
	v17 =	vsub.f32 $1.500000000e+00, v17;
	v18 =	vmul.f32 v18, v22  }
0x214: {  	v15 =	vmul.f32 v15, v20;
	v53 =	vsub.f32 $1.500000000e+00, v51;
	v52 =	vmul.f32 v50, v23  }
0x215: {  	v17 =	vmul.f32 v17, v21;
	v11 =	vmul.f32 v18, v11  }
0x216: {  	v55 =	vmul.f32 v53, v19;
	v54 =	vmul.f32 v52, v12  }
0x217: {  	vm3 =	vgt.f32 v4, $5.000000000e-01;
	v13 =	vmul.f32 v15, v13;
	v11 =	vmul.f32 v11, v18  }
0x218: {  	vm4 =	vgt.f32 v6, $5.000000000e-01;
	v8 =	vmul.f32 v55, v8;
	v12 =	vmul.f32 v54, v52  }
0x219: {  	v7 =	vmul.f32 v17, v7;
	v13 =	vmul.f32 v13, v15;
	v11 =	vsub.f32 $1.500000000e+00, v11  }
0x21a: {  	v10 =	vmul.f32 v9, v10;
	v8 =	vmul.f32 v8, v55;
	v12 =	vsub.f32 $1.500000000e+00, v12  }
0x21b: {  	v4 =	vmul.f32 v7, v17;
	v13 =	vsub.f32 $1.500000000e+00, v13;
	v11 =	vmul.f32 v11, v18  }
0x21c: {  	v7 =	vmul.f32 v10, v9;
	v8 =	vsub.f32 $1.500000000e+00, v8;
	v6 =	vmul.f32 v12, v52  }
0x21d: {  	v4 =	vsub.f32 $1.500000000e+00, v4;
	v10 =	vnsel vm3, $0x0, v11;
	v11 =	vmul.f32 v13, v15  }
0x21e: {  	v7 =	vsub.f32 $1.500000000e+00, v7;
	v8 =	vmul.f32 v8, v55;
	[tilespmem:s31+$0xFFFFFFD0] =	vst v10;
	v6 =	vnsel vm4, $0x0, v6  }
0x21f: {  	v4 =	vmul.f32 v4, v17;
	vm3 =	vgt.f32 v5, $5.000000000e-01;
	[tilespmem:s31+$0xFFFFFFC0] =	vst v6;
	v5 =	vnsel vm2, $0x0, v11  }
0x220: {  	vm2 =	vgt.f32 v3, $5.000000000e-01;
	v3 =	vmul.f32 v7, v9;
	[tilespmem:s31+$0x0] =	vst v5;
	v5 =	vnsel vm3, $0x0, v8  }
0x221: {  	vm3 =	vgt.f32 v2, $5.000000000e-01;
	v2 =	vnsel vm2, $0x0, v4;
	[tilespmem:s31+$0xFFFFFFF0] =	vst v5  }
0x222: {  	v3 =	vnsel vm3, $0x0, v3;
	[tilespmem:s31+$0x30] =	vst v2  }
0x223: {  	[tilespmem:s31+$0xFFFFFFE0] =	vst v3  }
0x224: {  	[spmem:s10] =	stream.linear.scatter [tilespmem:s19], [sflag:$0x4], $0x280, $0x200038;
	[tilespmem:$0xE600] =	vst v63  }
0x225: {  	_ =	swait.ge [sflag:s20], $0x280  }
0x226: {  	[sflag:s20] =	ssyncset.done $0x0  }
0x227: {  	[sflag:s20] =	ssyncadd.s32 $0xFFFFFD80  }
0x228: {  	[bflag:$0x0] =	sbarrier.arrive $0xFFFF  }
0x229: {  	_ =	strace $0x9000004A  }
0x22a: {  	_ =	strace $0x8000004B  }
0x22b: {  	[tilespmem:s26], [sflag:$0x4] =	stream.linear.gather [spmem:s2], $0x2800, $0x200038;
	[tilespmem:$0xE600] =	vst v63  }
0x22c: {  	_ =	swait.ge [sflag:s20], $0x2800  }
0x22d: {  	[sflag:s20] =	ssyncset.done $0x0  }
0x22e: {  	[sflag:s20] =	ssyncadd.s32 $0xFFFFD800  }
0x22f: {  	_ =	swait.ge [sflag:s28], $0x19A0  }
0x230: {  	[sflag:s28] =	ssyncset.done $0x0  }
0x231: {  	[sflag:s28] =	ssyncadd.s32 $0xFFFFE660  }
0x232: {  	_ =	swait.ge [sflag:s28], $0x19A8  }
0x233: {  	[sflag:s28] =	ssyncset.done $0x0  }
0x234: {  	[sflag:s28] =	ssyncadd.s32 $0xFFFFE658  }
0x235: {  	_ =	strace $0x9000004B  }
0x236: {  	s1 =	simm.s32 $0x94C0;
	_ =	strace $0x8000004C  }
0x237: {  	s0 =	simm.s32 $0xAEC6;
	v2 =	vld [tilespmem:s1+$0x30]  }
0x238: {  	v3 =	vld [tilespmem:s0+$0x30]  }
0x239: {  	v4 =	vld [tilespmem:s0+$0xFFFFFFC0]  }
0x23a: {  	v5 =	vld [tilespmem:s1+$0xFFFFFFD0]  }
0x23b: {  	v6 =	vld [tilespmem:s0+$0xFFFFFFD0]  }
0x23c: {  	v7 =	vld [tilespmem:s1+$0xFFFFFFE0]  }
0x23d: {  	v8 =	vld [tilespmem:s0+$0xFFFFFFE0]  }
0x23e: {  	v9 =	vld [tilespmem:s1+$0xFFFFFFF0]  }
0x23f: {  	v11 =	vld [tilespmem:s1+$0x0]  }
0x240: {  	v56 =	vld [tilespmem:s0+$0x0]  }
0x241: {  	v57 =	vld [tilespmem:s1+$0x10]  }
0x242: {  	v58 =	vld [tilespmem:s0+$0x10]  }
0x243: {  	v59 =	vld [tilespmem:s1+$0x20]  }
0x244: {  	v60 =	vld [tilespmem:s0+$0x20]  }
0x245: {  	v61 =	vld [tilespmem:s1+$0xFFFFFFC0]  }
0x246: {  	v10 =	vld.idx.msk [tilespmem:v2+s26+$0x0], $0xffff  }
0x247: {  	v3 =	vld.idx.msk [tilespmem:v3+s26+$0x0], $0xffff  }
0x248: {  	v2 =	vld [tilespmem:s0+$0xFFFFFFF0]  }
0x249: {  	v62 =	vld.idx.msk [tilespmem:v4+s26+$0x0], $0xffff  }
0x24a: {  	v5 =	vld.idx.msk [tilespmem:v5+s26+$0x0], $0xffff  }
0x24b: {  	v6 =	vld.idx.msk [tilespmem:v6+s26+$0x0], $0xffff  }
0x24c: {  	v7 =	vld.idx.msk [tilespmem:v7+s26+$0x0], $0xffff  }
0x24d: {  	v8 =	vld.idx.msk [tilespmem:v8+s26+$0x0], $0xffff  }
0x24e: {  	v9 =	vld.idx.msk [tilespmem:v9+s26+$0x0], $0xffff  }
0x24f: {  	v17 =	vld.idx.msk [tilespmem:v61+s26+$0x0], $0xffff  }
0x250: {  	v63 =	vld.idx.msk [tilespmem:v2+s26+$0x0], $0xffff  }
0x251: {  	v4 =	vld.idx.msk [tilespmem:v56+s26+$0x0], $0xffff  }
0x252: {  	v10 =	vmul.f32 v3, v10;
	v3 =	vld.idx.msk [tilespmem:v57+s26+$0x0], $0xffff  }
0x253: {  	s1 =	simm.s32 $0xC8C0;
	v5 =	vmul.f32 v6, v5;
	v2 =	vld.idx.msk [tilespmem:v11+s26+$0x0], $0xffff  }
0x254: {  	v7 =	vmul.f32 v8, v7;
	v6 =	vld.idx.msk [tilespmem:v58+s26+$0x0], $0xffff;
	[tilespmem:s1+$0x30] =	vst v10  }
0x255: {  	[tilespmem:s1+$0xFFFFFFD0] =	vst v5;
	v5 =	vld.idx.msk [tilespmem:v59+s26+$0x0], $0xffff;
	v9 =	vmul.f32 v63, v9  }
0x256: {  	s17 =	simm.s32 $0x9540;
	s31 =	simm.s32 $0x0;
	v8 =	vmul.f32 v62, v17;
	[tilespmem:s1+$0xFFFFFFE0] =	vst v7;
	v7 =	vld.idx.msk [tilespmem:v60+s26+$0x0], $0xffff  }
.LBB2_6:
0x257: {  	v10 =	vld [tilespmem:s17+$0x30];
	[tilespmem:s1+$0xFFFFFFF0] =	vst v9;
	s0 =	sadd.s32 $0x80, s0  }
0x258: {  	s31 =	sadd.s32 $0x8, s31;
	v2 =	vmul.f32 v4, v2;
	v9 =	vld [tilespmem:s0+$0x30];
	[tilespmem:s1+$0xFFFFFFC0] =	vst v8  }
0x259: {  	p3 =	slt.u32 s31, $0x190;
	v4 =	vld [tilespmem:s0+$0xFFFFFFC0]  }
0x25a: {  	v8 =	vld [tilespmem:s17+$0xFFFFFFD0];
	[tilespmem:s1+$0x0] =	vst v2;
	v2 =	vmul.f32 v6, v3  }
0x25b: {  	v3 =	vld [tilespmem:s0+$0xFFFFFFD0]  }
0x25c: {  	v6 =	vld [tilespmem:s17+$0xFFFFFFE0];
	[tilespmem:s1+$0x10] =	vst v2;
	v2 =	vmul.f32 v7, v5  }
0x25d: {  	v5 =	vld [tilespmem:s0+$0xFFFFFFE0]  }
0x25e: {  	v7 =	vld [tilespmem:s17+$0xFFFFFFF0];
	[tilespmem:s1+$0x20] =	vst v2  }
0x25f: {  	v2 =	vld.idx.msk [tilespmem:v10+s26+$0x0], $0xffff  }
0x260: {  	v9 =	vld.idx.msk [tilespmem:v9+s26+$0x0], $0xffff  }
0x261: {  	v10 =	vld [tilespmem:s0+$0xFFFFFFF0]  }
0x262: {  	v11 =	vld [tilespmem:s17+$0x0]  }
0x263: {  	v12 =	vld [tilespmem:s0+$0x0]  }
0x264: {  	v13 =	vld [tilespmem:s17+$0x10]  }
0x265: {  	v14 =	vld [tilespmem:s0+$0x10]  }
0x266: {  	v2 =	vmul.f32 v9, v2;
	v15 =	vld [tilespmem:s17+$0x20]  }
0x267: {  	s1 =	sadd.s32 $0x80, s1;
	v16 =	vld [tilespmem:s0+$0x20]  }
0x268: {  	s18 =	simm.s32 $0x0;
	v9 =	vld [tilespmem:s17+$0xFFFFFFC0];
	[tilespmem:s1+$0x30] =	vst v2  }
0x269: {  	v17 =	vld.idx.msk [tilespmem:v4+s26+$0x0], $0xffff  }
0x26a: {  	v2 =	vld.idx.msk [tilespmem:v8+s26+$0x0], $0xffff  }
0x26b: {  	v3 =	vld.idx.msk [tilespmem:v3+s26+$0x0], $0xffff  }
0x26c: {  	v6 =	vld.idx.msk [tilespmem:v6+s26+$0x0], $0xffff  }
0x26d: {  	v5 =	vld.idx.msk [tilespmem:v5+s26+$0x0], $0xffff  }
0x26e: {  	v7 =	vld.idx.msk [tilespmem:v7+s26+$0x0], $0xffff  }
0x26f: {  	v8 =	vld.idx.msk [tilespmem:v10+s26+$0x0], $0xffff  }
0x270: {  	v10 =	vld.idx.msk [tilespmem:v9+s26+$0x0], $0xffff  }
0x271: {  	v3 =	vmul.f32 v3, v2;
	v2 =	vld.idx.msk [tilespmem:v11+s26+$0x0], $0xffff  }
.Ltmp2:
0x272: {  	v4 =	vld.idx.msk [tilespmem:v12+s26+$0x0], $0xffff;
	(pc) =	sbr.rel @p3 .LBB2_6-.Ltmp2, $4  }
0x273: {  	v5 =	vmul.f32 v5, v6;
	[tilespmem:s1+$0xFFFFFFD0] =	vst v3;
	v3 =	vld.idx.msk [tilespmem:v13+s26+$0x0], $0xffff  }
0x274: {  	v6 =	vld.idx.msk [tilespmem:v14+s26+$0x0], $0xffff  }
0x275: {  	v9 =	vmul.f32 v8, v7;
	[tilespmem:s1+$0xFFFFFFE0] =	vst v5;
	v5 =	vld.idx.msk [tilespmem:v15+s26+$0x0], $0xffff  }
0x276: {  	s17 =	sadd.s32 $0x80, s17;
	v8 =	vmul.f32 v17, v10;
	v7 =	vld.idx.msk [tilespmem:v16+s26+$0x0], $0xffff  }
0x277: {  	_ =	sdelay $0x1  }
0x278: {  	[tilespmem:s1+$0xFFFFFFF0] =	vst v9;
	v2 =	vmul.f32 v4, v2  }
0x279: {  	[tilespmem:s1+$0xFFFFFFC0] =	vst v8;
	v3 =	vmul.f32 v6, v3  }
0x27a: {  	[tilespmem:s1+$0x0] =	vst v2;
	v2 =	vmul.f32 v7, v5  }
0x27b: {  	[tilespmem:s1+$0x10] =	vst v3  }
0x27c: {  	[tilespmem:s1+$0x20] =	vst v2  }
.LBB2_8:
0x27d: {  	s0 =	sshra.s32 s18, $0x2  }
0x27e: {  	v2 =	vld [tilespmem:s0+$0xAE00]  }
0x27f: {  	v3 =	vld [tilespmem:s0+$0xC806];
	_ =	sdelay $0x6  }
0x280: {  	v2 =	vld.idx.msk [tilespmem:v2+s26+$0x0], $0xffff  }
0x281: {  	v3 =	vld.idx.msk [tilespmem:v3+s26+$0x0], $0xffff;
	_ =	sdelay $0x1  }
0x282: {  	p3 =	sne.s32 s18, $0x40  }
.Ltmp3:
0x283: {  	_ = 	snop;
	(pc) =	sbr.rel @p3 .LBB2_8-.Ltmp3, $3  }
0x284: {  	_ = 	snop  }
0x285: {  	v2 =	vmul.f32 v3, v2;
	_ =	sdelay $0x1  }
0x286: {  	s18 =	sadd.s32 $0x40, s18;
	[tilespmem:s0+$0xE200] =	vst v2  }
0x287: {  	[hbm4b:s12+s3] =	stream.linear.scatter [tilespmem:s29], [sflag:$0x4], $0x19A0, $0x200038;
	[tilespmem:$0xE600] =	vst v63  }
0x288: {  	_ =	swait.ge [sflag:s20], $0x19A0  }
0x289: {  	[sflag:s20] =	ssyncset.done $0x0  }
0x28a: {  	v2 =	vimm.s32 @!p2 $0x27FF;
	[sflag:s20] =	ssyncadd.s32 $0xFFFFE660  }
0x28b: {  	_ =	strace $0x9000004C;
	[tilespmem:$0xE280] =	vst @!p2 v2  }
0x28c: {  	[tilespmem:$0xE290] =	vst @!p2 v2  }
0x28d: {  	[tilespmem:$0xE2A0] =	vst @!p2 v2  }
0x28e: {  	s0 =	simm.s32 @!p2 $0x0;
	s1 =	simm.s32 @!p2 $0xE280;
	[tilespmem:$0xE2B0] =	vst @!p2 v2  }
0x28f: {  	[tilespmem:s1], [sflag:$0x4] =	stream.linear.gather @!p2 [hbm4b:s13+s0], $0x3E, $0x38;
	[tilespmem:$0xE600] =	vst v63  }
0x290: {  	s1 =	simm.s32 @!p2 $0x4  }
0x291: {  	_ =	swait.ge @!p2 [sflag:s1], $0x3E  }
0x292: {  	[sflag:s1] =	ssyncset.done @!p2 $0x0  }
0x293: {  	s17 =	simm.s32 @!p2 $0x6880;
	[sflag:s1] =	ssyncadd.s32 @!p2 $0xFFFFFFC2  }
0x294: {  	[tilespmem:s17], [sflag:$0x4] =	stream.linear.gather @!p2 [hbm4b:s14+s0], $0x44, $0x38;
	[tilespmem:$0xE600] =	vst v63  }
0x295: {  	_ =	swait.ge @!p2 [sflag:s1], $0x44  }
0x296: {  	[sflag:s1] =	ssyncset.done @!p2 $0x0  }
0x297: {  	[sflag:s1] =	ssyncadd.s32 @!p2 $0xFFFFFFBC  }
0x298: {  	v2 =	vld @!p2 [tilespmem:$0xE280]  }
0x299: {  	v3 =	vld @!p2 [tilespmem:$0x6886];
	_ =	sdelay $0x5  }
0x29a: {  	s17 =	simm.s32 @!p2 $0x6C80;
	v4 =	vld @!p2 [tilespmem:$0xE290]  }
0x29b: {  	v2 =	vld.idx.msk @!p2 [tilespmem:v2+s17+$0x0], $0xffff  }
0x29c: {  	v3 =	vld.idx.msk @!p2 [tilespmem:v3+s17+$0x0], $0xffff  }
0x29d: {  	v5 =	vld @!p2 [tilespmem:$0x6896];
	_ =	sdelay $0x3  }
0x29e: {  	v2 =	vmul.f32 @!p2 v3, v2;
	_ =	sdelay $0x1  }
0x29f: {  	[tilespmem:$0xE300] =	vst @!p2 v2  }
0x2a0: {  	v2 =	vld.idx.msk @!p2 [tilespmem:v4+s17+$0x0], $0xffff  }
0x2a1: {  	v3 =	vld.idx.msk @!p2 [tilespmem:v5+s17+$0x0], $0xffff  }
0x2a2: {  	v4 =	vld @!p2 [tilespmem:$0xE2A0]  }
0x2a3: {  	v5 =	vld @!p2 [tilespmem:$0x68A6];
	_ =	sdelay $0x3  }
0x2a4: {  	v2 =	vmul.f32 @!p2 v3, v2;
	_ =	sdelay $0x1  }
0x2a5: {  	[tilespmem:$0xE310] =	vst @!p2 v2  }
0x2a6: {  	v2 =	vld.idx.msk @!p2 [tilespmem:v4+s17+$0x0], $0xffff  }
0x2a7: {  	v3 =	vld.idx.msk @!p2 [tilespmem:v5+s17+$0x0], $0xffff  }
0x2a8: {  	v4 =	vld @!p2 [tilespmem:$0x68B6]  }
0x2a9: {  	v5 =	vld @!p2 [tilespmem:$0xE2B0];
	_ =	sdelay $0x3  }
0x2aa: {  	v4 =	vnsel @!p2 vm1, $0x27FF, v4  }
0x2ab: {  	v2 =	vmul.f32 @!p2 v3, v2;
	_ =	sdelay $0x1  }
0x2ac: {  	[tilespmem:$0xE320] =	vst @!p2 v2  }
0x2ad: {  	v2 =	vld.idx.msk @!p2 [tilespmem:v5+s17+$0x0], $0xffff  }
0x2ae: {  	v3 =	vld.idx.msk @!p2 [tilespmem:v4+s17+$0x0], $0xffff;
	_ =	sdelay $0x4  }
0x2af: {  	s30 =	sadd.s32 $0x1, s30;
	v2 =	vmul.f32 @!p2 v3, v2  }
0x2b0: {  	p3 =	sne.s32 s30, s16  }
.Ltmp4:
0x2b1: {  	s17 =	simm.s32 @!p2 $0xE300;
	[tilespmem:$0xE330] =	vst @!p2 v2;
	(pc) =	sbr.rel @p3 .LBB2_1-.Ltmp4, $4  }
0x2b2: {  	[hbm4b:s15+s0] =	stream.linear.scatter @!p2 [tilespmem:s17], [sflag:$0x4], $0x3E, $0x38;
	[tilespmem:$0xE600] =	vst v63  }
0x2b3: {  	_ =	swait.ge @!p2 [sflag:s1], $0x3E  }
0x2b4: {  	[sflag:s1] =	ssyncset.done @!p2 $0x0  }
0x2b5: {  	[sflag:s1] =	ssyncadd.s32 @!p2 $0xFFFFFFC2  }
0x2b6: {  	_ =	sfence.sel $0x180000  }
0x2b7: {  	[bflag:$0x0] =	sbarrier.arrive $0xFFFF  }
0x2b8: {  	_ =	strace $0x90000047  }
0x2b9: {  	s0 =	stileid.u32;
	[bflag:$0x2] =	sbarrier.arrive $0xFFFF  }
0x2ba: {  	p0 =	sne.s32 s0, $0x0;
	s0 =	rddreg [dreg:$0x3]  }
0x2bb: {  	s0 =	sadd.s32 @!p0 $0x100000, s0  }
0x2bc: {  	[sflag:s0] =	ssyncadd.tile.s32 @!p0 $0x1;
	_ =	shalt  }
.Lfunc_end2:
_tile_overlayer_lowered:
.L_overlay_start_2:
0x2bd: {  	(tag) =	ssettag $0x2  }
0x2be: {  	s0 =	rddreg [dreg:$0x0];
	s2 =	stileid.u32  }
0x2bf: {  	s1 =	rddreg [dreg:$0x1];
	p0 =	sne.s32 s2, $0x0  }
0x2c0: {  	s3 =	rddreg [dreg:$0x2];
	[bflag:$0x3] =	sbarrier.arrive $0xFFFF;
	s2 =	simm.s32 @!p0 $0x1C04  }
0x2c1: {  	[timem:s3], [sflag:s2] =	dma.local @!p0 [hbm:s0], s1  }
0x2c2: {  	s0 =	simm.s32 @!p0 $0x4  }
0x2c3: {  	_ =	swait.ge @!p0 [sflag:s0], s1  }
0x2c4: {  	s1 =	ssub.s32 @!p0 $0x0, s1;
	[sflag:s0] =	ssyncset.done @!p0 $0x0  }
0x2c5: {  	[sflag:s0] =	ssyncadd.s32 @!p0 s1  }
0x2c6: {  	[bflag:$0x3] =	sbarrier.arrive $0xFFFF  }
0x2c7: {  	_ =	shalt  }

</sc_bundles>
